<compile_context>
chip_gen: v7x
topology: tpu7x:2x2x1
jax: 0.10.2.dev20260603
libtpu: 0.0.44.dev20260713+nightly
codegen_flags: <defaults>
</compile_context>

<pallas_src>
import functools

import jax
import jax.numpy as jnp
from jax import lax
from jax.experimental import pallas as pl
from jax.experimental.pallas import tpu as pltpu
from jax.experimental.pallas import tpu_sc as plsc

N = 10000
E = 160000
NUM_SPECIES = 10
FDIM = 128
H = 76
NB = 8
SH = 16
NL = 4
Q = 8
QL = 3
MH = 64
CUTOFF = 5.0
AVG = 16.0

TIMING_SKIP_COMPUTE = True
TIMING_SKIP_GATHER = True
TIMING_SKIP_SCATTER = True
TIMING_GATHER_DEEP = True
MW = 256
BE = 2048

NC = 2
NS = 16
CHUNK = 96
CPT = 108
E_PAD = NS * CPT * CHUNK
NCHUNK = E_PAD // CHUNK
TILE_ROWS = 624


def _edge_m_body(radial_ref, attr_ref, w1_ref, w2_ref, w3_ref, wep_ref, out_ref):
    r = radial_ref[...]
    a = attr_ref[...]
    h = r @ w1_ref[...]
    h = h * jax.nn.sigmoid(h)
    h = h @ w2_ref[...]
    h = h * jax.nn.sigmoid(h)
    mix = h @ w3_ref[...]
    ep = a @ wep_ref[...]
    col = jax.lax.broadcasted_iota(jnp.int32, mix.shape, 1)
    scale = jnp.where(col < 128, 1.0, ep)
    out_ref[...] = mix * scale


def _edge_m(radial, attr, W1, W2, W3, W_edge):
    W3p = jnp.zeros((MH, MW), jnp.float32)
    W3p = W3p.at[:, :H].set(W3[:, :H]).at[:, 128:128 + H].set(W3[:, H:])
    Wep = jnp.zeros((SH, MW), jnp.float32)
    Wep = Wep.at[:, 128:128 + H].set(W_edge)
    grid = (E_PAD // BE,)
    return pl.pallas_call(
        _edge_m_body,
        grid=grid,
        in_specs=[
            pl.BlockSpec((BE, NB), lambda i: (i, 0)),
            pl.BlockSpec((BE, SH), lambda i: (i, 0)),
            pl.BlockSpec((NB, MH), lambda i: (0, 0)),
            pl.BlockSpec((MH, MH), lambda i: (0, 0)),
            pl.BlockSpec((MH, MW), lambda i: (0, 0)),
            pl.BlockSpec((SH, MW), lambda i: (0, 0)),
        ],
        out_specs=pl.BlockSpec((BE, MW), lambda i: (i, 0)),
        out_shape=jax.ShapeDtypeStruct((E_PAD, MW), jnp.float32),
    )(radial, attr, W1, W2, W3p, Wep)


def _sc_agg_body(h_hbm, m_hbm, snd_hbm, rcv_hbm, out_hbm,
                 idx_s0, idx_s1, idx_s2, idx_r0, idx_r1, idx_r2,
                 rows0, rows1, mbuf0, mbuf1, agg_sh,
                 sem_l0, sem_l1, sem_i0, sem_i1, sem_i2, sem_s0, sem_s1):
    cid = lax.axis_index("c")
    sid = lax.axis_index("s")
    IDX_S = (idx_s0, idx_s1, idx_s2)
    IDX_R = (idx_r0, idx_r1, idx_r2)
    ROWS = (rows0, rows1)
    MBUF = (mbuf0, mbuf1)
    SEM_L = (sem_l0, sem_l1)
    SEM_I = (sem_i0, sem_i1, sem_i2)
    SEM_S = (sem_s0, sem_s1)

    def _zero_mbuf(k, _):
        for c in range(128 // 16):
            mbuf0[k, pl.ds(16 * c, 16)] = jnp.zeros((16,), jnp.float32)
        return 0
    lax.fori_loop(0, CHUNK, _zero_mbuf, 0)
    start = sid * TILE_ROWS
    for t in range(6):
        pltpu.sync_copy(mbuf0, agg_sh.at[pl.ds(start + t * CHUNK, CHUNK)])
    pltpu.sync_copy(mbuf0.at[pl.ds(0, 48)], agg_sh.at[pl.ds(start + 576, 48)])

    @pl.when(sid == NS - 1)
    def _zero_tail():
        pltpu.sync_copy(mbuf0.at[pl.ds(0, 16)], agg_sh.at[pl.ds(N - 16, 16)])
    plsc.subcore_barrier()

    col0 = pl.multiple_of(cid * 128, 128)
    base = sid * CPT

    def eoff(j):
        return pl.multiple_of((base + j) * CHUNK, CHUNK)

    def issue_idx(j, q):
        o = eoff(j)
        pltpu.async_copy(snd_hbm.at[pl.ds(o, CHUNK)], IDX_S[q], SEM_I[q])
        pltpu.async_copy(rcv_hbm.at[pl.ds(o, CHUNK)], IDX_R[q], SEM_I[q])

    def wait_idx(j, q):
        o = eoff(j)
        pltpu.make_async_copy(snd_hbm.at[pl.ds(o, CHUNK)], IDX_S[q], SEM_I[q]).wait()
        pltpu.make_async_copy(rcv_hbm.at[pl.ds(o, CHUNK)], IDX_R[q], SEM_I[q]).wait()

    def issue_load(j, b, q):
        o = eoff(j)
        if not TIMING_SKIP_GATHER:
            pltpu.async_copy(h_hbm.at[IDX_S[q]], ROWS[b], SEM_L[b])
        pltpu.async_copy(m_hbm.at[pl.ds(o, CHUNK), pl.ds(col0, 128)], MBUF[b],
                         SEM_L[b])

    def wait_load(j, b, q):
        o = eoff(j)
        if not TIMING_SKIP_GATHER:
            pltpu.make_async_copy(h_hbm.at[IDX_S[q]], ROWS[b], SEM_L[b]).wait()
        pltpu.make_async_copy(m_hbm.at[pl.ds(o, CHUNK), pl.ds(col0, 128)],
                              MBUF[b], SEM_L[b]).wait()

    def issue_st(b, q):
        if not TIMING_SKIP_SCATTER:
            pltpu.async_copy(MBUF[b], agg_sh.at[IDX_R[q]], SEM_S[b], add=True)

    def wait_st(b, q):
        if not TIMING_SKIP_SCATTER:
            pltpu.make_async_copy(MBUF[b], agg_sh.at[IDX_R[q]], SEM_S[b]).wait()

    if TIMING_GATHER_DEEP:
        RB = (ROWS[0], ROWS[1], MBUF[0])
        SEM_G = (SEM_L[0], SEM_L[1], SEM_S[0])

        def g_issue(j, t):
            pltpu.async_copy(h_hbm.at[IDX_S[t]], RB[t], SEM_G[t])

        def g_wait(j, t):
            pltpu.make_async_copy(h_hbm.at[IDX_S[t]], RB[t], SEM_G[t]).wait()

        issue_idx(0, 0)
        issue_idx(1, 1)
        issue_idx(2, 2)
        wait_idx(0, 0)
        g_issue(0, 0)
        wait_idx(1, 1)
        g_issue(1, 1)
        wait_idx(2, 2)
        g_issue(2, 2)

        def _bodyg(jj, _):
            j0 = jj * 3
            for t in range(3):
                j = j0 + t
                g_wait(j, t)

                @pl.when(j + 3 < CPT)
                def _():
                    issue_idx(j + 3, t)
                    wait_idx(j + 3, t)
                    g_issue(j + 3, t)
                return_val = 0
            return 0
        lax.fori_loop(0, CPT // 3, _bodyg, 0)
        plsc.subcore_barrier()
        pltpu.sync_copy(agg_sh.at[pl.ds(start, TILE_ROWS)],
                        out_hbm.at[cid, pl.ds(start, TILE_ROWS)])
        return

    issue_idx(0, 0)
    issue_idx(1, 1)
    wait_idx(0, 0)
    issue_load(0, 0, 0)

    def _body6(jj, _):
        j0 = jj * 6
        for u in range(6):
            j = j0 + u
            b = u % 2
            nb = 1 - b
            q = u % 3
            q2 = (u + 2) % 3
            wait_load(j, b, q)

            def _edge(k, _):
                for c in range(5):
                    MBUF[b][k, pl.ds(16 * c, 16)] = (
                        MBUF[b][k, pl.ds(16 * c, 16)]
                        * ROWS[b][k, pl.ds(16 * c, 16)])
                return 0
            if TIMING_SKIP_COMPUTE:
                pass
            else:
                lax.fori_loop(0, CHUNK, _edge, 0)
            issue_st(b, q)

            if u == 0:
                @pl.when(j >= 1)
                def _():
                    wait_st(nb, q2)
            else:
                wait_st(nb, q2)

            @pl.when(j + 2 < CPT)
            def _():
                issue_idx(j + 2, q2)

            @pl.when(j + 1 < CPT)
            def _():
                wait_idx(j + 1, (u + 1) % 3)
                issue_load(j + 1, nb, (u + 1) % 3)
        return 0
    lax.fori_loop(0, CPT // 6, _body6, 0)
    wait_st((CPT - 1) % 2, (CPT - 1) % 3)

    plsc.subcore_barrier()
    pltpu.sync_copy(agg_sh.at[pl.ds(start, TILE_ROWS)],
                    out_hbm.at[cid, pl.ds(start, TILE_ROWS)])

    @pl.when(sid == NS - 1)
    def _pub_tail():
        pltpu.sync_copy(agg_sh.at[pl.ds(N - 16, 16)],
                        out_hbm.at[cid, pl.ds(N - 16, 16)])


def _sc_agg(h_tab, m, snd, rcv):
    mesh = plsc.VectorSubcoreMesh(core_axis_name="c", subcore_axis_name="s")
    f = pl.kernel(
        _sc_agg_body,
        out_type=jax.ShapeDtypeStruct((NC, N, 128), jnp.float32),
        mesh=mesh,
        scratch_types=[
            pltpu.VMEM((CHUNK,), jnp.int32),
            pltpu.VMEM((CHUNK,), jnp.int32),
            pltpu.VMEM((CHUNK,), jnp.int32),
            pltpu.VMEM((CHUNK,), jnp.int32),
            pltpu.VMEM((CHUNK,), jnp.int32),
            pltpu.VMEM((CHUNK,), jnp.int32),
            pltpu.VMEM((CHUNK, 128), jnp.float32),
            pltpu.VMEM((CHUNK, 128), jnp.float32),
            pltpu.VMEM((CHUNK, 128), jnp.float32),
            pltpu.VMEM((CHUNK, 128), jnp.float32),
            pltpu.VMEM_SHARED((N, 128), jnp.float32),
            pltpu.SemaphoreType.DMA,
            pltpu.SemaphoreType.DMA,
            pltpu.SemaphoreType.DMA,
            pltpu.SemaphoreType.DMA,
            pltpu.SemaphoreType.DMA,
            pltpu.SemaphoreType.DMA,
            pltpu.SemaphoreType.DMA,
        ],
    )
    return f(h_tab, m, snd, rcv)


def _bessel(x, n):
    x = jnp.clip(x, 1e-6, None)
    k = jnp.arange(1, n + 1, dtype=jnp.float32)
    return jnp.sqrt(2.0) * jnp.sin(k[None, :] * jnp.pi * x[:, None]) / x[:, None]


def _poly_envelope(x):
    p = 2.0
    y = (1.0 - (p + 1.0) * (p + 2.0) / 2.0 * x ** p
         + p * (p + 2.0) * x ** (p + 1.0)
         - p * (p + 1.0) / 2.0 * x ** (p + 2.0))
    return jnp.where(x < 1.0, y, 0.0)


def _sph_harm16(u):
    x, y, z = u[:, 0], u[:, 1], u[:, 2]
    l0 = jnp.ones_like(x)[:, None]
    c1 = jnp.sqrt(3.0)
    l1 = jnp.stack([c1 * x, c1 * y, c1 * z], axis=1)
    c2 = jnp.sqrt(15.0)
    l2 = jnp.stack([c2 * x * y, c2 * y * z, jnp.sqrt(5.0) / 2.0 * (3.0 * z * z - 1.0),
                    c2 * x * z, c2 / 2.0 * (x * x - y * y)], axis=1)
    c3 = jnp.sqrt(7.0)
    l3 = jnp.stack([x * (x * x - 3.0 * y * y), y * (3.0 * x * x - y * y),
                    z * (x * x - y * y), x * y * z, x * (5.0 * z * z - 1.0),
                    y * (5.0 * z * z - 1.0), z * (5.0 * z * z - 3.0)], axis=1) * c3
    return jnp.concatenate([l0, l1, l2, l3], axis=1)


def _qml_cx(feats, wq):
    for l in range(QL):
        feats = jnp.cos(feats * wq[l]) * jnp.sin(jnp.roll(feats, 1, axis=-1) + wq[l])
    return feats


def kernel(Rij, species, senders, receivers, n_node, params):
    R = Rij / CUTOFF
    lengths = jnp.linalg.norm(R, axis=1)
    radial = jnp.where((lengths == 0.0)[:, None], 0.0,
                       _bessel(lengths, NB) * _poly_envelope(lengths)[:, None])
    u = R / jnp.where(lengths == 0.0, 1.0, lengths)[:, None]
    edges_attr = _sph_harm16(u)

    radial = jnp.pad(radial, ((0, E_PAD - E), (0, 0)))
    edges_attr = jnp.pad(edges_attr, ((0, E_PAD - E), (0, 0)))
    snd = jnp.pad(senders, (0, E_PAD - E))
    rcv = jnp.pad(receivers, (0, E_PAD - E))

    node_feats = params['embed'][species]
    x_node = node_feats @ params['W_xlin']
    oh = jax.nn.one_hot(species, NUM_SPECIES, dtype=jnp.float32)

    outputs = []
    for l in range(NL):
        p = params['layers'][l]
        m = _edge_m(radial, edges_attr, p['W1'], p['W2'], p['W3'], p['W_edge'])

        proj = jnp.einsum('nd,sdh->nsh', node_feats, p['W_skip'])
        skip = jnp.einsum('nsh,ns->nh', proj, oh)
        h = node_feats @ p['W_up']
        h_tab = jnp.pad(h, ((0, 0), (0, 128 - H)))

        parts = _sc_agg(h_tab, m, snd, rcv)
        agg = jnp.concatenate([parts[0, :, :H], parts[1, :, :H]], axis=1)
        agg = agg / jnp.sqrt(AVG)

        h2 = (agg @ p['W_down']) / jnp.sqrt(AVG)
        h2 = h2 * (x_node @ p['W_x'])
        h2 = h2 @ p['W_lin2']
        nf = h2 + skip
        feats = nf @ p['W_q']
        feats = _qml_cx(feats, p['wq'])
        out = feats @ p['W_out'] + p['b_out']
        outputs.append(out[:, 0])
        node_feats = nf

    node_energy = jnp.stack(outputs, axis=1).sum(axis=-1)
    seg = jnp.repeat(jnp.arange(n_node.shape[0]), n_node, total_repeat_length=N)
    graph_energy = jax.ops.segment_sum(node_energy, seg, num_segments=n_node.shape[0])
    node_logvar = jnp.zeros((N,), jnp.float32)
    graph_var = jax.ops.segment_sum(jnp.exp(node_logvar), seg,
                                    num_segments=n_node.shape[0]) / n_node
    return (graph_energy.reshape(-1), graph_var.reshape(-1))

# --- scband reference (transcript-rebuilt; emitter-appended) ---
"""Pipeline reference for scband-graph-nn-6975026889312 (READ-ONLY COPY).

The authoritative reference and input builder live on the scoring server;
editing this copy changes nothing except your own understanding.
"""

import jax, jax.numpy as jnp
import numpy as np

N = 10000
E = 160000
NUM_SPECIES = 10
FDIM = 128
H = 76  # dim of 32x0e+8x1o+4x2e = 32+24+20
NB = 8
SH = 16  # (max_ell+1)^2
NL = 4
Q = 8
QL = 3
MH = 64
CUTOFF = 5.0
AVG = 16.0


def bessel(x, n):
    x = jnp.clip(x, 1e-6, None)
    k = jnp.arange(1, n + 1, dtype=jnp.float32)
    return jnp.sqrt(2.0) * jnp.sin(k[None, :] * jnp.pi * x[:, None]) / x[:, None]


def poly_envelope(x):
    p = 2.0
    y = 1.0 - (p + 1.0) * (p + 2.0) / 2.0 * x ** p + p * (p + 2.0) * x ** (p + 1.0) - p * (p + 1.0) / 2.0 * x ** (p + 2.0)
    return jnp.where(x < 1.0, y, 0.0)


def spherical_harmonics16(u):
    x, y, z = u[:, 0], u[:, 1], u[:, 2]
    l0 = jnp.ones_like(x)[:, None]
    c1 = jnp.sqrt(3.0)
    l1 = jnp.stack([c1 * x, c1 * y, c1 * z], axis=1)
    c2 = jnp.sqrt(15.0)
    l2 = jnp.stack([c2 * x * y, c2 * y * z, jnp.sqrt(5.0) / 2.0 * (3.0 * z * z - 1.0), c2 * x * z, c2 / 2.0 * (x * x - y * y)], axis=1)
    c3 = jnp.sqrt(7.0)
    l3 = jnp.stack([x * (x * x - 3.0 * y * y), y * (3.0 * x * x - y * y), z * (x * x - y * y), x * y * z, x * (5.0 * z * z - 1.0), y * (5.0 * z * z - 1.0), z * (5.0 * z * z - 3.0)], axis=1) * c3
    return jnp.concatenate([l0, l1, l2, l3], axis=1)


def mlp(r, W1, W2, W3):
    h = jax.nn.silu(r @ W1)
    h = jax.nn.silu(h @ W2)
    return h @ W3


def qml_cx(feats, wq):
    for l in range(QL):
        feats = jnp.cos(feats * wq[l]) * jnp.sin(jnp.roll(feats, 1, axis=-1) + wq[l])
    return feats


def layer_fwd(node_feats, species, senders, receivers, radial, edges_attr, x_node, p):
    oh = jax.nn.one_hot(species, NUM_SPECIES, dtype=node_feats.dtype)
    proj = jnp.einsum('nd,sdh->nsh', node_feats, p['W_skip'])
    skip = jnp.einsum('nsh,ns->nh', proj, oh)
    h = node_feats @ p['W_up']
    msg = h[senders]
    eproj = edges_attr @ p['W_edge']
    msg = jnp.concatenate([msg, msg * eproj], axis=1)
    mix = mlp(radial, p['W1'], p['W2'], p['W3'])
    msg = msg * mix
    agg = jnp.zeros((node_feats.shape[0], msg.shape[1]), msg.dtype).at[receivers].add(msg)
    agg = agg / jnp.sqrt(AVG)
    h2 = (agg @ p['W_down']) / jnp.sqrt(AVG)
    h2 = h2 * (x_node @ p['W_x'])
    h2 = h2 @ p['W_lin2']
    nf = h2 + skip
    feats = nf @ p['W_q']
    feats = qml_cx(feats, p['wq'])
    out = feats @ p['W_out'] + p['b_out']
    return out, nf


def _init_params(key):
    ks = list(jax.random.split(key, 4 + NL * 13))
    it = iter(ks)

    def nrm(shape, scale=0.1):
        return jax.random.normal(next(it), shape, jnp.float32) * scale

    params = {'embed': nrm((NUM_SPECIES, FDIM), 1.0), 'W_xlin': nrm((FDIM, FDIM))}
    layers = []
    for l in range(NL):
        D = FDIM if l == 0 else H
        layers.append({'W_skip': nrm((NUM_SPECIES, D, H)), 'W_up': nrm((D, H)), 'W_edge': nrm((SH, H)), 'W1': nrm((NB, MH)), 'W2': nrm((MH, MH)), 'W3': nrm((MH, 2 * H)), 'W_down': nrm((2 * H, H)), 'W_x': nrm((FDIM, H)), 'W_lin2': nrm((H, H)), 'W_q': nrm((H, Q)), 'wq': nrm((QL, Q)), 'W_out': nrm((Q, 1)), 'b_out': jnp.zeros((1,), jnp.float32)})
    params['layers'] = layers
    return params


def setup_inputs(seed: int = 0) -> dict:
    key = jax.random.key(seed)
    ks = jax.random.split(key, 5)
    Rij = jax.random.normal(ks[0], (E, 3), jnp.float32)
    species = jax.random.randint(ks[1], (N,), 0, NUM_SPECIES)
    senders = jax.random.randint(ks[2], (E,), 0, N)
    receivers = jax.random.randint(ks[3], (E,), 0, N)
    n_node = jnp.array([N], jnp.int32)
    params = _init_params(ks[4])
    return {'Rij': Rij, 'species': species, 'senders': senders, 'receivers': receivers, 'n_node': n_node, 'params': params}


def reference(Rij, species, senders, receivers, n_node, params):
    R = Rij / CUTOFF
    lengths = jnp.linalg.norm(R, axis=1)
    radial = jnp.where((lengths == 0.0)[:, None], 0.0, bessel(lengths, NB) * poly_envelope(lengths)[:, None])
    u = R / jnp.where(lengths == 0.0, 1.0, lengths)[:, None]
    edges_attr = spherical_harmonics16(u)
    node_feats = params['embed'][species]
    x_node = node_feats @ params['W_xlin']
    outputs = []
    for l in range(NL):
        out, node_feats = layer_fwd(node_feats, species, senders, receivers, radial, edges_attr, x_node, params['layers'][l])
        outputs.append(out[:, 0])
    node_energy = jnp.stack(outputs, axis=1).sum(axis=-1)
    seg = jnp.repeat(jnp.arange(n_node.shape[0]), n_node, total_repeat_length=N)
    graph_energy = jax.ops.segment_sum(node_energy, seg, num_segments=n_node.shape[0])
    node_logvar = jnp.zeros((N,), jnp.float32)
    graph_var = jax.ops.segment_sum(jnp.exp(node_logvar), seg, num_segments=n_node.shape[0]) / n_node
    return (graph_energy.reshape(-1), graph_var.reshape(-1))

if __name__ == "__main__":
    import jax
    _d = setup_inputs()
    print(jax.jit(kernel)(*tuple(_d.values())))

</pallas_src>

<mosaic_0001>
#map = affine_map<(d0, d1) -> (0, 0)>
#map1 = affine_map<(d0, d1) -> (0)>
#map2 = affine_map<(d0, d1) -> (0, 0, 0)>
module attributes {stable_mosaic.version = 14 : i64} {
  func.func @_sc_agg_body(%arg0: i32, %arg1: i32, %arg2: memref<10000x128xf32, #tpu.memory_space<hbm>>, %arg3: memref<165888x256xf32, #tpu.memory_space<hbm>>, %arg4: memref<165888xi32, #tpu.memory_space<hbm>>, %arg5: memref<165888xi32, #tpu.memory_space<hbm>>, %arg6: memref<2x10000x128xf32, #tpu.memory_space<hbm>>, %arg7: memref<96xi32, #tpu.memory_space<vmem>>, %arg8: memref<96xi32, #tpu.memory_space<vmem>>, %arg9: memref<96xi32, #tpu.memory_space<vmem>>, %arg10: memref<96xi32, #tpu.memory_space<vmem>>, %arg11: memref<96xi32, #tpu.memory_space<vmem>>, %arg12: memref<96xi32, #tpu.memory_space<vmem>>, %arg13: memref<96x128xf32, #tpu.memory_space<vmem>>, %arg14: memref<96x128xf32, #tpu.memory_space<vmem>>, %arg15: memref<96x128xf32, #tpu.memory_space<vmem>>, %arg16: memref<96x128xf32, #tpu.memory_space<vmem>>, %arg17: memref<10000x128xf32, #tpu.memory_space<vmem_shared>>, %arg18: memref<!tpu.dma_semaphore, #tpu.memory_space<semaphore_mem>>, %arg19: memref<!tpu.dma_semaphore, #tpu.memory_space<semaphore_mem>>, %arg20: memref<!tpu.dma_semaphore, #tpu.memory_space<semaphore_mem>>, %arg21: memref<!tpu.dma_semaphore, #tpu.memory_space<semaphore_mem>>, %arg22: memref<!tpu.dma_semaphore, #tpu.memory_space<semaphore_mem>>, %arg23: memref<!tpu.dma_semaphore, #tpu.memory_space<semaphore_mem>>, %arg24: memref<!tpu.dma_semaphore, #tpu.memory_space<semaphore_mem>>) attributes {dimension_semantics = [#tpu.dimension_semantics<core_parallel>, #tpu.dimension_semantics<subcore_parallel>], iteration_bounds = array<i64: 2, 16>, scalar_prefetch = 0 : i64, scratch_operands = 18 : i64, tpu.core_type = #tpu.core_type<sc_vector_subcore>, window_params = [{transform_indices = #map}, {transform_indices = #map}, {transform_indices = #map1}, {transform_indices = #map1}, {transform_indices = #map2}]} {
    %scan3A = arith.constant 0 : i32
    %scan3A_0 = arith.constant 0 : i32
    %scan3A_1 = arith.constant 96 : i32
    %scan3A_2 = arith.addi %scan3A_0, %scan3A_1 : i32
    %scan3A_3 = arith.constant 1 : i32
    %scan3A_4 = scf.for %scan3A_95 = %scan3A_0 to %scan3A_2 step %scan3A_3 iter_args(%scan3A_96 = %scan3A) -> (i32)  : i32 {
      %broadcast_in_dim3A = arith.constant 0.000000e+00 : f32
      %broadcast_in_dim3A_97 = vector.broadcast %broadcast_in_dim3A : f32 to vector<16xf32>
      %swap3A = arith.index_cast %scan3A_95 : i32 to index
      %swap3A_98 = arith.constant 0 : index
      %swap3A_99 = tpu.vector_load %arg15[%swap3A, %swap3A_98] {strides = array<i32>} : memref<96x128xf32, #tpu.memory_space<vmem>>, vector<1x16xf32>,
      %swap3A_100 = vector.shape_cast %swap3A_99 : vector<1x16xf32> to vector<16xf32>
      %swap3A_101 = vector.shape_cast %broadcast_in_dim3A_97 : vector<16xf32> to vector<1x16xf32>
      tpu.vector_store %arg15[%swap3A, %swap3A_98], %swap3A_101 {strides = array<i32>} : memref<96x128xf32, #tpu.memory_space<vmem>>, vector<1x16xf32>,
      %broadcast_in_dim3A_102 = arith.constant 0.000000e+00 : f32
      %broadcast_in_dim3A_103 = vector.broadcast %broadcast_in_dim3A_102 : f32 to vector<16xf32>
      %swap3A_104 = arith.index_cast %scan3A_95 : i32 to index
      %swap3A_105 = arith.constant 16 : index
      %swap3A_106 = tpu.vector_load %arg15[%swap3A_104, %swap3A_105] {strides = array<i32>} : memref<96x128xf32, #tpu.memory_space<vmem>>, vector<1x16xf32>,
      %swap3A_107 = vector.shape_cast %swap3A_106 : vector<1x16xf32> to vector<16xf32>
      %swap3A_108 = vector.shape_cast %broadcast_in_dim3A_103 : vector<16xf32> to vector<1x16xf32>
      tpu.vector_store %arg15[%swap3A_104, %swap3A_105], %swap3A_108 {strides = array<i32>} : memref<96x128xf32, #tpu.memory_space<vmem>>, vector<1x16xf32>,
      %broadcast_in_dim3A_109 = arith.constant 0.000000e+00 : f32
      %broadcast_in_dim3A_110 = vector.broadcast %broadcast_in_dim3A_109 : f32 to vector<16xf32>
      %swap3A_111 = arith.index_cast %scan3A_95 : i32 to index
      %swap3A_112 = arith.constant 32 : index
      %swap3A_113 = tpu.vector_load %arg15[%swap3A_111, %swap3A_112] {strides = array<i32>} : memref<96x128xf32, #tpu.memory_space<vmem>>, vector<1x16xf32>,
      %swap3A_114 = vector.shape_cast %swap3A_113 : vector<1x16xf32> to vector<16xf32>
      %swap3A_115 = vector.shape_cast %broadcast_in_dim3A_110 : vector<16xf32> to vector<1x16xf32>
      tpu.vector_store %arg15[%swap3A_111, %swap3A_112], %swap3A_115 {strides = array<i32>} : memref<96x128xf32, #tpu.memory_space<vmem>>, vector<1x16xf32>,
      %broadcast_in_dim3A_116 = arith.constant 0.000000e+00 : f32
      %broadcast_in_dim3A_117 = vector.broadcast %broadcast_in_dim3A_116 : f32 to vector<16xf32>
      %swap3A_118 = arith.index_cast %scan3A_95 : i32 to index
      %swap3A_119 = arith.constant 48 : index
      %swap3A_120 = tpu.vector_load %arg15[%swap3A_118, %swap3A_119] {strides = array<i32>} : memref<96x128xf32, #tpu.memory_space<vmem>>, vector<1x16xf32>,
      %swap3A_121 = vector.shape_cast %swap3A_120 : vector<1x16xf32> to vector<16xf32>
      %swap3A_122 = vector.shape_cast %broadcast_in_dim3A_117 : vector<16xf32> to vector<1x16xf32>
      tpu.vector_store %arg15[%swap3A_118, %swap3A_119], %swap3A_122 {strides = array<i32>} : memref<96x128xf32, #tpu.memory_space<vmem>>, vector<1x16xf32>,
      %broadcast_in_dim3A_123 = arith.constant 0.000000e+00 : f32
      %broadcast_in_dim3A_124 = vector.broadcast %broadcast_in_dim3A_123 : f32 to vector<16xf32>
      %swap3A_125 = arith.index_cast %scan3A_95 : i32 to index
      %swap3A_126 = arith.constant 64 : index
      %swap3A_127 = tpu.vector_load %arg15[%swap3A_125, %swap3A_126] {strides = array<i32>} : memref<96x128xf32, #tpu.memory_space<vmem>>, vector<1x16xf32>,
      %swap3A_128 = vector.shape_cast %swap3A_127 : vector<1x16xf32> to vector<16xf32>
      %swap3A_129 = vector.shape_cast %broadcast_in_dim3A_124 : vector<16xf32> to vector<1x16xf32>
      tpu.vector_store %arg15[%swap3A_125, %swap3A_126], %swap3A_129 {strides = array<i32>} : memref<96x128xf32, #tpu.memory_space<vmem>>, vector<1x16xf32>,
      %broadcast_in_dim3A_130 = arith.constant 0.000000e+00 : f32
      %broadcast_in_dim3A_131 = vector.broadcast %broadcast_in_dim3A_130 : f32 to vector<16xf32>
      %swap3A_132 = arith.index_cast %scan3A_95 : i32 to index
      %swap3A_133 = arith.constant 80 : index
      %swap3A_134 = tpu.vector_load %arg15[%swap3A_132, %swap3A_133] {strides = array<i32>} : memref<96x128xf32, #tpu.memory_space<vmem>>, vector<1x16xf32>,
      %swap3A_135 = vector.shape_cast %swap3A_134 : vector<1x16xf32> to vector<16xf32>
      %swap3A_136 = vector.shape_cast %broadcast_in_dim3A_131 : vector<16xf32> to vector<1x16xf32>
      tpu.vector_store %arg15[%swap3A_132, %swap3A_133], %swap3A_136 {strides = array<i32>} : memref<96x128xf32, #tpu.memory_space<vmem>>, vector<1x16xf32>,
      %broadcast_in_dim3A_137 = arith.constant 0.000000e+00 : f32
      %broadcast_in_dim3A_138 = vector.broadcast %broadcast_in_dim3A_137 : f32 to vector<16xf32>
      %swap3A_139 = arith.index_cast %scan3A_95 : i32 to index
      %swap3A_140 = arith.constant 96 : index
      %swap3A_141 = tpu.vector_load %arg15[%swap3A_139, %swap3A_140] {strides = array<i32>} : memref<96x128xf32, #tpu.memory_space<vmem>>, vector<1x16xf32>,
      %swap3A_142 = vector.shape_cast %swap3A_141 : vector<1x16xf32> to vector<16xf32>
      %swap3A_143 = vector.shape_cast %broadcast_in_dim3A_138 : vector<16xf32> to vector<1x16xf32>
      tpu.vector_store %arg15[%swap3A_139, %swap3A_140], %swap3A_143 {strides = array<i32>} : memref<96x128xf32, #tpu.memory_space<vmem>>, vector<1x16xf32>,
      %broadcast_in_dim3A_144 = arith.constant 0.000000e+00 : f32
      %broadcast_in_dim3A_145 = vector.broadcast %broadcast_in_dim3A_144 : f32 to vector<16xf32>
      %swap3A_146 = arith.index_cast %scan3A_95 : i32 to index
      %swap3A_147 = arith.constant 112 : index
      %swap3A_148 = tpu.vector_load %arg15[%swap3A_146, %swap3A_147] {strides = array<i32>} : memref<96x128xf32, #tpu.memory_space<vmem>>, vector<1x16xf32>,
      %swap3A_149 = vector.shape_cast %swap3A_148 : vector<1x16xf32> to vector<16xf32>
      %swap3A_150 = vector.shape_cast %broadcast_in_dim3A_145 : vector<16xf32> to vector<1x16xf32>
      tpu.vector_store %arg15[%swap3A_146, %swap3A_147], %swap3A_150 {strides = array<i32>} : memref<96x128xf32, #tpu.memory_space<vmem>>, vector<1x16xf32>,
      %scan3A_151 = arith.constant 0 : i32
      scf.yield %scan3A_151 : i32
    }
    %scan3A_5 = arith.constant 96 : i32
    %mul3A = arith.constant 624 : i32
    %mul3A_6 = arith.muli %arg1, %mul3A : i32
    %add3A = arith.constant 0 : i32
    %add3A_7 = arith.addi %mul3A_6, %add3A : i32
    "tpu.region"() ({
      %run_scoped3A = tpu.sem_alloc : memref<!tpu.dma_semaphore, #tpu.memory_space<semaphore_mem>>
      %dma_start3A_95 = arith.constant 0 : i32
      %dma_start3A_96 = tpu.memref_slice %arg17[%add3A_7, %dma_start3A_95] : memref<10000x128xf32, #tpu.memory_space<vmem_shared>> -> memref<96x128xf32, #tpu.memory_space<vmem_shared>>
      %dma_start3A_97 = arith.constant 0 : i32
      %dma_start3A_98 = tpu.memref_slice %arg17[%add3A_7, %dma_start3A_97] : memref<10000x128xf32, #tpu.memory_space<vmem_shared>> -> memref<96x128xf32, #tpu.memory_space<vmem_shared>>
      tpu.enqueue_dma source(%arg15 : memref<96x128xf32, #tpu.memory_space<vmem>>) target(%dma_start3A_98 : memref<96x128xf32, #tpu.memory_space<vmem_shared>>) target_semaphore(%run_scoped3A : memref<!tpu.dma_semaphore, #tpu.memory_space<semaphore_mem>>)
      %dma_wait3A_99 = arith.constant 0 : i32
      %dma_wait3A_100 = tpu.memref_slice %arg17[%add3A_7, %dma_wait3A_99] : memref<10000x128xf32, #tpu.memory_space<vmem_shared>> -> memref<96x128xf32, #tpu.memory_space<vmem_shared>>
      %dma_wait3A_101 = arith.constant 0 : i32
      %dma_wait3A_102 = tpu.memref_slice %arg17[%add3A_7, %dma_wait3A_101] : memref<10000x128xf32, #tpu.memory_space<vmem_shared>> -> memref<96x128xf32, #tpu.memory_space<vmem_shared>>
      tpu.wait_dma2 semaphore(%run_scoped3A : memref<!tpu.dma_semaphore, #tpu.memory_space<semaphore_mem>>) src(%arg15 : memref<96x128xf32, #tpu.memory_space<vmem>>) dst(%dma_wait3A_102 : memref<96x128xf32, #tpu.memory_space<vmem_shared>>)
      tpu.yield
    }) : () -> ()
    %add3A_8 = arith.constant 96 : i32
    %add3A_9 = arith.addi %mul3A_6, %add3A_8 : i32
    "tpu.region"() ({
      %run_scoped3A = tpu.sem_alloc : memref<!tpu.dma_semaphore, #tpu.memory_space<semaphore_mem>>
      %dma_start3A_95 = arith.constant 0 : i32
      %dma_start3A_96 = tpu.memref_slice %arg17[%add3A_9, %dma_start3A_95] : memref<10000x128xf32, #tpu.memory_space<vmem_shared>> -> memref<96x128xf32, #tpu.memory_space<vmem_shared>>
      %dma_start3A_97 = arith.constant 0 : i32
      %dma_start3A_98 = tpu.memref_slice %arg17[%add3A_9, %dma_start3A_97] : memref<10000x128xf32, #tpu.memory_space<vmem_shared>> -> memref<96x128xf32, #tpu.memory_space<vmem_shared>>
      tpu.enqueue_dma source(%arg15 : memref<96x128xf32, #tpu.memory_space<vmem>>) target(%dma_start3A_98 : memref<96x128xf32, #tpu.memory_space<vmem_shared>>) target_semaphore(%run_scoped3A : memref<!tpu.dma_semaphore, #tpu.memory_space<semaphore_mem>>)
      %dma_wait3A_99 = arith.constant 0 : i32
      %dma_wait3A_100 = tpu.memref_slice %arg17[%add3A_9, %dma_wait3A_99] : memref<10000x128xf32, #tpu.memory_space<vmem_shared>> -> memref<96x128xf32, #tpu.memory_space<vmem_shared>>
      %dma_wait3A_101 = arith.constant 0 : i32
      %dma_wait3A_102 = tpu.memref_slice %arg17[%add3A_9, %dma_wait3A_101] : memref<10000x128xf32, #tpu.memory_space<vmem_shared>> -> memref<96x128xf32, #tpu.memory_space<vmem_shared>>
      tpu.wait_dma2 semaphore(%run_scoped3A : memref<!tpu.dma_semaphore, #tpu.memory_space<semaphore_mem>>) src(%arg15 : memref<96x128xf32, #tpu.memory_space<vmem>>) dst(%dma_wait3A_102 : memref<96x128xf32, #tpu.memory_space<vmem_shared>>)
      tpu.yield
    }) : () -> ()
    %add3A_10 = arith.constant 192 : i32
    %add3A_11 = arith.addi %mul3A_6, %add3A_10 : i32
    "tpu.region"() ({
      %run_scoped3A = tpu.sem_alloc : memref<!tpu.dma_semaphore, #tpu.memory_space<semaphore_mem>>
      %dma_start3A_95 = arith.constant 0 : i32
      %dma_start3A_96 = tpu.memref_slice %arg17[%add3A_11, %dma_start3A_95] : memref<10000x128xf32, #tpu.memory_space<vmem_shared>> -> memref<96x128xf32, #tpu.memory_space<vmem_shared>>
      %dma_start3A_97 = arith.constant 0 : i32
      %dma_start3A_98 = tpu.memref_slice %arg17[%add3A_11, %dma_start3A_97] : memref<10000x128xf32, #tpu.memory_space<vmem_shared>> -> memref<96x128xf32, #tpu.memory_space<vmem_shared>>
      tpu.enqueue_dma source(%arg15 : memref<96x128xf32, #tpu.memory_space<vmem>>) target(%dma_start3A_98 : memref<96x128xf32, #tpu.memory_space<vmem_shared>>) target_semaphore(%run_scoped3A : memref<!tpu.dma_semaphore, #tpu.memory_space<semaphore_mem>>)
      %dma_wait3A_99 = arith.constant 0 : i32
      %dma_wait3A_100 = tpu.memref_slice %arg17[%add3A_11, %dma_wait3A_99] : memref<10000x128xf32, #tpu.memory_space<vmem_shared>> -> memref<96x128xf32, #tpu.memory_space<vmem_shared>>
      %dma_wait3A_101 = arith.constant 0 : i32
      %dma_wait3A_102 = tpu.memref_slice %arg17[%add3A_11, %dma_wait3A_101] : memref<10000x128xf32, #tpu.memory_space<vmem_shared>> -> memref<96x128xf32, #tpu.memory_space<vmem_shared>>
      tpu.wait_dma2 semaphore(%run_scoped3A : memref<!tpu.dma_semaphore, #tpu.memory_space<semaphore_mem>>) src(%arg15 : memref<96x128xf32, #tpu.memory_space<vmem>>) dst(%dma_wait3A_102 : memref<96x128xf32, #tpu.memory_space<vmem_shared>>)
      tpu.yield
    }) : () -> ()
    %add3A_12 = arith.constant 288 : i32
    %add3A_13 = arith.addi %mul3A_6, %add3A_12 : i32
    "tpu.region"() ({
      %run_scoped3A = tpu.sem_alloc : memref<!tpu.dma_semaphore, #tpu.memory_space<semaphore_mem>>
      %dma_start3A_95 = arith.constant 0 : i32
      %dma_start3A_96 = tpu.memref_slice %arg17[%add3A_13, %dma_start3A_95] : memref<10000x128xf32, #tpu.memory_space<vmem_shared>> -> memref<96x128xf32, #tpu.memory_space<vmem_shared>>
      %dma_start3A_97 = arith.constant 0 : i32
      %dma_start3A_98 = tpu.memref_slice %arg17[%add3A_13, %dma_start3A_97] : memref<10000x128xf32, #tpu.memory_space<vmem_shared>> -> memref<96x128xf32, #tpu.memory_space<vmem_shared>>
      tpu.enqueue_dma source(%arg15 : memref<96x128xf32, #tpu.memory_space<vmem>>) target(%dma_start3A_98 : memref<96x128xf32, #tpu.memory_space<vmem_shared>>) target_semaphore(%run_scoped3A : memref<!tpu.dma_semaphore, #tpu.memory_space<semaphore_mem>>)
      %dma_wait3A_99 = arith.constant 0 : i32
      %dma_wait3A_100 = tpu.memref_slice %arg17[%add3A_13, %dma_wait3A_99] : memref<10000x128xf32, #tpu.memory_space<vmem_shared>> -> memref<96x128xf32, #tpu.memory_space<vmem_shared>>
      %dma_wait3A_101 = arith.constant 0 : i32
      %dma_wait3A_102 = tpu.memref_slice %arg17[%add3A_13, %dma_wait3A_101] : memref<10000x128xf32, #tpu.memory_space<vmem_shared>> -> memref<96x128xf32, #tpu.memory_space<vmem_shared>>
      tpu.wait_dma2 semaphore(%run_scoped3A : memref<!tpu.dma_semaphore, #tpu.memory_space<semaphore_mem>>) src(%arg15 : memref<96x128xf32, #tpu.memory_space<vmem>>) dst(%dma_wait3A_102 : memref<96x128xf32, #tpu.memory_space<vmem_shared>>)
      tpu.yield
    }) : () -> ()
    %add3A_14 = arith.constant 384 : i32
    %add3A_15 = arith.addi %mul3A_6, %add3A_14 : i32
    "tpu.region"() ({
      %run_scoped3A = tpu.sem_alloc : memref<!tpu.dma_semaphore, #tpu.memory_space<semaphore_mem>>
      %dma_start3A_95 = arith.constant 0 : i32
      %dma_start3A_96 = tpu.memref_slice %arg17[%add3A_15, %dma_start3A_95] : memref<10000x128xf32, #tpu.memory_space<vmem_shared>> -> memref<96x128xf32, #tpu.memory_space<vmem_shared>>
      %dma_start3A_97 = arith.constant 0 : i32
      %dma_start3A_98 = tpu.memref_slice %arg17[%add3A_15, %dma_start3A_97] : memref<10000x128xf32, #tpu.memory_space<vmem_shared>> -> memref<96x128xf32, #tpu.memory_space<vmem_shared>>
      tpu.enqueue_dma source(%arg15 : memref<96x128xf32, #tpu.memory_space<vmem>>) target(%dma_start3A_98 : memref<96x128xf32, #tpu.memory_space<vmem_shared>>) target_semaphore(%run_scoped3A : memref<!tpu.dma_semaphore, #tpu.memory_space<semaphore_mem>>)
      %dma_wait3A_99 = arith.constant 0 : i32
      %dma_wait3A_100 = tpu.memref_slice %arg17[%add3A_15, %dma_wait3A_99] : memref<10000x128xf32, #tpu.memory_space<vmem_shared>> -> memref<96x128xf32, #tpu.memory_space<vmem_shared>>
      %dma_wait3A_101 = arith.constant 0 : i32
      %dma_wait3A_102 = tpu.memref_slice %arg17[%add3A_15, %dma_wait3A_101] : memref<10000x128xf32, #tpu.memory_space<vmem_shared>> -> memref<96x128xf32, #tpu.memory_space<vmem_shared>>
      tpu.wait_dma2 semaphore(%run_scoped3A : memref<!tpu.dma_semaphore, #tpu.memory_space<semaphore_mem>>) src(%arg15 : memref<96x128xf32, #tpu.memory_space<vmem>>) dst(%dma_wait3A_102 : memref<96x128xf32, #tpu.memory_space<vmem_shared>>)
      tpu.yield
    }) : () -> ()
    %add3A_16 = arith.constant 480 : i32
    %add3A_17 = arith.addi %mul3A_6, %add3A_16 : i32
    "tpu.region"() ({
      %run_scoped3A = tpu.sem_alloc : memref<!tpu.dma_semaphore, #tpu.memory_space<semaphore_mem>>
      %dma_start3A_95 = arith.constant 0 : i32
      %dma_start3A_96 = tpu.memref_slice %arg17[%add3A_17, %dma_start3A_95] : memref<10000x128xf32, #tpu.memory_space<vmem_shared>> -> memref<96x128xf32, #tpu.memory_space<vmem_shared>>
      %dma_start3A_97 = arith.constant 0 : i32
      %dma_start3A_98 = tpu.memref_slice %arg17[%add3A_17, %dma_start3A_97] : memref<10000x128xf32, #tpu.memory_space<vmem_shared>> -> memref<96x128xf32, #tpu.memory_space<vmem_shared>>
      tpu.enqueue_dma source(%arg15 : memref<96x128xf32, #tpu.memory_space<vmem>>) target(%dma_start3A_98 : memref<96x128xf32, #tpu.memory_space<vmem_shared>>) target_semaphore(%run_scoped3A : memref<!tpu.dma_semaphore, #tpu.memory_space<semaphore_mem>>)
      %dma_wait3A_99 = arith.constant 0 : i32
      %dma_wait3A_100 = tpu.memref_slice %arg17[%add3A_17, %dma_wait3A_99] : memref<10000x128xf32, #tpu.memory_space<vmem_shared>> -> memref<96x128xf32, #tpu.memory_space<vmem_shared>>
      %dma_wait3A_101 = arith.constant 0 : i32
      %dma_wait3A_102 = tpu.memref_slice %arg17[%add3A_17, %dma_wait3A_101] : memref<10000x128xf32, #tpu.memory_space<vmem_shared>> -> memref<96x128xf32, #tpu.memory_space<vmem_shared>>
      tpu.wait_dma2 semaphore(%run_scoped3A : memref<!tpu.dma_semaphore, #tpu.memory_space<semaphore_mem>>) src(%arg15 : memref<96x128xf32, #tpu.memory_space<vmem>>) dst(%dma_wait3A_102 : memref<96x128xf32, #tpu.memory_space<vmem_shared>>)
      tpu.yield
    }) : () -> ()
    %add3A_18 = arith.constant 576 : i32
    %add3A_19 = arith.addi %mul3A_6, %add3A_18 : i32
    "tpu.region"() ({
      %run_scoped3A = tpu.sem_alloc : memref<!tpu.dma_semaphore, #tpu.memory_space<semaphore_mem>>
      %dma_start3A_95 = arith.constant 0 : i32
      %dma_start3A_96 = arith.constant 0 : i32
      %dma_start3A_97 = tpu.memref_slice %arg15[%dma_start3A_95, %dma_start3A_96] : memref<96x128xf32, #tpu.memory_space<vmem>> -> memref<48x128xf32, #tpu.memory_space<vmem>>
      %dma_start3A_98 = arith.constant 0 : i32
      %dma_start3A_99 = tpu.memref_slice %arg17[%add3A_19, %dma_start3A_98] : memref<10000x128xf32, #tpu.memory_space<vmem_shared>> -> memref<48x128xf32, #tpu.memory_space<vmem_shared>>
      %dma_start3A_100 = arith.constant 0 : i32
      %dma_start3A_101 = tpu.memref_slice %arg17[%add3A_19, %dma_start3A_100] : memref<10000x128xf32, #tpu.memory_space<vmem_shared>> -> memref<48x128xf32, #tpu.memory_space<vmem_shared>>
      %dma_start3A_102 = arith.constant 0 : i32
      %dma_start3A_103 = arith.constant 0 : i32
      %dma_start3A_104 = tpu.memref_slice %arg15[%dma_start3A_102, %dma_start3A_103] : memref<96x128xf32, #tpu.memory_space<vmem>> -> memref<48x128xf32, #tpu.memory_space<vmem>>
      tpu.enqueue_dma source(%dma_start3A_104 : memref<48x128xf32, #tpu.memory_space<vmem>>) target(%dma_start3A_101 : memref<48x128xf32, #tpu.memory_space<vmem_shared>>) target_semaphore(%run_scoped3A : memref<!tpu.dma_semaphore, #tpu.memory_space<semaphore_mem>>)
      %dma_wait3A_105 = arith.constant 0 : i32
      %dma_wait3A_106 = arith.constant 0 : i32
      %dma_wait3A_107 = tpu.memref_slice %arg15[%dma_wait3A_105, %dma_wait3A_106] : memref<96x128xf32, #tpu.memory_space<vmem>> -> memref<48x128xf32, #tpu.memory_space<vmem>>
      %dma_wait3A_108 = arith.constant 0 : i32
      %dma_wait3A_109 = tpu.memref_slice %arg17[%add3A_19, %dma_wait3A_108] : memref<10000x128xf32, #tpu.memory_space<vmem_shared>> -> memref<48x128xf32, #tpu.memory_space<vmem_shared>>
      %dma_wait3A_110 = arith.constant 0 : i32
      %dma_wait3A_111 = tpu.memref_slice %arg17[%add3A_19, %dma_wait3A_110] : memref<10000x128xf32, #tpu.memory_space<vmem_shared>> -> memref<48x128xf32, #tpu.memory_space<vmem_shared>>
      %dma_wait3A_112 = arith.constant 0 : i32
      %dma_wait3A_113 = arith.constant 0 : i32
      %dma_wait3A_114 = tpu.memref_slice %arg15[%dma_wait3A_112, %dma_wait3A_113] : memref<96x128xf32, #tpu.memory_space<vmem>> -> memref<48x128xf32, #tpu.memory_space<vmem>>
      tpu.wait_dma2 semaphore(%run_scoped3A : memref<!tpu.dma_semaphore, #tpu.memory_space<semaphore_mem>>) src(%dma_wait3A_114 : memref<48x128xf32, #tpu.memory_space<vmem>>) dst(%dma_wait3A_111 : memref<48x128xf32, #tpu.memory_space<vmem_shared>>)
      tpu.yield
    }) : () -> ()
    %eq3A = arith.constant 15 : i32
    %eq3A_20 = arith.cmpi eq, %arg1, %eq3A : i32
    %convert_element_type3A = arith.extui %eq3A_20 : i1 to i32
    %cond3A = arith.constant 0 : i32
    %cond3A_21 = arith.cmpi ne, %convert_element_type3A, %cond3A : i32
    scf.if %cond3A_21 {
      "tpu.region"() ({
        %run_scoped3A = tpu.sem_alloc : memref<!tpu.dma_semaphore, #tpu.memory_space<semaphore_mem>>
        %dma_start3A_95 = arith.constant 0 : i32
        %dma_start3A_96 = arith.constant 0 : i32
        %dma_start3A_97 = tpu.memref_slice %arg15[%dma_start3A_95, %dma_start3A_96] : memref<96x128xf32, #tpu.memory_space<vmem>> -> memref<16x128xf32, #tpu.memory_space<vmem>>
        %dma_start3A_98 = arith.constant 9984 : i32
        %dma_start3A_99 = arith.constant 0 : i32
        %dma_start3A_100 = tpu.memref_slice %arg17[%dma_start3A_98, %dma_start3A_99] : memref<10000x128xf32, #tpu.memory_space<vmem_shared>> -> memref<16x128xf32, #tpu.memory_space<vmem_shared>>
        %dma_start3A_101 = arith.constant 9984 : i32
        %dma_start3A_102 = arith.constant 0 : i32
        %dma_start3A_103 = tpu.memref_slice %arg17[%dma_start3A_101, %dma_start3A_102] : memref<10000x128xf32, #tpu.memory_space<vmem_shared>> -> memref<16x128xf32, #tpu.memory_space<vmem_shared>>
        %dma_start3A_104 = arith.constant 0 : i32
        %dma_start3A_105 = arith.constant 0 : i32
        %dma_start3A_106 = tpu.memref_slice %arg15[%dma_start3A_104, %dma_start3A_105] : memref<96x128xf32, #tpu.memory_space<vmem>> -> memref<16x128xf32, #tpu.memory_space<vmem>>
        tpu.enqueue_dma source(%dma_start3A_106 : memref<16x128xf32, #tpu.memory_space<vmem>>) target(%dma_start3A_103 : memref<16x128xf32, #tpu.memory_space<vmem_shared>>) target_semaphore(%run_scoped3A : memref<!tpu.dma_semaphore, #tpu.memory_space<semaphore_mem>>)
        %dma_wait3A_107 = arith.constant 0 : i32
        %dma_wait3A_108 = arith.constant 0 : i32
        %dma_wait3A_109 = tpu.memref_slice %arg15[%dma_wait3A_107, %dma_wait3A_108] : memref<96x128xf32, #tpu.memory_space<vmem>> -> memref<16x128xf32, #tpu.memory_space<vmem>>
        %dma_wait3A_110 = arith.constant 9984 : i32
        %dma_wait3A_111 = arith.constant 0 : i32
        %dma_wait3A_112 = tpu.memref_slice %arg17[%dma_wait3A_110, %dma_wait3A_111] : memref<10000x128xf32, #tpu.memory_space<vmem_shared>> -> memref<16x128xf32, #tpu.memory_space<vmem_shared>>
        %dma_wait3A_113 = arith.constant 9984 : i32
        %dma_wait3A_114 = arith.constant 0 : i32
        %dma_wait3A_115 = tpu.memref_slice %arg17[%dma_wait3A_113, %dma_wait3A_114] : memref<10000x128xf32, #tpu.memory_space<vmem_shared>> -> memref<16x128xf32, #tpu.memory_space<vmem_shared>>
        %dma_wait3A_116 = arith.constant 0 : i32
        %dma_wait3A_117 = arith.constant 0 : i32
        %dma_wait3A_118 = tpu.memref_slice %arg15[%dma_wait3A_116, %dma_wait3A_117] : memref<96x128xf32, #tpu.memory_space<vmem>> -> memref<16x128xf32, #tpu.memory_space<vmem>>
        tpu.wait_dma2 semaphore(%run_scoped3A : memref<!tpu.dma_semaphore, #tpu.memory_space<semaphore_mem>>) src(%dma_wait3A_118 : memref<16x128xf32, #tpu.memory_space<vmem>>) dst(%dma_wait3A_115 : memref<16x128xf32, #tpu.memory_space<vmem_shared>>)
        tpu.yield
      }) : () -> ()
    } else {
    }
    %barrier3A = arith.constant 0 : index
    tpu.barrier barrier_id(%barrier3A)
    %mul3A_22 = arith.constant 128 : i32
    %mul3A_23 = arith.muli %arg0, %mul3A_22 : i32
    %multiple_of3A = tpu.assume_multiple %mul3A_23, 128 : i32
    %mul3A_24 = arith.constant 108 : i32
    %mul3A_25 = arith.muli %arg1, %mul3A_24 : i32
    %add3A_26 = arith.constant 0 : i32
    %add3A_27 = arith.addi %mul3A_25, %add3A_26 : i32
    %mul3A_28 = arith.constant 96 : i32
    %mul3A_29 = arith.muli %add3A_27, %mul3A_28 : i32
    %multiple_of3A_30 = tpu.assume_multiple %mul3A_29, 96 : i32
    %dma_start3A = tpu.memref_slice %arg4[%multiple_of3A_30] : memref<165888xi32, #tpu.memory_space<hbm>> -> memref<96xi32, #tpu.memory_space<hbm>>
    %dma_start3A_31 = tpu.memref_slice %arg4[%multiple_of3A_30] : memref<165888xi32, #tpu.memory_space<hbm>> -> memref<96xi32, #tpu.memory_space<hbm>>
    tpu.enqueue_dma source(%dma_start3A_31 : memref<96xi32, #tpu.memory_space<hbm>>) target(%arg7 : memref<96xi32, #tpu.memory_space<vmem>>) target_semaphore(%arg20 : memref<!tpu.dma_semaphore, #tpu.memory_space<semaphore_mem>>)
    %dma_start3A_32 = tpu.memref_slice %arg5[%multiple_of3A_30] : memref<165888xi32, #tpu.memory_space<hbm>> -> memref<96xi32, #tpu.memory_space<hbm>>
    %dma_start3A_33 = tpu.memref_slice %arg5[%multiple_of3A_30] : memref<165888xi32, #tpu.memory_space<hbm>> -> memref<96xi32, #tpu.memory_space<hbm>>
    tpu.enqueue_dma source(%dma_start3A_33 : memref<96xi32, #tpu.memory_space<hbm>>) target(%arg10 : memref<96xi32, #tpu.memory_space<vmem>>) target_semaphore(%arg20 : memref<!tpu.dma_semaphore, #tpu.memory_space<semaphore_mem>>)
    %add3A_34 = arith.constant 1 : i32
    %add3A_35 = arith.addi %mul3A_25, %add3A_34 : i32
    %mul3A_36 = arith.constant 96 : i32
    %mul3A_37 = arith.muli %add3A_35, %mul3A_36 : i32
    %multiple_of3A_38 = tpu.assume_multiple %mul3A_37, 96 : i32
    %dma_start3A_39 = tpu.memref_slice %arg4[%multiple_of3A_38] : memref<165888xi32, #tpu.memory_space<hbm>> -> memref<96xi32, #tpu.memory_space<hbm>>
    %dma_start3A_40 = tpu.memref_slice %arg4[%multiple_of3A_38] : memref<165888xi32, #tpu.memory_space<hbm>> -> memref<96xi32, #tpu.memory_space<hbm>>
    tpu.enqueue_dma source(%dma_start3A_40 : memref<96xi32, #tpu.memory_space<hbm>>) target(%arg8 : memref<96xi32, #tpu.memory_space<vmem>>) target_semaphore(%arg21 : memref<!tpu.dma_semaphore, #tpu.memory_space<semaphore_mem>>)
    %dma_start3A_41 = tpu.memref_slice %arg5[%multiple_of3A_38] : memref<165888xi32, #tpu.memory_space<hbm>> -> memref<96xi32, #tpu.memory_space<hbm>>
    %dma_start3A_42 = tpu.memref_slice %arg5[%multiple_of3A_38] : memref<165888xi32, #tpu.memory_space<hbm>> -> memref<96xi32, #tpu.memory_space<hbm>>
    tpu.enqueue_dma source(%dma_start3A_42 : memref<96xi32, #tpu.memory_space<hbm>>) target(%arg11 : memref<96xi32, #tpu.memory_space<vmem>>) target_semaphore(%arg21 : memref<!tpu.dma_semaphore, #tpu.memory_space<semaphore_mem>>)
    %add3A_43 = arith.constant 2 : i32
    %add3A_44 = arith.addi %mul3A_25, %add3A_43 : i32
    %mul3A_45 = arith.constant 96 : i32
    %mul3A_46 = arith.muli %add3A_44, %mul3A_45 : i32
    %multiple_of3A_47 = tpu.assume_multiple %mul3A_46, 96 : i32
    %dma_start3A_48 = tpu.memref_slice %arg4[%multiple_of3A_47] : memref<165888xi32, #tpu.memory_space<hbm>> -> memref<96xi32, #tpu.memory_space<hbm>>
    %dma_start3A_49 = tpu.memref_slice %arg4[%multiple_of3A_47] : memref<165888xi32, #tpu.memory_space<hbm>> -> memref<96xi32, #tpu.memory_space<hbm>>
    tpu.enqueue_dma source(%dma_start3A_49 : memref<96xi32, #tpu.memory_space<hbm>>) target(%arg9 : memref<96xi32, #tpu.memory_space<vmem>>) target_semaphore(%arg22 : memref<!tpu.dma_semaphore, #tpu.memory_space<semaphore_mem>>)
    %dma_start3A_50 = tpu.memref_slice %arg5[%multiple_of3A_47] : memref<165888xi32, #tpu.memory_space<hbm>> -> memref<96xi32, #tpu.memory_space<hbm>>
    %dma_start3A_51 = tpu.memref_slice %arg5[%multiple_of3A_47] : memref<165888xi32, #tpu.memory_space<hbm>> -> memref<96xi32, #tpu.memory_space<hbm>>
    tpu.enqueue_dma source(%dma_start3A_51 : memref<96xi32, #tpu.memory_space<hbm>>) target(%arg12 : memref<96xi32, #tpu.memory_space<vmem>>) target_semaphore(%arg22 : memref<!tpu.dma_semaphore, #tpu.memory_space<semaphore_mem>>)
    %add3A_52 = arith.constant 0 : i32
    %add3A_53 = arith.addi %mul3A_25, %add3A_52 : i32
    %mul3A_54 = arith.constant 96 : i32
    %mul3A_55 = arith.muli %add3A_53, %mul3A_54 : i32
    %multiple_of3A_56 = tpu.assume_multiple %mul3A_55, 96 : i32
    %dma_wait3A = tpu.memref_slice %arg4[%multiple_of3A_56] : memref<165888xi32, #tpu.memory_space<hbm>> -> memref<96xi32, #tpu.memory_space<hbm>>
    %dma_wait3A_57 = tpu.memref_slice %arg4[%multiple_of3A_56] : memref<165888xi32, #tpu.memory_space<hbm>> -> memref<96xi32, #tpu.memory_space<hbm>>
    tpu.wait_dma2 semaphore(%arg20 : memref<!tpu.dma_semaphore, #tpu.memory_space<semaphore_mem>>) src(%dma_wait3A_57 : memref<96xi32, #tpu.memory_space<hbm>>) dst(%arg7 : memref<96xi32, #tpu.memory_space<vmem>>)
    %dma_wait3A_58 = tpu.memref_slice %arg5[%multiple_of3A_56] : memref<165888xi32, #tpu.memory_space<hbm>> -> memref<96xi32, #tpu.memory_space<hbm>>
    %dma_wait3A_59 = tpu.memref_slice %arg5[%multiple_of3A_56] : memref<165888xi32, #tpu.memory_space<hbm>> -> memref<96xi32, #tpu.memory_space<hbm>>
    tpu.wait_dma2 semaphore(%arg20 : memref<!tpu.dma_semaphore, #tpu.memory_space<semaphore_mem>>) src(%dma_wait3A_59 : memref<96xi32, #tpu.memory_space<hbm>>) dst(%arg10 : memref<96xi32, #tpu.memory_space<vmem>>)
    %dma_start3A_60 = arith.constant 0 : i32
    %dma_start3A_61 = arith.constant 0 : i32
    %dma_start3A_62 = tpu.memref_slice %arg2[%dma_start3A_60, %dma_start3A_61] : memref<10000x128xf32, #tpu.memory_space<hbm>> -> memref<10000x128xf32, #tpu.memory_space<hbm>>
    tpu.enqueue_indirect_dma source(%dma_start3A_62 : memref<10000x128xf32, #tpu.memory_space<hbm>>) target(%arg13 : memref<96x128xf32, #tpu.memory_space<vmem>>) offsets(%arg7 : memref<96xi32, #tpu.memory_space<vmem>>) semaphore(%arg18 : memref<!tpu.dma_semaphore, #tpu.memory_space<semaphore_mem>>)
    %add3A_63 = arith.constant 1 : i32
    %add3A_64 = arith.addi %mul3A_25, %add3A_63 : i32
    %mul3A_65 = arith.constant 96 : i32
    %mul3A_66 = arith.muli %add3A_64, %mul3A_65 : i32
    %multiple_of3A_67 = tpu.assume_multiple %mul3A_66, 96 : i32
    %dma_wait3A_68 = tpu.memref_slice %arg4[%multiple_of3A_67] : memref<165888xi32, #tpu.memory_space<hbm>> -> memref<96xi32, #tpu.memory_space<hbm>>
    %dma_wait3A_69 = tpu.memref_slice %arg4[%multiple_of3A_67] : memref<165888xi32, #tpu.memory_space<hbm>> -> memref<96xi32, #tpu.memory_space<hbm>>
    tpu.wait_dma2 semaphore(%arg21 : memref<!tpu.dma_semaphore, #tpu.memory_space<semaphore_mem>>) src(%dma_wait3A_69 : memref<96xi32, #tpu.memory_space<hbm>>) dst(%arg8 : memref<96xi32, #tpu.memory_space<vmem>>)
    %dma_wait3A_70 = tpu.memref_slice %arg5[%multiple_of3A_67] : memref<165888xi32, #tpu.memory_space<hbm>> -> memref<96xi32, #tpu.memory_space<hbm>>
    %dma_wait3A_71 = tpu.memref_slice %arg5[%multiple_of3A_67] : memref<165888xi32, #tpu.memory_space<hbm>> -> memref<96xi32, #tpu.memory_space<hbm>>
    tpu.wait_dma2 semaphore(%arg21 : memref<!tpu.dma_semaphore, #tpu.memory_space<semaphore_mem>>) src(%dma_wait3A_71 : memref<96xi32, #tpu.memory_space<hbm>>) dst(%arg11 : memref<96xi32, #tpu.memory_space<vmem>>)
    %dma_start3A_72 = arith.constant 0 : i32
    %dma_start3A_73 = arith.constant 0 : i32
    %dma_start3A_74 = tpu.memref_slice %arg2[%dma_start3A_72, %dma_start3A_73] : memref<10000x128xf32, #tpu.memory_space<hbm>> -> memref<10000x128xf32, #tpu.memory_space<hbm>>
    tpu.enqueue_indirect_dma source(%dma_start3A_74 : memref<10000x128xf32, #tpu.memory_space<hbm>>) target(%arg14 : memref<96x128xf32, #tpu.memory_space<vmem>>) offsets(%arg8 : memref<96xi32, #tpu.memory_space<vmem>>) semaphore(%arg19 : memref<!tpu.dma_semaphore, #tpu.memory_space<semaphore_mem>>)
    %add3A_75 = arith.constant 2 : i32
    %add3A_76 = arith.addi %mul3A_25, %add3A_75 : i32
    %mul3A_77 = arith.constant 96 : i32
    %mul3A_78 = arith.muli %add3A_76, %mul3A_77 : i32
    %multiple_of3A_79 = tpu.assume_multiple %mul3A_78, 96 : i32
    %dma_wait3A_80 = tpu.memref_slice %arg4[%multiple_of3A_79] : memref<165888xi32, #tpu.memory_space<hbm>> -> memref<96xi32, #tpu.memory_space<hbm>>
    %dma_wait3A_81 = tpu.memref_slice %arg4[%multiple_of3A_79] : memref<165888xi32, #tpu.memory_space<hbm>> -> memref<96xi32, #tpu.memory_space<hbm>>
    tpu.wait_dma2 semaphore(%arg22 : memref<!tpu.dma_semaphore, #tpu.memory_space<semaphore_mem>>) src(%dma_wait3A_81 : memref<96xi32, #tpu.memory_space<hbm>>) dst(%arg9 : memref<96xi32, #tpu.memory_space<vmem>>)
    %dma_wait3A_82 = tpu.memref_slice %arg5[%multiple_of3A_79] : memref<165888xi32, #tpu.memory_space<hbm>> -> memref<96xi32, #tpu.memory_space<hbm>>
    %dma_wait3A_83 = tpu.memref_slice %arg5[%multiple_of3A_79] : memref<165888xi32, #tpu.memory_space<hbm>> -> memref<96xi32, #tpu.memory_space<hbm>>
    tpu.wait_dma2 semaphore(%arg22 : memref<!tpu.dma_semaphore, #tpu.memory_space<semaphore_mem>>) src(%dma_wait3A_83 : memref<96xi32, #tpu.memory_space<hbm>>) dst(%arg12 : memref<96xi32, #tpu.memory_space<vmem>>)
    %dma_start3A_84 = arith.constant 0 : i32
    %dma_start3A_85 = arith.constant 0 : i32
    %dma_start3A_86 = tpu.memref_slice %arg2[%dma_start3A_84, %dma_start3A_85] : memref<10000x128xf32, #tpu.memory_space<hbm>> -> memref<10000x128xf32, #tpu.memory_space<hbm>>
    tpu.enqueue_indirect_dma source(%dma_start3A_86 : memref<10000x128xf32, #tpu.memory_space<hbm>>) target(%arg15 : memref<96x128xf32, #tpu.memory_space<vmem>>) offsets(%arg9 : memref<96xi32, #tpu.memory_space<vmem>>) semaphore(%arg23 : memref<!tpu.dma_semaphore, #tpu.memory_space<semaphore_mem>>)
    %scan3A_87 = arith.constant 0 : i32
    %scan3A_88 = arith.constant 0 : i32
    %scan3A_89 = arith.constant 36 : i32
    %scan3A_90 = arith.addi %scan3A_88, %scan3A_89 : i32
    %scan3A_91 = arith.constant 1 : i32
    %scan3A_92 = scf.for %scan3A_95 = %scan3A_88 to %scan3A_90 step %scan3A_91 iter_args(%scan3A_96 = %scan3A_87) -> (i32)  : i32 {
      %mul3A_97 = arith.constant 3 : i32
      %mul3A_98 = arith.muli %scan3A_95, %mul3A_97 : i32
      %add3A_99 = arith.constant 0 : i32
      %add3A_100 = arith.addi %mul3A_98, %add3A_99 : i32
      %dma_wait3A_101 = arith.constant 0 : i32
      %dma_wait3A_102 = arith.constant 0 : i32
      %dma_wait3A_103 = tpu.memref_slice %arg2[%dma_wait3A_101, %dma_wait3A_102] : memref<10000x128xf32, #tpu.memory_space<hbm>> -> memref<10000x128xf32, #tpu.memory_space<hbm>>
      tpu.wait_indirect_dma semaphore(%arg18 : memref<!tpu.dma_semaphore, #tpu.memory_space<semaphore_mem>>) src(%dma_wait3A_103 : memref<10000x128xf32, #tpu.memory_space<hbm>>) dst(%arg13 : memref<96x128xf32, #tpu.memory_space<vmem>>)
      %add3A_104 = arith.constant 3 : i32
      %add3A_105 = arith.addi %add3A_100, %add3A_104 : i32
      %lt3A = arith.constant 108 : i32
      %lt3A_106 = arith.cmpi slt, %add3A_105, %lt3A : i32
      %convert_element_type3A_107 = arith.extui %lt3A_106 : i1 to i32
      %cond3A_108 = arith.constant 0 : i32
      %cond3A_109 = arith.cmpi ne, %convert_element_type3A_107, %cond3A_108 : i32
      scf.if %cond3A_109 {
        %add3A_135 = arith.constant 3 : i32
        %add3A_136 = arith.addi %add3A_100, %add3A_135 : i32
        %add3A_137 = arith.addi %mul3A_25, %add3A_136 : i32
        %mul3A_138 = arith.constant 96 : i32
        %mul3A_139 = arith.muli %add3A_137, %mul3A_138 : i32
        %multiple_of3A_140 = tpu.assume_multiple %mul3A_139, 96 : i32
        %dma_start3A_141 = tpu.memref_slice %arg4[%multiple_of3A_140] : memref<165888xi32, #tpu.memory_space<hbm>> -> memref<96xi32, #tpu.memory_space<hbm>>
        %dma_start3A_142 = tpu.memref_slice %arg4[%multiple_of3A_140] : memref<165888xi32, #tpu.memory_space<hbm>> -> memref<96xi32, #tpu.memory_space<hbm>>
        tpu.enqueue_dma source(%dma_start3A_142 : memref<96xi32, #tpu.memory_space<hbm>>) target(%arg7 : memref<96xi32, #tpu.memory_space<vmem>>) target_semaphore(%arg20 : memref<!tpu.dma_semaphore, #tpu.memory_space<semaphore_mem>>)
        %dma_start3A_143 = tpu.memref_slice %arg5[%multiple_of3A_140] : memref<165888xi32, #tpu.memory_space<hbm>> -> memref<96xi32, #tpu.memory_space<hbm>>
        %dma_start3A_144 = tpu.memref_slice %arg5[%multiple_of3A_140] : memref<165888xi32, #tpu.memory_space<hbm>> -> memref<96xi32, #tpu.memory_space<hbm>>
        tpu.enqueue_dma source(%dma_start3A_144 : memref<96xi32, #tpu.memory_space<hbm>>) target(%arg10 : memref<96xi32, #tpu.memory_space<vmem>>) target_semaphore(%arg20 : memref<!tpu.dma_semaphore, #tpu.memory_space<semaphore_mem>>)
        %add3A_145 = arith.constant 3 : i32
        %add3A_146 = arith.addi %add3A_100, %add3A_145 : i32
        %add3A_147 = arith.addi %mul3A_25, %add3A_146 : i32
        %mul3A_148 = arith.constant 96 : i32
        %mul3A_149 = arith.muli %add3A_147, %mul3A_148 : i32
        %multiple_of3A_150 = tpu.assume_multiple %mul3A_149, 96 : i32
        %dma_wait3A_151 = tpu.memref_slice %arg4[%multiple_of3A_150] : memref<165888xi32, #tpu.memory_space<hbm>> -> memref<96xi32, #tpu.memory_space<hbm>>
        %dma_wait3A_152 = tpu.memref_slice %arg4[%multiple_of3A_150] : memref<165888xi32, #tpu.memory_space<hbm>> -> memref<96xi32, #tpu.memory_space<hbm>>
        tpu.wait_dma2 semaphore(%arg20 : memref<!tpu.dma_semaphore, #tpu.memory_space<semaphore_mem>>) src(%dma_wait3A_152 : memref<96xi32, #tpu.memory_space<hbm>>) dst(%arg7 : memref<96xi32, #tpu.memory_space<vmem>>)
        %dma_wait3A_153 = tpu.memref_slice %arg5[%multiple_of3A_150] : memref<165888xi32, #tpu.memory_space<hbm>> -> memref<96xi32, #tpu.memory_space<hbm>>
        %dma_wait3A_154 = tpu.memref_slice %arg5[%multiple_of3A_150] : memref<165888xi32, #tpu.memory_space<hbm>> -> memref<96xi32, #tpu.memory_space<hbm>>
        tpu.wait_dma2 semaphore(%arg20 : memref<!tpu.dma_semaphore, #tpu.memory_space<semaphore_mem>>) src(%dma_wait3A_154 : memref<96xi32, #tpu.memory_space<hbm>>) dst(%arg10 : memref<96xi32, #tpu.memory_space<vmem>>)
        %add3A_155 = arith.constant 3 : i32
        %add3A_156 = arith.addi %add3A_100, %add3A_155 : i32
        %dma_start3A_157 = arith.constant 0 : i32
        %dma_start3A_158 = arith.constant 0 : i32
        %dma_start3A_159 = tpu.memref_slice %arg2[%dma_start3A_157, %dma_start3A_158] : memref<10000x128xf32, #tpu.memory_space<hbm>> -> memref<10000x128xf32, #tpu.memory_space<hbm>>
        tpu.enqueue_indirect_dma source(%dma_start3A_159 : memref<10000x128xf32, #tpu.memory_space<hbm>>) target(%arg13 : memref<96x128xf32, #tpu.memory_space<vmem>>) offsets(%arg7 : memref<96xi32, #tpu.memory_space<vmem>>) semaphore(%arg18 : memref<!tpu.dma_semaphore, #tpu.memory_space<semaphore_mem>>)
      } else {
      }
      %add3A_110 = arith.constant 1 : i32
      %add3A_111 = arith.addi %mul3A_98, %add3A_110 : i32
      %dma_wait3A_112 = arith.constant 0 : i32
      %dma_wait3A_113 = arith.constant 0 : i32
      %dma_wait3A_114 = tpu.memref_slice %arg2[%dma_wait3A_112, %dma_wait3A_113] : memref<10000x128xf32, #tpu.memory_space<hbm>> -> memref<10000x128xf32, #tpu.memory_space<hbm>>
      tpu.wait_indirect_dma semaphore(%arg19 : memref<!tpu.dma_semaphore, #tpu.memory_space<semaphore_mem>>) src(%dma_wait3A_114 : memref<10000x128xf32, #tpu.memory_space<hbm>>) dst(%arg14 : memref<96x128xf32, #tpu.memory_space<vmem>>)
      %add3A_115 = arith.constant 3 : i32
      %add3A_116 = arith.addi %add3A_111, %add3A_115 : i32
      %lt3A_117 = arith.constant 108 : i32
      %lt3A_118 = arith.cmpi slt, %add3A_116, %lt3A_117 : i32
      %convert_element_type3A_119 = arith.extui %lt3A_118 : i1 to i32
      %cond3A_120 = arith.constant 0 : i32
      %cond3A_121 = arith.cmpi ne, %convert_element_type3A_119, %cond3A_120 : i32
      scf.if %cond3A_121 {
        %add3A_135 = arith.constant 3 : i32
        %add3A_136 = arith.addi %add3A_111, %add3A_135 : i32
        %add3A_137 = arith.addi %mul3A_25, %add3A_136 : i32
        %mul3A_138 = arith.constant 96 : i32
        %mul3A_139 = arith.muli %add3A_137, %mul3A_138 : i32
        %multiple_of3A_140 = tpu.assume_multiple %mul3A_139, 96 : i32
        %dma_start3A_141 = tpu.memref_slice %arg4[%multiple_of3A_140] : memref<165888xi32, #tpu.memory_space<hbm>> -> memref<96xi32, #tpu.memory_space<hbm>>
        %dma_start3A_142 = tpu.memref_slice %arg4[%multiple_of3A_140] : memref<165888xi32, #tpu.memory_space<hbm>> -> memref<96xi32, #tpu.memory_space<hbm>>
        tpu.enqueue_dma source(%dma_start3A_142 : memref<96xi32, #tpu.memory_space<hbm>>) target(%arg8 : memref<96xi32, #tpu.memory_space<vmem>>) target_semaphore(%arg21 : memref<!tpu.dma_semaphore, #tpu.memory_space<semaphore_mem>>)
        %dma_start3A_143 = tpu.memref_slice %arg5[%multiple_of3A_140] : memref<165888xi32, #tpu.memory_space<hbm>> -> memref<96xi32, #tpu.memory_space<hbm>>
        %dma_start3A_144 = tpu.memref_slice %arg5[%multiple_of3A_140] : memref<165888xi32, #tpu.memory_space<hbm>> -> memref<96xi32, #tpu.memory_space<hbm>>
        tpu.enqueue_dma source(%dma_start3A_144 : memref<96xi32, #tpu.memory_space<hbm>>) target(%arg11 : memref<96xi32, #tpu.memory_space<vmem>>) target_semaphore(%arg21 : memref<!tpu.dma_semaphore, #tpu.memory_space<semaphore_mem>>)
        %add3A_145 = arith.constant 3 : i32
        %add3A_146 = arith.addi %add3A_111, %add3A_145 : i32
        %add3A_147 = arith.addi %mul3A_25, %add3A_146 : i32
        %mul3A_148 = arith.constant 96 : i32
        %mul3A_149 = arith.muli %add3A_147, %mul3A_148 : i32
        %multiple_of3A_150 = tpu.assume_multiple %mul3A_149, 96 : i32
        %dma_wait3A_151 = tpu.memref_slice %arg4[%multiple_of3A_150] : memref<165888xi32, #tpu.memory_space<hbm>> -> memref<96xi32, #tpu.memory_space<hbm>>
        %dma_wait3A_152 = tpu.memref_slice %arg4[%multiple_of3A_150] : memref<165888xi32, #tpu.memory_space<hbm>> -> memref<96xi32, #tpu.memory_space<hbm>>
        tpu.wait_dma2 semaphore(%arg21 : memref<!tpu.dma_semaphore, #tpu.memory_space<semaphore_mem>>) src(%dma_wait3A_152 : memref<96xi32, #tpu.memory_space<hbm>>) dst(%arg8 : memref<96xi32, #tpu.memory_space<vmem>>)
        %dma_wait3A_153 = tpu.memref_slice %arg5[%multiple_of3A_150] : memref<165888xi32, #tpu.memory_space<hbm>> -> memref<96xi32, #tpu.memory_space<hbm>>
        %dma_wait3A_154 = tpu.memref_slice %arg5[%multiple_of3A_150] : memref<165888xi32, #tpu.memory_space<hbm>> -> memref<96xi32, #tpu.memory_space<hbm>>
        tpu.wait_dma2 semaphore(%arg21 : memref<!tpu.dma_semaphore, #tpu.memory_space<semaphore_mem>>) src(%dma_wait3A_154 : memref<96xi32, #tpu.memory_space<hbm>>) dst(%arg11 : memref<96xi32, #tpu.memory_space<vmem>>)
        %add3A_155 = arith.constant 3 : i32
        %add3A_156 = arith.addi %add3A_111, %add3A_155 : i32
        %dma_start3A_157 = arith.constant 0 : i32
        %dma_start3A_158 = arith.constant 0 : i32
        %dma_start3A_159 = tpu.memref_slice %arg2[%dma_start3A_157, %dma_start3A_158] : memref<10000x128xf32, #tpu.memory_space<hbm>> -> memref<10000x128xf32, #tpu.memory_space<hbm>>
        tpu.enqueue_indirect_dma source(%dma_start3A_159 : memref<10000x128xf32, #tpu.memory_space<hbm>>) target(%arg14 : memref<96x128xf32, #tpu.memory_space<vmem>>) offsets(%arg8 : memref<96xi32, #tpu.memory_space<vmem>>) semaphore(%arg19 : memref<!tpu.dma_semaphore, #tpu.memory_space<semaphore_mem>>)
      } else {
      }
      %add3A_122 = arith.constant 2 : i32
      %add3A_123 = arith.addi %mul3A_98, %add3A_122 : i32
      %dma_wait3A_124 = arith.constant 0 : i32
      %dma_wait3A_125 = arith.constant 0 : i32
      %dma_wait3A_126 = tpu.memref_slice %arg2[%dma_wait3A_124, %dma_wait3A_125] : memref<10000x128xf32, #tpu.memory_space<hbm>> -> memref<10000x128xf32, #tpu.memory_space<hbm>>
      tpu.wait_indirect_dma semaphore(%arg23 : memref<!tpu.dma_semaphore, #tpu.memory_space<semaphore_mem>>) src(%dma_wait3A_126 : memref<10000x128xf32, #tpu.memory_space<hbm>>) dst(%arg15 : memref<96x128xf32, #tpu.memory_space<vmem>>)
      %add3A_127 = arith.constant 3 : i32
      %add3A_128 = arith.addi %add3A_123, %add3A_127 : i32
      %lt3A_129 = arith.constant 108 : i32
      %lt3A_130 = arith.cmpi slt, %add3A_128, %lt3A_129 : i32
      %convert_element_type3A_131 = arith.extui %lt3A_130 : i1 to i32
      %cond3A_132 = arith.constant 0 : i32
      %cond3A_133 = arith.cmpi ne, %convert_element_type3A_131, %cond3A_132 : i32
      scf.if %cond3A_133 {
        %add3A_135 = arith.constant 3 : i32
        %add3A_136 = arith.addi %add3A_123, %add3A_135 : i32
        %add3A_137 = arith.addi %mul3A_25, %add3A_136 : i32
        %mul3A_138 = arith.constant 96 : i32
        %mul3A_139 = arith.muli %add3A_137, %mul3A_138 : i32
        %multiple_of3A_140 = tpu.assume_multiple %mul3A_139, 96 : i32
        %dma_start3A_141 = tpu.memref_slice %arg4[%multiple_of3A_140] : memref<165888xi32, #tpu.memory_space<hbm>> -> memref<96xi32, #tpu.memory_space<hbm>>
        %dma_start3A_142 = tpu.memref_slice %arg4[%multiple_of3A_140] : memref<165888xi32, #tpu.memory_space<hbm>> -> memref<96xi32, #tpu.memory_space<hbm>>
        tpu.enqueue_dma source(%dma_start3A_142 : memref<96xi32, #tpu.memory_space<hbm>>) target(%arg9 : memref<96xi32, #tpu.memory_space<vmem>>) target_semaphore(%arg22 : memref<!tpu.dma_semaphore, #tpu.memory_space<semaphore_mem>>)
        %dma_start3A_143 = tpu.memref_slice %arg5[%multiple_of3A_140] : memref<165888xi32, #tpu.memory_space<hbm>> -> memref<96xi32, #tpu.memory_space<hbm>>
        %dma_start3A_144 = tpu.memref_slice %arg5[%multiple_of3A_140] : memref<165888xi32, #tpu.memory_space<hbm>> -> memref<96xi32, #tpu.memory_space<hbm>>
        tpu.enqueue_dma source(%dma_start3A_144 : memref<96xi32, #tpu.memory_space<hbm>>) target(%arg12 : memref<96xi32, #tpu.memory_space<vmem>>) target_semaphore(%arg22 : memref<!tpu.dma_semaphore, #tpu.memory_space<semaphore_mem>>)
        %add3A_145 = arith.constant 3 : i32
        %add3A_146 = arith.addi %add3A_123, %add3A_145 : i32
        %add3A_147 = arith.addi %mul3A_25, %add3A_146 : i32
        %mul3A_148 = arith.constant 96 : i32
        %mul3A_149 = arith.muli %add3A_147, %mul3A_148 : i32
        %multiple_of3A_150 = tpu.assume_multiple %mul3A_149, 96 : i32
        %dma_wait3A_151 = tpu.memref_slice %arg4[%multiple_of3A_150] : memref<165888xi32, #tpu.memory_space<hbm>> -> memref<96xi32, #tpu.memory_space<hbm>>
        %dma_wait3A_152 = tpu.memref_slice %arg4[%multiple_of3A_150] : memref<165888xi32, #tpu.memory_space<hbm>> -> memref<96xi32, #tpu.memory_space<hbm>>
        tpu.wait_dma2 semaphore(%arg22 : memref<!tpu.dma_semaphore, #tpu.memory_space<semaphore_mem>>) src(%dma_wait3A_152 : memref<96xi32, #tpu.memory_space<hbm>>) dst(%arg9 : memref<96xi32, #tpu.memory_space<vmem>>)
        %dma_wait3A_153 = tpu.memref_slice %arg5[%multiple_of3A_150] : memref<165888xi32, #tpu.memory_space<hbm>> -> memref<96xi32, #tpu.memory_space<hbm>>
        %dma_wait3A_154 = tpu.memref_slice %arg5[%multiple_of3A_150] : memref<165888xi32, #tpu.memory_space<hbm>> -> memref<96xi32, #tpu.memory_space<hbm>>
        tpu.wait_dma2 semaphore(%arg22 : memref<!tpu.dma_semaphore, #tpu.memory_space<semaphore_mem>>) src(%dma_wait3A_154 : memref<96xi32, #tpu.memory_space<hbm>>) dst(%arg12 : memref<96xi32, #tpu.memory_space<vmem>>)
        %add3A_155 = arith.constant 3 : i32
        %add3A_156 = arith.addi %add3A_123, %add3A_155 : i32
        %dma_start3A_157 = arith.constant 0 : i32
        %dma_start3A_158 = arith.constant 0 : i32
        %dma_start3A_159 = tpu.memref_slice %arg2[%dma_start3A_157, %dma_start3A_158] : memref<10000x128xf32, #tpu.memory_space<hbm>> -> memref<10000x128xf32, #tpu.memory_space<hbm>>
        tpu.enqueue_indirect_dma source(%dma_start3A_159 : memref<10000x128xf32, #tpu.memory_space<hbm>>) target(%arg15 : memref<96x128xf32, #tpu.memory_space<vmem>>) offsets(%arg9 : memref<96xi32, #tpu.memory_space<vmem>>) semaphore(%arg23 : memref<!tpu.dma_semaphore, #tpu.memory_space<semaphore_mem>>)
      } else {
      }
      %scan3A_134 = arith.constant 0 : i32
      scf.yield %scan3A_134 : i32
    }
    %scan3A_93 = arith.constant 36 : i32
    %barrier3A_94 = arith.constant 0 : index
    tpu.barrier barrier_id(%barrier3A_94)
    "tpu.region"() ({
      %run_scoped3A = tpu.sem_alloc : memref<!tpu.dma_semaphore, #tpu.memory_space<semaphore_mem>>
      %dma_start3A_95 = arith.constant 0 : i32
      %dma_start3A_96 = tpu.memref_slice %arg6[%arg0, %mul3A_6, %dma_start3A_95] : memref<2x10000x128xf32, #tpu.memory_space<hbm>> -> memref<1x624x128xf32, #tpu.memory_space<hbm>>
      %dma_start3A_97 = tpu.memref_squeeze %dma_start3A_96 : memref<1x624x128xf32, #tpu.memory_space<hbm>> -> memref<624x128xf32, #tpu.memory_space<hbm>>
      %dma_start3A_98 = arith.constant 0 : i32
      %dma_start3A_99 = tpu.memref_slice %arg17[%mul3A_6, %dma_start3A_98] : memref<10000x128xf32, #tpu.memory_space<vmem_shared>> -> memref<624x128xf32, #tpu.memory_space<vmem_shared>>
      tpu.enqueue_dma source(%dma_start3A_99 : memref<624x128xf32, #tpu.memory_space<vmem_shared>>) target(%dma_start3A_97 : memref<624x128xf32, #tpu.memory_space<hbm>>) target_semaphore(%run_scoped3A : memref<!tpu.dma_semaphore, #tpu.memory_space<semaphore_mem>>)
      %dma_wait3A_100 = arith.constant 0 : i32
      %dma_wait3A_101 = tpu.memref_slice %arg6[%arg0, %mul3A_6, %dma_wait3A_100] : memref<2x10000x128xf32, #tpu.memory_space<hbm>> -> memref<1x624x128xf32, #tpu.memory_space<hbm>>
      %dma_wait3A_102 = tpu.memref_squeeze %dma_wait3A_101 : memref<1x624x128xf32, #tpu.memory_space<hbm>> -> memref<624x128xf32, #tpu.memory_space<hbm>>
      %dma_wait3A_103 = arith.constant 0 : i32
      %dma_wait3A_104 = tpu.memref_slice %arg17[%mul3A_6, %dma_wait3A_103] : memref<10000x128xf32, #tpu.memory_space<vmem_shared>> -> memref<624x128xf32, #tpu.memory_space<vmem_shared>>
      tpu.wait_dma2 semaphore(%run_scoped3A : memref<!tpu.dma_semaphore, #tpu.memory_space<semaphore_mem>>) src(%dma_wait3A_104 : memref<624x128xf32, #tpu.memory_space<vmem_shared>>) dst(%dma_wait3A_102 : memref<624x128xf32, #tpu.memory_space<hbm>>)
      tpu.yield
    }) : () -> ()
    return
  }
}

#map = affine_map<(d0, d1) -> (0, 0)>
#map1 = affine_map<(d0, d1) -> (0)>
#map2 = affine_map<(d0, d1) -> (0, 0, 0)>
module attributes {stable_mosaic.version = 14 : i64} {
  func.func @_sc_agg_body(%arg0: i32, %arg1: i32, %arg2: memref<10000x128xf32, #tpu.memory_space<hbm>>, %arg3: memref<165888x256xf32, #tpu.memory_space<hbm>>, %arg4: memref<165888xi32, #tpu.memory_space<hbm>>, %arg5: memref<165888xi32, #tpu.memory_space<hbm>>, %arg6: memref<2x10000x128xf32, #tpu.memory_space<hbm>>, %arg7: memref<96xi32, #tpu.memory_space<vmem>>, %arg8: memref<96xi32, #tpu.memory_space<vmem>>, %arg9: memref<96xi32, #tpu.memory_space<vmem>>, %arg10: memref<96xi32, #tpu.memory_space<vmem>>, %arg11: memref<96xi32, #tpu.memory_space<vmem>>, %arg12: memref<96xi32, #tpu.memory_space<vmem>>, %arg13: memref<96x128xf32, #tpu.memory_space<vmem>>, %arg14: memref<96x128xf32, #tpu.memory_space<vmem>>, %arg15: memref<96x128xf32, #tpu.memory_space<vmem>>, %arg16: memref<96x128xf32, #tpu.memory_space<vmem>>, %arg17: memref<10000x128xf32, #tpu.memory_space<vmem_shared>>, %arg18: memref<!tpu.dma_semaphore, #tpu.memory_space<semaphore_mem>>, %arg19: memref<!tpu.dma_semaphore, #tpu.memory_space<semaphore_mem>>, %arg20: memref<!tpu.dma_semaphore, #tpu.memory_space<semaphore_mem>>, %arg21: memref<!tpu.dma_semaphore, #tpu.memory_space<semaphore_mem>>, %arg22: memref<!tpu.dma_semaphore, #tpu.memory_space<semaphore_mem>>, %arg23: memref<!tpu.dma_semaphore, #tpu.memory_space<semaphore_mem>>, %arg24: memref<!tpu.dma_semaphore, #tpu.memory_space<semaphore_mem>>) attributes {dimension_semantics = [#tpu.dimension_semantics<core_parallel>, #tpu.dimension_semantics<subcore_parallel>], iteration_bounds = array<i64: 2, 16>, scalar_prefetch = 0 : i64, scratch_operands = 18 : i64, tpu.core_type = #tpu.core_type<sc_vector_subcore>, window_params = [{transform_indices = #map}, {transform_indices = #map}, {transform_indices = #map1}, {transform_indices = #map1}, {transform_indices = #map2}]} {
    %scan3A = arith.constant 0 : i32
    %scan3A_0 = arith.constant 0 : i32
    %scan3A_1 = arith.constant 96 : i32
    %scan3A_2 = arith.addi %scan3A_0, %scan3A_1 : i32
    %scan3A_3 = arith.constant 1 : i32
    %scan3A_4 = scf.for %scan3A_95 = %scan3A_0 to %scan3A_2 step %scan3A_3 iter_args(%scan3A_96 = %scan3A) -> (i32)  : i32 {
      %broadcast_in_dim3A = arith.constant 0.000000e+00 : f32
      %broadcast_in_dim3A_97 = vector.broadcast %broadcast_in_dim3A : f32 to vector<16xf32>
      %swap3A = arith.index_cast %scan3A_95 : i32 to index
      %swap3A_98 = arith.constant 0 : index
      %swap3A_99 = tpu.vector_load %arg15[%swap3A, %swap3A_98] {strides = array<i32>} : memref<96x128xf32, #tpu.memory_space<vmem>>, vector<1x16xf32>,
      %swap3A_100 = vector.shape_cast %swap3A_99 : vector<1x16xf32> to vector<16xf32>
      %swap3A_101 = vector.shape_cast %broadcast_in_dim3A_97 : vector<16xf32> to vector<1x16xf32>
      tpu.vector_store %arg15[%swap3A, %swap3A_98], %swap3A_101 {strides = array<i32>} : memref<96x128xf32, #tpu.memory_space<vmem>>, vector<1x16xf32>,
      %broadcast_in_dim3A_102 = arith.constant 0.000000e+00 : f32
      %broadcast_in_dim3A_103 = vector.broadcast %broadcast_in_dim3A_102 : f32 to vector<16xf32>
      %swap3A_104 = arith.index_cast %scan3A_95 : i32 to index
      %swap3A_105 = arith.constant 16 : index
      %swap3A_106 = tpu.vector_load %arg15[%swap3A_104, %swap3A_105] {strides = array<i32>} : memref<96x128xf32, #tpu.memory_space<vmem>>, vector<1x16xf32>,
      %swap3A_107 = vector.shape_cast %swap3A_106 : vector<1x16xf32> to vector<16xf32>
      %swap3A_108 = vector.shape_cast %broadcast_in_dim3A_103 : vector<16xf32> to vector<1x16xf32>
      tpu.vector_store %arg15[%swap3A_104, %swap3A_105], %swap3A_108 {strides = array<i32>} : memref<96x128xf32, #tpu.memory_space<vmem>>, vector<1x16xf32>,
      %broadcast_in_dim3A_109 = arith.constant 0.000000e+00 : f32
      %broadcast_in_dim3A_110 = vector.broadcast %broadcast_in_dim3A_109 : f32 to vector<16xf32>
      %swap3A_111 = arith.index_cast %scan3A_95 : i32 to index
      %swap3A_112 = arith.constant 32 : index
      %swap3A_113 = tpu.vector_load %arg15[%swap3A_111, %swap3A_112] {strides = array<i32>} : memref<96x128xf32, #tpu.memory_space<vmem>>, vector<1x16xf32>,
      %swap3A_114 = vector.shape_cast %swap3A_113 : vector<1x16xf32> to vector<16xf32>
      %swap3A_115 = vector.shape_cast %broadcast_in_dim3A_110 : vector<16xf32> to vector<1x16xf32>
      tpu.vector_store %arg15[%swap3A_111, %swap3A_112], %swap3A_115 {strides = array<i32>} : memref<96x128xf32, #tpu.memory_space<vmem>>, vector<1x16xf32>,
      %broadcast_in_dim3A_116 = arith.constant 0.000000e+00 : f32
      %broadcast_in_dim3A_117 = vector.broadcast %broadcast_in_dim3A_116 : f32 to vector<16xf32>
      %swap3A_118 = arith.index_cast %scan3A_95 : i32 to index
      %swap3A_119 = arith.constant 48 : index
      %swap3A_120 = tpu.vector_load %arg15[%swap3A_118, %swap3A_119] {strides = array<i32>} : memref<96x128xf32, #tpu.memory_space<vmem>>, vector<1x16xf32>,
      %swap3A_121 = vector.shape_cast %swap3A_120 : vector<1x16xf32> to vector<16xf32>
      %swap3A_122 = vector.shape_cast %broadcast_in_dim3A_117 : vector<16xf32> to vector<1x16xf32>
      tpu.vector_store %arg15[%swap3A_118, %swap3A_119], %swap3A_122 {strides = array<i32>} : memref<96x128xf32, #tpu.memory_space<vmem>>, vector<1x16xf32>,
      %broadcast_in_dim3A_123 = arith.constant 0.000000e+00 : f32
      %broadcast_in_dim3A_124 = vector.broadcast %broadcast_in_dim3A_123 : f32 to vector<16xf32>
      %swap3A_125 = arith.index_cast %scan3A_95 : i32 to index
      %swap3A_126 = arith.constant 64 : index
      %swap3A_127 = tpu.vector_load %arg15[%swap3A_125, %swap3A_126] {strides = array<i32>} : memref<96x128xf32, #tpu.memory_space<vmem>>, vector<1x16xf32>,
      %swap3A_128 = vector.shape_cast %swap3A_127 : vector<1x16xf32> to vector<16xf32>
      %swap3A_129 = vector.shape_cast %broadcast_in_dim3A_124 : vector<16xf32> to vector<1x16xf32>
      tpu.vector_store %arg15[%swap3A_125, %swap3A_126], %swap3A_129 {strides = array<i32>} : memref<96x128xf32, #tpu.memory_space<vmem>>, vector<1x16xf32>,
      %broadcast_in_dim3A_130 = arith.constant 0.000000e+00 : f32
      %broadcast_in_dim3A_131 = vector.broadcast %broadcast_in_dim3A_130 : f32 to vector<16xf32>
      %swap3A_132 = arith.index_cast %scan3A_95 : i32 to index
      %swap3A_133 = arith.constant 80 : index
      %swap3A_134 = tpu.vector_load %arg15[%swap3A_132, %swap3A_133] {strides = array<i32>} : memref<96x128xf32, #tpu.memory_space<vmem>>, vector<1x16xf32>,
      %swap3A_135 = vector.shape_cast %swap3A_134 : vector<1x16xf32> to vector<16xf32>
      %swap3A_136 = vector.shape_cast %broadcast_in_dim3A_131 : vector<16xf32> to vector<1x16xf32>
      tpu.vector_store %arg15[%swap3A_132, %swap3A_133], %swap3A_136 {strides = array<i32>} : memref<96x128xf32, #tpu.memory_space<vmem>>, vector<1x16xf32>,
      %broadcast_in_dim3A_137 = arith.constant 0.000000e+00 : f32
      %broadcast_in_dim3A_138 = vector.broadcast %broadcast_in_dim3A_137 : f32 to vector<16xf32>
      %swap3A_139 = arith.index_cast %scan3A_95 : i32 to index
      %swap3A_140 = arith.constant 96 : index
      %swap3A_141 = tpu.vector_load %arg15[%swap3A_139, %swap3A_140] {strides = array<i32>} : memref<96x128xf32, #tpu.memory_space<vmem>>, vector<1x16xf32>,
      %swap3A_142 = vector.shape_cast %swap3A_141 : vector<1x16xf32> to vector<16xf32>
      %swap3A_143 = vector.shape_cast %broadcast_in_dim3A_138 : vector<16xf32> to vector<1x16xf32>
      tpu.vector_store %arg15[%swap3A_139, %swap3A_140], %swap3A_143 {strides = array<i32>} : memref<96x128xf32, #tpu.memory_space<vmem>>, vector<1x16xf32>,
      %broadcast_in_dim3A_144 = arith.constant 0.000000e+00 : f32
      %broadcast_in_dim3A_145 = vector.broadcast %broadcast_in_dim3A_144 : f32 to vector<16xf32>
      %swap3A_146 = arith.index_cast %scan3A_95 : i32 to index
      %swap3A_147 = arith.constant 112 : index
      %swap3A_148 = tpu.vector_load %arg15[%swap3A_146, %swap3A_147] {strides = array<i32>} : memref<96x128xf32, #tpu.memory_space<vmem>>, vector<1x16xf32>,
      %swap3A_149 = vector.shape_cast %swap3A_148 : vector<1x16xf32> to vector<16xf32>
      %swap3A_150 = vector.shape_cast %broadcast_in_dim3A_145 : vector<16xf32> to vector<1x16xf32>
      tpu.vector_store %arg15[%swap3A_146, %swap3A_147], %swap3A_150 {strides = array<i32>} : memref<96x128xf32, #tpu.memory_space<vmem>>, vector<1x16xf32>,
      %scan3A_151 = arith.constant 0 : i32
      scf.yield %scan3A_151 : i32
    }
    %scan3A_5 = arith.constant 96 : i32
    %mul3A = arith.constant 624 : i32
    %mul3A_6 = arith.muli %arg1, %mul3A : i32
    %add3A = arith.constant 0 : i32
    %add3A_7 = arith.addi %mul3A_6, %add3A : i32
    "tpu.region"() ({
      %run_scoped3A = tpu.sem_alloc : memref<!tpu.dma_semaphore, #tpu.memory_space<semaphore_mem>>
      %dma_start3A_95 = arith.constant 0 : i32
      %dma_start3A_96 = tpu.memref_slice %arg17[%add3A_7, %dma_start3A_95] : memref<10000x128xf32, #tpu.memory_space<vmem_shared>> -> memref<96x128xf32, #tpu.memory_space<vmem_shared>>
      %dma_start3A_97 = arith.constant 0 : i32
      %dma_start3A_98 = tpu.memref_slice %arg17[%add3A_7, %dma_start3A_97] : memref<10000x128xf32, #tpu.memory_space<vmem_shared>> -> memref<96x128xf32, #tpu.memory_space<vmem_shared>>
      tpu.enqueue_dma source(%arg15 : memref<96x128xf32, #tpu.memory_space<vmem>>) target(%dma_start3A_98 : memref<96x128xf32, #tpu.memory_space<vmem_shared>>) target_semaphore(%run_scoped3A : memref<!tpu.dma_semaphore, #tpu.memory_space<semaphore_mem>>)
      %dma_wait3A_99 = arith.constant 0 : i32
      %dma_wait3A_100 = tpu.memref_slice %arg17[%add3A_7, %dma_wait3A_99] : memref<10000x128xf32, #tpu.memory_space<vmem_shared>> -> memref<96x128xf32, #tpu.memory_space<vmem_shared>>
      %dma_wait3A_101 = arith.constant 0 : i32
      %dma_wait3A_102 = tpu.memref_slice %arg17[%add3A_7, %dma_wait3A_101] : memref<10000x128xf32, #tpu.memory_space<vmem_shared>> -> memref<96x128xf32, #tpu.memory_space<vmem_shared>>
      tpu.wait_dma2 semaphore(%run_scoped3A : memref<!tpu.dma_semaphore, #tpu.memory_space<semaphore_mem>>) src(%arg15 : memref<96x128xf32, #tpu.memory_space<vmem>>) dst(%dma_wait3A_102 : memref<96x128xf32, #tpu.memory_space<vmem_shared>>)
      tpu.yield
    }) : () -> ()
    %add3A_8 = arith.constant 96 : i32
    %add3A_9 = arith.addi %mul3A_6, %add3A_8 : i32
    "tpu.region"() ({
      %run_scoped3A = tpu.sem_alloc : memref<!tpu.dma_semaphore, #tpu.memory_space<semaphore_mem>>
      %dma_start3A_95 = arith.constant 0 : i32
      %dma_start3A_96 = tpu.memref_slice %arg17[%add3A_9, %dma_start3A_95] : memref<10000x128xf32, #tpu.memory_space<vmem_shared>> -> memref<96x128xf32, #tpu.memory_space<vmem_shared>>
      %dma_start3A_97 = arith.constant 0 : i32
      %dma_start3A_98 = tpu.memref_slice %arg17[%add3A_9, %dma_start3A_97] : memref<10000x128xf32, #tpu.memory_space<vmem_shared>> -> memref<96x128xf32, #tpu.memory_space<vmem_shared>>
      tpu.enqueue_dma source(%arg15 : memref<96x128xf32, #tpu.memory_space<vmem>>) target(%dma_start3A_98 : memref<96x128xf32, #tpu.memory_space<vmem_shared>>) target_semaphore(%run_scoped3A : memref<!tpu.dma_semaphore, #tpu.memory_space<semaphore_mem>>)
      %dma_wait3A_99 = arith.constant 0 : i32
      %dma_wait3A_100 = tpu.memref_slice %arg17[%add3A_9, %dma_wait3A_99] : memref<10000x128xf32, #tpu.memory_space<vmem_shared>> -> memref<96x128xf32, #tpu.memory_space<vmem_shared>>
      %dma_wait3A_101 = arith.constant 0 : i32
      %dma_wait3A_102 = tpu.memref_slice %arg17[%add3A_9, %dma_wait3A_101] : memref<10000x128xf32, #tpu.memory_space<vmem_shared>> -> memref<96x128xf32, #tpu.memory_space<vmem_shared>>
      tpu.wait_dma2 semaphore(%run_scoped3A : memref<!tpu.dma_semaphore, #tpu.memory_space<semaphore_mem>>) src(%arg15 : memref<96x128xf32, #tpu.memory_space<vmem>>) dst(%dma_wait3A_102 : memref<96x128xf32, #tpu.memory_space<vmem_shared>>)
      tpu.yield
    }) : () -> ()
    %add3A_10 = arith.constant 192 : i32
    %add3A_11 = arith.addi %mul3A_6, %add3A_10 : i32
    "tpu.region"() ({
      %run_scoped3A = tpu.sem_alloc : memref<!tpu.dma_semaphore, #tpu.memory_space<semaphore_mem>>
      %dma_start3A_95 = arith.constant 0 : i32
      %dma_start3A_96 = tpu.memref_slice %arg17[%add3A_11, %dma_start3A_95] : memref<10000x128xf32, #tpu.memory_space<vmem_shared>> -> memref<96x128xf32, #tpu.memory_space<vmem_shared>>
      %dma_start3A_97 = arith.constant 0 : i32
      %dma_start3A_98 = tpu.memref_slice %arg17[%add3A_11, %dma_start3A_97] : memref<10000x128xf32, #tpu.memory_space<vmem_shared>> -> memref<96x128xf32, #tpu.memory_space<vmem_shared>>
      tpu.enqueue_dma source(%arg15 : memref<96x128xf32, #tpu.memory_space<vmem>>) target(%dma_start3A_98 : memref<96x128xf32, #tpu.memory_space<vmem_shared>>) target_semaphore(%run_scoped3A : memref<!tpu.dma_semaphore, #tpu.memory_space<semaphore_mem>>)
      %dma_wait3A_99 = arith.constant 0 : i32
      %dma_wait3A_100 = tpu.memref_slice %arg17[%add3A_11, %dma_wait3A_99] : memref<10000x128xf32, #tpu.memory_space<vmem_shared>> -> memref<96x128xf32, #tpu.memory_space<vmem_shared>>
      %dma_wait3A_101 = arith.constant 0 : i32
      %dma_wait3A_102 = tpu.memref_slice %arg17[%add3A_11, %dma_wait3A_101] : memref<10000x128xf32, #tpu.memory_space<vmem_shared>> -> memref<96x128xf32, #tpu.memory_space<vmem_shared>>
      tpu.wait_dma2 semaphore(%run_scoped3A : memref<!tpu.dma_semaphore, #tpu.memory_space<semaphore_mem>>) src(%arg15 : memref<96x128xf32, #tpu.memory_space<vmem>>) dst(%dma_wait3A_102 : memref<96x128xf32, #tpu.memory_space<vmem_shared>>)
      tpu.yield
    }) : () -> ()
    %add3A_12 = arith.constant 288 : i32
    %add3A_13 = arith.addi %mul3A_6, %add3A_12 : i32
    "tpu.region"() ({
      %run_scoped3A = tpu.sem_alloc : memref<!tpu.dma_semaphore, #tpu.memory_space<semaphore_mem>>
      %dma_start3A_95 = arith.constant 0 : i32
      %dma_start3A_96 = tpu.memref_slice %arg17[%add3A_13, %dma_start3A_95] : memref<10000x128xf32, #tpu.memory_space<vmem_shared>> -> memref<96x128xf32, #tpu.memory_space<vmem_shared>>
      %dma_start3A_97 = arith.constant 0 : i32
      %dma_start3A_98 = tpu.memref_slice %arg17[%add3A_13, %dma_start3A_97] : memref<10000x128xf32, #tpu.memory_space<vmem_shared>> -> memref<96x128xf32, #tpu.memory_space<vmem_shared>>
      tpu.enqueue_dma source(%arg15 : memref<96x128xf32, #tpu.memory_space<vmem>>) target(%dma_start3A_98 : memref<96x128xf32, #tpu.memory_space<vmem_shared>>) target_semaphore(%run_scoped3A : memref<!tpu.dma_semaphore, #tpu.memory_space<semaphore_mem>>)
      %dma_wait3A_99 = arith.constant 0 : i32
      %dma_wait3A_100 = tpu.memref_slice %arg17[%add3A_13, %dma_wait3A_99] : memref<10000x128xf32, #tpu.memory_space<vmem_shared>> -> memref<96x128xf32, #tpu.memory_space<vmem_shared>>
      %dma_wait3A_101 = arith.constant 0 : i32
      %dma_wait3A_102 = tpu.memref_slice %arg17[%add3A_13, %dma_wait3A_101] : memref<10000x128xf32, #tpu.memory_space<vmem_shared>> -> memref<96x128xf32, #tpu.memory_space<vmem_shared>>
      tpu.wait_dma2 semaphore(%run_scoped3A : memref<!tpu.dma_semaphore, #tpu.memory_space<semaphore_mem>>) src(%arg15 : memref<96x128xf32, #tpu.memory_space<vmem>>) dst(%dma_wait3A_102 : memref<96x128xf32, #tpu.memory_space<vmem_shared>>)
      tpu.yield
    }) : () -> ()
    %add3A_14 = arith.constant 384 : i32
    %add3A_15 = arith.addi %mul3A_6, %add3A_14 : i32
    "tpu.region"() ({
      %run_scoped3A = tpu.sem_alloc : memref<!tpu.dma_semaphore, #tpu.memory_space<semaphore_mem>>
      %dma_start3A_95 = arith.constant 0 : i32
      %dma_start3A_96 = tpu.memref_slice %arg17[%add3A_15, %dma_start3A_95] : memref<10000x128xf32, #tpu.memory_space<vmem_shared>> -> memref<96x128xf32, #tpu.memory_space<vmem_shared>>
      %dma_start3A_97 = arith.constant 0 : i32
      %dma_start3A_98 = tpu.memref_slice %arg17[%add3A_15, %dma_start3A_97] : memref<10000x128xf32, #tpu.memory_space<vmem_shared>> -> memref<96x128xf32, #tpu.memory_space<vmem_shared>>
      tpu.enqueue_dma source(%arg15 : memref<96x128xf32, #tpu.memory_space<vmem>>) target(%dma_start3A_98 : memref<96x128xf32, #tpu.memory_space<vmem_shared>>) target_semaphore(%run_scoped3A : memref<!tpu.dma_semaphore, #tpu.memory_space<semaphore_mem>>)
      %dma_wait3A_99 = arith.constant 0 : i32
      %dma_wait3A_100 = tpu.memref_slice %arg17[%add3A_15, %dma_wait3A_99] : memref<10000x128xf32, #tpu.memory_space<vmem_shared>> -> memref<96x128xf32, #tpu.memory_space<vmem_shared>>
      %dma_wait3A_101 = arith.constant 0 : i32
      %dma_wait3A_102 = tpu.memref_slice %arg17[%add3A_15, %dma_wait3A_101] : memref<10000x128xf32, #tpu.memory_space<vmem_shared>> -> memref<96x128xf32, #tpu.memory_space<vmem_shared>>
      tpu.wait_dma2 semaphore(%run_scoped3A : memref<!tpu.dma_semaphore, #tpu.memory_space<semaphore_mem>>) src(%arg15 : memref<96x128xf32, #tpu.memory_space<vmem>>) dst(%dma_wait3A_102 : memref<96x128xf32, #tpu.memory_space<vmem_shared>>)
      tpu.yield
    }) : () -> ()
    %add3A_16 = arith.constant 480 : i32
    %add3A_17 = arith.addi %mul3A_6, %add3A_16 : i32
    "tpu.region"() ({
      %run_scoped3A = tpu.sem_alloc : memref<!tpu.dma_semaphore, #tpu.memory_space<semaphore_mem>>
      %dma_start3A_95 = arith.constant 0 : i32
      %dma_start3A_96 = tpu.memref_slice %arg17[%add3A_17, %dma_start3A_95] : memref<10000x128xf32, #tpu.memory_space<vmem_shared>> -> memref<96x128xf32, #tpu.memory_space<vmem_shared>>
      %dma_start3A_97 = arith.constant 0 : i32
      %dma_start3A_98 = tpu.memref_slice %arg17[%add3A_17, %dma_start3A_97] : memref<10000x128xf32, #tpu.memory_space<vmem_shared>> -> memref<96x128xf32, #tpu.memory_space<vmem_shared>>
      tpu.enqueue_dma source(%arg15 : memref<96x128xf32, #tpu.memory_space<vmem>>) target(%dma_start3A_98 : memref<96x128xf32, #tpu.memory_space<vmem_shared>>) target_semaphore(%run_scoped3A : memref<!tpu.dma_semaphore, #tpu.memory_space<semaphore_mem>>)
      %dma_wait3A_99 = arith.constant 0 : i32
      %dma_wait3A_100 = tpu.memref_slice %arg17[%add3A_17, %dma_wait3A_99] : memref<10000x128xf32, #tpu.memory_space<vmem_shared>> -> memref<96x128xf32, #tpu.memory_space<vmem_shared>>
      %dma_wait3A_101 = arith.constant 0 : i32
      %dma_wait3A_102 = tpu.memref_slice %arg17[%add3A_17, %dma_wait3A_101] : memref<10000x128xf32, #tpu.memory_space<vmem_shared>> -> memref<96x128xf32, #tpu.memory_space<vmem_shared>>
      tpu.wait_dma2 semaphore(%run_scoped3A : memref<!tpu.dma_semaphore, #tpu.memory_space<semaphore_mem>>) src(%arg15 : memref<96x128xf32, #tpu.memory_space<vmem>>) dst(%dma_wait3A_102 : memref<96x128xf32, #tpu.memory_space<vmem_shared>>)
      tpu.yield
    }) : () -> ()
    %add3A_18 = arith.constant 576 : i32
    %add3A_19 = arith.addi %mul3A_6, %add3A_18 : i32
    "tpu.region"() ({
      %run_scoped3A = tpu.sem_alloc : memref<!tpu.dma_semaphore, #tpu.memory_space<semaphore_mem>>
      %dma_start3A_95 = arith.constant 0 : i32
      %dma_start3A_96 = arith.constant 0 : i32
      %dma_start3A_97 = tpu.memref_slice %arg15[%dma_start3A_95, %dma_start3A_96] : memref<96x128xf32, #tpu.memory_space<vmem>> -> memref<48x128xf32, #tpu.memory_space<vmem>>
      %dma_start3A_98 = arith.constant 0 : i32
      %dma_start3A_99 = tpu.memref_slice %arg17[%add3A_19, %dma_start3A_98] : memref<10000x128xf32, #tpu.memory_space<vmem_shared>> -> memref<48x128xf32, #tpu.memory_space<vmem_shared>>
      %dma_start3A_100 = arith.constant 0 : i32
      %dma_start3A_101 = tpu.memref_slice %arg17[%add3A_19, %dma_start3A_100] : memref<10000x128xf32, #tpu.memory_space<vmem_shared>> -> memref<48x128xf32, #tpu.memory_space<vmem_shared>>
      %dma_start3A_102 = arith.constant 0 : i32
      %dma_start3A_103 = arith.constant 0 : i32
      %dma_start3A_104 = tpu.memref_slice %arg15[%dma_start3A_102, %dma_start3A_103] : memref<96x128xf32, #tpu.memory_space<vmem>> -> memref<48x128xf32, #tpu.memory_space<vmem>>
      tpu.enqueue_dma source(%dma_start3A_104 : memref<48x128xf32, #tpu.memory_space<vmem>>) target(%dma_start3A_101 : memref<48x128xf32, #tpu.memory_space<vmem_shared>>) target_semaphore(%run_scoped3A : memref<!tpu.dma_semaphore, #tpu.memory_space<semaphore_mem>>)
      %dma_wait3A_105 = arith.constant 0 : i32
      %dma_wait3A_106 = arith.constant 0 : i32
      %dma_wait3A_107 = tpu.memref_slice %arg15[%dma_wait3A_105, %dma_wait3A_106] : memref<96x128xf32, #tpu.memory_space<vmem>> -> memref<48x128xf32, #tpu.memory_space<vmem>>
      %dma_wait3A_108 = arith.constant 0 : i32
      %dma_wait3A_109 = tpu.memref_slice %arg17[%add3A_19, %dma_wait3A_108] : memref<10000x128xf32, #tpu.memory_space<vmem_shared>> -> memref<48x128xf32, #tpu.memory_space<vmem_shared>>
      %dma_wait3A_110 = arith.constant 0 : i32
      %dma_wait3A_111 = tpu.memref_slice %arg17[%add3A_19, %dma_wait3A_110] : memref<10000x128xf32, #tpu.memory_space<vmem_shared>> -> memref<48x128xf32, #tpu.memory_space<vmem_shared>>
      %dma_wait3A_112 = arith.constant 0 : i32
      %dma_wait3A_113 = arith.constant 0 : i32
      %dma_wait3A_114 = tpu.memref_slice %arg15[%dma_wait3A_112, %dma_wait3A_113] : memref<96x128xf32, #tpu.memory_space<vmem>> -> memref<48x128xf32, #tpu.memory_space<vmem>>
      tpu.wait_dma2 semaphore(%run_scoped3A : memref<!tpu.dma_semaphore, #tpu.memory_space<semaphore_mem>>) src(%dma_wait3A_114 : memref<48x128xf32, #tpu.memory_space<vmem>>) dst(%dma_wait3A_111 : memref<48x128xf32, #tpu.memory_space<vmem_shared>>)
      tpu.yield
    }) : () -> ()
    %eq3A = arith.constant 15 : i32
    %eq3A_20 = arith.cmpi eq, %arg1, %eq3A : i32
    %convert_element_type3A = arith.extui %eq3A_20 : i1 to i32
    %cond3A = arith.constant 0 : i32
    %cond3A_21 = arith.cmpi ne, %convert_element_type3A, %cond3A : i32
    scf.if %cond3A_21 {
      "tpu.region"() ({
        %run_scoped3A = tpu.sem_alloc : memref<!tpu.dma_semaphore, #tpu.memory_space<semaphore_mem>>
        %dma_start3A_95 = arith.constant 0 : i32
        %dma_start3A_96 = arith.constant 0 : i32
        %dma_start3A_97 = tpu.memref_slice %arg15[%dma_start3A_95, %dma_start3A_96] : memref<96x128xf32, #tpu.memory_space<vmem>> -> memref<16x128xf32, #tpu.memory_space<vmem>>
        %dma_start3A_98 = arith.constant 9984 : i32
        %dma_start3A_99 = arith.constant 0 : i32
        %dma_start3A_100 = tpu.memref_slice %arg17[%dma_start3A_98, %dma_start3A_99] : memref<10000x128xf32, #tpu.memory_space<vmem_shared>> -> memref<16x128xf32, #tpu.memory_space<vmem_shared>>
        %dma_start3A_101 = arith.constant 9984 : i32
        %dma_start3A_102 = arith.constant 0 : i32
        %dma_start3A_103 = tpu.memref_slice %arg17[%dma_start3A_101, %dma_start3A_102] : memref<10000x128xf32, #tpu.memory_space<vmem_shared>> -> memref<16x128xf32, #tpu.memory_space<vmem_shared>>
        %dma_start3A_104 = arith.constant 0 : i32
        %dma_start3A_105 = arith.constant 0 : i32
        %dma_start3A_106 = tpu.memref_slice %arg15[%dma_start3A_104, %dma_start3A_105] : memref<96x128xf32, #tpu.memory_space<vmem>> -> memref<16x128xf32, #tpu.memory_space<vmem>>
        tpu.enqueue_dma source(%dma_start3A_106 : memref<16x128xf32, #tpu.memory_space<vmem>>) target(%dma_start3A_103 : memref<16x128xf32, #tpu.memory_space<vmem_shared>>) target_semaphore(%run_scoped3A : memref<!tpu.dma_semaphore, #tpu.memory_space<semaphore_mem>>)
        %dma_wait3A_107 = arith.constant 0 : i32
        %dma_wait3A_108 = arith.constant 0 : i32
        %dma_wait3A_109 = tpu.memref_slice %arg15[%dma_wait3A_107, %dma_wait3A_108] : memref<96x128xf32, #tpu.memory_space<vmem>> -> memref<16x128xf32, #tpu.memory_space<vmem>>
        %dma_wait3A_110 = arith.constant 9984 : i32
        %dma_wait3A_111 = arith.constant 0 : i32
        %dma_wait3A_112 = tpu.memref_slice %arg17[%dma_wait3A_110, %dma_wait3A_111] : memref<10000x128xf32, #tpu.memory_space<vmem_shared>> -> memref<16x128xf32, #tpu.memory_space<vmem_shared>>
        %dma_wait3A_113 = arith.constant 9984 : i32
        %dma_wait3A_114 = arith.constant 0 : i32
        %dma_wait3A_115 = tpu.memref_slice %arg17[%dma_wait3A_113, %dma_wait3A_114] : memref<10000x128xf32, #tpu.memory_space<vmem_shared>> -> memref<16x128xf32, #tpu.memory_space<vmem_shared>>
        %dma_wait3A_116 = arith.constant 0 : i32
        %dma_wait3A_117 = arith.constant 0 : i32
        %dma_wait3A_118 = tpu.memref_slice %arg15[%dma_wait3A_116, %dma_wait3A_117] : memref<96x128xf32, #tpu.memory_space<vmem>> -> memref<16x128xf32, #tpu.memory_space<vmem>>
        tpu.wait_dma2 semaphore(%run_scoped3A : memref<!tpu.dma_semaphore, #tpu.memory_space<semaphore_mem>>) src(%dma_wait3A_118 : memref<16x128xf32, #tpu.memory_space<vmem>>) dst(%dma_wait3A_115 : memref<16x128xf32, #tpu.memory_space<vmem_shared>>)
        tpu.yield
      }) : () -> ()
    } else {
    }
    %barrier3A = arith.constant 0 : index
    tpu.barrier barrier_id(%barrier3A)
    %mul3A_22 = arith.constant 128 : i32
    %mul3A_23 = arith.muli %arg0, %mul3A_22 : i32
    %multiple_of3A = tpu.assume_multiple %mul3A_23, 128 : i32
    %mul3A_24 = arith.constant 108 : i32
    %mul3A_25 = arith.muli %arg1, %mul3A_24 : i32
    %add3A_26 = arith.constant 0 : i32
    %add3A_27 = arith.addi %mul3A_25, %add3A_26 : i32
    %mul3A_28 = arith.constant 96 : i32
    %mul3A_29 = arith.muli %add3A_27, %mul3A_28 : i32
    %multiple_of3A_30 = tpu.assume_multiple %mul3A_29, 96 : i32
    %dma_start3A = tpu.memref_slice %arg4[%multiple_of3A_30] : memref<165888xi32, #tpu.memory_space<hbm>> -> memref<96xi32, #tpu.memory_space<hbm>>
    %dma_start3A_31 = tpu.memref_slice %arg4[%multiple_of3A_30] : memref<165888xi32, #tpu.memory_space<hbm>> -> memref<96xi32, #tpu.memory_space<hbm>>
    tpu.enqueue_dma source(%dma_start3A_31 : memref<96xi32, #tpu.memory_space<hbm>>) target(%arg7 : memref<96xi32, #tpu.memory_space<vmem>>) target_semaphore(%arg20 : memref<!tpu.dma_semaphore, #tpu.memory_space<semaphore_mem>>)
    %dma_start3A_32 = tpu.memref_slice %arg5[%multiple_of3A_30] : memref<165888xi32, #tpu.memory_space<hbm>> -> memref<96xi32, #tpu.memory_space<hbm>>
    %dma_start3A_33 = tpu.memref_slice %arg5[%multiple_of3A_30] : memref<165888xi32, #tpu.memory_space<hbm>> -> memref<96xi32, #tpu.memory_space<hbm>>
    tpu.enqueue_dma source(%dma_start3A_33 : memref<96xi32, #tpu.memory_space<hbm>>) target(%arg10 : memref<96xi32, #tpu.memory_space<vmem>>) target_semaphore(%arg20 : memref<!tpu.dma_semaphore, #tpu.memory_space<semaphore_mem>>)
    %add3A_34 = arith.constant 1 : i32
    %add3A_35 = arith.addi %mul3A_25, %add3A_34 : i32
    %mul3A_36 = arith.constant 96 : i32
    %mul3A_37 = arith.muli %add3A_35, %mul3A_36 : i32
    %multiple_of3A_38 = tpu.assume_multiple %mul3A_37, 96 : i32
    %dma_start3A_39 = tpu.memref_slice %arg4[%multiple_of3A_38] : memref<165888xi32, #tpu.memory_space<hbm>> -> memref<96xi32, #tpu.memory_space<hbm>>
    %dma_start3A_40 = tpu.memref_slice %arg4[%multiple_of3A_38] : memref<165888xi32, #tpu.memory_space<hbm>> -> memref<96xi32, #tpu.memory_space<hbm>>
    tpu.enqueue_dma source(%dma_start3A_40 : memref<96xi32, #tpu.memory_space<hbm>>) target(%arg8 : memref<96xi32, #tpu.memory_space<vmem>>) target_semaphore(%arg21 : memref<!tpu.dma_semaphore, #tpu.memory_space<semaphore_mem>>)
    %dma_start3A_41 = tpu.memref_slice %arg5[%multiple_of3A_38] : memref<165888xi32, #tpu.memory_space<hbm>> -> memref<96xi32, #tpu.memory_space<hbm>>
    %dma_start3A_42 = tpu.memref_slice %arg5[%multiple_of3A_38] : memref<165888xi32, #tpu.memory_space<hbm>> -> memref<96xi32, #tpu.memory_space<hbm>>
    tpu.enqueue_dma source(%dma_start3A_42 : memref<96xi32, #tpu.memory_space<hbm>>) target(%arg11 : memref<96xi32, #tpu.memory_space<vmem>>) target_semaphore(%arg21 : memref<!tpu.dma_semaphore, #tpu.memory_space<semaphore_mem>>)
    %add3A_43 = arith.constant 2 : i32
    %add3A_44 = arith.addi %mul3A_25, %add3A_43 : i32
    %mul3A_45 = arith.constant 96 : i32
    %mul3A_46 = arith.muli %add3A_44, %mul3A_45 : i32
    %multiple_of3A_47 = tpu.assume_multiple %mul3A_46, 96 : i32
    %dma_start3A_48 = tpu.memref_slice %arg4[%multiple_of3A_47] : memref<165888xi32, #tpu.memory_space<hbm>> -> memref<96xi32, #tpu.memory_space<hbm>>
    %dma_start3A_49 = tpu.memref_slice %arg4[%multiple_of3A_47] : memref<165888xi32, #tpu.memory_space<hbm>> -> memref<96xi32, #tpu.memory_space<hbm>>
    tpu.enqueue_dma source(%dma_start3A_49 : memref<96xi32, #tpu.memory_space<hbm>>) target(%arg9 : memref<96xi32, #tpu.memory_space<vmem>>) target_semaphore(%arg22 : memref<!tpu.dma_semaphore, #tpu.memory_space<semaphore_mem>>)
    %dma_start3A_50 = tpu.memref_slice %arg5[%multiple_of3A_47] : memref<165888xi32, #tpu.memory_space<hbm>> -> memref<96xi32, #tpu.memory_space<hbm>>
    %dma_start3A_51 = tpu.memref_slice %arg5[%multiple_of3A_47] : memref<165888xi32, #tpu.memory_space<hbm>> -> memref<96xi32, #tpu.memory_space<hbm>>
    tpu.enqueue_dma source(%dma_start3A_51 : memref<96xi32, #tpu.memory_space<hbm>>) target(%arg12 : memref<96xi32, #tpu.memory_space<vmem>>) target_semaphore(%arg22 : memref<!tpu.dma_semaphore, #tpu.memory_space<semaphore_mem>>)
    %add3A_52 = arith.constant 0 : i32
    %add3A_53 = arith.addi %mul3A_25, %add3A_52 : i32
    %mul3A_54 = arith.constant 96 : i32
    %mul3A_55 = arith.muli %add3A_53, %mul3A_54 : i32
    %multiple_of3A_56 = tpu.assume_multiple %mul3A_55, 96 : i32
    %dma_wait3A = tpu.memref_slice %arg4[%multiple_of3A_56] : memref<165888xi32, #tpu.memory_space<hbm>> -> memref<96xi32, #tpu.memory_space<hbm>>
    %dma_wait3A_57 = tpu.memref_slice %arg4[%multiple_of3A_56] : memref<165888xi32, #tpu.memory_space<hbm>> -> memref<96xi32, #tpu.memory_space<hbm>>
    tpu.wait_dma2 semaphore(%arg20 : memref<!tpu.dma_semaphore, #tpu.memory_space<semaphore_mem>>) src(%dma_wait3A_57 : memref<96xi32, #tpu.memory_space<hbm>>) dst(%arg7 : memref<96xi32, #tpu.memory_space<vmem>>)
    %dma_wait3A_58 = tpu.memref_slice %arg5[%multiple_of3A_56] : memref<165888xi32, #tpu.memory_space<hbm>> -> memref<96xi32, #tpu.memory_space<hbm>>
    %dma_wait3A_59 = tpu.memref_slice %arg5[%multiple_of3A_56] : memref<165888xi32, #tpu.memory_space<hbm>> -> memref<96xi32, #tpu.memory_space<hbm>>
    tpu.wait_dma2 semaphore(%arg20 : memref<!tpu.dma_semaphore, #tpu.memory_space<semaphore_mem>>) src(%dma_wait3A_59 : memref<96xi32, #tpu.memory_space<hbm>>) dst(%arg10 : memref<96xi32, #tpu.memory_space<vmem>>)
    %dma_start3A_60 = arith.constant 0 : i32
    %dma_start3A_61 = arith.constant 0 : i32
    %dma_start3A_62 = tpu.memref_slice %arg2[%dma_start3A_60, %dma_start3A_61] : memref<10000x128xf32, #tpu.memory_space<hbm>> -> memref<10000x128xf32, #tpu.memory_space<hbm>>
    tpu.enqueue_indirect_dma source(%dma_start3A_62 : memref<10000x128xf32, #tpu.memory_space<hbm>>) target(%arg13 : memref<96x128xf32, #tpu.memory_space<vmem>>) offsets(%arg7 : memref<96xi32, #tpu.memory_space<vmem>>) semaphore(%arg18 : memref<!tpu.dma_semaphore, #tpu.memory_space<semaphore_mem>>)
    %add3A_63 = arith.constant 1 : i32
    %add3A_64 = arith.addi %mul3A_25, %add3A_63 : i32
    %mul3A_65 = arith.constant 96 : i32
    %mul3A_66 = arith.muli %add3A_64, %mul3A_65 : i32
    %multiple_of3A_67 = tpu.assume_multiple %mul3A_66, 96 : i32
    %dma_wait3A_68 = tpu.memref_slice %arg4[%multiple_of3A_67] : memref<165888xi32, #tpu.memory_space<hbm>> -> memref<96xi32, #tpu.memory_space<hbm>>
    %dma_wait3A_69 = tpu.memref_slice %arg4[%multiple_of3A_67] : memref<165888xi32, #tpu.memory_space<hbm>> -> memref<96xi32, #tpu.memory_space<hbm>>
    tpu.wait_dma2 semaphore(%arg21 : memref<!tpu.dma_semaphore, #tpu.memory_space<semaphore_mem>>) src(%dma_wait3A_69 : memref<96xi32, #tpu.memory_space<hbm>>) dst(%arg8 : memref<96xi32, #tpu.memory_space<vmem>>)
    %dma_wait3A_70 = tpu.memref_slice %arg5[%multiple_of3A_67] : memref<165888xi32, #tpu.memory_space<hbm>> -> memref<96xi32, #tpu.memory_space<hbm>>
    %dma_wait3A_71 = tpu.memref_slice %arg5[%multiple_of3A_67] : memref<165888xi32, #tpu.memory_space<hbm>> -> memref<96xi32, #tpu.memory_space<hbm>>
    tpu.wait_dma2 semaphore(%arg21 : memref<!tpu.dma_semaphore, #tpu.memory_space<semaphore_mem>>) src(%dma_wait3A_71 : memref<96xi32, #tpu.memory_space<hbm>>) dst(%arg11 : memref<96xi32, #tpu.memory_space<vmem>>)
    %dma_start3A_72 = arith.constant 0 : i32
    %dma_start3A_73 = arith.constant 0 : i32
    %dma_start3A_74 = tpu.memref_slice %arg2[%dma_start3A_72, %dma_start3A_73] : memref<10000x128xf32, #tpu.memory_space<hbm>> -> memref<10000x128xf32, #tpu.memory_space<hbm>>
    tpu.enqueue_indirect_dma source(%dma_start3A_74 : memref<10000x128xf32, #tpu.memory_space<hbm>>) target(%arg14 : memref<96x128xf32, #tpu.memory_space<vmem>>) offsets(%arg8 : memref<96xi32, #tpu.memory_space<vmem>>) semaphore(%arg19 : memref<!tpu.dma_semaphore, #tpu.memory_space<semaphore_mem>>)
    %add3A_75 = arith.constant 2 : i32
    %add3A_76 = arith.addi %mul3A_25, %add3A_75 : i32
    %mul3A_77 = arith.constant 96 : i32
    %mul3A_78 = arith.muli %add3A_76, %mul3A_77 : i32
    %multiple_of3A_79 = tpu.assume_multiple %mul3A_78, 96 : i32
    %dma_wait3A_80 = tpu.memref_slice %arg4[%multiple_of3A_79] : memref<165888xi32, #tpu.memory_space<hbm>> -> memref<96xi32, #tpu.memory_space<hbm>>
    %dma_wait3A_81 = tpu.memref_slice %arg4[%multiple_of3A_79] : memref<165888xi32, #tpu.memory_space<hbm>> -> memref<96xi32, #tpu.memory_space<hbm>>
    tpu.wait_dma2 semaphore(%arg22 : memref<!tpu.dma_semaphore, #tpu.memory_space<semaphore_mem>>) src(%dma_wait3A_81 : memref<96xi32, #tpu.memory_space<hbm>>) dst(%arg9 : memref<96xi32, #tpu.memory_space<vmem>>)
    %dma_wait3A_82 = tpu.memref_slice %arg5[%multiple_of3A_79] : memref<165888xi32, #tpu.memory_space<hbm>> -> memref<96xi32, #tpu.memory_space<hbm>>
    %dma_wait3A_83 = tpu.memref_slice %arg5[%multiple_of3A_79] : memref<165888xi32, #tpu.memory_space<hbm>> -> memref<96xi32, #tpu.memory_space<hbm>>
    tpu.wait_dma2 semaphore(%arg22 : memref<!tpu.dma_semaphore, #tpu.memory_space<semaphore_mem>>) src(%dma_wait3A_83 : memref<96xi32, #tpu.memory_space<hbm>>) dst(%arg12 : memref<96xi32, #tpu.memory_space<vmem>>)
    %dma_start3A_84 = arith.constant 0 : i32
    %dma_start3A_85 = arith.constant 0 : i32
    %dma_start3A_86 = tpu.memref_slice %arg2[%dma_start3A_84, %dma_start3A_85] : memref<10000x128xf32, #tpu.memory_space<hbm>> -> memref<10000x128xf32, #tpu.memory_space<hbm>>
    tpu.enqueue_indirect_dma source(%dma_start3A_86 : memref<10000x128xf32, #tpu.memory_space<hbm>>) target(%arg15 : memref<96x128xf32, #tpu.memory_space<vmem>>) offsets(%arg9 : memref<96xi32, #tpu.memory_space<vmem>>) semaphore(%arg23 : memref<!tpu.dma_semaphore, #tpu.memory_space<semaphore_mem>>)
    %scan3A_87 = arith.constant 0 : i32
    %scan3A_88 = arith.constant 0 : i32
    %scan3A_89 = arith.constant 36 : i32
    %scan3A_90 = arith.addi %scan3A_88, %scan3A_89 : i32
    %scan3A_91 = arith.constant 1 : i32
    %scan3A_92 = scf.for %scan3A_95 = %scan3A_88 to %scan3A_90 step %scan3A_91 iter_args(%scan3A_96 = %scan3A_87) -> (i32)  : i32 {
      %mul3A_97 = arith.constant 3 : i32
      %mul3A_98 = arith.muli %scan3A_95, %mul3A_97 : i32
      %add3A_99 = arith.constant 0 : i32
      %add3A_100 = arith.addi %mul3A_98, %add3A_99 : i32
      %dma_wait3A_101 = arith.constant 0 : i32
      %dma_wait3A_102 = arith.constant 0 : i32
      %dma_wait3A_103 = tpu.memref_slice %arg2[%dma_wait3A_101, %dma_wait3A_102] : memref<10000x128xf32, #tpu.memory_space<hbm>> -> memref<10000x128xf32, #tpu.memory_space<hbm>>
      tpu.wait_indirect_dma semaphore(%arg18 : memref<!tpu.dma_semaphore, #tpu.memory_space<semaphore_mem>>) src(%dma_wait3A_103 : memref<10000x128xf32, #tpu.memory_space<hbm>>) dst(%arg13 : memref<96x128xf32, #tpu.memory_space<vmem>>)
      %add3A_104 = arith.constant 3 : i32
      %add3A_105 = arith.addi %add3A_100, %add3A_104 : i32
      %lt3A = arith.constant 108 : i32
      %lt3A_106 = arith.cmpi slt, %add3A_105, %lt3A : i32
      %convert_element_type3A_107 = arith.extui %lt3A_106 : i1 to i32
      %cond3A_108 = arith.constant 0 : i32
      %cond3A_109 = arith.cmpi ne, %convert_element_type3A_107, %cond3A_108 : i32
      scf.if %cond3A_109 {
        %add3A_135 = arith.constant 3 : i32
        %add3A_136 = arith.addi %add3A_100, %add3A_135 : i32
        %add3A_137 = arith.addi %mul3A_25, %add3A_136 : i32
        %mul3A_138 = arith.constant 96 : i32
        %mul3A_139 = arith.muli %add3A_137, %mul3A_138 : i32
        %multiple_of3A_140 = tpu.assume_multiple %mul3A_139, 96 : i32
        %dma_start3A_141 = tpu.memref_slice %arg4[%multiple_of3A_140] : memref<165888xi32, #tpu.memory_space<hbm>> -> memref<96xi32, #tpu.memory_space<hbm>>
        %dma_start3A_142 = tpu.memref_slice %arg4[%multiple_of3A_140] : memref<165888xi32, #tpu.memory_space<hbm>> -> memref<96xi32, #tpu.memory_space<hbm>>
        tpu.enqueue_dma source(%dma_start3A_142 : memref<96xi32, #tpu.memory_space<hbm>>) target(%arg7 : memref<96xi32, #tpu.memory_space<vmem>>) target_semaphore(%arg20 : memref<!tpu.dma_semaphore, #tpu.memory_space<semaphore_mem>>)
        %dma_start3A_143 = tpu.memref_slice %arg5[%multiple_of3A_140] : memref<165888xi32, #tpu.memory_space<hbm>> -> memref<96xi32, #tpu.memory_space<hbm>>
        %dma_start3A_144 = tpu.memref_slice %arg5[%multiple_of3A_140] : memref<165888xi32, #tpu.memory_space<hbm>> -> memref<96xi32, #tpu.memory_space<hbm>>
        tpu.enqueue_dma source(%dma_start3A_144 : memref<96xi32, #tpu.memory_space<hbm>>) target(%arg10 : memref<96xi32, #tpu.memory_space<vmem>>) target_semaphore(%arg20 : memref<!tpu.dma_semaphore, #tpu.memory_space<semaphore_mem>>)
        %add3A_145 = arith.constant 3 : i32
        %add3A_146 = arith.addi %add3A_100, %add3A_145 : i32
        %add3A_147 = arith.addi %mul3A_25, %add3A_146 : i32
        %mul3A_148 = arith.constant 96 : i32
        %mul3A_149 = arith.muli %add3A_147, %mul3A_148 : i32
        %multiple_of3A_150 = tpu.assume_multiple %mul3A_149, 96 : i32
        %dma_wait3A_151 = tpu.memref_slice %arg4[%multiple_of3A_150] : memref<165888xi32, #tpu.memory_space<hbm>> -> memref<96xi32, #tpu.memory_space<hbm>>
        %dma_wait3A_152 = tpu.memref_slice %arg4[%multiple_of3A_150] : memref<165888xi32, #tpu.memory_space<hbm>> -> memref<96xi32, #tpu.memory_space<hbm>>
        tpu.wait_dma2 semaphore(%arg20 : memref<!tpu.dma_semaphore, #tpu.memory_space<semaphore_mem>>) src(%dma_wait3A_152 : memref<96xi32, #tpu.memory_space<hbm>>) dst(%arg7 : memref<96xi32, #tpu.memory_space<vmem>>)
        %dma_wait3A_153 = tpu.memref_slice %arg5[%multiple_of3A_150] : memref<165888xi32, #tpu.memory_space<hbm>> -> memref<96xi32, #tpu.memory_space<hbm>>
        %dma_wait3A_154 = tpu.memref_slice %arg5[%multiple_of3A_150] : memref<165888xi32, #tpu.memory_space<hbm>> -> memref<96xi32, #tpu.memory_space<hbm>>
        tpu.wait_dma2 semaphore(%arg20 : memref<!tpu.dma_semaphore, #tpu.memory_space<semaphore_mem>>) src(%dma_wait3A_154 : memref<96xi32, #tpu.memory_space<hbm>>) dst(%arg10 : memref<96xi32, #tpu.memory_space<vmem>>)
        %add3A_155 = arith.constant 3 : i32
        %add3A_156 = arith.addi %add3A_100, %add3A_155 : i32
        %dma_start3A_157 = arith.constant 0 : i32
        %dma_start3A_158 = arith.constant 0 : i32
        %dma_start3A_159 = tpu.memref_slice %arg2[%dma_start3A_157, %dma_start3A_158] : memref<10000x128xf32, #tpu.memory_space<hbm>> -> memref<10000x128xf32, #tpu.memory_space<hbm>>
        tpu.enqueue_indirect_dma source(%dma_start3A_159 : memref<10000x128xf32, #tpu.memory_space<hbm>>) target(%arg13 : memref<96x128xf32, #tpu.memory_space<vmem>>) offsets(%arg7 : memref<96xi32, #tpu.memory_space<vmem>>) semaphore(%arg18 : memref<!tpu.dma_semaphore, #tpu.memory_space<semaphore_mem>>)
      } else {
      }
      %add3A_110 = arith.constant 1 : i32
      %add3A_111 = arith.addi %mul3A_98, %add3A_110 : i32
      %dma_wait3A_112 = arith.constant 0 : i32
      %dma_wait3A_113 = arith.constant 0 : i32
      %dma_wait3A_114 = tpu.memref_slice %arg2[%dma_wait3A_112, %dma_wait3A_113] : memref<10000x128xf32, #tpu.memory_space<hbm>> -> memref<10000x128xf32, #tpu.memory_space<hbm>>
      tpu.wait_indirect_dma semaphore(%arg19 : memref<!tpu.dma_semaphore, #tpu.memory_space<semaphore_mem>>) src(%dma_wait3A_114 : memref<10000x128xf32, #tpu.memory_space<hbm>>) dst(%arg14 : memref<96x128xf32, #tpu.memory_space<vmem>>)
      %add3A_115 = arith.constant 3 : i32
      %add3A_116 = arith.addi %add3A_111, %add3A_115 : i32
      %lt3A_117 = arith.constant 108 : i32
      %lt3A_118 = arith.cmpi slt, %add3A_116, %lt3A_117 : i32
      %convert_element_type3A_119 = arith.extui %lt3A_118 : i1 to i32
      %cond3A_120 = arith.constant 0 : i32
      %cond3A_121 = arith.cmpi ne, %convert_element_type3A_119, %cond3A_120 : i32
      scf.if %cond3A_121 {
        %add3A_135 = arith.constant 3 : i32
        %add3A_136 = arith.addi %add3A_111, %add3A_135 : i32
        %add3A_137 = arith.addi %mul3A_25, %add3A_136 : i32
        %mul3A_138 = arith.constant 96 : i32
        %mul3A_139 = arith.muli %add3A_137, %mul3A_138 : i32
        %multiple_of3A_140 = tpu.assume_multiple %mul3A_139, 96 : i32
        %dma_start3A_141 = tpu.memref_slice %arg4[%multiple_of3A_140] : memref<165888xi32, #tpu.memory_space<hbm>> -> memref<96xi32, #tpu.memory_space<hbm>>
        %dma_start3A_142 = tpu.memref_slice %arg4[%multiple_of3A_140] : memref<165888xi32, #tpu.memory_space<hbm>> -> memref<96xi32, #tpu.memory_space<hbm>>
        tpu.enqueue_dma source(%dma_start3A_142 : memref<96xi32, #tpu.memory_space<hbm>>) target(%arg8 : memref<96xi32, #tpu.memory_space<vmem>>) target_semaphore(%arg21 : memref<!tpu.dma_semaphore, #tpu.memory_space<semaphore_mem>>)
        %dma_start3A_143 = tpu.memref_slice %arg5[%multiple_of3A_140] : memref<165888xi32, #tpu.memory_space<hbm>> -> memref<96xi32, #tpu.memory_space<hbm>>
        %dma_start3A_144 = tpu.memref_slice %arg5[%multiple_of3A_140] : memref<165888xi32, #tpu.memory_space<hbm>> -> memref<96xi32, #tpu.memory_space<hbm>>
        tpu.enqueue_dma source(%dma_start3A_144 : memref<96xi32, #tpu.memory_space<hbm>>) target(%arg11 : memref<96xi32, #tpu.memory_space<vmem>>) target_semaphore(%arg21 : memref<!tpu.dma_semaphore, #tpu.memory_space<semaphore_mem>>)
        %add3A_145 = arith.constant 3 : i32
        %add3A_146 = arith.addi %add3A_111, %add3A_145 : i32
        %add3A_147 = arith.addi %mul3A_25, %add3A_146 : i32
        %mul3A_148 = arith.constant 96 : i32
        %mul3A_149 = arith.muli %add3A_147, %mul3A_148 : i32
        %multiple_of3A_150 = tpu.assume_multiple %mul3A_149, 96 : i32
        %dma_wait3A_151 = tpu.memref_slice %arg4[%multiple_of3A_150] : memref<165888xi32, #tpu.memory_space<hbm>> -> memref<96xi32, #tpu.memory_space<hbm>>
        %dma_wait3A_152 = tpu.memref_slice %arg4[%multiple_of3A_150] : memref<165888xi32, #tpu.memory_space<hbm>> -> memref<96xi32, #tpu.memory_space<hbm>>
        tpu.wait_dma2 semaphore(%arg21 : memref<!tpu.dma_semaphore, #tpu.memory_space<semaphore_mem>>) src(%dma_wait3A_152 : memref<96xi32, #tpu.memory_space<hbm>>) dst(%arg8 : memref<96xi32, #tpu.memory_space<vmem>>)
        %dma_wait3A_153 = tpu.memref_slice %arg5[%multiple_of3A_150] : memref<165888xi32, #tpu.memory_space<hbm>> -> memref<96xi32, #tpu.memory_space<hbm>>
        %dma_wait3A_154 = tpu.memref_slice %arg5[%multiple_of3A_150] : memref<165888xi32, #tpu.memory_space<hbm>> -> memref<96xi32, #tpu.memory_space<hbm>>
        tpu.wait_dma2 semaphore(%arg21 : memref<!tpu.dma_semaphore, #tpu.memory_space<semaphore_mem>>) src(%dma_wait3A_154 : memref<96xi32, #tpu.memory_space<hbm>>) dst(%arg11 : memref<96xi32, #tpu.memory_space<vmem>>)
        %add3A_155 = arith.constant 3 : i32
        %add3A_156 = arith.addi %add3A_111, %add3A_155 : i32
        %dma_start3A_157 = arith.constant 0 : i32
        %dma_start3A_158 = arith.constant 0 : i32
        %dma_start3A_159 = tpu.memref_slice %arg2[%dma_start3A_157, %dma_start3A_158] : memref<10000x128xf32, #tpu.memory_space<hbm>> -> memref<10000x128xf32, #tpu.memory_space<hbm>>
        tpu.enqueue_indirect_dma source(%dma_start3A_159 : memref<10000x128xf32, #tpu.memory_space<hbm>>) target(%arg14 : memref<96x128xf32, #tpu.memory_space<vmem>>) offsets(%arg8 : memref<96xi32, #tpu.memory_space<vmem>>) semaphore(%arg19 : memref<!tpu.dma_semaphore, #tpu.memory_space<semaphore_mem>>)
      } else {
      }
      %add3A_122 = arith.constant 2 : i32
      %add3A_123 = arith.addi %mul3A_98, %add3A_122 : i32
      %dma_wait3A_124 = arith.constant 0 : i32
      %dma_wait3A_125 = arith.constant 0 : i32
      %dma_wait3A_126 = tpu.memref_slice %arg2[%dma_wait3A_124, %dma_wait3A_125] : memref<10000x128xf32, #tpu.memory_space<hbm>> -> memref<10000x128xf32, #tpu.memory_space<hbm>>
      tpu.wait_indirect_dma semaphore(%arg23 : memref<!tpu.dma_semaphore, #tpu.memory_space<semaphore_mem>>) src(%dma_wait3A_126 : memref<10000x128xf32, #tpu.memory_space<hbm>>) dst(%arg15 : memref<96x128xf32, #tpu.memory_space<vmem>>)
      %add3A_127 = arith.constant 3 : i32
      %add3A_128 = arith.addi %add3A_123, %add3A_127 : i32
      %lt3A_129 = arith.constant 108 : i32
      %lt3A_130 = arith.cmpi slt, %add3A_128, %lt3A_129 : i32
      %convert_element_type3A_131 = arith.extui %lt3A_130 : i1 to i32
      %cond3A_132 = arith.constant 0 : i32
      %cond3A_133 = arith.cmpi ne, %convert_element_type3A_131, %cond3A_132 : i32
      scf.if %cond3A_133 {
        %add3A_135 = arith.constant 3 : i32
        %add3A_136 = arith.addi %add3A_123, %add3A_135 : i32
        %add3A_137 = arith.addi %mul3A_25, %add3A_136 : i32
        %mul3A_138 = arith.constant 96 : i32
        %mul3A_139 = arith.muli %add3A_137, %mul3A_138 : i32
        %multiple_of3A_140 = tpu.assume_multiple %mul3A_139, 96 : i32
        %dma_start3A_141 = tpu.memref_slice %arg4[%multiple_of3A_140] : memref<165888xi32, #tpu.memory_space<hbm>> -> memref<96xi32, #tpu.memory_space<hbm>>
        %dma_start3A_142 = tpu.memref_slice %arg4[%multiple_of3A_140] : memref<165888xi32, #tpu.memory_space<hbm>> -> memref<96xi32, #tpu.memory_space<hbm>>
        tpu.enqueue_dma source(%dma_start3A_142 : memref<96xi32, #tpu.memory_space<hbm>>) target(%arg9 : memref<96xi32, #tpu.memory_space<vmem>>) target_semaphore(%arg22 : memref<!tpu.dma_semaphore, #tpu.memory_space<semaphore_mem>>)
        %dma_start3A_143 = tpu.memref_slice %arg5[%multiple_of3A_140] : memref<165888xi32, #tpu.memory_space<hbm>> -> memref<96xi32, #tpu.memory_space<hbm>>
        %dma_start3A_144 = tpu.memref_slice %arg5[%multiple_of3A_140] : memref<165888xi32, #tpu.memory_space<hbm>> -> memref<96xi32, #tpu.memory_space<hbm>>
        tpu.enqueue_dma source(%dma_start3A_144 : memref<96xi32, #tpu.memory_space<hbm>>) target(%arg12 : memref<96xi32, #tpu.memory_space<vmem>>) target_semaphore(%arg22 : memref<!tpu.dma_semaphore, #tpu.memory_space<semaphore_mem>>)
        %add3A_145 = arith.constant 3 : i32
        %add3A_146 = arith.addi %add3A_123, %add3A_145 : i32
        %add3A_147 = arith.addi %mul3A_25, %add3A_146 : i32
        %mul3A_148 = arith.constant 96 : i32
        %mul3A_149 = arith.muli %add3A_147, %mul3A_148 : i32
        %multiple_of3A_150 = tpu.assume_multiple %mul3A_149, 96 : i32
        %dma_wait3A_151 = tpu.memref_slice %arg4[%multiple_of3A_150] : memref<165888xi32, #tpu.memory_space<hbm>> -> memref<96xi32, #tpu.memory_space<hbm>>
        %dma_wait3A_152 = tpu.memref_slice %arg4[%multiple_of3A_150] : memref<165888xi32, #tpu.memory_space<hbm>> -> memref<96xi32, #tpu.memory_space<hbm>>
        tpu.wait_dma2 semaphore(%arg22 : memref<!tpu.dma_semaphore, #tpu.memory_space<semaphore_mem>>) src(%dma_wait3A_152 : memref<96xi32, #tpu.memory_space<hbm>>) dst(%arg9 : memref<96xi32, #tpu.memory_space<vmem>>)
        %dma_wait3A_153 = tpu.memref_slice %arg5[%multiple_of3A_150] : memref<165888xi32, #tpu.memory_space<hbm>> -> memref<96xi32, #tpu.memory_space<hbm>>
        %dma_wait3A_154 = tpu.memref_slice %arg5[%multiple_of3A_150] : memref<165888xi32, #tpu.memory_space<hbm>> -> memref<96xi32, #tpu.memory_space<hbm>>
        tpu.wait_dma2 semaphore(%arg22 : memref<!tpu.dma_semaphore, #tpu.memory_space<semaphore_mem>>) src(%dma_wait3A_154 : memref<96xi32, #tpu.memory_space<hbm>>) dst(%arg12 : memref<96xi32, #tpu.memory_space<vmem>>)
        %add3A_155 = arith.constant 3 : i32
        %add3A_156 = arith.addi %add3A_123, %add3A_155 : i32
        %dma_start3A_157 = arith.constant 0 : i32
        %dma_start3A_158 = arith.constant 0 : i32
        %dma_start3A_159 = tpu.memref_slice %arg2[%dma_start3A_157, %dma_start3A_158] : memref<10000x128xf32, #tpu.memory_space<hbm>> -> memref<10000x128xf32, #tpu.memory_space<hbm>>
        tpu.enqueue_indirect_dma source(%dma_start3A_159 : memref<10000x128xf32, #tpu.memory_space<hbm>>) target(%arg15 : memref<96x128xf32, #tpu.memory_space<vmem>>) offsets(%arg9 : memref<96xi32, #tpu.memory_space<vmem>>) semaphore(%arg23 : memref<!tpu.dma_semaphore, #tpu.memory_space<semaphore_mem>>)
      } else {
      }
      %scan3A_134 = arith.constant 0 : i32
      scf.yield %scan3A_134 : i32
    }
    %scan3A_93 = arith.constant 36 : i32
    %barrier3A_94 = arith.constant 0 : index
    tpu.barrier barrier_id(%barrier3A_94)
    "tpu.region"() ({
      %run_scoped3A = tpu.sem_alloc : memref<!tpu.dma_semaphore, #tpu.memory_space<semaphore_mem>>
      %dma_start3A_95 = arith.constant 0 : i32
      %dma_start3A_96 = tpu.memref_slice %arg6[%arg0, %mul3A_6, %dma_start3A_95] : memref<2x10000x128xf32, #tpu.memory_space<hbm>> -> memref<1x624x128xf32, #tpu.memory_space<hbm>>
      %dma_start3A_97 = tpu.memref_squeeze %dma_start3A_96 : memref<1x624x128xf32, #tpu.memory_space<hbm>> -> memref<624x128xf32, #tpu.memory_space<hbm>>
      %dma_start3A_98 = arith.constant 0 : i32
      %dma_start3A_99 = tpu.memref_slice %arg17[%mul3A_6, %dma_start3A_98] : memref<10000x128xf32, #tpu.memory_space<vmem_shared>> -> memref<624x128xf32, #tpu.memory_space<vmem_shared>>
      tpu.enqueue_dma source(%dma_start3A_99 : memref<624x128xf32, #tpu.memory_space<vmem_shared>>) target(%dma_start3A_97 : memref<624x128xf32, #tpu.memory_space<hbm>>) target_semaphore(%run_scoped3A : memref<!tpu.dma_semaphore, #tpu.memory_space<semaphore_mem>>)
      %dma_wait3A_100 = arith.constant 0 : i32
      %dma_wait3A_101 = tpu.memref_slice %arg6[%arg0, %mul3A_6, %dma_wait3A_100] : memref<2x10000x128xf32, #tpu.memory_space<hbm>> -> memref<1x624x128xf32, #tpu.memory_space<hbm>>
      %dma_wait3A_102 = tpu.memref_squeeze %dma_wait3A_101 : memref<1x624x128xf32, #tpu.memory_space<hbm>> -> memref<624x128xf32, #tpu.memory_space<hbm>>
      %dma_wait3A_103 = arith.constant 0 : i32
      %dma_wait3A_104 = tpu.memref_slice %arg17[%mul3A_6, %dma_wait3A_103] : memref<10000x128xf32, #tpu.memory_space<vmem_shared>> -> memref<624x128xf32, #tpu.memory_space<vmem_shared>>
      tpu.wait_dma2 semaphore(%run_scoped3A : memref<!tpu.dma_semaphore, #tpu.memory_space<semaphore_mem>>) src(%dma_wait3A_104 : memref<624x128xf32, #tpu.memory_space<vmem_shared>>) dst(%dma_wait3A_102 : memref<624x128xf32, #tpu.memory_space<hbm>>)
      tpu.yield
    }) : () -> ()
    return
  }
}

#map = affine_map<(d0, d1) -> (0, 0)>
#map1 = affine_map<(d0, d1) -> (0)>
#map2 = affine_map<(d0, d1) -> (0, 0, 0)>
module attributes {stable_mosaic.version = 14 : i64} {
  func.func @_sc_agg_body(%arg0: i32, %arg1: i32, %arg2: memref<10000x128xf32, #tpu.memory_space<hbm>>, %arg3: memref<165888x256xf32, #tpu.memory_space<hbm>>, %arg4: memref<165888xi32, #tpu.memory_space<hbm>>, %arg5: memref<165888xi32, #tpu.memory_space<hbm>>, %arg6: memref<2x10000x128xf32, #tpu.memory_space<hbm>>, %arg7: memref<96xi32, #tpu.memory_space<vmem>>, %arg8: memref<96xi32, #tpu.memory_space<vmem>>, %arg9: memref<96xi32, #tpu.memory_space<vmem>>, %arg10: memref<96xi32, #tpu.memory_space<vmem>>, %arg11: memref<96xi32, #tpu.memory_space<vmem>>, %arg12: memref<96xi32, #tpu.memory_space<vmem>>, %arg13: memref<96x128xf32, #tpu.memory_space<vmem>>, %arg14: memref<96x128xf32, #tpu.memory_space<vmem>>, %arg15: memref<96x128xf32, #tpu.memory_space<vmem>>, %arg16: memref<96x128xf32, #tpu.memory_space<vmem>>, %arg17: memref<10000x128xf32, #tpu.memory_space<vmem_shared>>, %arg18: memref<!tpu.dma_semaphore, #tpu.memory_space<semaphore_mem>>, %arg19: memref<!tpu.dma_semaphore, #tpu.memory_space<semaphore_mem>>, %arg20: memref<!tpu.dma_semaphore, #tpu.memory_space<semaphore_mem>>, %arg21: memref<!tpu.dma_semaphore, #tpu.memory_space<semaphore_mem>>, %arg22: memref<!tpu.dma_semaphore, #tpu.memory_space<semaphore_mem>>, %arg23: memref<!tpu.dma_semaphore, #tpu.memory_space<semaphore_mem>>, %arg24: memref<!tpu.dma_semaphore, #tpu.memory_space<semaphore_mem>>) attributes {dimension_semantics = [#tpu.dimension_semantics<core_parallel>, #tpu.dimension_semantics<subcore_parallel>], iteration_bounds = array<i64: 2, 16>, scalar_prefetch = 0 : i64, scratch_operands = 18 : i64, tpu.core_type = #tpu.core_type<sc_vector_subcore>, window_params = [{transform_indices = #map}, {transform_indices = #map}, {transform_indices = #map1}, {transform_indices = #map1}, {transform_indices = #map2}]} {
    %scan3A = arith.constant 0 : i32
    %scan3A_0 = arith.constant 0 : i32
    %scan3A_1 = arith.constant 96 : i32
    %scan3A_2 = arith.addi %scan3A_0, %scan3A_1 : i32
    %scan3A_3 = arith.constant 1 : i32
    %scan3A_4 = scf.for %scan3A_95 = %scan3A_0 to %scan3A_2 step %scan3A_3 iter_args(%scan3A_96 = %scan3A) -> (i32)  : i32 {
      %broadcast_in_dim3A = arith.constant 0.000000e+00 : f32
      %broadcast_in_dim3A_97 = vector.broadcast %broadcast_in_dim3A : f32 to vector<16xf32>
      %swap3A = arith.index_cast %scan3A_95 : i32 to index
      %swap3A_98 = arith.constant 0 : index
      %swap3A_99 = tpu.vector_load %arg15[%swap3A, %swap3A_98] {strides = array<i32>} : memref<96x128xf32, #tpu.memory_space<vmem>>, vector<1x16xf32>,
      %swap3A_100 = vector.shape_cast %swap3A_99 : vector<1x16xf32> to vector<16xf32>
      %swap3A_101 = vector.shape_cast %broadcast_in_dim3A_97 : vector<16xf32> to vector<1x16xf32>
      tpu.vector_store %arg15[%swap3A, %swap3A_98], %swap3A_101 {strides = array<i32>} : memref<96x128xf32, #tpu.memory_space<vmem>>, vector<1x16xf32>,
      %broadcast_in_dim3A_102 = arith.constant 0.000000e+00 : f32
      %broadcast_in_dim3A_103 = vector.broadcast %broadcast_in_dim3A_102 : f32 to vector<16xf32>
      %swap3A_104 = arith.index_cast %scan3A_95 : i32 to index
      %swap3A_105 = arith.constant 16 : index
      %swap3A_106 = tpu.vector_load %arg15[%swap3A_104, %swap3A_105] {strides = array<i32>} : memref<96x128xf32, #tpu.memory_space<vmem>>, vector<1x16xf32>,
      %swap3A_107 = vector.shape_cast %swap3A_106 : vector<1x16xf32> to vector<16xf32>
      %swap3A_108 = vector.shape_cast %broadcast_in_dim3A_103 : vector<16xf32> to vector<1x16xf32>
      tpu.vector_store %arg15[%swap3A_104, %swap3A_105], %swap3A_108 {strides = array<i32>} : memref<96x128xf32, #tpu.memory_space<vmem>>, vector<1x16xf32>,
      %broadcast_in_dim3A_109 = arith.constant 0.000000e+00 : f32
      %broadcast_in_dim3A_110 = vector.broadcast %broadcast_in_dim3A_109 : f32 to vector<16xf32>
      %swap3A_111 = arith.index_cast %scan3A_95 : i32 to index
      %swap3A_112 = arith.constant 32 : index
      %swap3A_113 = tpu.vector_load %arg15[%swap3A_111, %swap3A_112] {strides = array<i32>} : memref<96x128xf32, #tpu.memory_space<vmem>>, vector<1x16xf32>,
      %swap3A_114 = vector.shape_cast %swap3A_113 : vector<1x16xf32> to vector<16xf32>
      %swap3A_115 = vector.shape_cast %broadcast_in_dim3A_110 : vector<16xf32> to vector<1x16xf32>
      tpu.vector_store %arg15[%swap3A_111, %swap3A_112], %swap3A_115 {strides = array<i32>} : memref<96x128xf32, #tpu.memory_space<vmem>>, vector<1x16xf32>,
      %broadcast_in_dim3A_116 = arith.constant 0.000000e+00 : f32
      %broadcast_in_dim3A_117 = vector.broadcast %broadcast_in_dim3A_116 : f32 to vector<16xf32>
      %swap3A_118 = arith.index_cast %scan3A_95 : i32 to index
      %swap3A_119 = arith.constant 48 : index
      %swap3A_120 = tpu.vector_load %arg15[%swap3A_118, %swap3A_119] {strides = array<i32>} : memref<96x128xf32, #tpu.memory_space<vmem>>, vector<1x16xf32>,
      %swap3A_121 = vector.shape_cast %swap3A_120 : vector<1x16xf32> to vector<16xf32>
      %swap3A_122 = vector.shape_cast %broadcast_in_dim3A_117 : vector<16xf32> to vector<1x16xf32>
      tpu.vector_store %arg15[%swap3A_118, %swap3A_119], %swap3A_122 {strides = array<i32>} : memref<96x128xf32, #tpu.memory_space<vmem>>, vector<1x16xf32>,
      %broadcast_in_dim3A_123 = arith.constant 0.000000e+00 : f32
      %broadcast_in_dim3A_124 = vector.broadcast %broadcast_in_dim3A_123 : f32 to vector<16xf32>
      %swap3A_125 = arith.index_cast %scan3A_95 : i32 to index
      %swap3A_126 = arith.constant 64 : index
      %swap3A_127 = tpu.vector_load %arg15[%swap3A_125, %swap3A_126] {strides = array<i32>} : memref<96x128xf32, #tpu.memory_space<vmem>>, vector<1x16xf32>,
      %swap3A_128 = vector.shape_cast %swap3A_127 : vector<1x16xf32> to vector<16xf32>
      %swap3A_129 = vector.shape_cast %broadcast_in_dim3A_124 : vector<16xf32> to vector<1x16xf32>
      tpu.vector_store %arg15[%swap3A_125, %swap3A_126], %swap3A_129 {strides = array<i32>} : memref<96x128xf32, #tpu.memory_space<vmem>>, vector<1x16xf32>,
      %broadcast_in_dim3A_130 = arith.constant 0.000000e+00 : f32
      %broadcast_in_dim3A_131 = vector.broadcast %broadcast_in_dim3A_130 : f32 to vector<16xf32>
      %swap3A_132 = arith.index_cast %scan3A_95 : i32 to index
      %swap3A_133 = arith.constant 80 : index
      %swap3A_134 = tpu.vector_load %arg15[%swap3A_132, %swap3A_133] {strides = array<i32>} : memref<96x128xf32, #tpu.memory_space<vmem>>, vector<1x16xf32>,
      %swap3A_135 = vector.shape_cast %swap3A_134 : vector<1x16xf32> to vector<16xf32>
      %swap3A_136 = vector.shape_cast %broadcast_in_dim3A_131 : vector<16xf32> to vector<1x16xf32>
      tpu.vector_store %arg15[%swap3A_132, %swap3A_133], %swap3A_136 {strides = array<i32>} : memref<96x128xf32, #tpu.memory_space<vmem>>, vector<1x16xf32>,
      %broadcast_in_dim3A_137 = arith.constant 0.000000e+00 : f32
      %broadcast_in_dim3A_138 = vector.broadcast %broadcast_in_dim3A_137 : f32 to vector<16xf32>
      %swap3A_139 = arith.index_cast %scan3A_95 : i32 to index
      %swap3A_140 = arith.constant 96 : index
      %swap3A_141 = tpu.vector_load %arg15[%swap3A_139, %swap3A_140] {strides = array<i32>} : memref<96x128xf32, #tpu.memory_space<vmem>>, vector<1x16xf32>,
      %swap3A_142 = vector.shape_cast %swap3A_141 : vector<1x16xf32> to vector<16xf32>
      %swap3A_143 = vector.shape_cast %broadcast_in_dim3A_138 : vector<16xf32> to vector<1x16xf32>
      tpu.vector_store %arg15[%swap3A_139, %swap3A_140], %swap3A_143 {strides = array<i32>} : memref<96x128xf32, #tpu.memory_space<vmem>>, vector<1x16xf32>,
      %broadcast_in_dim3A_144 = arith.constant 0.000000e+00 : f32
      %broadcast_in_dim3A_145 = vector.broadcast %broadcast_in_dim3A_144 : f32 to vector<16xf32>
      %swap3A_146 = arith.index_cast %scan3A_95 : i32 to index
      %swap3A_147 = arith.constant 112 : index
      %swap3A_148 = tpu.vector_load %arg15[%swap3A_146, %swap3A_147] {strides = array<i32>} : memref<96x128xf32, #tpu.memory_space<vmem>>, vector<1x16xf32>,
      %swap3A_149 = vector.shape_cast %swap3A_148 : vector<1x16xf32> to vector<16xf32>
      %swap3A_150 = vector.shape_cast %broadcast_in_dim3A_145 : vector<16xf32> to vector<1x16xf32>
      tpu.vector_store %arg15[%swap3A_146, %swap3A_147], %swap3A_150 {strides = array<i32>} : memref<96x128xf32, #tpu.memory_space<vmem>>, vector<1x16xf32>,
      %scan3A_151 = arith.constant 0 : i32
      scf.yield %scan3A_151 : i32
    }
    %scan3A_5 = arith.constant 96 : i32
    %mul3A = arith.constant 624 : i32
    %mul3A_6 = arith.muli %arg1, %mul3A : i32
    %add3A = arith.constant 0 : i32
    %add3A_7 = arith.addi %mul3A_6, %add3A : i32
    "tpu.region"() ({
      %run_scoped3A = tpu.sem_alloc : memref<!tpu.dma_semaphore, #tpu.memory_space<semaphore_mem>>
      %dma_start3A_95 = arith.constant 0 : i32
      %dma_start3A_96 = tpu.memref_slice %arg17[%add3A_7, %dma_start3A_95] : memref<10000x128xf32, #tpu.memory_space<vmem_shared>> -> memref<96x128xf32, #tpu.memory_space<vmem_shared>>
      %dma_start3A_97 = arith.constant 0 : i32
      %dma_start3A_98 = tpu.memref_slice %arg17[%add3A_7, %dma_start3A_97] : memref<10000x128xf32, #tpu.memory_space<vmem_shared>> -> memref<96x128xf32, #tpu.memory_space<vmem_shared>>
      tpu.enqueue_dma source(%arg15 : memref<96x128xf32, #tpu.memory_space<vmem>>) target(%dma_start3A_98 : memref<96x128xf32, #tpu.memory_space<vmem_shared>>) target_semaphore(%run_scoped3A : memref<!tpu.dma_semaphore, #tpu.memory_space<semaphore_mem>>)
      %dma_wait3A_99 = arith.constant 0 : i32
      %dma_wait3A_100 = tpu.memref_slice %arg17[%add3A_7, %dma_wait3A_99] : memref<10000x128xf32, #tpu.memory_space<vmem_shared>> -> memref<96x128xf32, #tpu.memory_space<vmem_shared>>
      %dma_wait3A_101 = arith.constant 0 : i32
      %dma_wait3A_102 = tpu.memref_slice %arg17[%add3A_7, %dma_wait3A_101] : memref<10000x128xf32, #tpu.memory_space<vmem_shared>> -> memref<96x128xf32, #tpu.memory_space<vmem_shared>>
      tpu.wait_dma2 semaphore(%run_scoped3A : memref<!tpu.dma_semaphore, #tpu.memory_space<semaphore_mem>>) src(%arg15 : memref<96x128xf32, #tpu.memory_space<vmem>>) dst(%dma_wait3A_102 : memref<96x128xf32, #tpu.memory_space<vmem_shared>>)
      tpu.yield
    }) : () -> ()
    %add3A_8 = arith.constant 96 : i32
    %add3A_9 = arith.addi %mul3A_6, %add3A_8 : i32
    "tpu.region"() ({
      %run_scoped3A = tpu.sem_alloc : memref<!tpu.dma_semaphore, #tpu.memory_space<semaphore_mem>>
      %dma_start3A_95 = arith.constant 0 : i32
      %dma_start3A_96 = tpu.memref_slice %arg17[%add3A_9, %dma_start3A_95] : memref<10000x128xf32, #tpu.memory_space<vmem_shared>> -> memref<96x128xf32, #tpu.memory_space<vmem_shared>>
      %dma_start3A_97 = arith.constant 0 : i32
      %dma_start3A_98 = tpu.memref_slice %arg17[%add3A_9, %dma_start3A_97] : memref<10000x128xf32, #tpu.memory_space<vmem_shared>> -> memref<96x128xf32, #tpu.memory_space<vmem_shared>>
      tpu.enqueue_dma source(%arg15 : memref<96x128xf32, #tpu.memory_space<vmem>>) target(%dma_start3A_98 : memref<96x128xf32, #tpu.memory_space<vmem_shared>>) target_semaphore(%run_scoped3A : memref<!tpu.dma_semaphore, #tpu.memory_space<semaphore_mem>>)
      %dma_wait3A_99 = arith.constant 0 : i32
      %dma_wait3A_100 = tpu.memref_slice %arg17[%add3A_9, %dma_wait3A_99] : memref<10000x128xf32, #tpu.memory_space<vmem_shared>> -> memref<96x128xf32, #tpu.memory_space<vmem_shared>>
      %dma_wait3A_101 = arith.constant 0 : i32
      %dma_wait3A_102 = tpu.memref_slice %arg17[%add3A_9, %dma_wait3A_101] : memref<10000x128xf32, #tpu.memory_space<vmem_shared>> -> memref<96x128xf32, #tpu.memory_space<vmem_shared>>
      tpu.wait_dma2 semaphore(%run_scoped3A : memref<!tpu.dma_semaphore, #tpu.memory_space<semaphore_mem>>) src(%arg15 : memref<96x128xf32, #tpu.memory_space<vmem>>) dst(%dma_wait3A_102 : memref<96x128xf32, #tpu.memory_space<vmem_shared>>)
      tpu.yield
    }) : () -> ()
    %add3A_10 = arith.constant 192 : i32
    %add3A_11 = arith.addi %mul3A_6, %add3A_10 : i32
    "tpu.region"() ({
      %run_scoped3A = tpu.sem_alloc : memref<!tpu.dma_semaphore, #tpu.memory_space<semaphore_mem>>
      %dma_start3A_95 = arith.constant 0 : i32
      %dma_start3A_96 = tpu.memref_slice %arg17[%add3A_11, %dma_start3A_95] : memref<10000x128xf32, #tpu.memory_space<vmem_shared>> -> memref<96x128xf32, #tpu.memory_space<vmem_shared>>
      %dma_start3A_97 = arith.constant 0 : i32
      %dma_start3A_98 = tpu.memref_slice %arg17[%add3A_11, %dma_start3A_97] : memref<10000x128xf32, #tpu.memory_space<vmem_shared>> -> memref<96x128xf32, #tpu.memory_space<vmem_shared>>
      tpu.enqueue_dma source(%arg15 : memref<96x128xf32, #tpu.memory_space<vmem>>) target(%dma_start3A_98 : memref<96x128xf32, #tpu.memory_space<vmem_shared>>) target_semaphore(%run_scoped3A : memref<!tpu.dma_semaphore, #tpu.memory_space<semaphore_mem>>)
      %dma_wait3A_99 = arith.constant 0 : i32
      %dma_wait3A_100 = tpu.memref_slice %arg17[%add3A_11, %dma_wait3A_99] : memref<10000x128xf32, #tpu.memory_space<vmem_shared>> -> memref<96x128xf32, #tpu.memory_space<vmem_shared>>
      %dma_wait3A_101 = arith.constant 0 : i32
      %dma_wait3A_102 = tpu.memref_slice %arg17[%add3A_11, %dma_wait3A_101] : memref<10000x128xf32, #tpu.memory_space<vmem_shared>> -> memref<96x128xf32, #tpu.memory_space<vmem_shared>>
      tpu.wait_dma2 semaphore(%run_scoped3A : memref<!tpu.dma_semaphore, #tpu.memory_space<semaphore_mem>>) src(%arg15 : memref<96x128xf32, #tpu.memory_space<vmem>>) dst(%dma_wait3A_102 : memref<96x128xf32, #tpu.memory_space<vmem_shared>>)
      tpu.yield
    }) : () -> ()
    %add3A_12 = arith.constant 288 : i32
    %add3A_13 = arith.addi %mul3A_6, %add3A_12 : i32
    "tpu.region"() ({
      %run_scoped3A = tpu.sem_alloc : memref<!tpu.dma_semaphore, #tpu.memory_space<semaphore_mem>>
      %dma_start3A_95 = arith.constant 0 : i32
      %dma_start3A_96 = tpu.memref_slice %arg17[%add3A_13, %dma_start3A_95] : memref<10000x128xf32, #tpu.memory_space<vmem_shared>> -> memref<96x128xf32, #tpu.memory_space<vmem_shared>>
      %dma_start3A_97 = arith.constant 0 : i32
      %dma_start3A_98 = tpu.memref_slice %arg17[%add3A_13, %dma_start3A_97] : memref<10000x128xf32, #tpu.memory_space<vmem_shared>> -> memref<96x128xf32, #tpu.memory_space<vmem_shared>>
      tpu.enqueue_dma source(%arg15 : memref<96x128xf32, #tpu.memory_space<vmem>>) target(%dma_start3A_98 : memref<96x128xf32, #tpu.memory_space<vmem_shared>>) target_semaphore(%run_scoped3A : memref<!tpu.dma_semaphore, #tpu.memory_space<semaphore_mem>>)
      %dma_wait3A_99 = arith.constant 0 : i32
      %dma_wait3A_100 = tpu.memref_slice %arg17[%add3A_13, %dma_wait3A_99] : memref<10000x128xf32, #tpu.memory_space<vmem_shared>> -> memref<96x128xf32, #tpu.memory_space<vmem_shared>>
      %dma_wait3A_101 = arith.constant 0 : i32
      %dma_wait3A_102 = tpu.memref_slice %arg17[%add3A_13, %dma_wait3A_101] : memref<10000x128xf32, #tpu.memory_space<vmem_shared>> -> memref<96x128xf32, #tpu.memory_space<vmem_shared>>
      tpu.wait_dma2 semaphore(%run_scoped3A : memref<!tpu.dma_semaphore, #tpu.memory_space<semaphore_mem>>) src(%arg15 : memref<96x128xf32, #tpu.memory_space<vmem>>) dst(%dma_wait3A_102 : memref<96x128xf32, #tpu.memory_space<vmem_shared>>)
      tpu.yield
    }) : () -> ()
    %add3A_14 = arith.constant 384 : i32
    %add3A_15 = arith.addi %mul3A_6, %add3A_14 : i32
    "tpu.region"() ({
      %run_scoped3A = tpu.sem_alloc : memref<!tpu.dma_semaphore, #tpu.memory_space<semaphore_mem>>
      %dma_start3A_95 = arith.constant 0 : i32
      %dma_start3A_96 = tpu.memref_slice %arg17[%add3A_15, %dma_start3A_95] : memref<10000x128xf32, #tpu.memory_space<vmem_shared>> -> memref<96x128xf32, #tpu.memory_space<vmem_shared>>
      %dma_start3A_97 = arith.constant 0 : i32
      %dma_start3A_98 = tpu.memref_slice %arg17[%add3A_15, %dma_start3A_97] : memref<10000x128xf32, #tpu.memory_space<vmem_shared>> -> memref<96x128xf32, #tpu.memory_space<vmem_shared>>
      tpu.enqueue_dma source(%arg15 : memref<96x128xf32, #tpu.memory_space<vmem>>) target(%dma_start3A_98 : memref<96x128xf32, #tpu.memory_space<vmem_shared>>) target_semaphore(%run_scoped3A : memref<!tpu.dma_semaphore, #tpu.memory_space<semaphore_mem>>)
      %dma_wait3A_99 = arith.constant 0 : i32
      %dma_wait3A_100 = tpu.memref_slice %arg17[%add3A_15, %dma_wait3A_99] : memref<10000x128xf32, #tpu.memory_space<vmem_shared>> -> memref<96x128xf32, #tpu.memory_space<vmem_shared>>
      %dma_wait3A_101 = arith.constant 0 : i32
      %dma_wait3A_102 = tpu.memref_slice %arg17[%add3A_15, %dma_wait3A_101] : memref<10000x128xf32, #tpu.memory_space<vmem_shared>> -> memref<96x128xf32, #tpu.memory_space<vmem_shared>>
      tpu.wait_dma2 semaphore(%run_scoped3A : memref<!tpu.dma_semaphore, #tpu.memory_space<semaphore_mem>>) src(%arg15 : memref<96x128xf32, #tpu.memory_space<vmem>>) dst(%dma_wait3A_102 : memref<96x128xf32, #tpu.memory_space<vmem_shared>>)
      tpu.yield
    }) : () -> ()
    %add3A_16 = arith.constant 480 : i32
    %add3A_17 = arith.addi %mul3A_6, %add3A_16 : i32
    "tpu.region"() ({
      %run_scoped3A = tpu.sem_alloc : memref<!tpu.dma_semaphore, #tpu.memory_space<semaphore_mem>>
      %dma_start3A_95 = arith.constant 0 : i32
      %dma_start3A_96 = tpu.memref_slice %arg17[%add3A_17, %dma_start3A_95] : memref<10000x128xf32, #tpu.memory_space<vmem_shared>> -> memref<96x128xf32, #tpu.memory_space<vmem_shared>>
      %dma_start3A_97 = arith.constant 0 : i32
      %dma_start3A_98 = tpu.memref_slice %arg17[%add3A_17, %dma_start3A_97] : memref<10000x128xf32, #tpu.memory_space<vmem_shared>> -> memref<96x128xf32, #tpu.memory_space<vmem_shared>>
      tpu.enqueue_dma source(%arg15 : memref<96x128xf32, #tpu.memory_space<vmem>>) target(%dma_start3A_98 : memref<96x128xf32, #tpu.memory_space<vmem_shared>>) target_semaphore(%run_scoped3A : memref<!tpu.dma_semaphore, #tpu.memory_space<semaphore_mem>>)
      %dma_wait3A_99 = arith.constant 0 : i32
      %dma_wait3A_100 = tpu.memref_slice %arg17[%add3A_17, %dma_wait3A_99] : memref<10000x128xf32, #tpu.memory_space<vmem_shared>> -> memref<96x128xf32, #tpu.memory_space<vmem_shared>>
      %dma_wait3A_101 = arith.constant 0 : i32
      %dma_wait3A_102 = tpu.memref_slice %arg17[%add3A_17, %dma_wait3A_101] : memref<10000x128xf32, #tpu.memory_space<vmem_shared>> -> memref<96x128xf32, #tpu.memory_space<vmem_shared>>
      tpu.wait_dma2 semaphore(%run_scoped3A : memref<!tpu.dma_semaphore, #tpu.memory_space<semaphore_mem>>) src(%arg15 : memref<96x128xf32, #tpu.memory_space<vmem>>) dst(%dma_wait3A_102 : memref<96x128xf32, #tpu.memory_space<vmem_shared>>)
      tpu.yield
    }) : () -> ()
    %add3A_18 = arith.constant 576 : i32
    %add3A_19 = arith.addi %mul3A_6, %add3A_18 : i32
    "tpu.region"() ({
      %run_scoped3A = tpu.sem_alloc : memref<!tpu.dma_semaphore, #tpu.memory_space<semaphore_mem>>
      %dma_start3A_95 = arith.constant 0 : i32
      %dma_start3A_96 = arith.constant 0 : i32
      %dma_start3A_97 = tpu.memref_slice %arg15[%dma_start3A_95, %dma_start3A_96] : memref<96x128xf32, #tpu.memory_space<vmem>> -> memref<48x128xf32, #tpu.memory_space<vmem>>
      %dma_start3A_98 = arith.constant 0 : i32
      %dma_start3A_99 = tpu.memref_slice %arg17[%add3A_19, %dma_start3A_98] : memref<10000x128xf32, #tpu.memory_space<vmem_shared>> -> memref<48x128xf32, #tpu.memory_space<vmem_shared>>
      %dma_start3A_100 = arith.constant 0 : i32
      %dma_start3A_101 = tpu.memref_slice %arg17[%add3A_19, %dma_start3A_100] : memref<10000x128xf32, #tpu.memory_space<vmem_shared>> -> memref<48x128xf32, #tpu.memory_space<vmem_shared>>
      %dma_start3A_102 = arith.constant 0 : i32
      %dma_start3A_103 = arith.constant 0 : i32
      %dma_start3A_104 = tpu.memref_slice %arg15[%dma_start3A_102, %dma_start3A_103] : memref<96x128xf32, #tpu.memory_space<vmem>> -> memref<48x128xf32, #tpu.memory_space<vmem>>
      tpu.enqueue_dma source(%dma_start3A_104 : memref<48x128xf32, #tpu.memory_space<vmem>>) target(%dma_start3A_101 : memref<48x128xf32, #tpu.memory_space<vmem_shared>>) target_semaphore(%run_scoped3A : memref<!tpu.dma_semaphore, #tpu.memory_space<semaphore_mem>>)
      %dma_wait3A_105 = arith.constant 0 : i32
      %dma_wait3A_106 = arith.constant 0 : i32
      %dma_wait3A_107 = tpu.memref_slice %arg15[%dma_wait3A_105, %dma_wait3A_106] : memref<96x128xf32, #tpu.memory_space<vmem>> -> memref<48x128xf32, #tpu.memory_space<vmem>>
      %dma_wait3A_108 = arith.constant 0 : i32
      %dma_wait3A_109 = tpu.memref_slice %arg17[%add3A_19, %dma_wait3A_108] : memref<10000x128xf32, #tpu.memory_space<vmem_shared>> -> memref<48x128xf32, #tpu.memory_space<vmem_shared>>
      %dma_wait3A_110 = arith.constant 0 : i32
      %dma_wait3A_111 = tpu.memref_slice %arg17[%add3A_19, %dma_wait3A_110] : memref<10000x128xf32, #tpu.memory_space<vmem_shared>> -> memref<48x128xf32, #tpu.memory_space<vmem_shared>>
      %dma_wait3A_112 = arith.constant 0 : i32
      %dma_wait3A_113 = arith.constant 0 : i32
      %dma_wait3A_114 = tpu.memref_slice %arg15[%dma_wait3A_112, %dma_wait3A_113] : memref<96x128xf32, #tpu.memory_space<vmem>> -> memref<48x128xf32, #tpu.memory_space<vmem>>
      tpu.wait_dma2 semaphore(%run_scoped3A : memref<!tpu.dma_semaphore, #tpu.memory_space<semaphore_mem>>) src(%dma_wait3A_114 : memref<48x128xf32, #tpu.memory_space<vmem>>) dst(%dma_wait3A_111 : memref<48x128xf32, #tpu.memory_space<vmem_shared>>)
      tpu.yield
    }) : () -> ()
    %eq3A = arith.constant 15 : i32
    %eq3A_20 = arith.cmpi eq, %arg1, %eq3A : i32
    %convert_element_type3A = arith.extui %eq3A_20 : i1 to i32
    %cond3A = arith.constant 0 : i32
    %cond3A_21 = arith.cmpi ne, %convert_element_type3A, %cond3A : i32
    scf.if %cond3A_21 {
      "tpu.region"() ({
        %run_scoped3A = tpu.sem_alloc : memref<!tpu.dma_semaphore, #tpu.memory_space<semaphore_mem>>
        %dma_start3A_95 = arith.constant 0 : i32
        %dma_start3A_96 = arith.constant 0 : i32
        %dma_start3A_97 = tpu.memref_slice %arg15[%dma_start3A_95, %dma_start3A_96] : memref<96x128xf32, #tpu.memory_space<vmem>> -> memref<16x128xf32, #tpu.memory_space<vmem>>
        %dma_start3A_98 = arith.constant 9984 : i32
        %dma_start3A_99 = arith.constant 0 : i32
        %dma_start3A_100 = tpu.memref_slice %arg17[%dma_start3A_98, %dma_start3A_99] : memref<10000x128xf32, #tpu.memory_space<vmem_shared>> -> memref<16x128xf32, #tpu.memory_space<vmem_shared>>
        %dma_start3A_101 = arith.constant 9984 : i32
        %dma_start3A_102 = arith.constant 0 : i32
        %dma_start3A_103 = tpu.memref_slice %arg17[%dma_start3A_101, %dma_start3A_102] : memref<10000x128xf32, #tpu.memory_space<vmem_shared>> -> memref<16x128xf32, #tpu.memory_space<vmem_shared>>
        %dma_start3A_104 = arith.constant 0 : i32
        %dma_start3A_105 = arith.constant 0 : i32
        %dma_start3A_106 = tpu.memref_slice %arg15[%dma_start3A_104, %dma_start3A_105] : memref<96x128xf32, #tpu.memory_space<vmem>> -> memref<16x128xf32, #tpu.memory_space<vmem>>
        tpu.enqueue_dma source(%dma_start3A_106 : memref<16x128xf32, #tpu.memory_space<vmem>>) target(%dma_start3A_103 : memref<16x128xf32, #tpu.memory_space<vmem_shared>>) target_semaphore(%run_scoped3A : memref<!tpu.dma_semaphore, #tpu.memory_space<semaphore_mem>>)
        %dma_wait3A_107 = arith.constant 0 : i32
        %dma_wait3A_108 = arith.constant 0 : i32
        %dma_wait3A_109 = tpu.memref_slice %arg15[%dma_wait3A_107, %dma_wait3A_108] : memref<96x128xf32, #tpu.memory_space<vmem>> -> memref<16x128xf32, #tpu.memory_space<vmem>>
        %dma_wait3A_110 = arith.constant 9984 : i32
        %dma_wait3A_111 = arith.constant 0 : i32
        %dma_wait3A_112 = tpu.memref_slice %arg17[%dma_wait3A_110, %dma_wait3A_111] : memref<10000x128xf32, #tpu.memory_space<vmem_shared>> -> memref<16x128xf32, #tpu.memory_space<vmem_shared>>
        %dma_wait3A_113 = arith.constant 9984 : i32
        %dma_wait3A_114 = arith.constant 0 : i32
        %dma_wait3A_115 = tpu.memref_slice %arg17[%dma_wait3A_113, %dma_wait3A_114] : memref<10000x128xf32, #tpu.memory_space<vmem_shared>> -> memref<16x128xf32, #tpu.memory_space<vmem_shared>>
        %dma_wait3A_116 = arith.constant 0 : i32
        %dma_wait3A_117 = arith.constant 0 : i32
        %dma_wait3A_118 = tpu.memref_slice %arg15[%dma_wait3A_116, %dma_wait3A_117] : memref<96x128xf32, #tpu.memory_space<vmem>> -> memref<16x128xf32, #tpu.memory_space<vmem>>
        tpu.wait_dma2 semaphore(%run_scoped3A : memref<!tpu.dma_semaphore, #tpu.memory_space<semaphore_mem>>) src(%dma_wait3A_118 : memref<16x128xf32, #tpu.memory_space<vmem>>) dst(%dma_wait3A_115 : memref<16x128xf32, #tpu.memory_space<vmem_shared>>)
        tpu.yield
      }) : () -> ()
    } else {
    }
    %barrier3A = arith.constant 0 : index
    tpu.barrier barrier_id(%barrier3A)
    %mul3A_22 = arith.constant 128 : i32
    %mul3A_23 = arith.muli %arg0, %mul3A_22 : i32
    %multiple_of3A = tpu.assume_multiple %mul3A_23, 128 : i32
    %mul3A_24 = arith.constant 108 : i32
    %mul3A_25 = arith.muli %arg1, %mul3A_24 : i32
    %add3A_26 = arith.constant 0 : i32
    %add3A_27 = arith.addi %mul3A_25, %add3A_26 : i32
    %mul3A_28 = arith.constant 96 : i32
    %mul3A_29 = arith.muli %add3A_27, %mul3A_28 : i32
    %multiple_of3A_30 = tpu.assume_multiple %mul3A_29, 96 : i32
    %dma_start3A = tpu.memref_slice %arg4[%multiple_of3A_30] : memref<165888xi32, #tpu.memory_space<hbm>> -> memref<96xi32, #tpu.memory_space<hbm>>
    %dma_start3A_31 = tpu.memref_slice %arg4[%multiple_of3A_30] : memref<165888xi32, #tpu.memory_space<hbm>> -> memref<96xi32, #tpu.memory_space<hbm>>
    tpu.enqueue_dma source(%dma_start3A_31 : memref<96xi32, #tpu.memory_space<hbm>>) target(%arg7 : memref<96xi32, #tpu.memory_space<vmem>>) target_semaphore(%arg20 : memref<!tpu.dma_semaphore, #tpu.memory_space<semaphore_mem>>)
    %dma_start3A_32 = tpu.memref_slice %arg5[%multiple_of3A_30] : memref<165888xi32, #tpu.memory_space<hbm>> -> memref<96xi32, #tpu.memory_space<hbm>>
    %dma_start3A_33 = tpu.memref_slice %arg5[%multiple_of3A_30] : memref<165888xi32, #tpu.memory_space<hbm>> -> memref<96xi32, #tpu.memory_space<hbm>>
    tpu.enqueue_dma source(%dma_start3A_33 : memref<96xi32, #tpu.memory_space<hbm>>) target(%arg10 : memref<96xi32, #tpu.memory_space<vmem>>) target_semaphore(%arg20 : memref<!tpu.dma_semaphore, #tpu.memory_space<semaphore_mem>>)
    %add3A_34 = arith.constant 1 : i32
    %add3A_35 = arith.addi %mul3A_25, %add3A_34 : i32
    %mul3A_36 = arith.constant 96 : i32
    %mul3A_37 = arith.muli %add3A_35, %mul3A_36 : i32
    %multiple_of3A_38 = tpu.assume_multiple %mul3A_37, 96 : i32
    %dma_start3A_39 = tpu.memref_slice %arg4[%multiple_of3A_38] : memref<165888xi32, #tpu.memory_space<hbm>> -> memref<96xi32, #tpu.memory_space<hbm>>
    %dma_start3A_40 = tpu.memref_slice %arg4[%multiple_of3A_38] : memref<165888xi32, #tpu.memory_space<hbm>> -> memref<96xi32, #tpu.memory_space<hbm>>
    tpu.enqueue_dma source(%dma_start3A_40 : memref<96xi32, #tpu.memory_space<hbm>>) target(%arg8 : memref<96xi32, #tpu.memory_space<vmem>>) target_semaphore(%arg21 : memref<!tpu.dma_semaphore, #tpu.memory_space<semaphore_mem>>)
    %dma_start3A_41 = tpu.memref_slice %arg5[%multiple_of3A_38] : memref<165888xi32, #tpu.memory_space<hbm>> -> memref<96xi32, #tpu.memory_space<hbm>>
    %dma_start3A_42 = tpu.memref_slice %arg5[%multiple_of3A_38] : memref<165888xi32, #tpu.memory_space<hbm>> -> memref<96xi32, #tpu.memory_space<hbm>>
    tpu.enqueue_dma source(%dma_start3A_42 : memref<96xi32, #tpu.memory_space<hbm>>) target(%arg11 : memref<96xi32, #tpu.memory_space<vmem>>) target_semaphore(%arg21 : memref<!tpu.dma_semaphore, #tpu.memory_space<semaphore_mem>>)
    %add3A_43 = arith.constant 2 : i32
    %add3A_44 = arith.addi %mul3A_25, %add3A_43 : i32
    %mul3A_45 = arith.constant 96 : i32
    %mul3A_46 = arith.muli %add3A_44, %mul3A_45 : i32
    %multiple_of3A_47 = tpu.assume_multiple %mul3A_46, 96 : i32
    %dma_start3A_48 = tpu.memref_slice %arg4[%multiple_of3A_47] : memref<165888xi32, #tpu.memory_space<hbm>> -> memref<96xi32, #tpu.memory_space<hbm>>
    %dma_start3A_49 = tpu.memref_slice %arg4[%multiple_of3A_47] : memref<165888xi32, #tpu.memory_space<hbm>> -> memref<96xi32, #tpu.memory_space<hbm>>
    tpu.enqueue_dma source(%dma_start3A_49 : memref<96xi32, #tpu.memory_space<hbm>>) target(%arg9 : memref<96xi32, #tpu.memory_space<vmem>>) target_semaphore(%arg22 : memref<!tpu.dma_semaphore, #tpu.memory_space<semaphore_mem>>)
    %dma_start3A_50 = tpu.memref_slice %arg5[%multiple_of3A_47] : memref<165888xi32, #tpu.memory_space<hbm>> -> memref<96xi32, #tpu.memory_space<hbm>>
    %dma_start3A_51 = tpu.memref_slice %arg5[%multiple_of3A_47] : memref<165888xi32, #tpu.memory_space<hbm>> -> memref<96xi32, #tpu.memory_space<hbm>>
    tpu.enqueue_dma source(%dma_start3A_51 : memref<96xi32, #tpu.memory_space<hbm>>) target(%arg12 : memref<96xi32, #tpu.memory_space<vmem>>) target_semaphore(%arg22 : memref<!tpu.dma_semaphore, #tpu.memory_space<semaphore_mem>>)
    %add3A_52 = arith.constant 0 : i32
    %add3A_53 = arith.addi %mul3A_25, %add3A_52 : i32
    %mul3A_54 = arith.constant 96 : i32
    %mul3A_55 = arith.muli %add3A_53, %mul3A_54 : i32
    %multiple_of3A_56 = tpu.assume_multiple %mul3A_55, 96 : i32
    %dma_wait3A = tpu.memref_slice %arg4[%multiple_of3A_56] : memref<165888xi32, #tpu.memory_space<hbm>> -> memref<96xi32, #tpu.memory_space<hbm>>
    %dma_wait3A_57 = tpu.memref_slice %arg4[%multiple_of3A_56] : memref<165888xi32, #tpu.memory_space<hbm>> -> memref<96xi32, #tpu.memory_space<hbm>>
    tpu.wait_dma2 semaphore(%arg20 : memref<!tpu.dma_semaphore, #tpu.memory_space<semaphore_mem>>) src(%dma_wait3A_57 : memref<96xi32, #tpu.memory_space<hbm>>) dst(%arg7 : memref<96xi32, #tpu.memory_space<vmem>>)
    %dma_wait3A_58 = tpu.memref_slice %arg5[%multiple_of3A_56] : memref<165888xi32, #tpu.memory_space<hbm>> -> memref<96xi32, #tpu.memory_space<hbm>>
    %dma_wait3A_59 = tpu.memref_slice %arg5[%multiple_of3A_56] : memref<165888xi32, #tpu.memory_space<hbm>> -> memref<96xi32, #tpu.memory_space<hbm>>
    tpu.wait_dma2 semaphore(%arg20 : memref<!tpu.dma_semaphore, #tpu.memory_space<semaphore_mem>>) src(%dma_wait3A_59 : memref<96xi32, #tpu.memory_space<hbm>>) dst(%arg10 : memref<96xi32, #tpu.memory_space<vmem>>)
    %dma_start3A_60 = arith.constant 0 : i32
    %dma_start3A_61 = arith.constant 0 : i32
    %dma_start3A_62 = tpu.memref_slice %arg2[%dma_start3A_60, %dma_start3A_61] : memref<10000x128xf32, #tpu.memory_space<hbm>> -> memref<10000x128xf32, #tpu.memory_space<hbm>>
    tpu.enqueue_indirect_dma source(%dma_start3A_62 : memref<10000x128xf32, #tpu.memory_space<hbm>>) target(%arg13 : memref<96x128xf32, #tpu.memory_space<vmem>>) offsets(%arg7 : memref<96xi32, #tpu.memory_space<vmem>>) semaphore(%arg18 : memref<!tpu.dma_semaphore, #tpu.memory_space<semaphore_mem>>)
    %add3A_63 = arith.constant 1 : i32
    %add3A_64 = arith.addi %mul3A_25, %add3A_63 : i32
    %mul3A_65 = arith.constant 96 : i32
    %mul3A_66 = arith.muli %add3A_64, %mul3A_65 : i32
    %multiple_of3A_67 = tpu.assume_multiple %mul3A_66, 96 : i32
    %dma_wait3A_68 = tpu.memref_slice %arg4[%multiple_of3A_67] : memref<165888xi32, #tpu.memory_space<hbm>> -> memref<96xi32, #tpu.memory_space<hbm>>
    %dma_wait3A_69 = tpu.memref_slice %arg4[%multiple_of3A_67] : memref<165888xi32, #tpu.memory_space<hbm>> -> memref<96xi32, #tpu.memory_space<hbm>>
    tpu.wait_dma2 semaphore(%arg21 : memref<!tpu.dma_semaphore, #tpu.memory_space<semaphore_mem>>) src(%dma_wait3A_69 : memref<96xi32, #tpu.memory_space<hbm>>) dst(%arg8 : memref<96xi32, #tpu.memory_space<vmem>>)
    %dma_wait3A_70 = tpu.memref_slice %arg5[%multiple_of3A_67] : memref<165888xi32, #tpu.memory_space<hbm>> -> memref<96xi32, #tpu.memory_space<hbm>>
    %dma_wait3A_71 = tpu.memref_slice %arg5[%multiple_of3A_67] : memref<165888xi32, #tpu.memory_space<hbm>> -> memref<96xi32, #tpu.memory_space<hbm>>
    tpu.wait_dma2 semaphore(%arg21 : memref<!tpu.dma_semaphore, #tpu.memory_space<semaphore_mem>>) src(%dma_wait3A_71 : memref<96xi32, #tpu.memory_space<hbm>>) dst(%arg11 : memref<96xi32, #tpu.memory_space<vmem>>)
    %dma_start3A_72 = arith.constant 0 : i32
    %dma_start3A_73 = arith.constant 0 : i32
    %dma_start3A_74 = tpu.memref_slice %arg2[%dma_start3A_72, %dma_start3A_73] : memref<10000x128xf32, #tpu.memory_space<hbm>> -> memref<10000x128xf32, #tpu.memory_space<hbm>>
    tpu.enqueue_indirect_dma source(%dma_start3A_74 : memref<10000x128xf32, #tpu.memory_space<hbm>>) target(%arg14 : memref<96x128xf32, #tpu.memory_space<vmem>>) offsets(%arg8 : memref<96xi32, #tpu.memory_space<vmem>>) semaphore(%arg19 : memref<!tpu.dma_semaphore, #tpu.memory_space<semaphore_mem>>)
    %add3A_75 = arith.constant 2 : i32
    %add3A_76 = arith.addi %mul3A_25, %add3A_75 : i32
    %mul3A_77 = arith.constant 96 : i32
    %mul3A_78 = arith.muli %add3A_76, %mul3A_77 : i32
    %multiple_of3A_79 = tpu.assume_multiple %mul3A_78, 96 : i32
    %dma_wait3A_80 = tpu.memref_slice %arg4[%multiple_of3A_79] : memref<165888xi32, #tpu.memory_space<hbm>> -> memref<96xi32, #tpu.memory_space<hbm>>
    %dma_wait3A_81 = tpu.memref_slice %arg4[%multiple_of3A_79] : memref<165888xi32, #tpu.memory_space<hbm>> -> memref<96xi32, #tpu.memory_space<hbm>>
    tpu.wait_dma2 semaphore(%arg22 : memref<!tpu.dma_semaphore, #tpu.memory_space<semaphore_mem>>) src(%dma_wait3A_81 : memref<96xi32, #tpu.memory_space<hbm>>) dst(%arg9 : memref<96xi32, #tpu.memory_space<vmem>>)
    %dma_wait3A_82 = tpu.memref_slice %arg5[%multiple_of3A_79] : memref<165888xi32, #tpu.memory_space<hbm>> -> memref<96xi32, #tpu.memory_space<hbm>>
    %dma_wait3A_83 = tpu.memref_slice %arg5[%multiple_of3A_79] : memref<165888xi32, #tpu.memory_space<hbm>> -> memref<96xi32, #tpu.memory_space<hbm>>
    tpu.wait_dma2 semaphore(%arg22 : memref<!tpu.dma_semaphore, #tpu.memory_space<semaphore_mem>>) src(%dma_wait3A_83 : memref<96xi32, #tpu.memory_space<hbm>>) dst(%arg12 : memref<96xi32, #tpu.memory_space<vmem>>)
    %dma_start3A_84 = arith.constant 0 : i32
    %dma_start3A_85 = arith.constant 0 : i32
    %dma_start3A_86 = tpu.memref_slice %arg2[%dma_start3A_84, %dma_start3A_85] : memref<10000x128xf32, #tpu.memory_space<hbm>> -> memref<10000x128xf32, #tpu.memory_space<hbm>>
    tpu.enqueue_indirect_dma source(%dma_start3A_86 : memref<10000x128xf32, #tpu.memory_space<hbm>>) target(%arg15 : memref<96x128xf32, #tpu.memory_space<vmem>>) offsets(%arg9 : memref<96xi32, #tpu.memory_space<vmem>>) semaphore(%arg23 : memref<!tpu.dma_semaphore, #tpu.memory_space<semaphore_mem>>)
    %scan3A_87 = arith.constant 0 : i32
    %scan3A_88 = arith.constant 0 : i32
    %scan3A_89 = arith.constant 36 : i32
    %scan3A_90 = arith.addi %scan3A_88, %scan3A_89 : i32
    %scan3A_91 = arith.constant 1 : i32
    %scan3A_92 = scf.for %scan3A_95 = %scan3A_88 to %scan3A_90 step %scan3A_91 iter_args(%scan3A_96 = %scan3A_87) -> (i32)  : i32 {
      %mul3A_97 = arith.constant 3 : i32
      %mul3A_98 = arith.muli %scan3A_95, %mul3A_97 : i32
      %add3A_99 = arith.constant 0 : i32
      %add3A_100 = arith.addi %mul3A_98, %add3A_99 : i32
      %dma_wait3A_101 = arith.constant 0 : i32
      %dma_wait3A_102 = arith.constant 0 : i32
      %dma_wait3A_103 = tpu.memref_slice %arg2[%dma_wait3A_101, %dma_wait3A_102] : memref<10000x128xf32, #tpu.memory_space<hbm>> -> memref<10000x128xf32, #tpu.memory_space<hbm>>
      tpu.wait_indirect_dma semaphore(%arg18 : memref<!tpu.dma_semaphore, #tpu.memory_space<semaphore_mem>>) src(%dma_wait3A_103 : memref<10000x128xf32, #tpu.memory_space<hbm>>) dst(%arg13 : memref<96x128xf32, #tpu.memory_space<vmem>>)
      %add3A_104 = arith.constant 3 : i32
      %add3A_105 = arith.addi %add3A_100, %add3A_104 : i32
      %lt3A = arith.constant 108 : i32
      %lt3A_106 = arith.cmpi slt, %add3A_105, %lt3A : i32
      %convert_element_type3A_107 = arith.extui %lt3A_106 : i1 to i32
      %cond3A_108 = arith.constant 0 : i32
      %cond3A_109 = arith.cmpi ne, %convert_element_type3A_107, %cond3A_108 : i32
      scf.if %cond3A_109 {
        %add3A_135 = arith.constant 3 : i32
        %add3A_136 = arith.addi %add3A_100, %add3A_135 : i32
        %add3A_137 = arith.addi %mul3A_25, %add3A_136 : i32
        %mul3A_138 = arith.constant 96 : i32
        %mul3A_139 = arith.muli %add3A_137, %mul3A_138 : i32
        %multiple_of3A_140 = tpu.assume_multiple %mul3A_139, 96 : i32
        %dma_start3A_141 = tpu.memref_slice %arg4[%multiple_of3A_140] : memref<165888xi32, #tpu.memory_space<hbm>> -> memref<96xi32, #tpu.memory_space<hbm>>
        %dma_start3A_142 = tpu.memref_slice %arg4[%multiple_of3A_140] : memref<165888xi32, #tpu.memory_space<hbm>> -> memref<96xi32, #tpu.memory_space<hbm>>
        tpu.enqueue_dma source(%dma_start3A_142 : memref<96xi32, #tpu.memory_space<hbm>>) target(%arg7 : memref<96xi32, #tpu.memory_space<vmem>>) target_semaphore(%arg20 : memref<!tpu.dma_semaphore, #tpu.memory_space<semaphore_mem>>)
        %dma_start3A_143 = tpu.memref_slice %arg5[%multiple_of3A_140] : memref<165888xi32, #tpu.memory_space<hbm>> -> memref<96xi32, #tpu.memory_space<hbm>>
        %dma_start3A_144 = tpu.memref_slice %arg5[%multiple_of3A_140] : memref<165888xi32, #tpu.memory_space<hbm>> -> memref<96xi32, #tpu.memory_space<hbm>>
        tpu.enqueue_dma source(%dma_start3A_144 : memref<96xi32, #tpu.memory_space<hbm>>) target(%arg10 : memref<96xi32, #tpu.memory_space<vmem>>) target_semaphore(%arg20 : memref<!tpu.dma_semaphore, #tpu.memory_space<semaphore_mem>>)
        %add3A_145 = arith.constant 3 : i32
        %add3A_146 = arith.addi %add3A_100, %add3A_145 : i32
        %add3A_147 = arith.addi %mul3A_25, %add3A_146 : i32
        %mul3A_148 = arith.constant 96 : i32
        %mul3A_149 = arith.muli %add3A_147, %mul3A_148 : i32
        %multiple_of3A_150 = tpu.assume_multiple %mul3A_149, 96 : i32
        %dma_wait3A_151 = tpu.memref_slice %arg4[%multiple_of3A_150] : memref<165888xi32, #tpu.memory_space<hbm>> -> memref<96xi32, #tpu.memory_space<hbm>>
        %dma_wait3A_152 = tpu.memref_slice %arg4[%multiple_of3A_150] : memref<165888xi32, #tpu.memory_space<hbm>> -> memref<96xi32, #tpu.memory_space<hbm>>
        tpu.wait_dma2 semaphore(%arg20 : memref<!tpu.dma_semaphore, #tpu.memory_space<semaphore_mem>>) src(%dma_wait3A_152 : memref<96xi32, #tpu.memory_space<hbm>>) dst(%arg7 : memref<96xi32, #tpu.memory_space<vmem>>)
        %dma_wait3A_153 = tpu.memref_slice %arg5[%multiple_of3A_150] : memref<165888xi32, #tpu.memory_space<hbm>> -> memref<96xi32, #tpu.memory_space<hbm>>
        %dma_wait3A_154 = tpu.memref_slice %arg5[%multiple_of3A_150] : memref<165888xi32, #tpu.memory_space<hbm>> -> memref<96xi32, #tpu.memory_space<hbm>>
        tpu.wait_dma2 semaphore(%arg20 : memref<!tpu.dma_semaphore, #tpu.memory_space<semaphore_mem>>) src(%dma_wait3A_154 : memref<96xi32, #tpu.memory_space<hbm>>) dst(%arg10 : memref<96xi32, #tpu.memory_space<vmem>>)
        %add3A_155 = arith.constant 3 : i32
        %add3A_156 = arith.addi %add3A_100, %add3A_155 : i32
        %dma_start3A_157 = arith.constant 0 : i32
        %dma_start3A_158 = arith.constant 0 : i32
        %dma_start3A_159 = tpu.memref_slice %arg2[%dma_start3A_157, %dma_start3A_158] : memref<10000x128xf32, #tpu.memory_space<hbm>> -> memref<10000x128xf32, #tpu.memory_space<hbm>>
        tpu.enqueue_indirect_dma source(%dma_start3A_159 : memref<10000x128xf32, #tpu.memory_space<hbm>>) target(%arg13 : memref<96x128xf32, #tpu.memory_space<vmem>>) offsets(%arg7 : memref<96xi32, #tpu.memory_space<vmem>>) semaphore(%arg18 : memref<!tpu.dma_semaphore, #tpu.memory_space<semaphore_mem>>)
      } else {
      }
      %add3A_110 = arith.constant 1 : i32
      %add3A_111 = arith.addi %mul3A_98, %add3A_110 : i32
      %dma_wait3A_112 = arith.constant 0 : i32
      %dma_wait3A_113 = arith.constant 0 : i32
      %dma_wait3A_114 = tpu.memref_slice %arg2[%dma_wait3A_112, %dma_wait3A_113] : memref<10000x128xf32, #tpu.memory_space<hbm>> -> memref<10000x128xf32, #tpu.memory_space<hbm>>
      tpu.wait_indirect_dma semaphore(%arg19 : memref<!tpu.dma_semaphore, #tpu.memory_space<semaphore_mem>>) src(%dma_wait3A_114 : memref<10000x128xf32, #tpu.memory_space<hbm>>) dst(%arg14 : memref<96x128xf32, #tpu.memory_space<vmem>>)
      %add3A_115 = arith.constant 3 : i32
      %add3A_116 = arith.addi %add3A_111, %add3A_115 : i32
      %lt3A_117 = arith.constant 108 : i32
      %lt3A_118 = arith.cmpi slt, %add3A_116, %lt3A_117 : i32
      %convert_element_type3A_119 = arith.extui %lt3A_118 : i1 to i32
      %cond3A_120 = arith.constant 0 : i32
      %cond3A_121 = arith.cmpi ne, %convert_element_type3A_119, %cond3A_120 : i32
      scf.if %cond3A_121 {
        %add3A_135 = arith.constant 3 : i32
        %add3A_136 = arith.addi %add3A_111, %add3A_135 : i32
        %add3A_137 = arith.addi %mul3A_25, %add3A_136 : i32
        %mul3A_138 = arith.constant 96 : i32
        %mul3A_139 = arith.muli %add3A_137, %mul3A_138 : i32
        %multiple_of3A_140 = tpu.assume_multiple %mul3A_139, 96 : i32
        %dma_start3A_141 = tpu.memref_slice %arg4[%multiple_of3A_140] : memref<165888xi32, #tpu.memory_space<hbm>> -> memref<96xi32, #tpu.memory_space<hbm>>
        %dma_start3A_142 = tpu.memref_slice %arg4[%multiple_of3A_140] : memref<165888xi32, #tpu.memory_space<hbm>> -> memref<96xi32, #tpu.memory_space<hbm>>
        tpu.enqueue_dma source(%dma_start3A_142 : memref<96xi32, #tpu.memory_space<hbm>>) target(%arg8 : memref<96xi32, #tpu.memory_space<vmem>>) target_semaphore(%arg21 : memref<!tpu.dma_semaphore, #tpu.memory_space<semaphore_mem>>)
        %dma_start3A_143 = tpu.memref_slice %arg5[%multiple_of3A_140] : memref<165888xi32, #tpu.memory_space<hbm>> -> memref<96xi32, #tpu.memory_space<hbm>>
        %dma_start3A_144 = tpu.memref_slice %arg5[%multiple_of3A_140] : memref<165888xi32, #tpu.memory_space<hbm>> -> memref<96xi32, #tpu.memory_space<hbm>>
        tpu.enqueue_dma source(%dma_start3A_144 : memref<96xi32, #tpu.memory_space<hbm>>) target(%arg11 : memref<96xi32, #tpu.memory_space<vmem>>) target_semaphore(%arg21 : memref<!tpu.dma_semaphore, #tpu.memory_space<semaphore_mem>>)
        %add3A_145 = arith.constant 3 : i32
        %add3A_146 = arith.addi %add3A_111, %add3A_145 : i32
        %add3A_147 = arith.addi %mul3A_25, %add3A_146 : i32
        %mul3A_148 = arith.constant 96 : i32
        %mul3A_149 = arith.muli %add3A_147, %mul3A_148 : i32
        %multiple_of3A_150 = tpu.assume_multiple %mul3A_149, 96 : i32
        %dma_wait3A_151 = tpu.memref_slice %arg4[%multiple_of3A_150] : memref<165888xi32, #tpu.memory_space<hbm>> -> memref<96xi32, #tpu.memory_space<hbm>>
        %dma_wait3A_152 = tpu.memref_slice %arg4[%multiple_of3A_150] : memref<165888xi32, #tpu.memory_space<hbm>> -> memref<96xi32, #tpu.memory_space<hbm>>
        tpu.wait_dma2 semaphore(%arg21 : memref<!tpu.dma_semaphore, #tpu.memory_space<semaphore_mem>>) src(%dma_wait3A_152 : memref<96xi32, #tpu.memory_space<hbm>>) dst(%arg8 : memref<96xi32, #tpu.memory_space<vmem>>)
        %dma_wait3A_153 = tpu.memref_slice %arg5[%multiple_of3A_150] : memref<165888xi32, #tpu.memory_space<hbm>> -> memref<96xi32, #tpu.memory_space<hbm>>
        %dma_wait3A_154 = tpu.memref_slice %arg5[%multiple_of3A_150] : memref<165888xi32, #tpu.memory_space<hbm>> -> memref<96xi32, #tpu.memory_space<hbm>>
        tpu.wait_dma2 semaphore(%arg21 : memref<!tpu.dma_semaphore, #tpu.memory_space<semaphore_mem>>) src(%dma_wait3A_154 : memref<96xi32, #tpu.memory_space<hbm>>) dst(%arg11 : memref<96xi32, #tpu.memory_space<vmem>>)
        %add3A_155 = arith.constant 3 : i32
        %add3A_156 = arith.addi %add3A_111, %add3A_155 : i32
        %dma_start3A_157 = arith.constant 0 : i32
        %dma_start3A_158 = arith.constant 0 : i32
        %dma_start3A_159 = tpu.memref_slice %arg2[%dma_start3A_157, %dma_start3A_158] : memref<10000x128xf32, #tpu.memory_space<hbm>> -> memref<10000x128xf32, #tpu.memory_space<hbm>>
        tpu.enqueue_indirect_dma source(%dma_start3A_159 : memref<10000x128xf32, #tpu.memory_space<hbm>>) target(%arg14 : memref<96x128xf32, #tpu.memory_space<vmem>>) offsets(%arg8 : memref<96xi32, #tpu.memory_space<vmem>>) semaphore(%arg19 : memref<!tpu.dma_semaphore, #tpu.memory_space<semaphore_mem>>)
      } else {
      }
      %add3A_122 = arith.constant 2 : i32
      %add3A_123 = arith.addi %mul3A_98, %add3A_122 : i32
      %dma_wait3A_124 = arith.constant 0 : i32
      %dma_wait3A_125 = arith.constant 0 : i32
      %dma_wait3A_126 = tpu.memref_slice %arg2[%dma_wait3A_124, %dma_wait3A_125] : memref<10000x128xf32, #tpu.memory_space<hbm>> -> memref<10000x128xf32, #tpu.memory_space<hbm>>
      tpu.wait_indirect_dma semaphore(%arg23 : memref<!tpu.dma_semaphore, #tpu.memory_space<semaphore_mem>>) src(%dma_wait3A_126 : memref<10000x128xf32, #tpu.memory_space<hbm>>) dst(%arg15 : memref<96x128xf32, #tpu.memory_space<vmem>>)
      %add3A_127 = arith.constant 3 : i32
      %add3A_128 = arith.addi %add3A_123, %add3A_127 : i32
      %lt3A_129 = arith.constant 108 : i32
      %lt3A_130 = arith.cmpi slt, %add3A_128, %lt3A_129 : i32
      %convert_element_type3A_131 = arith.extui %lt3A_130 : i1 to i32
      %cond3A_132 = arith.constant 0 : i32
      %cond3A_133 = arith.cmpi ne, %convert_element_type3A_131, %cond3A_132 : i32
      scf.if %cond3A_133 {
        %add3A_135 = arith.constant 3 : i32
        %add3A_136 = arith.addi %add3A_123, %add3A_135 : i32
        %add3A_137 = arith.addi %mul3A_25, %add3A_136 : i32
        %mul3A_138 = arith.constant 96 : i32
        %mul3A_139 = arith.muli %add3A_137, %mul3A_138 : i32
        %multiple_of3A_140 = tpu.assume_multiple %mul3A_139, 96 : i32
        %dma_start3A_141 = tpu.memref_slice %arg4[%multiple_of3A_140] : memref<165888xi32, #tpu.memory_space<hbm>> -> memref<96xi32, #tpu.memory_space<hbm>>
        %dma_start3A_142 = tpu.memref_slice %arg4[%multiple_of3A_140] : memref<165888xi32, #tpu.memory_space<hbm>> -> memref<96xi32, #tpu.memory_space<hbm>>
        tpu.enqueue_dma source(%dma_start3A_142 : memref<96xi32, #tpu.memory_space<hbm>>) target(%arg9 : memref<96xi32, #tpu.memory_space<vmem>>) target_semaphore(%arg22 : memref<!tpu.dma_semaphore, #tpu.memory_space<semaphore_mem>>)
        %dma_start3A_143 = tpu.memref_slice %arg5[%multiple_of3A_140] : memref<165888xi32, #tpu.memory_space<hbm>> -> memref<96xi32, #tpu.memory_space<hbm>>
        %dma_start3A_144 = tpu.memref_slice %arg5[%multiple_of3A_140] : memref<165888xi32, #tpu.memory_space<hbm>> -> memref<96xi32, #tpu.memory_space<hbm>>
        tpu.enqueue_dma source(%dma_start3A_144 : memref<96xi32, #tpu.memory_space<hbm>>) target(%arg12 : memref<96xi32, #tpu.memory_space<vmem>>) target_semaphore(%arg22 : memref<!tpu.dma_semaphore, #tpu.memory_space<semaphore_mem>>)
        %add3A_145 = arith.constant 3 : i32
        %add3A_146 = arith.addi %add3A_123, %add3A_145 : i32
        %add3A_147 = arith.addi %mul3A_25, %add3A_146 : i32
        %mul3A_148 = arith.constant 96 : i32
        %mul3A_149 = arith.muli %add3A_147, %mul3A_148 : i32
        %multiple_of3A_150 = tpu.assume_multiple %mul3A_149, 96 : i32
        %dma_wait3A_151 = tpu.memref_slice %arg4[%multiple_of3A_150] : memref<165888xi32, #tpu.memory_space<hbm>> -> memref<96xi32, #tpu.memory_space<hbm>>
        %dma_wait3A_152 = tpu.memref_slice %arg4[%multiple_of3A_150] : memref<165888xi32, #tpu.memory_space<hbm>> -> memref<96xi32, #tpu.memory_space<hbm>>
        tpu.wait_dma2 semaphore(%arg22 : memref<!tpu.dma_semaphore, #tpu.memory_space<semaphore_mem>>) src(%dma_wait3A_152 : memref<96xi32, #tpu.memory_space<hbm>>) dst(%arg9 : memref<96xi32, #tpu.memory_space<vmem>>)
        %dma_wait3A_153 = tpu.memref_slice %arg5[%multiple_of3A_150] : memref<165888xi32, #tpu.memory_space<hbm>> -> memref<96xi32, #tpu.memory_space<hbm>>
        %dma_wait3A_154 = tpu.memref_slice %arg5[%multiple_of3A_150] : memref<165888xi32, #tpu.memory_space<hbm>> -> memref<96xi32, #tpu.memory_space<hbm>>
        tpu.wait_dma2 semaphore(%arg22 : memref<!tpu.dma_semaphore, #tpu.memory_space<semaphore_mem>>) src(%dma_wait3A_154 : memref<96xi32, #tpu.memory_space<hbm>>) dst(%arg12 : memref<96xi32, #tpu.memory_space<vmem>>)
        %add3A_155 = arith.constant 3 : i32
        %add3A_156 = arith.addi %add3A_123, %add3A_155 : i32
        %dma_start3A_157 = arith.constant 0 : i32
        %dma_start3A_158 = arith.constant 0 : i32
        %dma_start3A_159 = tpu.memref_slice %arg2[%dma_start3A_157, %dma_start3A_158] : memref<10000x128xf32, #tpu.memory_space<hbm>> -> memref<10000x128xf32, #tpu.memory_space<hbm>>
        tpu.enqueue_indirect_dma source(%dma_start3A_159 : memref<10000x128xf32, #tpu.memory_space<hbm>>) target(%arg15 : memref<96x128xf32, #tpu.memory_space<vmem>>) offsets(%arg9 : memref<96xi32, #tpu.memory_space<vmem>>) semaphore(%arg23 : memref<!tpu.dma_semaphore, #tpu.memory_space<semaphore_mem>>)
      } else {
      }
      %scan3A_134 = arith.constant 0 : i32
      scf.yield %scan3A_134 : i32
    }
    %scan3A_93 = arith.constant 36 : i32
    %barrier3A_94 = arith.constant 0 : index
    tpu.barrier barrier_id(%barrier3A_94)
    "tpu.region"() ({
      %run_scoped3A = tpu.sem_alloc : memref<!tpu.dma_semaphore, #tpu.memory_space<semaphore_mem>>
      %dma_start3A_95 = arith.constant 0 : i32
      %dma_start3A_96 = tpu.memref_slice %arg6[%arg0, %mul3A_6, %dma_start3A_95] : memref<2x10000x128xf32, #tpu.memory_space<hbm>> -> memref<1x624x128xf32, #tpu.memory_space<hbm>>
      %dma_start3A_97 = tpu.memref_squeeze %dma_start3A_96 : memref<1x624x128xf32, #tpu.memory_space<hbm>> -> memref<624x128xf32, #tpu.memory_space<hbm>>
      %dma_start3A_98 = arith.constant 0 : i32
      %dma_start3A_99 = tpu.memref_slice %arg17[%mul3A_6, %dma_start3A_98] : memref<10000x128xf32, #tpu.memory_space<vmem_shared>> -> memref<624x128xf32, #tpu.memory_space<vmem_shared>>
      tpu.enqueue_dma source(%dma_start3A_99 : memref<624x128xf32, #tpu.memory_space<vmem_shared>>) target(%dma_start3A_97 : memref<624x128xf32, #tpu.memory_space<hbm>>) target_semaphore(%run_scoped3A : memref<!tpu.dma_semaphore, #tpu.memory_space<semaphore_mem>>)
      %dma_wait3A_100 = arith.constant 0 : i32
      %dma_wait3A_101 = tpu.memref_slice %arg6[%arg0, %mul3A_6, %dma_wait3A_100] : memref<2x10000x128xf32, #tpu.memory_space<hbm>> -> memref<1x624x128xf32, #tpu.memory_space<hbm>>
      %dma_wait3A_102 = tpu.memref_squeeze %dma_wait3A_101 : memref<1x624x128xf32, #tpu.memory_space<hbm>> -> memref<624x128xf32, #tpu.memory_space<hbm>>
      %dma_wait3A_103 = arith.constant 0 : i32
      %dma_wait3A_104 = tpu.memref_slice %arg17[%mul3A_6, %dma_wait3A_103] : memref<10000x128xf32, #tpu.memory_space<vmem_shared>> -> memref<624x128xf32, #tpu.memory_space<vmem_shared>>
      tpu.wait_dma2 semaphore(%run_scoped3A : memref<!tpu.dma_semaphore, #tpu.memory_space<semaphore_mem>>) src(%dma_wait3A_104 : memref<624x128xf32, #tpu.memory_space<vmem_shared>>) dst(%dma_wait3A_102 : memref<624x128xf32, #tpu.memory_space<hbm>>)
      tpu.yield
    }) : () -> ()
    return
  }
}

#map = affine_map<(d0, d1) -> (0, 0)>
#map1 = affine_map<(d0, d1) -> (0)>
#map2 = affine_map<(d0, d1) -> (0, 0, 0)>
module attributes {stable_mosaic.version = 14 : i64} {
  func.func @_sc_agg_body(%arg0: i32, %arg1: i32, %arg2: memref<10000x128xf32, #tpu.memory_space<hbm>>, %arg3: memref<165888x256xf32, #tpu.memory_space<hbm>>, %arg4: memref<165888xi32, #tpu.memory_space<hbm>>, %arg5: memref<165888xi32, #tpu.memory_space<hbm>>, %arg6: memref<2x10000x128xf32, #tpu.memory_space<hbm>>, %arg7: memref<96xi32, #tpu.memory_space<vmem>>, %arg8: memref<96xi32, #tpu.memory_space<vmem>>, %arg9: memref<96xi32, #tpu.memory_space<vmem>>, %arg10: memref<96xi32, #tpu.memory_space<vmem>>, %arg11: memref<96xi32, #tpu.memory_space<vmem>>, %arg12: memref<96xi32, #tpu.memory_space<vmem>>, %arg13: memref<96x128xf32, #tpu.memory_space<vmem>>, %arg14: memref<96x128xf32, #tpu.memory_space<vmem>>, %arg15: memref<96x128xf32, #tpu.memory_space<vmem>>, %arg16: memref<96x128xf32, #tpu.memory_space<vmem>>, %arg17: memref<10000x128xf32, #tpu.memory_space<vmem_shared>>, %arg18: memref<!tpu.dma_semaphore, #tpu.memory_space<semaphore_mem>>, %arg19: memref<!tpu.dma_semaphore, #tpu.memory_space<semaphore_mem>>, %arg20: memref<!tpu.dma_semaphore, #tpu.memory_space<semaphore_mem>>, %arg21: memref<!tpu.dma_semaphore, #tpu.memory_space<semaphore_mem>>, %arg22: memref<!tpu.dma_semaphore, #tpu.memory_space<semaphore_mem>>, %arg23: memref<!tpu.dma_semaphore, #tpu.memory_space<semaphore_mem>>, %arg24: memref<!tpu.dma_semaphore, #tpu.memory_space<semaphore_mem>>) attributes {dimension_semantics = [#tpu.dimension_semantics<core_parallel>, #tpu.dimension_semantics<subcore_parallel>], iteration_bounds = array<i64: 2, 16>, scalar_prefetch = 0 : i64, scratch_operands = 18 : i64, tpu.core_type = #tpu.core_type<sc_vector_subcore>, window_params = [{transform_indices = #map}, {transform_indices = #map}, {transform_indices = #map1}, {transform_indices = #map1}, {transform_indices = #map2}]} {
    %scan3A = arith.constant 0 : i32
    %scan3A_0 = arith.constant 0 : i32
    %scan3A_1 = arith.constant 96 : i32
    %scan3A_2 = arith.addi %scan3A_0, %scan3A_1 : i32
    %scan3A_3 = arith.constant 1 : i32
    %scan3A_4 = scf.for %scan3A_95 = %scan3A_0 to %scan3A_2 step %scan3A_3 iter_args(%scan3A_96 = %scan3A) -> (i32)  : i32 {
      %broadcast_in_dim3A = arith.constant 0.000000e+00 : f32
      %broadcast_in_dim3A_97 = vector.broadcast %broadcast_in_dim3A : f32 to vector<16xf32>
      %swap3A = arith.index_cast %scan3A_95 : i32 to index
      %swap3A_98 = arith.constant 0 : index
      %swap3A_99 = tpu.vector_load %arg15[%swap3A, %swap3A_98] {strides = array<i32>} : memref<96x128xf32, #tpu.memory_space<vmem>>, vector<1x16xf32>,
      %swap3A_100 = vector.shape_cast %swap3A_99 : vector<1x16xf32> to vector<16xf32>
      %swap3A_101 = vector.shape_cast %broadcast_in_dim3A_97 : vector<16xf32> to vector<1x16xf32>
      tpu.vector_store %arg15[%swap3A, %swap3A_98], %swap3A_101 {strides = array<i32>} : memref<96x128xf32, #tpu.memory_space<vmem>>, vector<1x16xf32>,
      %broadcast_in_dim3A_102 = arith.constant 0.000000e+00 : f32
      %broadcast_in_dim3A_103 = vector.broadcast %broadcast_in_dim3A_102 : f32 to vector<16xf32>
      %swap3A_104 = arith.index_cast %scan3A_95 : i32 to index
      %swap3A_105 = arith.constant 16 : index
      %swap3A_106 = tpu.vector_load %arg15[%swap3A_104, %swap3A_105] {strides = array<i32>} : memref<96x128xf32, #tpu.memory_space<vmem>>, vector<1x16xf32>,
      %swap3A_107 = vector.shape_cast %swap3A_106 : vector<1x16xf32> to vector<16xf32>
      %swap3A_108 = vector.shape_cast %broadcast_in_dim3A_103 : vector<16xf32> to vector<1x16xf32>
      tpu.vector_store %arg15[%swap3A_104, %swap3A_105], %swap3A_108 {strides = array<i32>} : memref<96x128xf32, #tpu.memory_space<vmem>>, vector<1x16xf32>,
      %broadcast_in_dim3A_109 = arith.constant 0.000000e+00 : f32
      %broadcast_in_dim3A_110 = vector.broadcast %broadcast_in_dim3A_109 : f32 to vector<16xf32>
      %swap3A_111 = arith.index_cast %scan3A_95 : i32 to index
      %swap3A_112 = arith.constant 32 : index
      %swap3A_113 = tpu.vector_load %arg15[%swap3A_111, %swap3A_112] {strides = array<i32>} : memref<96x128xf32, #tpu.memory_space<vmem>>, vector<1x16xf32>,
      %swap3A_114 = vector.shape_cast %swap3A_113 : vector<1x16xf32> to vector<16xf32>
      %swap3A_115 = vector.shape_cast %broadcast_in_dim3A_110 : vector<16xf32> to vector<1x16xf32>
      tpu.vector_store %arg15[%swap3A_111, %swap3A_112], %swap3A_115 {strides = array<i32>} : memref<96x128xf32, #tpu.memory_space<vmem>>, vector<1x16xf32>,
      %broadcast_in_dim3A_116 = arith.constant 0.000000e+00 : f32
      %broadcast_in_dim3A_117 = vector.broadcast %broadcast_in_dim3A_116 : f32 to vector<16xf32>
      %swap3A_118 = arith.index_cast %scan3A_95 : i32 to index
      %swap3A_119 = arith.constant 48 : index
      %swap3A_120 = tpu.vector_load %arg15[%swap3A_118, %swap3A_119] {strides = array<i32>} : memref<96x128xf32, #tpu.memory_space<vmem>>, vector<1x16xf32>,
      %swap3A_121 = vector.shape_cast %swap3A_120 : vector<1x16xf32> to vector<16xf32>
      %swap3A_122 = vector.shape_cast %broadcast_in_dim3A_117 : vector<16xf32> to vector<1x16xf32>
      tpu.vector_store %arg15[%swap3A_118, %swap3A_119], %swap3A_122 {strides = array<i32>} : memref<96x128xf32, #tpu.memory_space<vmem>>, vector<1x16xf32>,
      %broadcast_in_dim3A_123 = arith.constant 0.000000e+00 : f32
      %broadcast_in_dim3A_124 = vector.broadcast %broadcast_in_dim3A_123 : f32 to vector<16xf32>
      %swap3A_125 = arith.index_cast %scan3A_95 : i32 to index
      %swap3A_126 = arith.constant 64 : index
      %swap3A_127 = tpu.vector_load %arg15[%swap3A_125, %swap3A_126] {strides = array<i32>} : memref<96x128xf32, #tpu.memory_space<vmem>>, vector<1x16xf32>,
      %swap3A_128 = vector.shape_cast %swap3A_127 : vector<1x16xf32> to vector<16xf32>
      %swap3A_129 = vector.shape_cast %broadcast_in_dim3A_124 : vector<16xf32> to vector<1x16xf32>
      tpu.vector_store %arg15[%swap3A_125, %swap3A_126], %swap3A_129 {strides = array<i32>} : memref<96x128xf32, #tpu.memory_space<vmem>>, vector<1x16xf32>,
      %broadcast_in_dim3A_130 = arith.constant 0.000000e+00 : f32
      %broadcast_in_dim3A_131 = vector.broadcast %broadcast_in_dim3A_130 : f32 to vector<16xf32>
      %swap3A_132 = arith.index_cast %scan3A_95 : i32 to index
      %swap3A_133 = arith.constant 80 : index
      %swap3A_134 = tpu.vector_load %arg15[%swap3A_132, %swap3A_133] {strides = array<i32>} : memref<96x128xf32, #tpu.memory_space<vmem>>, vector<1x16xf32>,
      %swap3A_135 = vector.shape_cast %swap3A_134 : vector<1x16xf32> to vector<16xf32>
      %swap3A_136 = vector.shape_cast %broadcast_in_dim3A_131 : vector<16xf32> to vector<1x16xf32>
      tpu.vector_store %arg15[%swap3A_132, %swap3A_133], %swap3A_136 {strides = array<i32>} : memref<96x128xf32, #tpu.memory_space<vmem>>, vector<1x16xf32>,
      %broadcast_in_dim3A_137 = arith.constant 0.000000e+00 : f32
      %broadcast_in_dim3A_138 = vector.broadcast %broadcast_in_dim3A_137 : f32 to vector<16xf32>
      %swap3A_139 = arith.index_cast %scan3A_95 : i32 to index
      %swap3A_140 = arith.constant 96 : index
      %swap3A_141 = tpu.vector_load %arg15[%swap3A_139, %swap3A_140] {strides = array<i32>} : memref<96x128xf32, #tpu.memory_space<vmem>>, vector<1x16xf32>,
      %swap3A_142 = vector.shape_cast %swap3A_141 : vector<1x16xf32> to vector<16xf32>
      %swap3A_143 = vector.shape_cast %broadcast_in_dim3A_138 : vector<16xf32> to vector<1x16xf32>
      tpu.vector_store %arg15[%swap3A_139, %swap3A_140], %swap3A_143 {strides = array<i32>} : memref<96x128xf32, #tpu.memory_space<vmem>>, vector<1x16xf32>,
      %broadcast_in_dim3A_144 = arith.constant 0.000000e+00 : f32
      %broadcast_in_dim3A_145 = vector.broadcast %broadcast_in_dim3A_144 : f32 to vector<16xf32>
      %swap3A_146 = arith.index_cast %scan3A_95 : i32 to index
      %swap3A_147 = arith.constant 112 : index
      %swap3A_148 = tpu.vector_load %arg15[%swap3A_146, %swap3A_147] {strides = array<i32>} : memref<96x128xf32, #tpu.memory_space<vmem>>, vector<1x16xf32>,
      %swap3A_149 = vector.shape_cast %swap3A_148 : vector<1x16xf32> to vector<16xf32>
      %swap3A_150 = vector.shape_cast %broadcast_in_dim3A_145 : vector<16xf32> to vector<1x16xf32>
      tpu.vector_store %arg15[%swap3A_146, %swap3A_147], %swap3A_150 {strides = array<i32>} : memref<96x128xf32, #tpu.memory_space<vmem>>, vector<1x16xf32>,
      %scan3A_151 = arith.constant 0 : i32
      scf.yield %scan3A_151 : i32
    }
    %scan3A_5 = arith.constant 96 : i32
    %mul3A = arith.constant 624 : i32
    %mul3A_6 = arith.muli %arg1, %mul3A : i32
    %add3A = arith.constant 0 : i32
    %add3A_7 = arith.addi %mul3A_6, %add3A : i32
    "tpu.region"() ({
      %run_scoped3A = tpu.sem_alloc : memref<!tpu.dma_semaphore, #tpu.memory_space<semaphore_mem>>
      %dma_start3A_95 = arith.constant 0 : i32
      %dma_start3A_96 = tpu.memref_slice %arg17[%add3A_7, %dma_start3A_95] : memref<10000x128xf32, #tpu.memory_space<vmem_shared>> -> memref<96x128xf32, #tpu.memory_space<vmem_shared>>
      %dma_start3A_97 = arith.constant 0 : i32
      %dma_start3A_98 = tpu.memref_slice %arg17[%add3A_7, %dma_start3A_97] : memref<10000x128xf32, #tpu.memory_space<vmem_shared>> -> memref<96x128xf32, #tpu.memory_space<vmem_shared>>
      tpu.enqueue_dma source(%arg15 : memref<96x128xf32, #tpu.memory_space<vmem>>) target(%dma_start3A_98 : memref<96x128xf32, #tpu.memory_space<vmem_shared>>) target_semaphore(%run_scoped3A : memref<!tpu.dma_semaphore, #tpu.memory_space<semaphore_mem>>)
      %dma_wait3A_99 = arith.constant 0 : i32
      %dma_wait3A_100 = tpu.memref_slice %arg17[%add3A_7, %dma_wait3A_99] : memref<10000x128xf32, #tpu.memory_space<vmem_shared>> -> memref<96x128xf32, #tpu.memory_space<vmem_shared>>
      %dma_wait3A_101 = arith.constant 0 : i32
      %dma_wait3A_102 = tpu.memref_slice %arg17[%add3A_7, %dma_wait3A_101] : memref<10000x128xf32, #tpu.memory_space<vmem_shared>> -> memref<96x128xf32, #tpu.memory_space<vmem_shared>>
      tpu.wait_dma2 semaphore(%run_scoped3A : memref<!tpu.dma_semaphore, #tpu.memory_space<semaphore_mem>>) src(%arg15 : memref<96x128xf32, #tpu.memory_space<vmem>>) dst(%dma_wait3A_102 : memref<96x128xf32, #tpu.memory_space<vmem_shared>>)
      tpu.yield
    }) : () -> ()
    %add3A_8 = arith.constant 96 : i32
    %add3A_9 = arith.addi %mul3A_6, %add3A_8 : i32
    "tpu.region"() ({
      %run_scoped3A = tpu.sem_alloc : memref<!tpu.dma_semaphore, #tpu.memory_space<semaphore_mem>>
      %dma_start3A_95 = arith.constant 0 : i32
      %dma_start3A_96 = tpu.memref_slice %arg17[%add3A_9, %dma_start3A_95] : memref<10000x128xf32, #tpu.memory_space<vmem_shared>> -> memref<96x128xf32, #tpu.memory_space<vmem_shared>>
      %dma_start3A_97 = arith.constant 0 : i32
      %dma_start3A_98 = tpu.memref_slice %arg17[%add3A_9, %dma_start3A_97] : memref<10000x128xf32, #tpu.memory_space<vmem_shared>> -> memref<96x128xf32, #tpu.memory_space<vmem_shared>>
      tpu.enqueue_dma source(%arg15 : memref<96x128xf32, #tpu.memory_space<vmem>>) target(%dma_start3A_98 : memref<96x128xf32, #tpu.memory_space<vmem_shared>>) target_semaphore(%run_scoped3A : memref<!tpu.dma_semaphore, #tpu.memory_space<semaphore_mem>>)
      %dma_wait3A_99 = arith.constant 0 : i32
      %dma_wait3A_100 = tpu.memref_slice %arg17[%add3A_9, %dma_wait3A_99] : memref<10000x128xf32, #tpu.memory_space<vmem_shared>> -> memref<96x128xf32, #tpu.memory_space<vmem_shared>>
      %dma_wait3A_101 = arith.constant 0 : i32
      %dma_wait3A_102 = tpu.memref_slice %arg17[%add3A_9, %dma_wait3A_101] : memref<10000x128xf32, #tpu.memory_space<vmem_shared>> -> memref<96x128xf32, #tpu.memory_space<vmem_shared>>
      tpu.wait_dma2 semaphore(%run_scoped3A : memref<!tpu.dma_semaphore, #tpu.memory_space<semaphore_mem>>) src(%arg15 : memref<96x128xf32, #tpu.memory_space<vmem>>) dst(%dma_wait3A_102 : memref<96x128xf32, #tpu.memory_space<vmem_shared>>)
      tpu.yield
    }) : () -> ()
    %add3A_10 = arith.constant 192 : i32
    %add3A_11 = arith.addi %mul3A_6, %add3A_10 : i32
    "tpu.region"() ({
      %run_scoped3A = tpu.sem_alloc : memref<!tpu.dma_semaphore, #tpu.memory_space<semaphore_mem>>
      %dma_start3A_95 = arith.constant 0 : i32
      %dma_start3A_96 = tpu.memref_slice %arg17[%add3A_11, %dma_start3A_95] : memref<10000x128xf32, #tpu.memory_space<vmem_shared>> -> memref<96x128xf32, #tpu.memory_space<vmem_shared>>
      %dma_start3A_97 = arith.constant 0 : i32
      %dma_start3A_98 = tpu.memref_slice %arg17[%add3A_11, %dma_start3A_97] : memref<10000x128xf32, #tpu.memory_space<vmem_shared>> -> memref<96x128xf32, #tpu.memory_space<vmem_shared>>
      tpu.enqueue_dma source(%arg15 : memref<96x128xf32, #tpu.memory_space<vmem>>) target(%dma_start3A_98 : memref<96x128xf32, #tpu.memory_space<vmem_shared>>) target_semaphore(%run_scoped3A : memref<!tpu.dma_semaphore, #tpu.memory_space<semaphore_mem>>)
      %dma_wait3A_99 = arith.constant 0 : i32
      %dma_wait3A_100 = tpu.memref_slice %arg17[%add3A_11, %dma_wait3A_99] : memref<10000x128xf32, #tpu.memory_space<vmem_shared>> -> memref<96x128xf32, #tpu.memory_space<vmem_shared>>
      %dma_wait3A_101 = arith.constant 0 : i32
      %dma_wait3A_102 = tpu.memref_slice %arg17[%add3A_11, %dma_wait3A_101] : memref<10000x128xf32, #tpu.memory_space<vmem_shared>> -> memref<96x128xf32, #tpu.memory_space<vmem_shared>>
      tpu.wait_dma2 semaphore(%run_scoped3A : memref<!tpu.dma_semaphore, #tpu.memory_space<semaphore_mem>>) src(%arg15 : memref<96x128xf32, #tpu.memory_space<vmem>>) dst(%dma_wait3A_102 : memref<96x128xf32, #tpu.memory_space<vmem_shared>>)
      tpu.yield
    }) : () -> ()
    %add3A_12 = arith.constant 288 : i32
    %add3A_13 = arith.addi %mul3A_6, %add3A_12 : i32
    "tpu.region"() ({
      %run_scoped3A = tpu.sem_alloc : memref<!tpu.dma_semaphore, #tpu.memory_space<semaphore_mem>>
      %dma_start3A_95 = arith.constant 0 : i32
      %dma_start3A_96 = tpu.memref_slice %arg17[%add3A_13, %dma_start3A_95] : memref<10000x128xf32, #tpu.memory_space<vmem_shared>> -> memref<96x128xf32, #tpu.memory_space<vmem_shared>>
      %dma_start3A_97 = arith.constant 0 : i32
      %dma_start3A_98 = tpu.memref_slice %arg17[%add3A_13, %dma_start3A_97] : memref<10000x128xf32, #tpu.memory_space<vmem_shared>> -> memref<96x128xf32, #tpu.memory_space<vmem_shared>>
      tpu.enqueue_dma source(%arg15 : memref<96x128xf32, #tpu.memory_space<vmem>>) target(%dma_start3A_98 : memref<96x128xf32, #tpu.memory_space<vmem_shared>>) target_semaphore(%run_scoped3A : memref<!tpu.dma_semaphore, #tpu.memory_space<semaphore_mem>>)
      %dma_wait3A_99 = arith.constant 0 : i32
      %dma_wait3A_100 = tpu.memref_slice %arg17[%add3A_13, %dma_wait3A_99] : memref<10000x128xf32, #tpu.memory_space<vmem_shared>> -> memref<96x128xf32, #tpu.memory_space<vmem_shared>>
      %dma_wait3A_101 = arith.constant 0 : i32
      %dma_wait3A_102 = tpu.memref_slice %arg17[%add3A_13, %dma_wait3A_101] : memref<10000x128xf32, #tpu.memory_space<vmem_shared>> -> memref<96x128xf32, #tpu.memory_space<vmem_shared>>
      tpu.wait_dma2 semaphore(%run_scoped3A : memref<!tpu.dma_semaphore, #tpu.memory_space<semaphore_mem>>) src(%arg15 : memref<96x128xf32, #tpu.memory_space<vmem>>) dst(%dma_wait3A_102 : memref<96x128xf32, #tpu.memory_space<vmem_shared>>)
      tpu.yield
    }) : () -> ()
    %add3A_14 = arith.constant 384 : i32
    %add3A_15 = arith.addi %mul3A_6, %add3A_14 : i32
    "tpu.region"() ({
      %run_scoped3A = tpu.sem_alloc : memref<!tpu.dma_semaphore, #tpu.memory_space<semaphore_mem>>
      %dma_start3A_95 = arith.constant 0 : i32
      %dma_start3A_96 = tpu.memref_slice %arg17[%add3A_15, %dma_start3A_95] : memref<10000x128xf32, #tpu.memory_space<vmem_shared>> -> memref<96x128xf32, #tpu.memory_space<vmem_shared>>
      %dma_start3A_97 = arith.constant 0 : i32
      %dma_start3A_98 = tpu.memref_slice %arg17[%add3A_15, %dma_start3A_97] : memref<10000x128xf32, #tpu.memory_space<vmem_shared>> -> memref<96x128xf32, #tpu.memory_space<vmem_shared>>
      tpu.enqueue_dma source(%arg15 : memref<96x128xf32, #tpu.memory_space<vmem>>) target(%dma_start3A_98 : memref<96x128xf32, #tpu.memory_space<vmem_shared>>) target_semaphore(%run_scoped3A : memref<!tpu.dma_semaphore, #tpu.memory_space<semaphore_mem>>)
      %dma_wait3A_99 = arith.constant 0 : i32
      %dma_wait3A_100 = tpu.memref_slice %arg17[%add3A_15, %dma_wait3A_99] : memref<10000x128xf32, #tpu.memory_space<vmem_shared>> -> memref<96x128xf32, #tpu.memory_space<vmem_shared>>
      %dma_wait3A_101 = arith.constant 0 : i32
      %dma_wait3A_102 = tpu.memref_slice %arg17[%add3A_15, %dma_wait3A_101] : memref<10000x128xf32, #tpu.memory_space<vmem_shared>> -> memref<96x128xf32, #tpu.memory_space<vmem_shared>>
      tpu.wait_dma2 semaphore(%run_scoped3A : memref<!tpu.dma_semaphore, #tpu.memory_space<semaphore_mem>>) src(%arg15 : memref<96x128xf32, #tpu.memory_space<vmem>>) dst(%dma_wait3A_102 : memref<96x128xf32, #tpu.memory_space<vmem_shared>>)
      tpu.yield
    }) : () -> ()
    %add3A_16 = arith.constant 480 : i32
    %add3A_17 = arith.addi %mul3A_6, %add3A_16 : i32
    "tpu.region"() ({
      %run_scoped3A = tpu.sem_alloc : memref<!tpu.dma_semaphore, #tpu.memory_space<semaphore_mem>>
      %dma_start3A_95 = arith.constant 0 : i32
      %dma_start3A_96 = tpu.memref_slice %arg17[%add3A_17, %dma_start3A_95] : memref<10000x128xf32, #tpu.memory_space<vmem_shared>> -> memref<96x128xf32, #tpu.memory_space<vmem_shared>>
      %dma_start3A_97 = arith.constant 0 : i32
      %dma_start3A_98 = tpu.memref_slice %arg17[%add3A_17, %dma_start3A_97] : memref<10000x128xf32, #tpu.memory_space<vmem_shared>> -> memref<96x128xf32, #tpu.memory_space<vmem_shared>>
      tpu.enqueue_dma source(%arg15 : memref<96x128xf32, #tpu.memory_space<vmem>>) target(%dma_start3A_98 : memref<96x128xf32, #tpu.memory_space<vmem_shared>>) target_semaphore(%run_scoped3A : memref<!tpu.dma_semaphore, #tpu.memory_space<semaphore_mem>>)
      %dma_wait3A_99 = arith.constant 0 : i32
      %dma_wait3A_100 = tpu.memref_slice %arg17[%add3A_17, %dma_wait3A_99] : memref<10000x128xf32, #tpu.memory_space<vmem_shared>> -> memref<96x128xf32, #tpu.memory_space<vmem_shared>>
      %dma_wait3A_101 = arith.constant 0 : i32
      %dma_wait3A_102 = tpu.memref_slice %arg17[%add3A_17, %dma_wait3A_101] : memref<10000x128xf32, #tpu.memory_space<vmem_shared>> -> memref<96x128xf32, #tpu.memory_space<vmem_shared>>
      tpu.wait_dma2 semaphore(%run_scoped3A : memref<!tpu.dma_semaphore, #tpu.memory_space<semaphore_mem>>) src(%arg15 : memref<96x128xf32, #tpu.memory_space<vmem>>) dst(%dma_wait3A_102 : memref<96x128xf32, #tpu.memory_space<vmem_shared>>)
      tpu.yield
    }) : () -> ()
    %add3A_18 = arith.constant 576 : i32
    %add3A_19 = arith.addi %mul3A_6, %add3A_18 : i32
    "tpu.region"() ({
      %run_scoped3A = tpu.sem_alloc : memref<!tpu.dma_semaphore, #tpu.memory_space<semaphore_mem>>
      %dma_start3A_95 = arith.constant 0 : i32
      %dma_start3A_96 = arith.constant 0 : i32
      %dma_start3A_97 = tpu.memref_slice %arg15[%dma_start3A_95, %dma_start3A_96] : memref<96x128xf32, #tpu.memory_space<vmem>> -> memref<48x128xf32, #tpu.memory_space<vmem>>
      %dma_start3A_98 = arith.constant 0 : i32
      %dma_start3A_99 = tpu.memref_slice %arg17[%add3A_19, %dma_start3A_98] : memref<10000x128xf32, #tpu.memory_space<vmem_shared>> -> memref<48x128xf32, #tpu.memory_space<vmem_shared>>
      %dma_start3A_100 = arith.constant 0 : i32
      %dma_start3A_101 = tpu.memref_slice %arg17[%add3A_19, %dma_start3A_100] : memref<10000x128xf32, #tpu.memory_space<vmem_shared>> -> memref<48x128xf32, #tpu.memory_space<vmem_shared>>
      %dma_start3A_102 = arith.constant 0 : i32
      %dma_start3A_103 = arith.constant 0 : i32
      %dma_start3A_104 = tpu.memref_slice %arg15[%dma_start3A_102, %dma_start3A_103] : memref<96x128xf32, #tpu.memory_space<vmem>> -> memref<48x128xf32, #tpu.memory_space<vmem>>
      tpu.enqueue_dma source(%dma_start3A_104 : memref<48x128xf32, #tpu.memory_space<vmem>>) target(%dma_start3A_101 : memref<48x128xf32, #tpu.memory_space<vmem_shared>>) target_semaphore(%run_scoped3A : memref<!tpu.dma_semaphore, #tpu.memory_space<semaphore_mem>>)
      %dma_wait3A_105 = arith.constant 0 : i32
      %dma_wait3A_106 = arith.constant 0 : i32
      %dma_wait3A_107 = tpu.memref_slice %arg15[%dma_wait3A_105, %dma_wait3A_106] : memref<96x128xf32, #tpu.memory_space<vmem>> -> memref<48x128xf32, #tpu.memory_space<vmem>>
      %dma_wait3A_108 = arith.constant 0 : i32
      %dma_wait3A_109 = tpu.memref_slice %arg17[%add3A_19, %dma_wait3A_108] : memref<10000x128xf32, #tpu.memory_space<vmem_shared>> -> memref<48x128xf32, #tpu.memory_space<vmem_shared>>
      %dma_wait3A_110 = arith.constant 0 : i32
      %dma_wait3A_111 = tpu.memref_slice %arg17[%add3A_19, %dma_wait3A_110] : memref<10000x128xf32, #tpu.memory_space<vmem_shared>> -> memref<48x128xf32, #tpu.memory_space<vmem_shared>>
      %dma_wait3A_112 = arith.constant 0 : i32
      %dma_wait3A_113 = arith.constant 0 : i32
      %dma_wait3A_114 = tpu.memref_slice %arg15[%dma_wait3A_112, %dma_wait3A_113] : memref<96x128xf32, #tpu.memory_space<vmem>> -> memref<48x128xf32, #tpu.memory_space<vmem>>
      tpu.wait_dma2 semaphore(%run_scoped3A : memref<!tpu.dma_semaphore, #tpu.memory_space<semaphore_mem>>) src(%dma_wait3A_114 : memref<48x128xf32, #tpu.memory_space<vmem>>) dst(%dma_wait3A_111 : memref<48x128xf32, #tpu.memory_space<vmem_shared>>)
      tpu.yield
    }) : () -> ()
    %eq3A = arith.constant 15 : i32
    %eq3A_20 = arith.cmpi eq, %arg1, %eq3A : i32
    %convert_element_type3A = arith.extui %eq3A_20 : i1 to i32
    %cond3A = arith.constant 0 : i32
    %cond3A_21 = arith.cmpi ne, %convert_element_type3A, %cond3A : i32
    scf.if %cond3A_21 {
      "tpu.region"() ({
        %run_scoped3A = tpu.sem_alloc : memref<!tpu.dma_semaphore, #tpu.memory_space<semaphore_mem>>
        %dma_start3A_95 = arith.constant 0 : i32
        %dma_start3A_96 = arith.constant 0 : i32
        %dma_start3A_97 = tpu.memref_slice %arg15[%dma_start3A_95, %dma_start3A_96] : memref<96x128xf32, #tpu.memory_space<vmem>> -> memref<16x128xf32, #tpu.memory_space<vmem>>
        %dma_start3A_98 = arith.constant 9984 : i32
        %dma_start3A_99 = arith.constant 0 : i32
        %dma_start3A_100 = tpu.memref_slice %arg17[%dma_start3A_98, %dma_start3A_99] : memref<10000x128xf32, #tpu.memory_space<vmem_shared>> -> memref<16x128xf32, #tpu.memory_space<vmem_shared>>
        %dma_start3A_101 = arith.constant 9984 : i32
        %dma_start3A_102 = arith.constant 0 : i32
        %dma_start3A_103 = tpu.memref_slice %arg17[%dma_start3A_101, %dma_start3A_102] : memref<10000x128xf32, #tpu.memory_space<vmem_shared>> -> memref<16x128xf32, #tpu.memory_space<vmem_shared>>
        %dma_start3A_104 = arith.constant 0 : i32
        %dma_start3A_105 = arith.constant 0 : i32
        %dma_start3A_106 = tpu.memref_slice %arg15[%dma_start3A_104, %dma_start3A_105] : memref<96x128xf32, #tpu.memory_space<vmem>> -> memref<16x128xf32, #tpu.memory_space<vmem>>
        tpu.enqueue_dma source(%dma_start3A_106 : memref<16x128xf32, #tpu.memory_space<vmem>>) target(%dma_start3A_103 : memref<16x128xf32, #tpu.memory_space<vmem_shared>>) target_semaphore(%run_scoped3A : memref<!tpu.dma_semaphore, #tpu.memory_space<semaphore_mem>>)
        %dma_wait3A_107 = arith.constant 0 : i32
        %dma_wait3A_108 = arith.constant 0 : i32
        %dma_wait3A_109 = tpu.memref_slice %arg15[%dma_wait3A_107, %dma_wait3A_108] : memref<96x128xf32, #tpu.memory_space<vmem>> -> memref<16x128xf32, #tpu.memory_space<vmem>>
        %dma_wait3A_110 = arith.constant 9984 : i32
        %dma_wait3A_111 = arith.constant 0 : i32
        %dma_wait3A_112 = tpu.memref_slice %arg17[%dma_wait3A_110, %dma_wait3A_111] : memref<10000x128xf32, #tpu.memory_space<vmem_shared>> -> memref<16x128xf32, #tpu.memory_space<vmem_shared>>
        %dma_wait3A_113 = arith.constant 9984 : i32
        %dma_wait3A_114 = arith.constant 0 : i32
        %dma_wait3A_115 = tpu.memref_slice %arg17[%dma_wait3A_113, %dma_wait3A_114] : memref<10000x128xf32, #tpu.memory_space<vmem_shared>> -> memref<16x128xf32, #tpu.memory_space<vmem_shared>>
        %dma_wait3A_116 = arith.constant 0 : i32
        %dma_wait3A_117 = arith.constant 0 : i32
        %dma_wait3A_118 = tpu.memref_slice %arg15[%dma_wait3A_116, %dma_wait3A_117] : memref<96x128xf32, #tpu.memory_space<vmem>> -> memref<16x128xf32, #tpu.memory_space<vmem>>
        tpu.wait_dma2 semaphore(%run_scoped3A : memref<!tpu.dma_semaphore, #tpu.memory_space<semaphore_mem>>) src(%dma_wait3A_118 : memref<16x128xf32, #tpu.memory_space<vmem>>) dst(%dma_wait3A_115 : memref<16x128xf32, #tpu.memory_space<vmem_shared>>)
        tpu.yield
      }) : () -> ()
    } else {
    }
    %barrier3A = arith.constant 0 : index
    tpu.barrier barrier_id(%barrier3A)
    %mul3A_22 = arith.constant 128 : i32
    %mul3A_23 = arith.muli %arg0, %mul3A_22 : i32
    %multiple_of3A = tpu.assume_multiple %mul3A_23, 128 : i32
    %mul3A_24 = arith.constant 108 : i32
    %mul3A_25 = arith.muli %arg1, %mul3A_24 : i32
    %add3A_26 = arith.constant 0 : i32
    %add3A_27 = arith.addi %mul3A_25, %add3A_26 : i32
    %mul3A_28 = arith.constant 96 : i32
    %mul3A_29 = arith.muli %add3A_27, %mul3A_28 : i32
    %multiple_of3A_30 = tpu.assume_multiple %mul3A_29, 96 : i32
    %dma_start3A = tpu.memref_slice %arg4[%multiple_of3A_30] : memref<165888xi32, #tpu.memory_space<hbm>> -> memref<96xi32, #tpu.memory_space<hbm>>
    %dma_start3A_31 = tpu.memref_slice %arg4[%multiple_of3A_30] : memref<165888xi32, #tpu.memory_space<hbm>> -> memref<96xi32, #tpu.memory_space<hbm>>
    tpu.enqueue_dma source(%dma_start3A_31 : memref<96xi32, #tpu.memory_space<hbm>>) target(%arg7 : memref<96xi32, #tpu.memory_space<vmem>>) target_semaphore(%arg20 : memref<!tpu.dma_semaphore, #tpu.memory_space<semaphore_mem>>)
    %dma_start3A_32 = tpu.memref_slice %arg5[%multiple_of3A_30] : memref<165888xi32, #tpu.memory_space<hbm>> -> memref<96xi32, #tpu.memory_space<hbm>>
    %dma_start3A_33 = tpu.memref_slice %arg5[%multiple_of3A_30] : memref<165888xi32, #tpu.memory_space<hbm>> -> memref<96xi32, #tpu.memory_space<hbm>>
    tpu.enqueue_dma source(%dma_start3A_33 : memref<96xi32, #tpu.memory_space<hbm>>) target(%arg10 : memref<96xi32, #tpu.memory_space<vmem>>) target_semaphore(%arg20 : memref<!tpu.dma_semaphore, #tpu.memory_space<semaphore_mem>>)
    %add3A_34 = arith.constant 1 : i32
    %add3A_35 = arith.addi %mul3A_25, %add3A_34 : i32
    %mul3A_36 = arith.constant 96 : i32
    %mul3A_37 = arith.muli %add3A_35, %mul3A_36 : i32
    %multiple_of3A_38 = tpu.assume_multiple %mul3A_37, 96 : i32
    %dma_start3A_39 = tpu.memref_slice %arg4[%multiple_of3A_38] : memref<165888xi32, #tpu.memory_space<hbm>> -> memref<96xi32, #tpu.memory_space<hbm>>
    %dma_start3A_40 = tpu.memref_slice %arg4[%multiple_of3A_38] : memref<165888xi32, #tpu.memory_space<hbm>> -> memref<96xi32, #tpu.memory_space<hbm>>
    tpu.enqueue_dma source(%dma_start3A_40 : memref<96xi32, #tpu.memory_space<hbm>>) target(%arg8 : memref<96xi32, #tpu.memory_space<vmem>>) target_semaphore(%arg21 : memref<!tpu.dma_semaphore, #tpu.memory_space<semaphore_mem>>)
    %dma_start3A_41 = tpu.memref_slice %arg5[%multiple_of3A_38] : memref<165888xi32, #tpu.memory_space<hbm>> -> memref<96xi32, #tpu.memory_space<hbm>>
    %dma_start3A_42 = tpu.memref_slice %arg5[%multiple_of3A_38] : memref<165888xi32, #tpu.memory_space<hbm>> -> memref<96xi32, #tpu.memory_space<hbm>>
    tpu.enqueue_dma source(%dma_start3A_42 : memref<96xi32, #tpu.memory_space<hbm>>) target(%arg11 : memref<96xi32, #tpu.memory_space<vmem>>) target_semaphore(%arg21 : memref<!tpu.dma_semaphore, #tpu.memory_space<semaphore_mem>>)
    %add3A_43 = arith.constant 2 : i32
    %add3A_44 = arith.addi %mul3A_25, %add3A_43 : i32
    %mul3A_45 = arith.constant 96 : i32
    %mul3A_46 = arith.muli %add3A_44, %mul3A_45 : i32
    %multiple_of3A_47 = tpu.assume_multiple %mul3A_46, 96 : i32
    %dma_start3A_48 = tpu.memref_slice %arg4[%multiple_of3A_47] : memref<165888xi32, #tpu.memory_space<hbm>> -> memref<96xi32, #tpu.memory_space<hbm>>
    %dma_start3A_49 = tpu.memref_slice %arg4[%multiple_of3A_47] : memref<165888xi32, #tpu.memory_space<hbm>> -> memref<96xi32, #tpu.memory_space<hbm>>
    tpu.enqueue_dma source(%dma_start3A_49 : memref<96xi32, #tpu.memory_space<hbm>>) target(%arg9 : memref<96xi32, #tpu.memory_space<vmem>>) target_semaphore(%arg22 : memref<!tpu.dma_semaphore, #tpu.memory_space<semaphore_mem>>)
    %dma_start3A_50 = tpu.memref_slice %arg5[%multiple_of3A_47] : memref<165888xi32, #tpu.memory_space<hbm>> -> memref<96xi32, #tpu.memory_space<hbm>>
    %dma_start3A_51 = tpu.memref_slice %arg5[%multiple_of3A_47] : memref<165888xi32, #tpu.memory_space<hbm>> -> memref<96xi32, #tpu.memory_space<hbm>>
    tpu.enqueue_dma source(%dma_start3A_51 : memref<96xi32, #tpu.memory_space<hbm>>) target(%arg12 : memref<96xi32, #tpu.memory_space<vmem>>) target_semaphore(%arg22 : memref<!tpu.dma_semaphore, #tpu.memory_space<semaphore_mem>>)
    %add3A_52 = arith.constant 0 : i32
    %add3A_53 = arith.addi %mul3A_25, %add3A_52 : i32
    %mul3A_54 = arith.constant 96 : i32
    %mul3A_55 = arith.muli %add3A_53, %mul3A_54 : i32
    %multiple_of3A_56 = tpu.assume_multiple %mul3A_55, 96 : i32
    %dma_wait3A = tpu.memref_slice %arg4[%multiple_of3A_56] : memref<165888xi32, #tpu.memory_space<hbm>> -> memref<96xi32, #tpu.memory_space<hbm>>
    %dma_wait3A_57 = tpu.memref_slice %arg4[%multiple_of3A_56] : memref<165888xi32, #tpu.memory_space<hbm>> -> memref<96xi32, #tpu.memory_space<hbm>>
    tpu.wait_dma2 semaphore(%arg20 : memref<!tpu.dma_semaphore, #tpu.memory_space<semaphore_mem>>) src(%dma_wait3A_57 : memref<96xi32, #tpu.memory_space<hbm>>) dst(%arg7 : memref<96xi32, #tpu.memory_space<vmem>>)
    %dma_wait3A_58 = tpu.memref_slice %arg5[%multiple_of3A_56] : memref<165888xi32, #tpu.memory_space<hbm>> -> memref<96xi32, #tpu.memory_space<hbm>>
    %dma_wait3A_59 = tpu.memref_slice %arg5[%multiple_of3A_56] : memref<165888xi32, #tpu.memory_space<hbm>> -> memref<96xi32, #tpu.memory_space<hbm>>
    tpu.wait_dma2 semaphore(%arg20 : memref<!tpu.dma_semaphore, #tpu.memory_space<semaphore_mem>>) src(%dma_wait3A_59 : memref<96xi32, #tpu.memory_space<hbm>>) dst(%arg10 : memref<96xi32, #tpu.memory_space<vmem>>)
    %dma_start3A_60 = arith.constant 0 : i32
    %dma_start3A_61 = arith.constant 0 : i32
    %dma_start3A_62 = tpu.memref_slice %arg2[%dma_start3A_60, %dma_start3A_61] : memref<10000x128xf32, #tpu.memory_space<hbm>> -> memref<10000x128xf32, #tpu.memory_space<hbm>>
    tpu.enqueue_indirect_dma source(%dma_start3A_62 : memref<10000x128xf32, #tpu.memory_space<hbm>>) target(%arg13 : memref<96x128xf32, #tpu.memory_space<vmem>>) offsets(%arg7 : memref<96xi32, #tpu.memory_space<vmem>>) semaphore(%arg18 : memref<!tpu.dma_semaphore, #tpu.memory_space<semaphore_mem>>)
    %add3A_63 = arith.constant 1 : i32
    %add3A_64 = arith.addi %mul3A_25, %add3A_63 : i32
    %mul3A_65 = arith.constant 96 : i32
    %mul3A_66 = arith.muli %add3A_64, %mul3A_65 : i32
    %multiple_of3A_67 = tpu.assume_multiple %mul3A_66, 96 : i32
    %dma_wait3A_68 = tpu.memref_slice %arg4[%multiple_of3A_67] : memref<165888xi32, #tpu.memory_space<hbm>> -> memref<96xi32, #tpu.memory_space<hbm>>
    %dma_wait3A_69 = tpu.memref_slice %arg4[%multiple_of3A_67] : memref<165888xi32, #tpu.memory_space<hbm>> -> memref<96xi32, #tpu.memory_space<hbm>>
    tpu.wait_dma2 semaphore(%arg21 : memref<!tpu.dma_semaphore, #tpu.memory_space<semaphore_mem>>) src(%dma_wait3A_69 : memref<96xi32, #tpu.memory_space<hbm>>) dst(%arg8 : memref<96xi32, #tpu.memory_space<vmem>>)
    %dma_wait3A_70 = tpu.memref_slice %arg5[%multiple_of3A_67] : memref<165888xi32, #tpu.memory_space<hbm>> -> memref<96xi32, #tpu.memory_space<hbm>>
    %dma_wait3A_71 = tpu.memref_slice %arg5[%multiple_of3A_67] : memref<165888xi32, #tpu.memory_space<hbm>> -> memref<96xi32, #tpu.memory_space<hbm>>
    tpu.wait_dma2 semaphore(%arg21 : memref<!tpu.dma_semaphore, #tpu.memory_space<semaphore_mem>>) src(%dma_wait3A_71 : memref<96xi32, #tpu.memory_space<hbm>>) dst(%arg11 : memref<96xi32, #tpu.memory_space<vmem>>)
    %dma_start3A_72 = arith.constant 0 : i32
    %dma_start3A_73 = arith.constant 0 : i32
    %dma_start3A_74 = tpu.memref_slice %arg2[%dma_start3A_72, %dma_start3A_73] : memref<10000x128xf32, #tpu.memory_space<hbm>> -> memref<10000x128xf32, #tpu.memory_space<hbm>>
    tpu.enqueue_indirect_dma source(%dma_start3A_74 : memref<10000x128xf32, #tpu.memory_space<hbm>>) target(%arg14 : memref<96x128xf32, #tpu.memory_space<vmem>>) offsets(%arg8 : memref<96xi32, #tpu.memory_space<vmem>>) semaphore(%arg19 : memref<!tpu.dma_semaphore, #tpu.memory_space<semaphore_mem>>)
    %add3A_75 = arith.constant 2 : i32
    %add3A_76 = arith.addi %mul3A_25, %add3A_75 : i32
    %mul3A_77 = arith.constant 96 : i32
    %mul3A_78 = arith.muli %add3A_76, %mul3A_77 : i32
    %multiple_of3A_79 = tpu.assume_multiple %mul3A_78, 96 : i32
    %dma_wait3A_80 = tpu.memref_slice %arg4[%multiple_of3A_79] : memref<165888xi32, #tpu.memory_space<hbm>> -> memref<96xi32, #tpu.memory_space<hbm>>
    %dma_wait3A_81 = tpu.memref_slice %arg4[%multiple_of3A_79] : memref<165888xi32, #tpu.memory_space<hbm>> -> memref<96xi32, #tpu.memory_space<hbm>>
    tpu.wait_dma2 semaphore(%arg22 : memref<!tpu.dma_semaphore, #tpu.memory_space<semaphore_mem>>) src(%dma_wait3A_81 : memref<96xi32, #tpu.memory_space<hbm>>) dst(%arg9 : memref<96xi32, #tpu.memory_space<vmem>>)
    %dma_wait3A_82 = tpu.memref_slice %arg5[%multiple_of3A_79] : memref<165888xi32, #tpu.memory_space<hbm>> -> memref<96xi32, #tpu.memory_space<hbm>>
    %dma_wait3A_83 = tpu.memref_slice %arg5[%multiple_of3A_79] : memref<165888xi32, #tpu.memory_space<hbm>> -> memref<96xi32, #tpu.memory_space<hbm>>
    tpu.wait_dma2 semaphore(%arg22 : memref<!tpu.dma_semaphore, #tpu.memory_space<semaphore_mem>>) src(%dma_wait3A_83 : memref<96xi32, #tpu.memory_space<hbm>>) dst(%arg12 : memref<96xi32, #tpu.memory_space<vmem>>)
    %dma_start3A_84 = arith.constant 0 : i32
    %dma_start3A_85 = arith.constant 0 : i32
    %dma_start3A_86 = tpu.memref_slice %arg2[%dma_start3A_84, %dma_start3A_85] : memref<10000x128xf32, #tpu.memory_space<hbm>> -> memref<10000x128xf32, #tpu.memory_space<hbm>>
    tpu.enqueue_indirect_dma source(%dma_start3A_86 : memref<10000x128xf32, #tpu.memory_space<hbm>>) target(%arg15 : memref<96x128xf32, #tpu.memory_space<vmem>>) offsets(%arg9 : memref<96xi32, #tpu.memory_space<vmem>>) semaphore(%arg23 : memref<!tpu.dma_semaphore, #tpu.memory_space<semaphore_mem>>)
    %scan3A_87 = arith.constant 0 : i32
    %scan3A_88 = arith.constant 0 : i32
    %scan3A_89 = arith.constant 36 : i32
    %scan3A_90 = arith.addi %scan3A_88, %scan3A_89 : i32
    %scan3A_91 = arith.constant 1 : i32
    %scan3A_92 = scf.for %scan3A_95 = %scan3A_88 to %scan3A_90 step %scan3A_91 iter_args(%scan3A_96 = %scan3A_87) -> (i32)  : i32 {
      %mul3A_97 = arith.constant 3 : i32
      %mul3A_98 = arith.muli %scan3A_95, %mul3A_97 : i32
      %add3A_99 = arith.constant 0 : i32
      %add3A_100 = arith.addi %mul3A_98, %add3A_99 : i32
      %dma_wait3A_101 = arith.constant 0 : i32
      %dma_wait3A_102 = arith.constant 0 : i32
      %dma_wait3A_103 = tpu.memref_slice %arg2[%dma_wait3A_101, %dma_wait3A_102] : memref<10000x128xf32, #tpu.memory_space<hbm>> -> memref<10000x128xf32, #tpu.memory_space<hbm>>
      tpu.wait_indirect_dma semaphore(%arg18 : memref<!tpu.dma_semaphore, #tpu.memory_space<semaphore_mem>>) src(%dma_wait3A_103 : memref<10000x128xf32, #tpu.memory_space<hbm>>) dst(%arg13 : memref<96x128xf32, #tpu.memory_space<vmem>>)
      %add3A_104 = arith.constant 3 : i32
      %add3A_105 = arith.addi %add3A_100, %add3A_104 : i32
      %lt3A = arith.constant 108 : i32
      %lt3A_106 = arith.cmpi slt, %add3A_105, %lt3A : i32
      %convert_element_type3A_107 = arith.extui %lt3A_106 : i1 to i32
      %cond3A_108 = arith.constant 0 : i32
      %cond3A_109 = arith.cmpi ne, %convert_element_type3A_107, %cond3A_108 : i32
      scf.if %cond3A_109 {
        %add3A_135 = arith.constant 3 : i32
        %add3A_136 = arith.addi %add3A_100, %add3A_135 : i32
        %add3A_137 = arith.addi %mul3A_25, %add3A_136 : i32
        %mul3A_138 = arith.constant 96 : i32
        %mul3A_139 = arith.muli %add3A_137, %mul3A_138 : i32
        %multiple_of3A_140 = tpu.assume_multiple %mul3A_139, 96 : i32
        %dma_start3A_141 = tpu.memref_slice %arg4[%multiple_of3A_140] : memref<165888xi32, #tpu.memory_space<hbm>> -> memref<96xi32, #tpu.memory_space<hbm>>
        %dma_start3A_142 = tpu.memref_slice %arg4[%multiple_of3A_140] : memref<165888xi32, #tpu.memory_space<hbm>> -> memref<96xi32, #tpu.memory_space<hbm>>
        tpu.enqueue_dma source(%dma_start3A_142 : memref<96xi32, #tpu.memory_space<hbm>>) target(%arg7 : memref<96xi32, #tpu.memory_space<vmem>>) target_semaphore(%arg20 : memref<!tpu.dma_semaphore, #tpu.memory_space<semaphore_mem>>)
        %dma_start3A_143 = tpu.memref_slice %arg5[%multiple_of3A_140] : memref<165888xi32, #tpu.memory_space<hbm>> -> memref<96xi32, #tpu.memory_space<hbm>>
        %dma_start3A_144 = tpu.memref_slice %arg5[%multiple_of3A_140] : memref<165888xi32, #tpu.memory_space<hbm>> -> memref<96xi32, #tpu.memory_space<hbm>>
        tpu.enqueue_dma source(%dma_start3A_144 : memref<96xi32, #tpu.memory_space<hbm>>) target(%arg10 : memref<96xi32, #tpu.memory_space<vmem>>) target_semaphore(%arg20 : memref<!tpu.dma_semaphore, #tpu.memory_space<semaphore_mem>>)
        %add3A_145 = arith.constant 3 : i32
        %add3A_146 = arith.addi %add3A_100, %add3A_145 : i32
        %add3A_147 = arith.addi %mul3A_25, %add3A_146 : i32
        %mul3A_148 = arith.constant 96 : i32
        %mul3A_149 = arith.muli %add3A_147, %mul3A_148 : i32
        %multiple_of3A_150 = tpu.assume_multiple %mul3A_149, 96 : i32
        %dma_wait3A_151 = tpu.memref_slice %arg4[%multiple_of3A_150] : memref<165888xi32, #tpu.memory_space<hbm>> -> memref<96xi32, #tpu.memory_space<hbm>>
        %dma_wait3A_152 = tpu.memref_slice %arg4[%multiple_of3A_150] : memref<165888xi32, #tpu.memory_space<hbm>> -> memref<96xi32, #tpu.memory_space<hbm>>
        tpu.wait_dma2 semaphore(%arg20 : memref<!tpu.dma_semaphore, #tpu.memory_space<semaphore_mem>>) src(%dma_wait3A_152 : memref<96xi32, #tpu.memory_space<hbm>>) dst(%arg7 : memref<96xi32, #tpu.memory_space<vmem>>)
        %dma_wait3A_153 = tpu.memref_slice %arg5[%multiple_of3A_150] : memref<165888xi32, #tpu.memory_space<hbm>> -> memref<96xi32, #tpu.memory_space<hbm>>
        %dma_wait3A_154 = tpu.memref_slice %arg5[%multiple_of3A_150] : memref<165888xi32, #tpu.memory_space<hbm>> -> memref<96xi32, #tpu.memory_space<hbm>>
        tpu.wait_dma2 semaphore(%arg20 : memref<!tpu.dma_semaphore, #tpu.memory_space<semaphore_mem>>) src(%dma_wait3A_154 : memref<96xi32, #tpu.memory_space<hbm>>) dst(%arg10 : memref<96xi32, #tpu.memory_space<vmem>>)
        %add3A_155 = arith.constant 3 : i32
        %add3A_156 = arith.addi %add3A_100, %add3A_155 : i32
        %dma_start3A_157 = arith.constant 0 : i32
        %dma_start3A_158 = arith.constant 0 : i32
        %dma_start3A_159 = tpu.memref_slice %arg2[%dma_start3A_157, %dma_start3A_158] : memref<10000x128xf32, #tpu.memory_space<hbm>> -> memref<10000x128xf32, #tpu.memory_space<hbm>>
        tpu.enqueue_indirect_dma source(%dma_start3A_159 : memref<10000x128xf32, #tpu.memory_space<hbm>>) target(%arg13 : memref<96x128xf32, #tpu.memory_space<vmem>>) offsets(%arg7 : memref<96xi32, #tpu.memory_space<vmem>>) semaphore(%arg18 : memref<!tpu.dma_semaphore, #tpu.memory_space<semaphore_mem>>)
      } else {
      }
      %add3A_110 = arith.constant 1 : i32
      %add3A_111 = arith.addi %mul3A_98, %add3A_110 : i32
      %dma_wait3A_112 = arith.constant 0 : i32
      %dma_wait3A_113 = arith.constant 0 : i32
      %dma_wait3A_114 = tpu.memref_slice %arg2[%dma_wait3A_112, %dma_wait3A_113] : memref<10000x128xf32, #tpu.memory_space<hbm>> -> memref<10000x128xf32, #tpu.memory_space<hbm>>
      tpu.wait_indirect_dma semaphore(%arg19 : memref<!tpu.dma_semaphore, #tpu.memory_space<semaphore_mem>>) src(%dma_wait3A_114 : memref<10000x128xf32, #tpu.memory_space<hbm>>) dst(%arg14 : memref<96x128xf32, #tpu.memory_space<vmem>>)
      %add3A_115 = arith.constant 3 : i32
      %add3A_116 = arith.addi %add3A_111, %add3A_115 : i32
      %lt3A_117 = arith.constant 108 : i32
      %lt3A_118 = arith.cmpi slt, %add3A_116, %lt3A_117 : i32
      %convert_element_type3A_119 = arith.extui %lt3A_118 : i1 to i32
      %cond3A_120 = arith.constant 0 : i32
      %cond3A_121 = arith.cmpi ne, %convert_element_type3A_119, %cond3A_120 : i32
      scf.if %cond3A_121 {
        %add3A_135 = arith.constant 3 : i32
        %add3A_136 = arith.addi %add3A_111, %add3A_135 : i32
        %add3A_137 = arith.addi %mul3A_25, %add3A_136 : i32
        %mul3A_138 = arith.constant 96 : i32
        %mul3A_139 = arith.muli %add3A_137, %mul3A_138 : i32
        %multiple_of3A_140 = tpu.assume_multiple %mul3A_139, 96 : i32
        %dma_start3A_141 = tpu.memref_slice %arg4[%multiple_of3A_140] : memref<165888xi32, #tpu.memory_space<hbm>> -> memref<96xi32, #tpu.memory_space<hbm>>
        %dma_start3A_142 = tpu.memref_slice %arg4[%multiple_of3A_140] : memref<165888xi32, #tpu.memory_space<hbm>> -> memref<96xi32, #tpu.memory_space<hbm>>
        tpu.enqueue_dma source(%dma_start3A_142 : memref<96xi32, #tpu.memory_space<hbm>>) target(%arg8 : memref<96xi32, #tpu.memory_space<vmem>>) target_semaphore(%arg21 : memref<!tpu.dma_semaphore, #tpu.memory_space<semaphore_mem>>)
        %dma_start3A_143 = tpu.memref_slice %arg5[%multiple_of3A_140] : memref<165888xi32, #tpu.memory_space<hbm>> -> memref<96xi32, #tpu.memory_space<hbm>>
        %dma_start3A_144 = tpu.memref_slice %arg5[%multiple_of3A_140] : memref<165888xi32, #tpu.memory_space<hbm>> -> memref<96xi32, #tpu.memory_space<hbm>>
        tpu.enqueue_dma source(%dma_start3A_144 : memref<96xi32, #tpu.memory_space<hbm>>) target(%arg11 : memref<96xi32, #tpu.memory_space<vmem>>) target_semaphore(%arg21 : memref<!tpu.dma_semaphore, #tpu.memory_space<semaphore_mem>>)
        %add3A_145 = arith.constant 3 : i32
        %add3A_146 = arith.addi %add3A_111, %add3A_145 : i32
        %add3A_147 = arith.addi %mul3A_25, %add3A_146 : i32
        %mul3A_148 = arith.constant 96 : i32
        %mul3A_149 = arith.muli %add3A_147, %mul3A_148 : i32
        %multiple_of3A_150 = tpu.assume_multiple %mul3A_149, 96 : i32
        %dma_wait3A_151 = tpu.memref_slice %arg4[%multiple_of3A_150] : memref<165888xi32, #tpu.memory_space<hbm>> -> memref<96xi32, #tpu.memory_space<hbm>>
        %dma_wait3A_152 = tpu.memref_slice %arg4[%multiple_of3A_150] : memref<165888xi32, #tpu.memory_space<hbm>> -> memref<96xi32, #tpu.memory_space<hbm>>
        tpu.wait_dma2 semaphore(%arg21 : memref<!tpu.dma_semaphore, #tpu.memory_space<semaphore_mem>>) src(%dma_wait3A_152 : memref<96xi32, #tpu.memory_space<hbm>>) dst(%arg8 : memref<96xi32, #tpu.memory_space<vmem>>)
        %dma_wait3A_153 = tpu.memref_slice %arg5[%multiple_of3A_150] : memref<165888xi32, #tpu.memory_space<hbm>> -> memref<96xi32, #tpu.memory_space<hbm>>
        %dma_wait3A_154 = tpu.memref_slice %arg5[%multiple_of3A_150] : memref<165888xi32, #tpu.memory_space<hbm>> -> memref<96xi32, #tpu.memory_space<hbm>>
        tpu.wait_dma2 semaphore(%arg21 : memref<!tpu.dma_semaphore, #tpu.memory_space<semaphore_mem>>) src(%dma_wait3A_154 : memref<96xi32, #tpu.memory_space<hbm>>) dst(%arg11 : memref<96xi32, #tpu.memory_space<vmem>>)
        %add3A_155 = arith.constant 3 : i32
        %add3A_156 = arith.addi %add3A_111, %add3A_155 : i32
        %dma_start3A_157 = arith.constant 0 : i32
        %dma_start3A_158 = arith.constant 0 : i32
        %dma_start3A_159 = tpu.memref_slice %arg2[%dma_start3A_157, %dma_start3A_158] : memref<10000x128xf32, #tpu.memory_space<hbm>> -> memref<10000x128xf32, #tpu.memory_space<hbm>>
        tpu.enqueue_indirect_dma source(%dma_start3A_159 : memref<10000x128xf32, #tpu.memory_space<hbm>>) target(%arg14 : memref<96x128xf32, #tpu.memory_space<vmem>>) offsets(%arg8 : memref<96xi32, #tpu.memory_space<vmem>>) semaphore(%arg19 : memref<!tpu.dma_semaphore, #tpu.memory_space<semaphore_mem>>)
      } else {
      }
      %add3A_122 = arith.constant 2 : i32
      %add3A_123 = arith.addi %mul3A_98, %add3A_122 : i32
      %dma_wait3A_124 = arith.constant 0 : i32
      %dma_wait3A_125 = arith.constant 0 : i32
      %dma_wait3A_126 = tpu.memref_slice %arg2[%dma_wait3A_124, %dma_wait3A_125] : memref<10000x128xf32, #tpu.memory_space<hbm>> -> memref<10000x128xf32, #tpu.memory_space<hbm>>
      tpu.wait_indirect_dma semaphore(%arg23 : memref<!tpu.dma_semaphore, #tpu.memory_space<semaphore_mem>>) src(%dma_wait3A_126 : memref<10000x128xf32, #tpu.memory_space<hbm>>) dst(%arg15 : memref<96x128xf32, #tpu.memory_space<vmem>>)
      %add3A_127 = arith.constant 3 : i32
      %add3A_128 = arith.addi %add3A_123, %add3A_127 : i32
      %lt3A_129 = arith.constant 108 : i32
      %lt3A_130 = arith.cmpi slt, %add3A_128, %lt3A_129 : i32
      %convert_element_type3A_131 = arith.extui %lt3A_130 : i1 to i32
      %cond3A_132 = arith.constant 0 : i32
      %cond3A_133 = arith.cmpi ne, %convert_element_type3A_131, %cond3A_132 : i32
      scf.if %cond3A_133 {
        %add3A_135 = arith.constant 3 : i32
        %add3A_136 = arith.addi %add3A_123, %add3A_135 : i32
        %add3A_137 = arith.addi %mul3A_25, %add3A_136 : i32
        %mul3A_138 = arith.constant 96 : i32
        %mul3A_139 = arith.muli %add3A_137, %mul3A_138 : i32
        %multiple_of3A_140 = tpu.assume_multiple %mul3A_139, 96 : i32
        %dma_start3A_141 = tpu.memref_slice %arg4[%multiple_of3A_140] : memref<165888xi32, #tpu.memory_space<hbm>> -> memref<96xi32, #tpu.memory_space<hbm>>
        %dma_start3A_142 = tpu.memref_slice %arg4[%multiple_of3A_140] : memref<165888xi32, #tpu.memory_space<hbm>> -> memref<96xi32, #tpu.memory_space<hbm>>
        tpu.enqueue_dma source(%dma_start3A_142 : memref<96xi32, #tpu.memory_space<hbm>>) target(%arg9 : memref<96xi32, #tpu.memory_space<vmem>>) target_semaphore(%arg22 : memref<!tpu.dma_semaphore, #tpu.memory_space<semaphore_mem>>)
        %dma_start3A_143 = tpu.memref_slice %arg5[%multiple_of3A_140] : memref<165888xi32, #tpu.memory_space<hbm>> -> memref<96xi32, #tpu.memory_space<hbm>>
        %dma_start3A_144 = tpu.memref_slice %arg5[%multiple_of3A_140] : memref<165888xi32, #tpu.memory_space<hbm>> -> memref<96xi32, #tpu.memory_space<hbm>>
        tpu.enqueue_dma source(%dma_start3A_144 : memref<96xi32, #tpu.memory_space<hbm>>) target(%arg12 : memref<96xi32, #tpu.memory_space<vmem>>) target_semaphore(%arg22 : memref<!tpu.dma_semaphore, #tpu.memory_space<semaphore_mem>>)
        %add3A_145 = arith.constant 3 : i32
        %add3A_146 = arith.addi %add3A_123, %add3A_145 : i32
        %add3A_147 = arith.addi %mul3A_25, %add3A_146 : i32
        %mul3A_148 = arith.constant 96 : i32
        %mul3A_149 = arith.muli %add3A_147, %mul3A_148 : i32
        %multiple_of3A_150 = tpu.assume_multiple %mul3A_149, 96 : i32
        %dma_wait3A_151 = tpu.memref_slice %arg4[%multiple_of3A_150] : memref<165888xi32, #tpu.memory_space<hbm>> -> memref<96xi32, #tpu.memory_space<hbm>>
        %dma_wait3A_152 = tpu.memref_slice %arg4[%multiple_of3A_150] : memref<165888xi32, #tpu.memory_space<hbm>> -> memref<96xi32, #tpu.memory_space<hbm>>
        tpu.wait_dma2 semaphore(%arg22 : memref<!tpu.dma_semaphore, #tpu.memory_space<semaphore_mem>>) src(%dma_wait3A_152 : memref<96xi32, #tpu.memory_space<hbm>>) dst(%arg9 : memref<96xi32, #tpu.memory_space<vmem>>)
        %dma_wait3A_153 = tpu.memref_slice %arg5[%multiple_of3A_150] : memref<165888xi32, #tpu.memory_space<hbm>> -> memref<96xi32, #tpu.memory_space<hbm>>
        %dma_wait3A_154 = tpu.memref_slice %arg5[%multiple_of3A_150] : memref<165888xi32, #tpu.memory_space<hbm>> -> memref<96xi32, #tpu.memory_space<hbm>>
        tpu.wait_dma2 semaphore(%arg22 : memref<!tpu.dma_semaphore, #tpu.memory_space<semaphore_mem>>) src(%dma_wait3A_154 : memref<96xi32, #tpu.memory_space<hbm>>) dst(%arg12 : memref<96xi32, #tpu.memory_space<vmem>>)
        %add3A_155 = arith.constant 3 : i32
        %add3A_156 = arith.addi %add3A_123, %add3A_155 : i32
        %dma_start3A_157 = arith.constant 0 : i32
        %dma_start3A_158 = arith.constant 0 : i32
        %dma_start3A_159 = tpu.memref_slice %arg2[%dma_start3A_157, %dma_start3A_158] : memref<10000x128xf32, #tpu.memory_space<hbm>> -> memref<10000x128xf32, #tpu.memory_space<hbm>>
        tpu.enqueue_indirect_dma source(%dma_start3A_159 : memref<10000x128xf32, #tpu.memory_space<hbm>>) target(%arg15 : memref<96x128xf32, #tpu.memory_space<vmem>>) offsets(%arg9 : memref<96xi32, #tpu.memory_space<vmem>>) semaphore(%arg23 : memref<!tpu.dma_semaphore, #tpu.memory_space<semaphore_mem>>)
      } else {
      }
      %scan3A_134 = arith.constant 0 : i32
      scf.yield %scan3A_134 : i32
    }
    %scan3A_93 = arith.constant 36 : i32
    %barrier3A_94 = arith.constant 0 : index
    tpu.barrier barrier_id(%barrier3A_94)
    "tpu.region"() ({
      %run_scoped3A = tpu.sem_alloc : memref<!tpu.dma_semaphore, #tpu.memory_space<semaphore_mem>>
      %dma_start3A_95 = arith.constant 0 : i32
      %dma_start3A_96 = tpu.memref_slice %arg6[%arg0, %mul3A_6, %dma_start3A_95] : memref<2x10000x128xf32, #tpu.memory_space<hbm>> -> memref<1x624x128xf32, #tpu.memory_space<hbm>>
      %dma_start3A_97 = tpu.memref_squeeze %dma_start3A_96 : memref<1x624x128xf32, #tpu.memory_space<hbm>> -> memref<624x128xf32, #tpu.memory_space<hbm>>
      %dma_start3A_98 = arith.constant 0 : i32
      %dma_start3A_99 = tpu.memref_slice %arg17[%mul3A_6, %dma_start3A_98] : memref<10000x128xf32, #tpu.memory_space<vmem_shared>> -> memref<624x128xf32, #tpu.memory_space<vmem_shared>>
      tpu.enqueue_dma source(%dma_start3A_99 : memref<624x128xf32, #tpu.memory_space<vmem_shared>>) target(%dma_start3A_97 : memref<624x128xf32, #tpu.memory_space<hbm>>) target_semaphore(%run_scoped3A : memref<!tpu.dma_semaphore, #tpu.memory_space<semaphore_mem>>)
      %dma_wait3A_100 = arith.constant 0 : i32
      %dma_wait3A_101 = tpu.memref_slice %arg6[%arg0, %mul3A_6, %dma_wait3A_100] : memref<2x10000x128xf32, #tpu.memory_space<hbm>> -> memref<1x624x128xf32, #tpu.memory_space<hbm>>
      %dma_wait3A_102 = tpu.memref_squeeze %dma_wait3A_101 : memref<1x624x128xf32, #tpu.memory_space<hbm>> -> memref<624x128xf32, #tpu.memory_space<hbm>>
      %dma_wait3A_103 = arith.constant 0 : i32
      %dma_wait3A_104 = tpu.memref_slice %arg17[%mul3A_6, %dma_wait3A_103] : memref<10000x128xf32, #tpu.memory_space<vmem_shared>> -> memref<624x128xf32, #tpu.memory_space<vmem_shared>>
      tpu.wait_dma2 semaphore(%run_scoped3A : memref<!tpu.dma_semaphore, #tpu.memory_space<semaphore_mem>>) src(%dma_wait3A_104 : memref<624x128xf32, #tpu.memory_space<vmem_shared>>) dst(%dma_wait3A_102 : memref<624x128xf32, #tpu.memory_space<hbm>>)
      tpu.yield
    }) : () -> ()
    return
  }
}

module attributes {stable_mosaic.version = 14 : i64} {
  func.func @_edge_m_body(%arg0: i32, %arg1: memref<2048x8xf32, #tpu.memory_space<vmem>>, %arg2: memref<2048x16xf32, #tpu.memory_space<vmem>>, %arg3: memref<8x64xf32, #tpu.memory_space<vmem>>, %arg4: memref<64x64xf32, #tpu.memory_space<vmem>>, %arg5: memref<64x256xf32, #tpu.memory_space<vmem>>, %arg6: memref<16x256xf32, #tpu.memory_space<vmem>>, %arg7: memref<2048x256xf32, #tpu.memory_space<vmem>>) attributes {dimension_semantics = [#tpu.dimension_semantics<arbitrary>], iteration_bounds = array<i64: 81>, scalar_prefetch = 0 : i64, scratch_operands = 0 : i64, tpu.core_type = #tpu.core_type<tc>, window_params = [{transform_indices = @transform_0, window_bounds = array<i64: 2048, 8>}, {transform_indices = @transform_1, window_bounds = array<i64: 2048, 16>}, {pipeline_mode = #tpu.pipeline_mode<synchronous>, transform_indices = @transform_2, window_bounds = array<i64: 8, 64>}, {pipeline_mode = #tpu.pipeline_mode<synchronous>, transform_indices = @transform_3, window_bounds = array<i64: 64, 64>}, {pipeline_mode = #tpu.pipeline_mode<synchronous>, transform_indices = @transform_4, window_bounds = array<i64: 64, 256>}, {pipeline_mode = #tpu.pipeline_mode<synchronous>, transform_indices = @transform_5, window_bounds = array<i64: 16, 256>}, {transform_indices = @transform_6, window_bounds = array<i64: 2048, 256>}]} {
    %get3A = arith.constant 0 : index
    %get3A_0 = arith.constant 0 : index
    %get3A_1 = vector.load %arg1[%get3A, %get3A_0] : memref<2048x8xf32, #tpu.memory_space<vmem>>, vector<2048x8xf32>
    %get3A_2 = arith.constant 0 : index
    %get3A_3 = arith.constant 0 : index
    %get3A_4 = vector.load %arg2[%get3A_2, %get3A_3] : memref<2048x16xf32, #tpu.memory_space<vmem>>, vector<2048x16xf32>
    %get3A_5 = arith.constant 0 : index
    %get3A_6 = arith.constant 0 : index
    %get3A_7 = vector.load %arg3[%get3A_5, %get3A_6] : memref<8x64xf32, #tpu.memory_space<vmem>>, vector<8x64xf32>
    %dot_general3A = arith.constant dense<0.000000e+00> : vector<2048x64xf32>
    %dot_general3A_8 = tpu.matmul %get3A_1, %get3A_7, %dot_general3A {dimension_numbers = #tpu.dot_dimension_numbers<[1], [0], [0], [1], [0, 0, 1, 1], [], []>, transpose_lhs_hint = false} : vector<2048x8xf32>, vector<8x64xf32>, vector<2048x64xf32> -> vector<2048x64xf32>
    %logistic3A = arith.negf %dot_general3A_8 : vector<2048x64xf32>
    %logistic3A_9 = math.exp %logistic3A : vector<2048x64xf32>
    %logistic3A_10 = arith.constant 1.000000e+00 : f32
    %logistic3A_11 = vector.broadcast %logistic3A_10 : f32 to vector<2048x64xf32>
    %logistic3A_12 = arith.addf %logistic3A_11, %logistic3A_9 : vector<2048x64xf32>
    %logistic3A_13 = arith.divf %logistic3A_11, %logistic3A_12 : vector<2048x64xf32>
    %mul3A = arith.mulf %dot_general3A_8, %logistic3A_13 : vector<2048x64xf32>
    %get3A_14 = arith.constant 0 : index
    %get3A_15 = arith.constant 0 : index
    %get3A_16 = vector.load %arg4[%get3A_14, %get3A_15] : memref<64x64xf32, #tpu.memory_space<vmem>>, vector<64x64xf32>
    %dot_general3A_17 = arith.constant dense<0.000000e+00> : vector<2048x64xf32>
    %dot_general3A_18 = tpu.matmul %mul3A, %get3A_16, %dot_general3A_17 {dimension_numbers = #tpu.dot_dimension_numbers<[1], [0], [0], [1], [0, 0, 1, 1], [], []>, transpose_lhs_hint = false} : vector<2048x64xf32>, vector<64x64xf32>, vector<2048x64xf32> -> vector<2048x64xf32>
    %logistic3A_19 = arith.negf %dot_general3A_18 : vector<2048x64xf32>
    %logistic3A_20 = math.exp %logistic3A_19 : vector<2048x64xf32>
    %logistic3A_21 = arith.constant 1.000000e+00 : f32
    %logistic3A_22 = vector.broadcast %logistic3A_21 : f32 to vector<2048x64xf32>
    %logistic3A_23 = arith.addf %logistic3A_22, %logistic3A_20 : vector<2048x64xf32>
    %logistic3A_24 = arith.divf %logistic3A_22, %logistic3A_23 : vector<2048x64xf32>
    %mul3A_25 = arith.mulf %dot_general3A_18, %logistic3A_24 : vector<2048x64xf32>
    %get3A_26 = arith.constant 0 : index
    %get3A_27 = arith.constant 0 : index
    %get3A_28 = vector.load %arg5[%get3A_26, %get3A_27] : memref<64x256xf32, #tpu.memory_space<vmem>>, vector<64x256xf32>
    %dot_general3A_29 = arith.constant dense<0.000000e+00> : vector<2048x256xf32>
    %dot_general3A_30 = tpu.matmul %mul3A_25, %get3A_28, %dot_general3A_29 {dimension_numbers = #tpu.dot_dimension_numbers<[1], [0], [0], [1], [0, 0, 1, 1], [], []>, transpose_lhs_hint = false} : vector<2048x64xf32>, vector<64x256xf32>, vector<2048x256xf32> -> vector<2048x256xf32>
    %get3A_31 = arith.constant 0 : index
    %get3A_32 = arith.constant 0 : index
    %get3A_33 = vector.load %arg6[%get3A_31, %get3A_32] : memref<16x256xf32, #tpu.memory_space<vmem>>, vector<16x256xf32>
    %dot_general3A_34 = arith.constant dense<0.000000e+00> : vector<2048x256xf32>
    %dot_general3A_35 = tpu.matmul %get3A_4, %get3A_33, %dot_general3A_34 {dimension_numbers = #tpu.dot_dimension_numbers<[1], [0], [0], [1], [0, 0, 1, 1], [], []>, transpose_lhs_hint = false} : vector<2048x16xf32>, vector<16x256xf32>, vector<2048x256xf32> -> vector<2048x256xf32>
    %iota3A = tpu.iota {dimensions = array<i32: 1>} : vector<2048x256xi32>
    %lt3A = arith.constant 128 : i32
    %lt3A_36 = vector.broadcast %lt3A : i32 to vector<2048x256xi32>
    %lt3A_37 = arith.cmpi slt, %iota3A, %lt3A_36 : vector<2048x256xi32>
    %jit3A = arith.constant 1.000000e+00 : f32
    %broadcast_in_dim3A = vector.broadcast %jit3A : f32 to vector<2048x256xf32>
    %select_n3A = arith.select %lt3A_37, %broadcast_in_dim3A, %dot_general3A_35 : vector<2048x256xi1>, vector<2048x256xf32>
    %mul3A_38 = arith.mulf %dot_general3A_30, %select_n3A : vector<2048x256xf32>
    %swap3A = arith.constant 0 : index
    %swap3A_39 = arith.constant 0 : index
    %swap3A_40 = vector.load %arg7[%swap3A, %swap3A_39] : memref<2048x256xf32, #tpu.memory_space<vmem>>, vector<2048x256xf32>
    tpu.vector_store %arg7[%swap3A, %swap3A_39], %mul3A_38 {strides = array<i32>} : memref<2048x256xf32, #tpu.memory_space<vmem>>, vector<2048x256xf32>,
    return
  }
  func.func @transform_0(%arg0: i32) -> (i32, i32) {
    %c0_i32 = arith.constant 0 : i32
    %c0_i32_0 = arith.constant 0 : i32
    return %arg0, %c0_i32 : i32, i32
  }
  func.func @transform_1(%arg0: i32) -> (i32, i32) {
    %c0_i32 = arith.constant 0 : i32
    %c0_i32_0 = arith.constant 0 : i32
    return %arg0, %c0_i32 : i32, i32
  }
  func.func @transform_2(%arg0: i32) -> (i32, i32) {
    %c0_i32 = arith.constant 0 : i32
    %c0_i32_0 = arith.constant 0 : i32
    %c0_i32_1 = arith.constant 0 : i32
    return %c0_i32, %c0_i32_0 : i32, i32
  }
  func.func @transform_3(%arg0: i32) -> (i32, i32) {
    %c0_i32 = arith.constant 0 : i32
    %c0_i32_0 = arith.constant 0 : i32
    %c0_i32_1 = arith.constant 0 : i32
    return %c0_i32, %c0_i32_0 : i32, i32
  }
  func.func @transform_4(%arg0: i32) -> (i32, i32) {
    %c0_i32 = arith.constant 0 : i32
    %c0_i32_0 = arith.constant 0 : i32
    %c0_i32_1 = arith.constant 0 : i32
    return %c0_i32, %c0_i32_0 : i32, i32
  }
  func.func @transform_5(%arg0: i32) -> (i32, i32) {
    %c0_i32 = arith.constant 0 : i32
    %c0_i32_0 = arith.constant 0 : i32
    %c0_i32_1 = arith.constant 0 : i32
    return %c0_i32, %c0_i32_0 : i32, i32
  }
  func.func @transform_6(%arg0: i32) -> (i32, i32) {
    %c0_i32 = arith.constant 0 : i32
    %c0_i32_0 = arith.constant 0 : i32
    return %arg0, %c0_i32 : i32, i32
  }
}

</mosaic_0001>

<sc_bundles>
// kernel: kernel.10.cloned.1.call-start
scs
__scs_entry_jumppad:
0x0: {  	(pc) =	sbr.rel $0x88, $3  }
0x1: {  	(tag) =	ssettag $0x0;
	lr =	simm.s32 $0x1  }
0x2: {  	[smem:$0x3F66] =	sst lr;
	_ =	strace $0xD0000000  }
0x3: {  	_ = 	snop  }
0x4: {  	_ = 	snop  }
0x5: {  	_ = 	snop  }
0x6: {  	_ = 	snop  }
0x7: {  	_ = 	snop  }
__scs_overlays_trampoline_lowered:
0x8: {  	[smem:$0x3F75] =	sst s0  }
0x9: {  	[smem:$0x3F76] =	sst s1  }
0xa: {  	[smem:$0x3F77] =	sst s2  }
0xb: {  	[smem:$0x3F78] =	sst s3  }
0xc: {  	[smem:$0x3F79] =	sst s4  }
0xd: {  	[smem:$0x3F7A] =	sst s5  }
0xe: {  	[smem:$0x3F7B] =	sst s6  }
0xf: {  	[smem:$0x3F7C] =	sst s7  }
0x10: {  	[smem:$0x3F7D] =	sst s8  }
0x11: {  	[smem:$0x3F7E] =	sst s9;
	s0 =	simm.s32 @!p0 $0x0  }
0x12: {  	s1 =	sld [smem:$0x3F64];
	s0 =	simm.s32 @p0 $0x1  }
0x13: {  	[smem:$0x3F7F] =	sst s0;
	s0 =	simm.s32 @!p1 $0x0  }
0x14: {  	s2 =	sld [smem:$0x3F63];
	s0 =	simm.s32 @p1 $0x1  }
0x15: {  	[smem:$0x3F80] =	sst s0;
	s0 =	simm.s32 @!p2 $0x0  }
0x16: {  	s3 =	sld [smem:$0x3FDB];
	s0 =	simm.s32 @p2 $0x1  }
0x17: {  	s4 =	simm.s32 $0x1BF5;
	[smem:$0x3F82] =	sst s0  }
0x18: {  	s0 =	sld [smem:$0x3F65];
	_ =	swait.ge [sflag:s4], $0x0  }
0x19: {  	s7 =	sld [smem:$0x3F66]  }
0x1a: {  	s8 =	sadd.s32 $0xFFFFE003, lr  }
0x1b: {  	s9 =	sadd.s32 $0xFFFFFEF7, lr;
	s5 =	simm.s32 $0xFFFFFFFF;
	p2 =	slt.u32 s8, $0xFFFFF086  }
0x1c: {  	p1 =	slt.u32 s9, $0xF7A;
	s5 =	simm.s32 @!p2 $0x0  }
0x1d: {  	s5 =	simm.s32 @p1 $0x1;
	p0 =	seq.s32 s7, s2  }
0x1e: {  	s7 =	smul.u32 @!p0 $0xF7A, s2;
	p2 =	seq.s32 @!p0 s5, $0x0  }
0x1f: {  	s9 =	smul.u32 $0xF7A, s1;
	s8 =	simm.s32 @!p0 $0x1BF5;
	p2 =	por !p2, p0  }
0x20: {  	[sflag:s8] =	ssyncset.s32 @!p0 $0xFFFFF086;
	s6 =	sadd.s32 @!p0 s3, s7;
	s7 =	simm.s32 @!p0 $0x108  }
0x21: {  	s3 =	sadd.s32 s3, s9;
	s6 =	sadd.s32 @!p0 $0x88, s6;
	s7 =	simm.s32 @p2 $0x1082  }
0x22: {  	[simem:s7], [sflag:s8] =	dma.local @!p0 [hbm:s6], $0xF7A  }
0x23: {  	s9 =	sor.u32 $0xD0000000, s2;
	s6 =	simm.s32 $0x108;
	_ =	swait.ge @!p0 [sflag:s8], $0x0  }
0x24: {  	s3 =	sadd.s32 $0x88, s3;
	s6 =	simm.s32 @!p1 $0x1082;
	[sflag:s4] =	ssyncset.s32 $0xFFFFF086  }
0x25: {  	[simem:s6], [sflag:s4] =	dma.local [hbm:s3], $0xF7A  }
0x26: {  	[smem:$0x3F66] =	sst s1;
	(tag) =	ssettag s2;
	_ =	strace s9  }
0x27: {  	s1 =	sld [smem:$0x3F76]  }
0x28: {  	s2 =	sld [smem:$0x3F77]  }
0x29: {  	s4 =	sld [smem:$0x3F79]  }
0x2a: {  	p0 =	seq.s32 s5, $0x0;
	s5 =	sld [smem:$0x3F7A]  }
0x2b: {  	s6 =	sld [smem:$0x3F7B]  }
0x2c: {  	s7 =	sld [smem:$0x3F7C]  }
0x2d: {  	s3 =	simm.s32 $0x108;
	s8 =	sld [smem:$0x3F7D]  }
0x2e: {  	s3 =	simm.s32 @!p0 $0x1082;
	s9 =	sld [smem:$0x3F7E]  }
0x2f: {  	lr =	sadd.s32 s0, s3;
	s0 =	sld [smem:$0x3F75]  }
0x30: {  	s3 =	sld [smem:$0x3F78]  }
0x31: {  	[smem:$0x3F81] =	sst s10  }
0x32: {  	s10 =	sld [smem:$0x3F7F];
	_ =	sdelay $0x3  }
0x33: {  	p0 =	seq.s32 s10, $0x1;
	s10 =	sld [smem:$0x3F81];
	_ =	sdelay $0x3  }
0x34: {  	[smem:$0x3F81] =	sst s10  }
0x35: {  	s10 =	sld [smem:$0x3F80];
	_ =	sdelay $0x3  }
0x36: {  	p1 =	seq.s32 s10, $0x1;
	s10 =	sld [smem:$0x3F81];
	_ =	sdelay $0x3  }
0x37: {  	[smem:$0x3F81] =	sst s10  }
0x38: {  	s10 =	sld [smem:$0x3F82]  }
0x39: {  	_ = 	snop;
	(pc) =	sbr.ind lr, $3  }
0x3a: {  	_ = 	snop  }
0x3b: {  	_ = 	snop  }
0x3c: {  	p2 =	seq.s32 s10, $0x1;
	s10 =	sld [smem:$0x3F81]  }
0x3d: {  	_ =	shalt  }
0x3e: {  	_ =	shalt  }
0x3f: {  	_ =	shalt  }
0x40: {  	_ =	shalt  }
0x41: {  	_ =	shalt  }
0x42: {  	_ =	shalt  }
0x43: {  	_ =	shalt  }
0x44: {  	_ =	shalt  }
0x45: {  	_ =	shalt  }
0x46: {  	_ =	shalt  }
0x47: {  	_ =	shalt  }
0x48: {  	_ =	shalt  }
0x49: {  	_ =	shalt  }
0x4a: {  	_ =	shalt  }
0x4b: {  	_ =	shalt  }
0x4c: {  	_ =	shalt  }
0x4d: {  	_ =	shalt  }
0x4e: {  	_ =	shalt  }
0x4f: {  	_ =	shalt  }
0x50: {  	_ =	shalt  }
0x51: {  	_ =	shalt  }
0x52: {  	_ =	shalt  }
0x53: {  	_ =	shalt  }
0x54: {  	_ =	shalt  }
0x55: {  	_ =	shalt  }
0x56: {  	_ =	shalt  }
0x57: {  	_ =	shalt  }
0x58: {  	_ =	shalt  }
0x59: {  	_ =	shalt  }
0x5a: {  	_ =	shalt  }
0x5b: {  	_ =	shalt  }
0x5c: {  	_ =	shalt  }
0x5d: {  	_ =	shalt  }
0x5e: {  	_ =	shalt  }
0x5f: {  	_ =	shalt  }
0x60: {  	_ =	shalt  }
0x61: {  	_ =	shalt  }
0x62: {  	_ =	shalt  }
0x63: {  	_ =	shalt  }
0x64: {  	_ =	shalt  }
0x65: {  	_ =	shalt  }
0x66: {  	_ =	shalt  }
0x67: {  	_ =	shalt  }
0x68: {  	_ =	shalt  }
0x69: {  	_ =	shalt  }
0x6a: {  	_ =	shalt  }
0x6b: {  	_ =	shalt  }
0x6c: {  	_ =	shalt  }
0x6d: {  	_ =	shalt  }
0x6e: {  	_ =	shalt  }
0x6f: {  	_ =	shalt  }
0x70: {  	_ =	shalt  }
0x71: {  	_ =	shalt  }
0x72: {  	_ =	shalt  }
0x73: {  	_ =	shalt  }
0x74: {  	_ =	shalt  }
0x75: {  	_ =	shalt  }
0x76: {  	_ =	shalt  }
0x77: {  	_ =	shalt  }
0x78: {  	_ =	shalt  }
0x79: {  	_ =	shalt  }
0x7a: {  	_ =	shalt  }
0x7b: {  	_ =	shalt  }
0x7c: {  	_ =	shalt  }
0x7d: {  	_ =	shalt  }
0x7e: {  	_ =	shalt  }
0x7f: {  	_ =	shalt  }
0x80: {  	_ =	shalt  }
0x81: {  	_ =	shalt  }
0x82: {  	_ =	shalt  }
0x83: {  	_ =	shalt  }
0x84: {  	_ =	shalt  }
0x85: {  	_ =	shalt  }
0x86: {  	_ =	shalt  }
0x87: {  	_ =	shalt  }
.Lfunc_end0:
.L_simem_size_0:
called_computation.1_lowered:
.L_overlay_start_0:
0x88: {  	s2 =	sld [smem:$0x3FD9]  }
0x89: {  	s3 =	sld [smem:$0x3FFE];
	_ =	sdelay $0x1  }
0x8a: {  	s1 =	srdreg.scid  }
0x8b: {  	s0 =	sand.u32 $0x1, s1  }
0x8c: {  	s16 =	sshll.u32 s0, $0xA;
	s2 =	sadd.s32 s3, s2  }
0x8d: {  	s2 =	sadd.s32 s2, s16  }
0x8e: {  	[smem:$0x3F8D] =	sst s2  }
0x8f: {  	_ = 	snop  }
0x90: {  	(tm) =	ssettm $0x1  }
0x91: {  	s17 =	sld [smem:$0x3FFB];
	_ =	sdelay $0x3  }
0x92: {  	_ =	strace s17  }
0x93: {  	s2 =	sld [smem:$0x3FFC];
	_ =	sdelay $0x3  }
0x94: {  	_ =	strace s2  }
0x95: {  	s2 =	sld [smem:$0x3FFD];
	_ =	sdelay $0x3  }
0x96: {  	_ =	strace s2  }
0x97: {  	_ =	strace $0x8FFFFFFF  }
0x98: {  	s18 =	sld [smem:$0x3FDB];
	_ =	sdelay $0x1  }
0x99: {  	s19 =	simm.s32 $_scs_section_size  }
0x9a: {  	s4 =	simm.s32 $_size__tile_overlayer_lowered;
	s5 =	simm.s32 $_tile_overlayer_lowered  }
0x9b: {  	s22 =	simm.s32 $0x1BFF;
	s21 =	sshll.u32 s5, $0x1;
	s2 =	sadd.s32 s19, s18  }
0x9c: {  	s6 =	simm.s32 $0x0;
	s20 =	sshll.u32 s4, $0x1;
	s4 =	sadd.s32 s21, s2  }
0x9d: {  	[timem:s6], [sflag:s22] =	dma.local [hbm:s4], s20  }
0x9e: {  	_ =	swait.ge [sflag:s22], s20  }
0x9f: {  	s3 =	ssub.s32 $0x0, s20;
	[sflag:s22] =	ssyncset.done $0x0  }
0xa0: {  	[sflag:s22] =	ssyncadd.s32 s3;
	_ =	sdelay $0x1  }
0xa1: {  	s23 =	simm.s32 $0x1B8B  }
0xa2: {  	_ =	swait.ge [sflag:s23], $0x1  }
0xa3: {  	[sflag:s23] =	ssyncset.done $0x0  }
0xa4: {  	s25 =	simm.s32 $0x1B8E;
	s24 =	sld [smem:$0x3FFE];
	[sflag:s23] =	ssyncadd.s32 $0xFFFFFFFF  }
0xa5: {  	s26 =	simm.s32 $execute0_lowered;
	[smem:$0x3FD2] =	sst s25  }
0xa6: {  	s4 =	sshll.u32 s26, $0x1;
	_ =	strace $0x80000046;
	[dreg:$0x1] =	wrdreg $0xFFFFFFFF  }
0xa7: {  	s28 =	simm.s32 $_size_execute0_lowered;
	s2 =	sadd.s32 s2, s4;
	[dreg:$0x0] =	wrdreg $0x0  }
0xa8: {  	s4 =	sshll.u32 s28, $0x1;
	[dreg:$0x2] =	wrdreg s2  }
0xa9: {  	[dreg:$0x3] =	wrdreg s4  }
0xaa: {  	[dreg:$0x4] =	wrdreg $0xC0  }
0xab: {  	_ =	task [dreg:s6], $0x5FFFF  }
0xac: {  	[dreg:$0x1] =	wrdreg $0xFFFFFFFF  }
0xad: {  	[dreg:$0x0] =	wrdreg $0x60  }
0xae: {  	[dreg:$0x2] =	wrdreg s24  }
0xaf: {  	[dreg:$0x3] =	wrdreg $0x93000  }
0xb0: {  	[dreg:$0x4] =	wrdreg $0x9  }
0xb1: {  	_ =	task.clear_ibuf [dreg:s6], $0x5FFFF;
	_ =	strace $0x90000046  }
0xb2: {  	s29 =	simm.s32 $0x9;
	_ =	strace $0x80000048  }
0xb3: {  	_ =	swait.ge [sflag:s29], $0x1  }
0xb4: {  	[sflag:s29] =	ssyncadd.s32 $0xFFFFFFFF  }
0xb5: {  	_ =	strace $0x90000048  }
0xb6: {  	_ =	sfence  }
0xb7: {  	s30 =	sld [smem:$0x0];
	_ =	sdelay $0x2  }
0xb8: {  	s31 =	sshll.u32 s1, $0xD;
	s1 =	sshrl.u32 s1, $0x2  }
0xb9: {  	s3 =	sand.u32 $0x4000, s31;
	s1 =	sadd.s32 s1, s30  }
0xba: {  	s0 =	sor.u32 s3, s0;
	s1 =	sshll.u32 s1, $0x11  }
0xbb: {  	s0 =	sor.u32 s1, s0  }
0xbc: {  	s0 =	sadd.s32 $0x8F2B, s0  }
0xbd: {  	[sflag:s0] =	ssyncadd.remote.s32 $0x1  }
0xbe: {  	_ =	sfence.sel $0xFFFF  }
0xbf: {  	[dreg:$0x0] =	wrdreg $0xFFFFFFFF;
	(pc) =	sbr.abs _section_cstart, $3  }
0xc0: {  	[dreg:$0x1] =	wrdreg $0xFFFFFFFF  }
0xc1: {  	_ =	task.clear_ibuf [dreg:s6], $0x2FFFF;
	_ =	strace $0x9FFFFFFF  }
0xc2: {  	(tm) =	ssettm $0x7FFFFFFF  }
0xc3: {  	_ =	shalt  }
tec
execute0_lowered:
.L_overlay_start_1:
0x0: {  	(tag) =	ssettag $0x1  }
0x1: {  	s0 =	rddreg [dreg:$0x0]  }
0x2: {  	s1 =	rddreg [dreg:$0x1];
	s2 =	srdreg.scid  }
0x3: {  	s10 =	stileid.u32;
	s28 =	simm.s32 $0x3;
	s29 =	simm.s32 $0x60  }
0x4: {  	s30 =	simm.s32 $0x300;
	s31 =	simm.s32 $0x4;
	s6 =	smul.u32 $0x13800, s10  }
0x5: {  	s4 =	sand.u32 $0x1, s2;
	s2 =	simm.s32 $0x0;
	s7 =	smul.u32 $0x4E000, s10  }
0x6: {  	s3 =	sadd.s32 $0x26C00, s0;
	s8 =	sadd.s32 $0x8E00, s0;
	s18 =	smul.u32 $0x510, s10  }
0x7: {  	s9 =	sadd.s32 $0xE000, s0;
	s21 =	smul.u32 $0x2880, s10;
	p0 =	sne.s32 s10, $0xF  }
0x8: {  	s5 =	smul.u32 $0x138800, s4;
	[smem:$0x7FF] =	sst s2;
	s14 =	ssub.s32 $0x2, s4  }
0x9: {  	_ =	strace $0x80000047;
	s15 =	sshrl.u32 s7, $0x2;
	s16 =	sshrl.u32 s14, $0x1  }
0xa: {  	s12 =	sadd.s32 s8, s18;
	s24 =	sshrl.u32 s21, $0x3;
	s13 =	sadd.s32 s9, s18  }
0xb: {  	s21 =	simm.s32 $0x7;
	s4 =	sadd.s32 s15, s1;
	s1 =	sadd.s32 $0x138000, s1  }
0xc: {  	s7 =	simm.s32 $0x6;
	s17 =	sadd.s32 $0x3000, s4;
	[dreg:$0x9] =	wrdreg s1  }
0xd: {  	s5 =	sadd.s32 s6, s5;
	s19 =	sadd.s32 $0x6000, s4;
	[dreg:$0x3] =	wrdreg s17  }
0xe: {  	s25 =	sor.u32 $0xC, s24;
	s20 =	sadd.s32 $0x9000, s4;
	[dreg:$0x4] =	wrdreg s19  }
0xf: {  	s5 =	sshrl.u32 s5, $0x3;
	s11 =	sadd.s32 $0xC000, s4;
	[dreg:$0x5] =	wrdreg s20  }
0x10: {  	s22 =	sadd.s32 $0xF000, s4;
	s23 =	sadd.s32 $0x12000, s4;
	[dreg:$0x6] =	wrdreg s11  }
0x11: {  	s1 =	sadd.s32 $0x18, s24;
	s26 =	sadd.s32 s8, s25;
	[dreg:$0x7] =	wrdreg s22  }
0x12: {  	s6 =	sadd.s32 s9, s25;
	s24 =	simm.s32 $0x200;
	[dreg:$0x8] =	wrdreg s23  }
0x13: {  	s25 =	simm.s32 $0x100;
	s0 =	sadd.s32 s5, s0;
	[dreg:$0xa] =	wrdreg s26  }
0x14: {  	s5 =	ssub.s32 s14, s16;
	[dreg:$0xb] =	wrdreg s6;
	s16 =	sadd.s32 s8, s1  }
0x15: {  	s17 =	sadd.s32 s9, s1;
	s20 =	simm.s32 $0x6300;
	s22 =	simm.s32 $0x180  }
0x16: {  	s23 =	simm.s32 $0x80;
	s26 =	simm.s32 $0x280;
	s1 =	simm.s32 $0x5  }
0x17: {  	s6 =	simm.s32 $0x2;
	s8 =	simm.s32 $0x0;
	s18 =	sadd.s32 $0x4DE00, s0  }
0x18: {  	v0 =	vimm.f32 $0.0e+00;
	s19 =	smax.u32 s5, $0x1;
	s0 =	simm.s32 $0x3300;
	s5 =	simm.s32 $0x1  }
.LBB2_1:
0x19: {  	s9 =	simm.s32 $0x0;
	s10 =	simm.s32 $0x200  }
.LBB2_2:
0x1a: {  	p1 =	sne.s32 s10, $0xBE00;
	[tilespmem:s9+$0x6370] =	vst v0  }
0x1b: {  	[tilespmem:s9+$0x6300] =	vst v0  }
0x1c: {  	[tilespmem:s9+$0x6310] =	vst v0  }
.Ltmp0:
0x1d: {  	[tilespmem:s9+$0x6320] =	vst v0;
	(pc) =	sbr.rel @p1 .LBB2_2-.Ltmp0, $4  }
0x1e: {  	[tilespmem:s9+$0x6330] =	vst v0  }
0x1f: {  	[tilespmem:s9+$0x6340] =	vst v0  }
0x20: {  	[tilespmem:s9+$0x6350] =	vst v0  }
0x21: {  	[tilespmem:s9+$0x6360] =	vst v0;
	s9 =	sshra.s32 s10, $0x2;
	s10 =	sadd.s32 $0x200, s10  }
0x22: {  	[tilespmem:s9+$0x6370] =	vst v0  }
0x23: {  	[tilespmem:s9+$0x6300] =	vst v0  }
0x24: {  	[tilespmem:s9+$0x6310] =	vst v0  }
0x25: {  	[tilespmem:s9+$0x6320] =	vst v0  }
0x26: {  	[tilespmem:s9+$0x6330] =	vst v0  }
0x27: {  	[tilespmem:s9+$0x6340] =	vst v0  }
0x28: {  	[tilespmem:s9+$0x6350] =	vst v0  }
0x29: {  	[tilespmem:s9+$0x6360] =	vst v0  }
0x2a: {  	[spmem:s4] =	stream.linear.scatter [tilespmem:s20], [sflag:$0x7], $0x3000, $0x38;
	[tilespmem:$0x1CB80] =	vst v63  }
0x2b: {  	_ =	swait.ge [sflag:s21], $0x3000  }
0x2c: {  	[sflag:s21] =	ssyncset.done $0x0  }
0x2d: {  	s11 =	rddreg [dreg:$0x3];
	[sflag:s21] =	ssyncadd.s32 $0xFFFFD000  }
0x2e: {  	[spmem:s11] =	stream.linear.scatter [tilespmem:s20], [sflag:$0x7], $0x3000, $0x38;
	[tilespmem:$0x1CB80] =	vst v63  }
0x2f: {  	_ =	swait.ge [sflag:s21], $0x3000  }
0x30: {  	[sflag:s21] =	ssyncset.done $0x0  }
0x31: {  	s14 =	rddreg [dreg:$0x4];
	[sflag:s21] =	ssyncadd.s32 $0xFFFFD000  }
0x32: {  	[spmem:s14] =	stream.linear.scatter [tilespmem:s20], [sflag:$0x7], $0x3000, $0x38;
	[tilespmem:$0x1CB80] =	vst v63  }
0x33: {  	_ =	swait.ge [sflag:s21], $0x3000  }
0x34: {  	[sflag:s21] =	ssyncset.done $0x0  }
0x35: {  	s15 =	rddreg [dreg:$0x5];
	[sflag:s21] =	ssyncadd.s32 $0xFFFFD000  }
0x36: {  	[spmem:s15] =	stream.linear.scatter [tilespmem:s20], [sflag:$0x7], $0x3000, $0x38;
	[tilespmem:$0x1CB80] =	vst v63  }
0x37: {  	_ =	swait.ge [sflag:s21], $0x3000  }
0x38: {  	[sflag:s21] =	ssyncset.done $0x0  }
0x39: {  	s10 =	rddreg [dreg:$0x6];
	[sflag:s21] =	ssyncadd.s32 $0xFFFFD000  }
0x3a: {  	[spmem:s10] =	stream.linear.scatter [tilespmem:s20], [sflag:$0x7], $0x3000, $0x38;
	[tilespmem:$0x1CB80] =	vst v63  }
0x3b: {  	_ =	swait.ge [sflag:s21], $0x3000  }
0x3c: {  	[sflag:s21] =	ssyncset.done $0x0  }
0x3d: {  	s11 =	rddreg [dreg:$0x7];
	[sflag:s21] =	ssyncadd.s32 $0xFFFFD000  }
0x3e: {  	[spmem:s11] =	stream.linear.scatter [tilespmem:s20], [sflag:$0x7], $0x3000, $0x38;
	[tilespmem:$0x1CB80] =	vst v63  }
0x3f: {  	_ =	swait.ge [sflag:s21], $0x3000  }
0x40: {  	[sflag:s21] =	ssyncset.done $0x0  }
0x41: {  	s14 =	rddreg [dreg:$0x8];
	[sflag:s21] =	ssyncadd.s32 $0xFFFFD000  }
0x42: {  	[spmem:s14] =	stream.linear.scatter [tilespmem:s20], [sflag:$0x7], $0x1800, $0x38;
	[tilespmem:$0x1CB80] =	vst v63  }
0x43: {  	_ =	swait.ge [sflag:s21], $0x1800  }
0x44: {  	[sflag:s21] =	ssyncset.done $0x0  }
0x45: {  	s9 =	simm.s32 @!p0 $0x6300;
	s10 =	rddreg [dreg:$0x9];
	[sflag:s21] =	ssyncadd.s32 $0xFFFFE800  }
0x46: {  	[spmem:s10] =	stream.linear.scatter @!p0 [tilespmem:s9], [sflag:$0x7], $0x800, $0x38;
	[tilespmem:$0x1CB80] =	vst v63  }
0x47: {  	s9 =	simm.s32 @!p0 $0x7  }
0x48: {  	_ =	swait.ge @!p0 [sflag:s9], $0x800  }
0x49: {  	[sflag:s9] =	ssyncset.done @!p0 $0x0  }
0x4a: {  	[sflag:s9] =	ssyncadd.s32 @!p0 $0xFFFFF800  }
0x4b: {  	s15 =	simm.s32 $0x0;
	[bflag:$0x0] =	sbarrier.arrive $0xFFFF  }
0x4c: {  	[tilespmem:s15], [sflag:$0x3] =	stream.linear.gather [hbm4b:s12+s15], $0x60, $0x38;
	[tilespmem:$0x1CB80] =	vst v63  }
0x4d: {  	_ = 	snop  }
0x4e: {  	[tilespmem:s22], [sflag:$0x3] =	stream.linear.gather [hbm4b:s13+s15], $0x60, $0x38;
	[tilespmem:$0x1CB80] =	vst v63  }
0x4f: {  	s11 =	rddreg [dreg:$0xa]  }
0x50: {  	[tilespmem:s23], [sflag:$0x4] =	stream.linear.gather [hbm4b:s11+s15], $0x60, $0x38;
	[tilespmem:$0x1CB80] =	vst v63  }
0x51: {  	s14 =	rddreg [dreg:$0xb]  }
0x52: {  	[tilespmem:s24], [sflag:$0x4] =	stream.linear.gather [hbm4b:s14+s15], $0x60, $0x38;
	[tilespmem:$0x1CB80] =	vst v63  }
0x53: {  	_ = 	snop  }
0x54: {  	[tilespmem:s25], [sflag:$0x5] =	stream.linear.gather [hbm4b:s16+s15], $0x60, $0x38;
	[tilespmem:$0x1CB80] =	vst v63  }
0x55: {  	_ = 	snop  }
0x56: {  	[tilespmem:s26], [sflag:$0x5] =	stream.linear.gather [hbm4b:s17+s15], $0x60, $0x38;
	[tilespmem:$0x1CB80] =	vst v63  }
0x57: {  	_ =	swait.ge [sflag:s28], $0x60  }
0x58: {  	[sflag:s28] =	ssyncset.done $0x0  }
0x59: {  	[sflag:s28] =	ssyncadd.s32 $0xFFFFFFA0  }
0x5a: {  	_ =	swait.ge [sflag:s28], $0x60  }
0x5b: {  	[sflag:s28] =	ssyncset.done $0x0  }
0x5c: {  	[sflag:s28] =	ssyncadd.s32 $0xFFFFFFA0  }
0x5d: {  	[tilespmem:s30], [sflag:$0x1] =	stream.indirect.gather [hbm4b:s3+s29], $0x80, s15, s29, $0xb8;
	[tilespmem:$0x1CB80] =	vst v63  }
0x5e: {  	_ =	swait.ge [sflag:s31], $0x60  }
0x5f: {  	[sflag:s31] =	ssyncset.done $0x0  }
0x60: {  	[sflag:s31] =	ssyncadd.s32 $0xFFFFFFA0  }
0x61: {  	_ =	swait.ge [sflag:s31], $0x60  }
0x62: {  	[sflag:s31] =	ssyncset.done $0x0  }
0x63: {  	[sflag:s31] =	ssyncadd.s32 $0xFFFFFFA0  }
0x64: {  	[tilespmem:s0], [sflag:$0x2] =	stream.indirect.gather [hbm4b:s3+s29], $0x80, s23, s29, $0xb8;
	[tilespmem:$0x1CB80] =	vst v63  }
0x65: {  	_ =	swait.ge [sflag:s1], $0x60  }
0x66: {  	[sflag:s1] =	ssyncset.done $0x0  }
0x67: {  	[sflag:s1] =	ssyncadd.s32 $0xFFFFFFA0  }
0x68: {  	_ =	swait.ge [sflag:s1], $0x60  }
0x69: {  	[sflag:s1] =	ssyncset.done $0x0  }
0x6a: {  	[sflag:s1] =	ssyncadd.s32 $0xFFFFFFA0  }
0x6b: {  	[tilespmem:s20], [sflag:$0x6] =	stream.indirect.gather [hbm4b:s3+s29], $0x80, s25, s29, $0xb8;
	[tilespmem:$0x1CB80] =	vst v63  }
0x6c: {  	_ =	swait.ge [sflag:s5], $0x3000  }
0x6d: {  	s9 =	sadd.s32 $0x0, s12;
	[sflag:s5] =	ssyncset.done $0x0  }
0x6e: {  	s11 =	sadd.s32 $0x0, s13;
	s15 =	sadd.s32 $0x24, s9;
	[sflag:s5] =	ssyncadd.s32 $0xFFFFD000  }
0x6f: {  	[tilespmem:s2], [sflag:$0x3] =	stream.linear.gather [hbm4b:s15+s2], $0x60, $0x38;
	[tilespmem:$0x1CB80] =	vst v63  }
0x70: {  	s14 =	sadd.s32 $0x24, s11  }
0x71: {  	[tilespmem:s22], [sflag:$0x3] =	stream.linear.gather [hbm4b:s14+s2], $0x60, $0x38;
	[tilespmem:$0x1CB80] =	vst v63  }
0x72: {  	_ =	swait.ge [sflag:s28], $0x60  }
0x73: {  	[sflag:s28] =	ssyncset.done $0x0  }
0x74: {  	[sflag:s28] =	ssyncadd.s32 $0xFFFFFFA0  }
0x75: {  	_ =	swait.ge [sflag:s28], $0x60  }
0x76: {  	[sflag:s28] =	ssyncset.done $0x0  }
0x77: {  	[sflag:s28] =	ssyncadd.s32 $0xFFFFFFA0  }
0x78: {  	[tilespmem:s30], [sflag:$0x1] =	stream.indirect.gather [hbm4b:s3+s29], $0x80, s2, s29, $0xb8;
	[tilespmem:$0x1CB80] =	vst v63  }
0x79: {  	_ =	swait.ge [sflag:s6], $0x3000  }
0x7a: {  	[sflag:s6] =	ssyncset.done $0x0  }
0x7b: {  	s15 =	sadd.s32 $0x30, s9;
	[sflag:s6] =	ssyncadd.s32 $0xFFFFD000  }
0x7c: {  	[tilespmem:s23], [sflag:$0x4] =	stream.linear.gather [hbm4b:s15+s2], $0x60, $0x38;
	[tilespmem:$0x1CB80] =	vst v63  }
0x7d: {  	s14 =	sadd.s32 $0x30, s11  }
0x7e: {  	[tilespmem:s24], [sflag:$0x4] =	stream.linear.gather [hbm4b:s14+s2], $0x60, $0x38;
	[tilespmem:$0x1CB80] =	vst v63  }
0x7f: {  	_ =	swait.ge [sflag:s31], $0x60  }
0x80: {  	[sflag:s31] =	ssyncset.done $0x0  }
0x81: {  	[sflag:s31] =	ssyncadd.s32 $0xFFFFFFA0  }
0x82: {  	_ =	swait.ge [sflag:s31], $0x60  }
0x83: {  	[sflag:s31] =	ssyncset.done $0x0  }
0x84: {  	[sflag:s31] =	ssyncadd.s32 $0xFFFFFFA0  }
0x85: {  	[tilespmem:s0], [sflag:$0x2] =	stream.indirect.gather [hbm4b:s3+s29], $0x80, s23, s29, $0xb8;
	[tilespmem:$0x1CB80] =	vst v63  }
0x86: {  	_ =	swait.ge [sflag:s7], $0x3000  }
0x87: {  	[sflag:s7] =	ssyncset.done $0x0  }
0x88: {  	s9 =	sadd.s32 $0x3C, s9;
	[sflag:s7] =	ssyncadd.s32 $0xFFFFD000  }
0x89: {  	[tilespmem:s25], [sflag:$0x5] =	stream.linear.gather [hbm4b:s9+s2], $0x60, $0x38;
	[tilespmem:$0x1CB80] =	vst v63  }
0x8a: {  	s15 =	sadd.s32 $0x3C, s11  }
0x8b: {  	[tilespmem:s26], [sflag:$0x5] =	stream.linear.gather [hbm4b:s15+s2], $0x60, $0x38;
	[tilespmem:$0x1CB80] =	vst v63  }
0x8c: {  	_ =	swait.ge [sflag:s1], $0x60  }
0x8d: {  	[sflag:s1] =	ssyncset.done $0x0  }
0x8e: {  	[sflag:s1] =	ssyncadd.s32 $0xFFFFFFA0  }
0x8f: {  	_ =	swait.ge [sflag:s1], $0x60  }
0x90: {  	[sflag:s1] =	ssyncset.done $0x0  }
0x91: {  	[sflag:s1] =	ssyncadd.s32 $0xFFFFFFA0  }
0x92: {  	[tilespmem:s20], [sflag:$0x6] =	stream.indirect.gather [hbm4b:s3+s29], $0x80, s25, s29, $0xb8;
	[tilespmem:$0x1CB80] =	vst v63  }
0x93: {  	s10 =	simm.s32 $0x24;
	_ =	swait.ge [sflag:s5], $0x3000  }
0x94: {  	s11 =	simm.s32 $0x48;
	s9 =	sadd.s32 $0x24, s12;
	[sflag:s5] =	ssyncset.done $0x0  }
.LBB2_4:
0x95: {  	s14 =	sadd.s32 $0x24, s9  }
0x96: {  	s15 =	sadd.s32 s10, s13;
	[sflag:s5] =	ssyncadd.s32 $0xFFFFD000;
	s10 =	smov.u32 s11  }
0x97: {  	[tilespmem:s2], [sflag:$0x3] =	stream.linear.gather [hbm4b:s14+s2], $0x60, $0x38;
	[tilespmem:$0x1CB80] =	vst v63  }
0x98: {  	p1 =	sne.s32 s11, $0x4C8;
	s11 =	sadd.s32 $0x24, s11;
	s14 =	sadd.s32 $0x24, s15  }
0x99: {  	[tilespmem:s22], [sflag:$0x3] =	stream.linear.gather [hbm4b:s14+s2], $0x60, $0x38;
	[tilespmem:$0x1CB80] =	vst v63  }
0x9a: {  	_ =	swait.ge [sflag:s28], $0x60  }
0x9b: {  	[sflag:s28] =	ssyncset.done $0x0  }
0x9c: {  	[sflag:s28] =	ssyncadd.s32 $0xFFFFFFA0  }
0x9d: {  	_ =	swait.ge [sflag:s28], $0x60  }
0x9e: {  	[sflag:s28] =	ssyncset.done $0x0  }
0x9f: {  	[sflag:s28] =	ssyncadd.s32 $0xFFFFFFA0  }
0xa0: {  	[tilespmem:s30], [sflag:$0x1] =	stream.indirect.gather [hbm4b:s3+s29], $0x80, s2, s29, $0xb8;
	[tilespmem:$0x1CB80] =	vst v63  }
0xa1: {  	_ =	swait.ge [sflag:s6], $0x3000  }
0xa2: {  	[sflag:s6] =	ssyncset.done $0x0  }
0xa3: {  	s14 =	sadd.s32 $0x30, s9;
	[sflag:s6] =	ssyncadd.s32 $0xFFFFD000  }
0xa4: {  	[tilespmem:s23], [sflag:$0x4] =	stream.linear.gather [hbm4b:s14+s2], $0x60, $0x38;
	[tilespmem:$0x1CB80] =	vst v63  }
0xa5: {  	s14 =	sadd.s32 $0x30, s15  }
0xa6: {  	[tilespmem:s24], [sflag:$0x4] =	stream.linear.gather [hbm4b:s14+s2], $0x60, $0x38;
	[tilespmem:$0x1CB80] =	vst v63  }
0xa7: {  	_ =	swait.ge [sflag:s31], $0x60  }
0xa8: {  	[sflag:s31] =	ssyncset.done $0x0  }
0xa9: {  	[sflag:s31] =	ssyncadd.s32 $0xFFFFFFA0  }
0xaa: {  	_ =	swait.ge [sflag:s31], $0x60  }
0xab: {  	[sflag:s31] =	ssyncset.done $0x0  }
0xac: {  	[sflag:s31] =	ssyncadd.s32 $0xFFFFFFA0  }
0xad: {  	[tilespmem:s0], [sflag:$0x2] =	stream.indirect.gather [hbm4b:s3+s29], $0x80, s23, s29, $0xb8;
	[tilespmem:$0x1CB80] =	vst v63  }
0xae: {  	_ =	swait.ge [sflag:s7], $0x3000  }
0xaf: {  	[sflag:s7] =	ssyncset.done $0x0  }
0xb0: {  	s9 =	sadd.s32 $0x3C, s9;
	[sflag:s7] =	ssyncadd.s32 $0xFFFFD000  }
0xb1: {  	[tilespmem:s25], [sflag:$0x5] =	stream.linear.gather [hbm4b:s9+s2], $0x60, $0x38;
	[tilespmem:$0x1CB80] =	vst v63  }
0xb2: {  	s9 =	sadd.s32 $0x3C, s15  }
0xb3: {  	[tilespmem:s26], [sflag:$0x5] =	stream.linear.gather [hbm4b:s9+s2], $0x60, $0x38;
	[tilespmem:$0x1CB80] =	vst v63  }
0xb4: {  	_ =	swait.ge [sflag:s1], $0x60  }
0xb5: {  	[sflag:s1] =	ssyncset.done $0x0  }
0xb6: {  	[sflag:s1] =	ssyncadd.s32 $0xFFFFFFA0  }
0xb7: {  	_ =	swait.ge [sflag:s1], $0x60  }
.Ltmp1:
0xb8: {  	[sflag:s1] =	ssyncset.done $0x0;
	(pc) =	sbr.rel @p1 .LBB2_4-.Ltmp1, $4  }
0xb9: {  	[sflag:s1] =	ssyncadd.s32 $0xFFFFFFA0  }
0xba: {  	[tilespmem:s20], [sflag:$0x6] =	stream.indirect.gather [hbm4b:s3+s29], $0x80, s25, s29, $0xb8;
	[tilespmem:$0x1CB80] =	vst v63  }
0xbb: {  	_ =	swait.ge [sflag:s5], $0x3000  }
0xbc: {  	s9 =	sadd.s32 s10, s12;
	[sflag:s5] =	ssyncset.done $0x0  }
0xbd: {  	s11 =	sadd.s32 $0x24, s9;
	s10 =	sadd.s32 s10, s13;
	[sflag:s5] =	ssyncadd.s32 $0xFFFFD000  }
0xbe: {  	[tilespmem:s2], [sflag:$0x3] =	stream.linear.gather [hbm4b:s11+s2], $0x60, $0x38;
	[tilespmem:$0x1CB80] =	vst v63  }
0xbf: {  	s14 =	sadd.s32 $0x24, s10  }
0xc0: {  	[tilespmem:s22], [sflag:$0x3] =	stream.linear.gather [hbm4b:s14+s2], $0x60, $0x38;
	[tilespmem:$0x1CB80] =	vst v63  }
0xc1: {  	_ =	swait.ge [sflag:s28], $0x60  }
0xc2: {  	[sflag:s28] =	ssyncset.done $0x0  }
0xc3: {  	[sflag:s28] =	ssyncadd.s32 $0xFFFFFFA0  }
0xc4: {  	_ =	swait.ge [sflag:s28], $0x60  }
0xc5: {  	[sflag:s28] =	ssyncset.done $0x0  }
0xc6: {  	[sflag:s28] =	ssyncadd.s32 $0xFFFFFFA0  }
0xc7: {  	[tilespmem:s30], [sflag:$0x1] =	stream.indirect.gather [hbm4b:s3+s29], $0x80, s2, s29, $0xb8;
	[tilespmem:$0x1CB80] =	vst v63  }
0xc8: {  	_ =	swait.ge [sflag:s6], $0x3000  }
0xc9: {  	[sflag:s6] =	ssyncset.done $0x0  }
0xca: {  	s15 =	sadd.s32 $0x30, s9;
	[sflag:s6] =	ssyncadd.s32 $0xFFFFD000  }
0xcb: {  	[tilespmem:s23], [sflag:$0x4] =	stream.linear.gather [hbm4b:s15+s2], $0x60, $0x38;
	[tilespmem:$0x1CB80] =	vst v63  }
0xcc: {  	s14 =	sadd.s32 $0x30, s10  }
0xcd: {  	[tilespmem:s24], [sflag:$0x4] =	stream.linear.gather [hbm4b:s14+s2], $0x60, $0x38;
	[tilespmem:$0x1CB80] =	vst v63  }
0xce: {  	_ =	swait.ge [sflag:s31], $0x60  }
0xcf: {  	[sflag:s31] =	ssyncset.done $0x0  }
0xd0: {  	[sflag:s31] =	ssyncadd.s32 $0xFFFFFFA0  }
0xd1: {  	_ =	swait.ge [sflag:s31], $0x60  }
0xd2: {  	[sflag:s31] =	ssyncset.done $0x0  }
0xd3: {  	[sflag:s31] =	ssyncadd.s32 $0xFFFFFFA0  }
0xd4: {  	[tilespmem:s0], [sflag:$0x2] =	stream.indirect.gather [hbm4b:s3+s29], $0x80, s23, s29, $0xb8;
	[tilespmem:$0x1CB80] =	vst v63  }
0xd5: {  	_ =	swait.ge [sflag:s7], $0x3000  }
0xd6: {  	[sflag:s7] =	ssyncset.done $0x0  }
0xd7: {  	s15 =	sadd.s32 $0x3C, s9;
	[sflag:s7] =	ssyncadd.s32 $0xFFFFD000  }
0xd8: {  	[tilespmem:s25], [sflag:$0x5] =	stream.linear.gather [hbm4b:s15+s2], $0x60, $0x38;
	[tilespmem:$0x1CB80] =	vst v63  }
0xd9: {  	s11 =	sadd.s32 $0x3C, s10  }
0xda: {  	[tilespmem:s26], [sflag:$0x5] =	stream.linear.gather [hbm4b:s11+s2], $0x60, $0x38;
	[tilespmem:$0x1CB80] =	vst v63  }
0xdb: {  	_ =	swait.ge [sflag:s1], $0x60  }
0xdc: {  	[sflag:s1] =	ssyncset.done $0x0  }
0xdd: {  	[sflag:s1] =	ssyncadd.s32 $0xFFFFFFA0  }
0xde: {  	_ =	swait.ge [sflag:s1], $0x60  }
0xdf: {  	[sflag:s1] =	ssyncset.done $0x0  }
0xe0: {  	[sflag:s1] =	ssyncadd.s32 $0xFFFFFFA0  }
0xe1: {  	[tilespmem:s20], [sflag:$0x6] =	stream.indirect.gather [hbm4b:s3+s29], $0x80, s25, s29, $0xb8;
	[tilespmem:$0x1CB80] =	vst v63  }
0xe2: {  	_ =	swait.ge [sflag:s5], $0x3000  }
0xe3: {  	[sflag:s5] =	ssyncset.done $0x0  }
0xe4: {  	[sflag:s5] =	ssyncadd.s32 $0xFFFFD000  }
0xe5: {  	_ =	swait.ge [sflag:s6], $0x3000  }
0xe6: {  	[sflag:s6] =	ssyncset.done $0x0  }
0xe7: {  	[sflag:s6] =	ssyncadd.s32 $0xFFFFD000  }
0xe8: {  	s14 =	stileid.u32;
	_ =	swait.ge [sflag:s7], $0x3000  }
0xe9: {  	s8 =	sadd.s32 $0x1, s8;
	s9 =	sshll.u32 s14, $0x6;
	[sflag:s7] =	ssyncset.done $0x0  }
0xea: {  	p1 =	sne.s32 s8, s19;
	s9 =	sor.u32 $0x1C07, s9;
	[sflag:s7] =	ssyncadd.s32 $0xFFFFD000  }
.Ltmp2:
0xeb: {  	s15 =	sshrl.u32 s4, $0x3;
	[bflag:$0x0] =	sbarrier.arrive $0xFFFF;
	(pc) =	sbr.rel @p1 .LBB2_1-.Ltmp2, $4  }
0xec: {  	[hbm:s18], [sflag:s9] =	dma.local [spmem:s15], $0x2700  }
0xed: {  	_ =	swait.ge [sflag:s21], $0x2700  }
0xee: {  	[sflag:s21] =	ssyncset.done $0x0  }
0xef: {  	[sflag:s21] =	ssyncadd.s32 $0xFFFFD900  }
0xf0: {  	_ =	sfence.sel $0x180000  }
0xf1: {  	[bflag:$0x0] =	sbarrier.arrive $0xFFFF  }
0xf2: {  	_ =	strace $0x90000047  }
0xf3: {  	s0 =	stileid.u32;
	[bflag:$0x2] =	sbarrier.arrive $0xFFFF  }
0xf4: {  	p0 =	sne.s32 s0, $0x0;
	s0 =	rddreg [dreg:$0x2]  }
0xf5: {  	s0 =	sadd.s32 @!p0 $0x100000, s0  }
0xf6: {  	[sflag:s0] =	ssyncadd.tile.s32 @!p0 $0x1;
	_ =	shalt  }
.Lfunc_end2:
_tile_overlayer_lowered:
.L_overlay_start_2:
0xf7: {  	(tag) =	ssettag $0x2  }
0xf8: {  	s0 =	rddreg [dreg:$0x0];
	s2 =	stileid.u32  }
0xf9: {  	s1 =	rddreg [dreg:$0x1];
	p0 =	sne.s32 s2, $0x0  }
0xfa: {  	s3 =	rddreg [dreg:$0x2];
	[bflag:$0x3] =	sbarrier.arrive $0xFFFF;
	s2 =	simm.s32 @!p0 $0x1C07  }
0xfb: {  	[timem:s3], [sflag:s2] =	dma.local @!p0 [hbm:s0], s1  }
0xfc: {  	s0 =	simm.s32 @!p0 $0x7  }
0xfd: {  	_ =	swait.ge @!p0 [sflag:s0], s1  }
0xfe: {  	s1 =	ssub.s32 @!p0 $0x0, s1;
	[sflag:s0] =	ssyncset.done @!p0 $0x0  }
0xff: {  	[sflag:s0] =	ssyncadd.s32 @!p0 s1  }
0x100: {  	[bflag:$0x3] =	sbarrier.arrive $0xFFFF  }
0x101: {  	_ =	shalt  }

// kernel: kernel.13.cloned.1.call-start
scs
__scs_entry_jumppad:
0x0: {  	(pc) =	sbr.rel $0x88, $3  }
0x1: {  	(tag) =	ssettag $0x0;
	lr =	simm.s32 $0x1  }
0x2: {  	[smem:$0x3F66] =	sst lr;
	_ =	strace $0xD0000000  }
0x3: {  	_ = 	snop  }
0x4: {  	_ = 	snop  }
0x5: {  	_ = 	snop  }
0x6: {  	_ = 	snop  }
0x7: {  	_ = 	snop  }
__scs_overlays_trampoline_lowered:
0x8: {  	[smem:$0x3F75] =	sst s0  }
0x9: {  	[smem:$0x3F76] =	sst s1  }
0xa: {  	[smem:$0x3F77] =	sst s2  }
0xb: {  	[smem:$0x3F78] =	sst s3  }
0xc: {  	[smem:$0x3F79] =	sst s4  }
0xd: {  	[smem:$0x3F7A] =	sst s5  }
0xe: {  	[smem:$0x3F7B] =	sst s6  }
0xf: {  	[smem:$0x3F7C] =	sst s7  }
0x10: {  	[smem:$0x3F7D] =	sst s8  }
0x11: {  	[smem:$0x3F7E] =	sst s9;
	s0 =	simm.s32 @!p0 $0x0  }
0x12: {  	s1 =	sld [smem:$0x3F64];
	s0 =	simm.s32 @p0 $0x1  }
0x13: {  	[smem:$0x3F7F] =	sst s0;
	s0 =	simm.s32 @!p1 $0x0  }
0x14: {  	s2 =	sld [smem:$0x3F63];
	s0 =	simm.s32 @p1 $0x1  }
0x15: {  	[smem:$0x3F80] =	sst s0;
	s0 =	simm.s32 @!p2 $0x0  }
0x16: {  	s3 =	sld [smem:$0x3FDB];
	s0 =	simm.s32 @p2 $0x1  }
0x17: {  	s4 =	simm.s32 $0x1BF5;
	[smem:$0x3F82] =	sst s0  }
0x18: {  	s0 =	sld [smem:$0x3F65];
	_ =	swait.ge [sflag:s4], $0x0  }
0x19: {  	s7 =	sld [smem:$0x3F66]  }
0x1a: {  	s8 =	sadd.s32 $0xFFFFE003, lr  }
0x1b: {  	s9 =	sadd.s32 $0xFFFFFEF7, lr;
	s5 =	simm.s32 $0xFFFFFFFF;
	p2 =	slt.u32 s8, $0xFFFFF086  }
0x1c: {  	p1 =	slt.u32 s9, $0xF7A;
	s5 =	simm.s32 @!p2 $0x0  }
0x1d: {  	s5 =	simm.s32 @p1 $0x1;
	p0 =	seq.s32 s7, s2  }
0x1e: {  	s7 =	smul.u32 @!p0 $0xF7A, s2;
	p2 =	seq.s32 @!p0 s5, $0x0  }
0x1f: {  	s9 =	smul.u32 $0xF7A, s1;
	s8 =	simm.s32 @!p0 $0x1BF5;
	p2 =	por !p2, p0  }
0x20: {  	[sflag:s8] =	ssyncset.s32 @!p0 $0xFFFFF086;
	s6 =	sadd.s32 @!p0 s3, s7;
	s7 =	simm.s32 @!p0 $0x108  }
0x21: {  	s3 =	sadd.s32 s3, s9;
	s6 =	sadd.s32 @!p0 $0x88, s6;
	s7 =	simm.s32 @p2 $0x1082  }
0x22: {  	[simem:s7], [sflag:s8] =	dma.local @!p0 [hbm:s6], $0xF7A  }
0x23: {  	s9 =	sor.u32 $0xD0000000, s2;
	s6 =	simm.s32 $0x108;
	_ =	swait.ge @!p0 [sflag:s8], $0x0  }
0x24: {  	s3 =	sadd.s32 $0x88, s3;
	s6 =	simm.s32 @!p1 $0x1082;
	[sflag:s4] =	ssyncset.s32 $0xFFFFF086  }
0x25: {  	[simem:s6], [sflag:s4] =	dma.local [hbm:s3], $0xF7A  }
0x26: {  	[smem:$0x3F66] =	sst s1;
	(tag) =	ssettag s2;
	_ =	strace s9  }
0x27: {  	s1 =	sld [smem:$0x3F76]  }
0x28: {  	s2 =	sld [smem:$0x3F77]  }
0x29: {  	s4 =	sld [smem:$0x3F79]  }
0x2a: {  	p0 =	seq.s32 s5, $0x0;
	s5 =	sld [smem:$0x3F7A]  }
0x2b: {  	s6 =	sld [smem:$0x3F7B]  }
0x2c: {  	s7 =	sld [smem:$0x3F7C]  }
0x2d: {  	s3 =	simm.s32 $0x108;
	s8 =	sld [smem:$0x3F7D]  }
0x2e: {  	s3 =	simm.s32 @!p0 $0x1082;
	s9 =	sld [smem:$0x3F7E]  }
0x2f: {  	lr =	sadd.s32 s0, s3;
	s0 =	sld [smem:$0x3F75]  }
0x30: {  	s3 =	sld [smem:$0x3F78]  }
0x31: {  	[smem:$0x3F81] =	sst s10  }
0x32: {  	s10 =	sld [smem:$0x3F7F];
	_ =	sdelay $0x3  }
0x33: {  	p0 =	seq.s32 s10, $0x1;
	s10 =	sld [smem:$0x3F81];
	_ =	sdelay $0x3  }
0x34: {  	[smem:$0x3F81] =	sst s10  }
0x35: {  	s10 =	sld [smem:$0x3F80];
	_ =	sdelay $0x3  }
0x36: {  	p1 =	seq.s32 s10, $0x1;
	s10 =	sld [smem:$0x3F81];
	_ =	sdelay $0x3  }
0x37: {  	[smem:$0x3F81] =	sst s10  }
0x38: {  	s10 =	sld [smem:$0x3F82]  }
0x39: {  	_ = 	snop;
	(pc) =	sbr.ind lr, $3  }
0x3a: {  	_ = 	snop  }
0x3b: {  	_ = 	snop  }
0x3c: {  	p2 =	seq.s32 s10, $0x1;
	s10 =	sld [smem:$0x3F81]  }
0x3d: {  	_ =	shalt  }
0x3e: {  	_ =	shalt  }
0x3f: {  	_ =	shalt  }
0x40: {  	_ =	shalt  }
0x41: {  	_ =	shalt  }
0x42: {  	_ =	shalt  }
0x43: {  	_ =	shalt  }
0x44: {  	_ =	shalt  }
0x45: {  	_ =	shalt  }
0x46: {  	_ =	shalt  }
0x47: {  	_ =	shalt  }
0x48: {  	_ =	shalt  }
0x49: {  	_ =	shalt  }
0x4a: {  	_ =	shalt  }
0x4b: {  	_ =	shalt  }
0x4c: {  	_ =	shalt  }
0x4d: {  	_ =	shalt  }
0x4e: {  	_ =	shalt  }
0x4f: {  	_ =	shalt  }
0x50: {  	_ =	shalt  }
0x51: {  	_ =	shalt  }
0x52: {  	_ =	shalt  }
0x53: {  	_ =	shalt  }
0x54: {  	_ =	shalt  }
0x55: {  	_ =	shalt  }
0x56: {  	_ =	shalt  }
0x57: {  	_ =	shalt  }
0x58: {  	_ =	shalt  }
0x59: {  	_ =	shalt  }
0x5a: {  	_ =	shalt  }
0x5b: {  	_ =	shalt  }
0x5c: {  	_ =	shalt  }
0x5d: {  	_ =	shalt  }
0x5e: {  	_ =	shalt  }
0x5f: {  	_ =	shalt  }
0x60: {  	_ =	shalt  }
0x61: {  	_ =	shalt  }
0x62: {  	_ =	shalt  }
0x63: {  	_ =	shalt  }
0x64: {  	_ =	shalt  }
0x65: {  	_ =	shalt  }
0x66: {  	_ =	shalt  }
0x67: {  	_ =	shalt  }
0x68: {  	_ =	shalt  }
0x69: {  	_ =	shalt  }
0x6a: {  	_ =	shalt  }
0x6b: {  	_ =	shalt  }
0x6c: {  	_ =	shalt  }
0x6d: {  	_ =	shalt  }
0x6e: {  	_ =	shalt  }
0x6f: {  	_ =	shalt  }
0x70: {  	_ =	shalt  }
0x71: {  	_ =	shalt  }
0x72: {  	_ =	shalt  }
0x73: {  	_ =	shalt  }
0x74: {  	_ =	shalt  }
0x75: {  	_ =	shalt  }
0x76: {  	_ =	shalt  }
0x77: {  	_ =	shalt  }
0x78: {  	_ =	shalt  }
0x79: {  	_ =	shalt  }
0x7a: {  	_ =	shalt  }
0x7b: {  	_ =	shalt  }
0x7c: {  	_ =	shalt  }
0x7d: {  	_ =	shalt  }
0x7e: {  	_ =	shalt  }
0x7f: {  	_ =	shalt  }
0x80: {  	_ =	shalt  }
0x81: {  	_ =	shalt  }
0x82: {  	_ =	shalt  }
0x83: {  	_ =	shalt  }
0x84: {  	_ =	shalt  }
0x85: {  	_ =	shalt  }
0x86: {  	_ =	shalt  }
0x87: {  	_ =	shalt  }
.Lfunc_end0:
.L_simem_size_0:
called_computation.2_lowered:
.L_overlay_start_0:
0x88: {  	s2 =	sld [smem:$0x3FD9]  }
0x89: {  	s3 =	sld [smem:$0x3FFE];
	_ =	sdelay $0x1  }
0x8a: {  	s1 =	srdreg.scid  }
0x8b: {  	s0 =	sand.u32 $0x1, s1  }
0x8c: {  	s16 =	sshll.u32 s0, $0xA;
	s2 =	sadd.s32 s3, s2  }
0x8d: {  	s2 =	sadd.s32 s2, s16  }
0x8e: {  	[smem:$0x3F8D] =	sst s2  }
0x8f: {  	_ = 	snop  }
0x90: {  	(tm) =	ssettm $0x1  }
0x91: {  	s17 =	sld [smem:$0x3FFB];
	_ =	sdelay $0x3  }
0x92: {  	_ =	strace s17  }
0x93: {  	s2 =	sld [smem:$0x3FFC];
	_ =	sdelay $0x3  }
0x94: {  	_ =	strace s2  }
0x95: {  	s2 =	sld [smem:$0x3FFD];
	_ =	sdelay $0x3  }
0x96: {  	_ =	strace s2  }
0x97: {  	_ =	strace $0x8FFFFFFF  }
0x98: {  	s18 =	sld [smem:$0x3FDB];
	_ =	sdelay $0x1  }
0x99: {  	s19 =	simm.s32 $_scs_section_size  }
0x9a: {  	s4 =	simm.s32 $_size__tile_overlayer_lowered;
	s5 =	simm.s32 $_tile_overlayer_lowered  }
0x9b: {  	s22 =	simm.s32 $0x1BFF;
	s21 =	sshll.u32 s5, $0x1;
	s2 =	sadd.s32 s19, s18  }
0x9c: {  	s6 =	simm.s32 $0x0;
	s20 =	sshll.u32 s4, $0x1;
	s4 =	sadd.s32 s21, s2  }
0x9d: {  	[timem:s6], [sflag:s22] =	dma.local [hbm:s4], s20  }
0x9e: {  	_ =	swait.ge [sflag:s22], s20  }
0x9f: {  	s3 =	ssub.s32 $0x0, s20;
	[sflag:s22] =	ssyncset.done $0x0  }
0xa0: {  	[sflag:s22] =	ssyncadd.s32 s3;
	_ =	sdelay $0x1  }
0xa1: {  	s23 =	simm.s32 $0x1B8B  }
0xa2: {  	_ =	swait.ge [sflag:s23], $0x1  }
0xa3: {  	[sflag:s23] =	ssyncset.done $0x0  }
0xa4: {  	s25 =	simm.s32 $0x1B8E;
	s24 =	sld [smem:$0x3FFE];
	[sflag:s23] =	ssyncadd.s32 $0xFFFFFFFF  }
0xa5: {  	s26 =	simm.s32 $execute0_lowered;
	[smem:$0x3FD2] =	sst s25  }
0xa6: {  	s4 =	sshll.u32 s26, $0x1;
	_ =	strace $0x80000049;
	[dreg:$0x1] =	wrdreg $0xFFFFFFFF  }
0xa7: {  	s28 =	simm.s32 $_size_execute0_lowered;
	s2 =	sadd.s32 s2, s4;
	[dreg:$0x0] =	wrdreg $0x0  }
0xa8: {  	s4 =	sshll.u32 s28, $0x1;
	[dreg:$0x2] =	wrdreg s2  }
0xa9: {  	[dreg:$0x3] =	wrdreg s4  }
0xaa: {  	[dreg:$0x4] =	wrdreg $0xC0  }
0xab: {  	_ =	task [dreg:s6], $0x5FFFF  }
0xac: {  	[dreg:$0x1] =	wrdreg $0xFFFFFFFF  }
0xad: {  	[dreg:$0x0] =	wrdreg $0x60  }
0xae: {  	[dreg:$0x2] =	wrdreg s24  }
0xaf: {  	[dreg:$0x3] =	wrdreg $0x93000  }
0xb0: {  	[dreg:$0x4] =	wrdreg $0x9  }
0xb1: {  	_ =	task.clear_ibuf [dreg:s6], $0x5FFFF;
	_ =	strace $0x90000049  }
0xb2: {  	s29 =	simm.s32 $0x9;
	_ =	strace $0x8000004B  }
0xb3: {  	_ =	swait.ge [sflag:s29], $0x1  }
0xb4: {  	[sflag:s29] =	ssyncadd.s32 $0xFFFFFFFF  }
0xb5: {  	_ =	strace $0x9000004B  }
0xb6: {  	_ =	sfence  }
0xb7: {  	s30 =	sld [smem:$0x0];
	_ =	sdelay $0x2  }
0xb8: {  	s31 =	sshll.u32 s1, $0xD;
	s1 =	sshrl.u32 s1, $0x2  }
0xb9: {  	s3 =	sand.u32 $0x4000, s31;
	s1 =	sadd.s32 s1, s30  }
0xba: {  	s0 =	sor.u32 s3, s0;
	s1 =	sshll.u32 s1, $0x11  }
0xbb: {  	s0 =	sor.u32 s1, s0  }
0xbc: {  	s0 =	sadd.s32 $0x8F2B, s0  }
0xbd: {  	[sflag:s0] =	ssyncadd.remote.s32 $0x1  }
0xbe: {  	_ =	sfence.sel $0xFFFF  }
0xbf: {  	[dreg:$0x0] =	wrdreg $0xFFFFFFFF;
	(pc) =	sbr.abs _section_cstart, $3  }
0xc0: {  	[dreg:$0x1] =	wrdreg $0xFFFFFFFF  }
0xc1: {  	_ =	task.clear_ibuf [dreg:s6], $0x2FFFF;
	_ =	strace $0x9FFFFFFF  }
0xc2: {  	(tm) =	ssettm $0x7FFFFFFF  }
0xc3: {  	_ =	shalt  }
tec
execute0_lowered:
.L_overlay_start_1:
0x0: {  	(tag) =	ssettag $0x1  }
0x1: {  	s0 =	rddreg [dreg:$0x0]  }
0x2: {  	s1 =	rddreg [dreg:$0x1];
	s2 =	srdreg.scid  }
0x3: {  	s10 =	stileid.u32;
	s28 =	simm.s32 $0x3;
	s29 =	simm.s32 $0x60  }
0x4: {  	s30 =	simm.s32 $0x300;
	s31 =	simm.s32 $0x4;
	s6 =	smul.u32 $0x13800, s10  }
0x5: {  	s4 =	sand.u32 $0x1, s2;
	s2 =	simm.s32 $0x0;
	s7 =	smul.u32 $0x4E000, s10  }
0x6: {  	s3 =	sadd.s32 $0x33200, s0;
	s8 =	sadd.s32 $0x8E00, s0;
	s18 =	smul.u32 $0x510, s10  }
0x7: {  	s9 =	sadd.s32 $0xE000, s0;
	s21 =	smul.u32 $0x2880, s10;
	p0 =	sne.s32 s10, $0xF  }
0x8: {  	s5 =	smul.u32 $0x138800, s4;
	[smem:$0x7FF] =	sst s2;
	s14 =	ssub.s32 $0x2, s4  }
0x9: {  	_ =	strace $0x8000004A;
	s15 =	sshrl.u32 s7, $0x2;
	s16 =	sshrl.u32 s14, $0x1  }
0xa: {  	s12 =	sadd.s32 s8, s18;
	s24 =	sshrl.u32 s21, $0x3;
	s13 =	sadd.s32 s9, s18  }
0xb: {  	s21 =	simm.s32 $0x7;
	s4 =	sadd.s32 s15, s1;
	s1 =	sadd.s32 $0x138000, s1  }
0xc: {  	s7 =	simm.s32 $0x6;
	s17 =	sadd.s32 $0x3000, s4;
	[dreg:$0x9] =	wrdreg s1  }
0xd: {  	s5 =	sadd.s32 s6, s5;
	s19 =	sadd.s32 $0x6000, s4;
	[dreg:$0x3] =	wrdreg s17  }
0xe: {  	s25 =	sor.u32 $0xC, s24;
	s20 =	sadd.s32 $0x9000, s4;
	[dreg:$0x4] =	wrdreg s19  }
0xf: {  	s5 =	sshrl.u32 s5, $0x3;
	s11 =	sadd.s32 $0xC000, s4;
	[dreg:$0x5] =	wrdreg s20  }
0x10: {  	s22 =	sadd.s32 $0xF000, s4;
	s23 =	sadd.s32 $0x12000, s4;
	[dreg:$0x6] =	wrdreg s11  }
0x11: {  	s1 =	sadd.s32 $0x18, s24;
	s26 =	sadd.s32 s8, s25;
	[dreg:$0x7] =	wrdreg s22  }
0x12: {  	s6 =	sadd.s32 s9, s25;
	s24 =	simm.s32 $0x200;
	[dreg:$0x8] =	wrdreg s23  }
0x13: {  	s25 =	simm.s32 $0x100;
	s0 =	sadd.s32 s5, s0;
	[dreg:$0xa] =	wrdreg s26  }
0x14: {  	s5 =	ssub.s32 s14, s16;
	[dreg:$0xb] =	wrdreg s6;
	s16 =	sadd.s32 s8, s1  }
0x15: {  	s17 =	sadd.s32 s9, s1;
	s20 =	simm.s32 $0x6300;
	s22 =	simm.s32 $0x180  }
0x16: {  	s23 =	simm.s32 $0x80;
	s26 =	simm.s32 $0x280;
	s1 =	simm.s32 $0x5  }
0x17: {  	s6 =	simm.s32 $0x2;
	s8 =	simm.s32 $0x0;
	s18 =	sadd.s32 $0xA1000, s0  }
0x18: {  	v0 =	vimm.f32 $0.0e+00;
	s19 =	smax.u32 s5, $0x1;
	s0 =	simm.s32 $0x3300;
	s5 =	simm.s32 $0x1  }
.LBB2_1:
0x19: {  	s9 =	simm.s32 $0x0;
	s10 =	simm.s32 $0x200  }
.LBB2_2:
0x1a: {  	p1 =	sne.s32 s10, $0xBE00;
	[tilespmem:s9+$0x6370] =	vst v0  }
0x1b: {  	[tilespmem:s9+$0x6300] =	vst v0  }
0x1c: {  	[tilespmem:s9+$0x6310] =	vst v0  }
.Ltmp0:
0x1d: {  	[tilespmem:s9+$0x6320] =	vst v0;
	(pc) =	sbr.rel @p1 .LBB2_2-.Ltmp0, $4  }
0x1e: {  	[tilespmem:s9+$0x6330] =	vst v0  }
0x1f: {  	[tilespmem:s9+$0x6340] =	vst v0  }
0x20: {  	[tilespmem:s9+$0x6350] =	vst v0  }
0x21: {  	[tilespmem:s9+$0x6360] =	vst v0;
	s9 =	sshra.s32 s10, $0x2;
	s10 =	sadd.s32 $0x200, s10  }
0x22: {  	[tilespmem:s9+$0x6370] =	vst v0  }
0x23: {  	[tilespmem:s9+$0x6300] =	vst v0  }
0x24: {  	[tilespmem:s9+$0x6310] =	vst v0  }
0x25: {  	[tilespmem:s9+$0x6320] =	vst v0  }
0x26: {  	[tilespmem:s9+$0x6330] =	vst v0  }
0x27: {  	[tilespmem:s9+$0x6340] =	vst v0  }
0x28: {  	[tilespmem:s9+$0x6350] =	vst v0  }
0x29: {  	[tilespmem:s9+$0x6360] =	vst v0  }
0x2a: {  	[spmem:s4] =	stream.linear.scatter [tilespmem:s20], [sflag:$0x7], $0x3000, $0x38;
	[tilespmem:$0x1CB80] =	vst v63  }
0x2b: {  	_ =	swait.ge [sflag:s21], $0x3000  }
0x2c: {  	[sflag:s21] =	ssyncset.done $0x0  }
0x2d: {  	s11 =	rddreg [dreg:$0x3];
	[sflag:s21] =	ssyncadd.s32 $0xFFFFD000  }
0x2e: {  	[spmem:s11] =	stream.linear.scatter [tilespmem:s20], [sflag:$0x7], $0x3000, $0x38;
	[tilespmem:$0x1CB80] =	vst v63  }
0x2f: {  	_ =	swait.ge [sflag:s21], $0x3000  }
0x30: {  	[sflag:s21] =	ssyncset.done $0x0  }
0x31: {  	s14 =	rddreg [dreg:$0x4];
	[sflag:s21] =	ssyncadd.s32 $0xFFFFD000  }
0x32: {  	[spmem:s14] =	stream.linear.scatter [tilespmem:s20], [sflag:$0x7], $0x3000, $0x38;
	[tilespmem:$0x1CB80] =	vst v63  }
0x33: {  	_ =	swait.ge [sflag:s21], $0x3000  }
0x34: {  	[sflag:s21] =	ssyncset.done $0x0  }
0x35: {  	s15 =	rddreg [dreg:$0x5];
	[sflag:s21] =	ssyncadd.s32 $0xFFFFD000  }
0x36: {  	[spmem:s15] =	stream.linear.scatter [tilespmem:s20], [sflag:$0x7], $0x3000, $0x38;
	[tilespmem:$0x1CB80] =	vst v63  }
0x37: {  	_ =	swait.ge [sflag:s21], $0x3000  }
0x38: {  	[sflag:s21] =	ssyncset.done $0x0  }
0x39: {  	s10 =	rddreg [dreg:$0x6];
	[sflag:s21] =	ssyncadd.s32 $0xFFFFD000  }
0x3a: {  	[spmem:s10] =	stream.linear.scatter [tilespmem:s20], [sflag:$0x7], $0x3000, $0x38;
	[tilespmem:$0x1CB80] =	vst v63  }
0x3b: {  	_ =	swait.ge [sflag:s21], $0x3000  }
0x3c: {  	[sflag:s21] =	ssyncset.done $0x0  }
0x3d: {  	s11 =	rddreg [dreg:$0x7];
	[sflag:s21] =	ssyncadd.s32 $0xFFFFD000  }
0x3e: {  	[spmem:s11] =	stream.linear.scatter [tilespmem:s20], [sflag:$0x7], $0x3000, $0x38;
	[tilespmem:$0x1CB80] =	vst v63  }
0x3f: {  	_ =	swait.ge [sflag:s21], $0x3000  }
0x40: {  	[sflag:s21] =	ssyncset.done $0x0  }
0x41: {  	s14 =	rddreg [dreg:$0x8];
	[sflag:s21] =	ssyncadd.s32 $0xFFFFD000  }
0x42: {  	[spmem:s14] =	stream.linear.scatter [tilespmem:s20], [sflag:$0x7], $0x1800, $0x38;
	[tilespmem:$0x1CB80] =	vst v63  }
0x43: {  	_ =	swait.ge [sflag:s21], $0x1800  }
0x44: {  	[sflag:s21] =	ssyncset.done $0x0  }
0x45: {  	s9 =	simm.s32 @!p0 $0x6300;
	s10 =	rddreg [dreg:$0x9];
	[sflag:s21] =	ssyncadd.s32 $0xFFFFE800  }
0x46: {  	[spmem:s10] =	stream.linear.scatter @!p0 [tilespmem:s9], [sflag:$0x7], $0x800, $0x38;
	[tilespmem:$0x1CB80] =	vst v63  }
0x47: {  	s9 =	simm.s32 @!p0 $0x7  }
0x48: {  	_ =	swait.ge @!p0 [sflag:s9], $0x800  }
0x49: {  	[sflag:s9] =	ssyncset.done @!p0 $0x0  }
0x4a: {  	[sflag:s9] =	ssyncadd.s32 @!p0 $0xFFFFF800  }
0x4b: {  	s15 =	simm.s32 $0x0;
	[bflag:$0x0] =	sbarrier.arrive $0xFFFF  }
0x4c: {  	[tilespmem:s15], [sflag:$0x3] =	stream.linear.gather [hbm4b:s12+s15], $0x60, $0x38;
	[tilespmem:$0x1CB80] =	vst v63  }
0x4d: {  	_ = 	snop  }
0x4e: {  	[tilespmem:s22], [sflag:$0x3] =	stream.linear.gather [hbm4b:s13+s15], $0x60, $0x38;
	[tilespmem:$0x1CB80] =	vst v63  }
0x4f: {  	s11 =	rddreg [dreg:$0xa]  }
0x50: {  	[tilespmem:s23], [sflag:$0x4] =	stream.linear.gather [hbm4b:s11+s15], $0x60, $0x38;
	[tilespmem:$0x1CB80] =	vst v63  }
0x51: {  	s14 =	rddreg [dreg:$0xb]  }
0x52: {  	[tilespmem:s24], [sflag:$0x4] =	stream.linear.gather [hbm4b:s14+s15], $0x60, $0x38;
	[tilespmem:$0x1CB80] =	vst v63  }
0x53: {  	_ = 	snop  }
0x54: {  	[tilespmem:s25], [sflag:$0x5] =	stream.linear.gather [hbm4b:s16+s15], $0x60, $0x38;
	[tilespmem:$0x1CB80] =	vst v63  }
0x55: {  	_ = 	snop  }
0x56: {  	[tilespmem:s26], [sflag:$0x5] =	stream.linear.gather [hbm4b:s17+s15], $0x60, $0x38;
	[tilespmem:$0x1CB80] =	vst v63  }
0x57: {  	_ =	swait.ge [sflag:s28], $0x60  }
0x58: {  	[sflag:s28] =	ssyncset.done $0x0  }
0x59: {  	[sflag:s28] =	ssyncadd.s32 $0xFFFFFFA0  }
0x5a: {  	_ =	swait.ge [sflag:s28], $0x60  }
0x5b: {  	[sflag:s28] =	ssyncset.done $0x0  }
0x5c: {  	[sflag:s28] =	ssyncadd.s32 $0xFFFFFFA0  }
0x5d: {  	[tilespmem:s30], [sflag:$0x1] =	stream.indirect.gather [hbm4b:s3+s29], $0x80, s15, s29, $0xb8;
	[tilespmem:$0x1CB80] =	vst v63  }
0x5e: {  	_ =	swait.ge [sflag:s31], $0x60  }
0x5f: {  	[sflag:s31] =	ssyncset.done $0x0  }
0x60: {  	[sflag:s31] =	ssyncadd.s32 $0xFFFFFFA0  }
0x61: {  	_ =	swait.ge [sflag:s31], $0x60  }
0x62: {  	[sflag:s31] =	ssyncset.done $0x0  }
0x63: {  	[sflag:s31] =	ssyncadd.s32 $0xFFFFFFA0  }
0x64: {  	[tilespmem:s0], [sflag:$0x2] =	stream.indirect.gather [hbm4b:s3+s29], $0x80, s23, s29, $0xb8;
	[tilespmem:$0x1CB80] =	vst v63  }
0x65: {  	_ =	swait.ge [sflag:s1], $0x60  }
0x66: {  	[sflag:s1] =	ssyncset.done $0x0  }
0x67: {  	[sflag:s1] =	ssyncadd.s32 $0xFFFFFFA0  }
0x68: {  	_ =	swait.ge [sflag:s1], $0x60  }
0x69: {  	[sflag:s1] =	ssyncset.done $0x0  }
0x6a: {  	[sflag:s1] =	ssyncadd.s32 $0xFFFFFFA0  }
0x6b: {  	[tilespmem:s20], [sflag:$0x6] =	stream.indirect.gather [hbm4b:s3+s29], $0x80, s25, s29, $0xb8;
	[tilespmem:$0x1CB80] =	vst v63  }
0x6c: {  	_ =	swait.ge [sflag:s5], $0x3000  }
0x6d: {  	s9 =	sadd.s32 $0x0, s12;
	[sflag:s5] =	ssyncset.done $0x0  }
0x6e: {  	s11 =	sadd.s32 $0x0, s13;
	s15 =	sadd.s32 $0x24, s9;
	[sflag:s5] =	ssyncadd.s32 $0xFFFFD000  }
0x6f: {  	[tilespmem:s2], [sflag:$0x3] =	stream.linear.gather [hbm4b:s15+s2], $0x60, $0x38;
	[tilespmem:$0x1CB80] =	vst v63  }
0x70: {  	s14 =	sadd.s32 $0x24, s11  }
0x71: {  	[tilespmem:s22], [sflag:$0x3] =	stream.linear.gather [hbm4b:s14+s2], $0x60, $0x38;
	[tilespmem:$0x1CB80] =	vst v63  }
0x72: {  	_ =	swait.ge [sflag:s28], $0x60  }
0x73: {  	[sflag:s28] =	ssyncset.done $0x0  }
0x74: {  	[sflag:s28] =	ssyncadd.s32 $0xFFFFFFA0  }
0x75: {  	_ =	swait.ge [sflag:s28], $0x60  }
0x76: {  	[sflag:s28] =	ssyncset.done $0x0  }
0x77: {  	[sflag:s28] =	ssyncadd.s32 $0xFFFFFFA0  }
0x78: {  	[tilespmem:s30], [sflag:$0x1] =	stream.indirect.gather [hbm4b:s3+s29], $0x80, s2, s29, $0xb8;
	[tilespmem:$0x1CB80] =	vst v63  }
0x79: {  	_ =	swait.ge [sflag:s6], $0x3000  }
0x7a: {  	[sflag:s6] =	ssyncset.done $0x0  }
0x7b: {  	s15 =	sadd.s32 $0x30, s9;
	[sflag:s6] =	ssyncadd.s32 $0xFFFFD000  }
0x7c: {  	[tilespmem:s23], [sflag:$0x4] =	stream.linear.gather [hbm4b:s15+s2], $0x60, $0x38;
	[tilespmem:$0x1CB80] =	vst v63  }
0x7d: {  	s14 =	sadd.s32 $0x30, s11  }
0x7e: {  	[tilespmem:s24], [sflag:$0x4] =	stream.linear.gather [hbm4b:s14+s2], $0x60, $0x38;
	[tilespmem:$0x1CB80] =	vst v63  }
0x7f: {  	_ =	swait.ge [sflag:s31], $0x60  }
0x80: {  	[sflag:s31] =	ssyncset.done $0x0  }
0x81: {  	[sflag:s31] =	ssyncadd.s32 $0xFFFFFFA0  }
0x82: {  	_ =	swait.ge [sflag:s31], $0x60  }
0x83: {  	[sflag:s31] =	ssyncset.done $0x0  }
0x84: {  	[sflag:s31] =	ssyncadd.s32 $0xFFFFFFA0  }
0x85: {  	[tilespmem:s0], [sflag:$0x2] =	stream.indirect.gather [hbm4b:s3+s29], $0x80, s23, s29, $0xb8;
	[tilespmem:$0x1CB80] =	vst v63  }
0x86: {  	_ =	swait.ge [sflag:s7], $0x3000  }
0x87: {  	[sflag:s7] =	ssyncset.done $0x0  }
0x88: {  	s9 =	sadd.s32 $0x3C, s9;
	[sflag:s7] =	ssyncadd.s32 $0xFFFFD000  }
0x89: {  	[tilespmem:s25], [sflag:$0x5] =	stream.linear.gather [hbm4b:s9+s2], $0x60, $0x38;
	[tilespmem:$0x1CB80] =	vst v63  }
0x8a: {  	s15 =	sadd.s32 $0x3C, s11  }
0x8b: {  	[tilespmem:s26], [sflag:$0x5] =	stream.linear.gather [hbm4b:s15+s2], $0x60, $0x38;
	[tilespmem:$0x1CB80] =	vst v63  }
0x8c: {  	_ =	swait.ge [sflag:s1], $0x60  }
0x8d: {  	[sflag:s1] =	ssyncset.done $0x0  }
0x8e: {  	[sflag:s1] =	ssyncadd.s32 $0xFFFFFFA0  }
0x8f: {  	_ =	swait.ge [sflag:s1], $0x60  }
0x90: {  	[sflag:s1] =	ssyncset.done $0x0  }
0x91: {  	[sflag:s1] =	ssyncadd.s32 $0xFFFFFFA0  }
0x92: {  	[tilespmem:s20], [sflag:$0x6] =	stream.indirect.gather [hbm4b:s3+s29], $0x80, s25, s29, $0xb8;
	[tilespmem:$0x1CB80] =	vst v63  }
0x93: {  	s10 =	simm.s32 $0x24;
	_ =	swait.ge [sflag:s5], $0x3000  }
0x94: {  	s11 =	simm.s32 $0x48;
	s9 =	sadd.s32 $0x24, s12;
	[sflag:s5] =	ssyncset.done $0x0  }
.LBB2_4:
0x95: {  	s14 =	sadd.s32 $0x24, s9  }
0x96: {  	s15 =	sadd.s32 s10, s13;
	[sflag:s5] =	ssyncadd.s32 $0xFFFFD000;
	s10 =	smov.u32 s11  }
0x97: {  	[tilespmem:s2], [sflag:$0x3] =	stream.linear.gather [hbm4b:s14+s2], $0x60, $0x38;
	[tilespmem:$0x1CB80] =	vst v63  }
0x98: {  	p1 =	sne.s32 s11, $0x4C8;
	s11 =	sadd.s32 $0x24, s11;
	s14 =	sadd.s32 $0x24, s15  }
0x99: {  	[tilespmem:s22], [sflag:$0x3] =	stream.linear.gather [hbm4b:s14+s2], $0x60, $0x38;
	[tilespmem:$0x1CB80] =	vst v63  }
0x9a: {  	_ =	swait.ge [sflag:s28], $0x60  }
0x9b: {  	[sflag:s28] =	ssyncset.done $0x0  }
0x9c: {  	[sflag:s28] =	ssyncadd.s32 $0xFFFFFFA0  }
0x9d: {  	_ =	swait.ge [sflag:s28], $0x60  }
0x9e: {  	[sflag:s28] =	ssyncset.done $0x0  }
0x9f: {  	[sflag:s28] =	ssyncadd.s32 $0xFFFFFFA0  }
0xa0: {  	[tilespmem:s30], [sflag:$0x1] =	stream.indirect.gather [hbm4b:s3+s29], $0x80, s2, s29, $0xb8;
	[tilespmem:$0x1CB80] =	vst v63  }
0xa1: {  	_ =	swait.ge [sflag:s6], $0x3000  }
0xa2: {  	[sflag:s6] =	ssyncset.done $0x0  }
0xa3: {  	s14 =	sadd.s32 $0x30, s9;
	[sflag:s6] =	ssyncadd.s32 $0xFFFFD000  }
0xa4: {  	[tilespmem:s23], [sflag:$0x4] =	stream.linear.gather [hbm4b:s14+s2], $0x60, $0x38;
	[tilespmem:$0x1CB80] =	vst v63  }
0xa5: {  	s14 =	sadd.s32 $0x30, s15  }
0xa6: {  	[tilespmem:s24], [sflag:$0x4] =	stream.linear.gather [hbm4b:s14+s2], $0x60, $0x38;
	[tilespmem:$0x1CB80] =	vst v63  }
0xa7: {  	_ =	swait.ge [sflag:s31], $0x60  }
0xa8: {  	[sflag:s31] =	ssyncset.done $0x0  }
0xa9: {  	[sflag:s31] =	ssyncadd.s32 $0xFFFFFFA0  }
0xaa: {  	_ =	swait.ge [sflag:s31], $0x60  }
0xab: {  	[sflag:s31] =	ssyncset.done $0x0  }
0xac: {  	[sflag:s31] =	ssyncadd.s32 $0xFFFFFFA0  }
0xad: {  	[tilespmem:s0], [sflag:$0x2] =	stream.indirect.gather [hbm4b:s3+s29], $0x80, s23, s29, $0xb8;
	[tilespmem:$0x1CB80] =	vst v63  }
0xae: {  	_ =	swait.ge [sflag:s7], $0x3000  }
0xaf: {  	[sflag:s7] =	ssyncset.done $0x0  }
0xb0: {  	s9 =	sadd.s32 $0x3C, s9;
	[sflag:s7] =	ssyncadd.s32 $0xFFFFD000  }
0xb1: {  	[tilespmem:s25], [sflag:$0x5] =	stream.linear.gather [hbm4b:s9+s2], $0x60, $0x38;
	[tilespmem:$0x1CB80] =	vst v63  }
0xb2: {  	s9 =	sadd.s32 $0x3C, s15  }
0xb3: {  	[tilespmem:s26], [sflag:$0x5] =	stream.linear.gather [hbm4b:s9+s2], $0x60, $0x38;
	[tilespmem:$0x1CB80] =	vst v63  }
0xb4: {  	_ =	swait.ge [sflag:s1], $0x60  }
0xb5: {  	[sflag:s1] =	ssyncset.done $0x0  }
0xb6: {  	[sflag:s1] =	ssyncadd.s32 $0xFFFFFFA0  }
0xb7: {  	_ =	swait.ge [sflag:s1], $0x60  }
.Ltmp1:
0xb8: {  	[sflag:s1] =	ssyncset.done $0x0;
	(pc) =	sbr.rel @p1 .LBB2_4-.Ltmp1, $4  }
0xb9: {  	[sflag:s1] =	ssyncadd.s32 $0xFFFFFFA0  }
0xba: {  	[tilespmem:s20], [sflag:$0x6] =	stream.indirect.gather [hbm4b:s3+s29], $0x80, s25, s29, $0xb8;
	[tilespmem:$0x1CB80] =	vst v63  }
0xbb: {  	_ =	swait.ge [sflag:s5], $0x3000  }
0xbc: {  	s9 =	sadd.s32 s10, s12;
	[sflag:s5] =	ssyncset.done $0x0  }
0xbd: {  	s11 =	sadd.s32 $0x24, s9;
	s10 =	sadd.s32 s10, s13;
	[sflag:s5] =	ssyncadd.s32 $0xFFFFD000  }
0xbe: {  	[tilespmem:s2], [sflag:$0x3] =	stream.linear.gather [hbm4b:s11+s2], $0x60, $0x38;
	[tilespmem:$0x1CB80] =	vst v63  }
0xbf: {  	s14 =	sadd.s32 $0x24, s10  }
0xc0: {  	[tilespmem:s22], [sflag:$0x3] =	stream.linear.gather [hbm4b:s14+s2], $0x60, $0x38;
	[tilespmem:$0x1CB80] =	vst v63  }
0xc1: {  	_ =	swait.ge [sflag:s28], $0x60  }
0xc2: {  	[sflag:s28] =	ssyncset.done $0x0  }
0xc3: {  	[sflag:s28] =	ssyncadd.s32 $0xFFFFFFA0  }
0xc4: {  	_ =	swait.ge [sflag:s28], $0x60  }
0xc5: {  	[sflag:s28] =	ssyncset.done $0x0  }
0xc6: {  	[sflag:s28] =	ssyncadd.s32 $0xFFFFFFA0  }
0xc7: {  	[tilespmem:s30], [sflag:$0x1] =	stream.indirect.gather [hbm4b:s3+s29], $0x80, s2, s29, $0xb8;
	[tilespmem:$0x1CB80] =	vst v63  }
0xc8: {  	_ =	swait.ge [sflag:s6], $0x3000  }
0xc9: {  	[sflag:s6] =	ssyncset.done $0x0  }
0xca: {  	s15 =	sadd.s32 $0x30, s9;
	[sflag:s6] =	ssyncadd.s32 $0xFFFFD000  }
0xcb: {  	[tilespmem:s23], [sflag:$0x4] =	stream.linear.gather [hbm4b:s15+s2], $0x60, $0x38;
	[tilespmem:$0x1CB80] =	vst v63  }
0xcc: {  	s14 =	sadd.s32 $0x30, s10  }
0xcd: {  	[tilespmem:s24], [sflag:$0x4] =	stream.linear.gather [hbm4b:s14+s2], $0x60, $0x38;
	[tilespmem:$0x1CB80] =	vst v63  }
0xce: {  	_ =	swait.ge [sflag:s31], $0x60  }
0xcf: {  	[sflag:s31] =	ssyncset.done $0x0  }
0xd0: {  	[sflag:s31] =	ssyncadd.s32 $0xFFFFFFA0  }
0xd1: {  	_ =	swait.ge [sflag:s31], $0x60  }
0xd2: {  	[sflag:s31] =	ssyncset.done $0x0  }
0xd3: {  	[sflag:s31] =	ssyncadd.s32 $0xFFFFFFA0  }
0xd4: {  	[tilespmem:s0], [sflag:$0x2] =	stream.indirect.gather [hbm4b:s3+s29], $0x80, s23, s29, $0xb8;
	[tilespmem:$0x1CB80] =	vst v63  }
0xd5: {  	_ =	swait.ge [sflag:s7], $0x3000  }
0xd6: {  	[sflag:s7] =	ssyncset.done $0x0  }
0xd7: {  	s15 =	sadd.s32 $0x3C, s9;
	[sflag:s7] =	ssyncadd.s32 $0xFFFFD000  }
0xd8: {  	[tilespmem:s25], [sflag:$0x5] =	stream.linear.gather [hbm4b:s15+s2], $0x60, $0x38;
	[tilespmem:$0x1CB80] =	vst v63  }
0xd9: {  	s11 =	sadd.s32 $0x3C, s10  }
0xda: {  	[tilespmem:s26], [sflag:$0x5] =	stream.linear.gather [hbm4b:s11+s2], $0x60, $0x38;
	[tilespmem:$0x1CB80] =	vst v63  }
0xdb: {  	_ =	swait.ge [sflag:s1], $0x60  }
0xdc: {  	[sflag:s1] =	ssyncset.done $0x0  }
0xdd: {  	[sflag:s1] =	ssyncadd.s32 $0xFFFFFFA0  }
0xde: {  	_ =	swait.ge [sflag:s1], $0x60  }
0xdf: {  	[sflag:s1] =	ssyncset.done $0x0  }
0xe0: {  	[sflag:s1] =	ssyncadd.s32 $0xFFFFFFA0  }
0xe1: {  	[tilespmem:s20], [sflag:$0x6] =	stream.indirect.gather [hbm4b:s3+s29], $0x80, s25, s29, $0xb8;
	[tilespmem:$0x1CB80] =	vst v63  }
0xe2: {  	_ =	swait.ge [sflag:s5], $0x3000  }
0xe3: {  	[sflag:s5] =	ssyncset.done $0x0  }
0xe4: {  	[sflag:s5] =	ssyncadd.s32 $0xFFFFD000  }
0xe5: {  	_ =	swait.ge [sflag:s6], $0x3000  }
0xe6: {  	[sflag:s6] =	ssyncset.done $0x0  }
0xe7: {  	[sflag:s6] =	ssyncadd.s32 $0xFFFFD000  }
0xe8: {  	s14 =	stileid.u32;
	_ =	swait.ge [sflag:s7], $0x3000  }
0xe9: {  	s8 =	sadd.s32 $0x1, s8;
	s9 =	sshll.u32 s14, $0x6;
	[sflag:s7] =	ssyncset.done $0x0  }
0xea: {  	p1 =	sne.s32 s8, s19;
	s9 =	sor.u32 $0x1C07, s9;
	[sflag:s7] =	ssyncadd.s32 $0xFFFFD000  }
.Ltmp2:
0xeb: {  	s15 =	sshrl.u32 s4, $0x3;
	[bflag:$0x0] =	sbarrier.arrive $0xFFFF;
	(pc) =	sbr.rel @p1 .LBB2_1-.Ltmp2, $4  }
0xec: {  	[hbm:s18], [sflag:s9] =	dma.local [spmem:s15], $0x2700  }
0xed: {  	_ =	swait.ge [sflag:s21], $0x2700  }
0xee: {  	[sflag:s21] =	ssyncset.done $0x0  }
0xef: {  	[sflag:s21] =	ssyncadd.s32 $0xFFFFD900  }
0xf0: {  	_ =	sfence.sel $0x180000  }
0xf1: {  	[bflag:$0x0] =	sbarrier.arrive $0xFFFF  }
0xf2: {  	_ =	strace $0x9000004A  }
0xf3: {  	s0 =	stileid.u32;
	[bflag:$0x2] =	sbarrier.arrive $0xFFFF  }
0xf4: {  	p0 =	sne.s32 s0, $0x0;
	s0 =	rddreg [dreg:$0x2]  }
0xf5: {  	s0 =	sadd.s32 @!p0 $0x100000, s0  }
0xf6: {  	[sflag:s0] =	ssyncadd.tile.s32 @!p0 $0x1;
	_ =	shalt  }
.Lfunc_end2:
_tile_overlayer_lowered:
.L_overlay_start_2:
0xf7: {  	(tag) =	ssettag $0x2  }
0xf8: {  	s0 =	rddreg [dreg:$0x0];
	s2 =	stileid.u32  }
0xf9: {  	s1 =	rddreg [dreg:$0x1];
	p0 =	sne.s32 s2, $0x0  }
0xfa: {  	s3 =	rddreg [dreg:$0x2];
	[bflag:$0x3] =	sbarrier.arrive $0xFFFF;
	s2 =	simm.s32 @!p0 $0x1C07  }
0xfb: {  	[timem:s3], [sflag:s2] =	dma.local @!p0 [hbm:s0], s1  }
0xfc: {  	s0 =	simm.s32 @!p0 $0x7  }
0xfd: {  	_ =	swait.ge @!p0 [sflag:s0], s1  }
0xfe: {  	s1 =	ssub.s32 @!p0 $0x0, s1;
	[sflag:s0] =	ssyncset.done @!p0 $0x0  }
0xff: {  	[sflag:s0] =	ssyncadd.s32 @!p0 s1  }
0x100: {  	[bflag:$0x3] =	sbarrier.arrive $0xFFFF  }
0x101: {  	_ =	shalt  }

// kernel: kernel.16.cloned.1.call-start
scs
__scs_entry_jumppad:
0x0: {  	(pc) =	sbr.rel $0x88, $3  }
0x1: {  	(tag) =	ssettag $0x0;
	lr =	simm.s32 $0x1  }
0x2: {  	[smem:$0x3F66] =	sst lr;
	_ =	strace $0xD0000000  }
0x3: {  	_ = 	snop  }
0x4: {  	_ = 	snop  }
0x5: {  	_ = 	snop  }
0x6: {  	_ = 	snop  }
0x7: {  	_ = 	snop  }
__scs_overlays_trampoline_lowered:
0x8: {  	[smem:$0x3F75] =	sst s0  }
0x9: {  	[smem:$0x3F76] =	sst s1  }
0xa: {  	[smem:$0x3F77] =	sst s2  }
0xb: {  	[smem:$0x3F78] =	sst s3  }
0xc: {  	[smem:$0x3F79] =	sst s4  }
0xd: {  	[smem:$0x3F7A] =	sst s5  }
0xe: {  	[smem:$0x3F7B] =	sst s6  }
0xf: {  	[smem:$0x3F7C] =	sst s7  }
0x10: {  	[smem:$0x3F7D] =	sst s8  }
0x11: {  	[smem:$0x3F7E] =	sst s9;
	s0 =	simm.s32 @!p0 $0x0  }
0x12: {  	s1 =	sld [smem:$0x3F64];
	s0 =	simm.s32 @p0 $0x1  }
0x13: {  	[smem:$0x3F7F] =	sst s0;
	s0 =	simm.s32 @!p1 $0x0  }
0x14: {  	s2 =	sld [smem:$0x3F63];
	s0 =	simm.s32 @p1 $0x1  }
0x15: {  	[smem:$0x3F80] =	sst s0;
	s0 =	simm.s32 @!p2 $0x0  }
0x16: {  	s3 =	sld [smem:$0x3FDB];
	s0 =	simm.s32 @p2 $0x1  }
0x17: {  	s4 =	simm.s32 $0x1BF5;
	[smem:$0x3F82] =	sst s0  }
0x18: {  	s0 =	sld [smem:$0x3F65];
	_ =	swait.ge [sflag:s4], $0x0  }
0x19: {  	s7 =	sld [smem:$0x3F66]  }
0x1a: {  	s8 =	sadd.s32 $0xFFFFE003, lr  }
0x1b: {  	s9 =	sadd.s32 $0xFFFFFEF7, lr;
	s5 =	simm.s32 $0xFFFFFFFF;
	p2 =	slt.u32 s8, $0xFFFFF086  }
0x1c: {  	p1 =	slt.u32 s9, $0xF7A;
	s5 =	simm.s32 @!p2 $0x0  }
0x1d: {  	s5 =	simm.s32 @p1 $0x1;
	p0 =	seq.s32 s7, s2  }
0x1e: {  	s7 =	smul.u32 @!p0 $0xF7A, s2;
	p2 =	seq.s32 @!p0 s5, $0x0  }
0x1f: {  	s9 =	smul.u32 $0xF7A, s1;
	s8 =	simm.s32 @!p0 $0x1BF5;
	p2 =	por !p2, p0  }
0x20: {  	[sflag:s8] =	ssyncset.s32 @!p0 $0xFFFFF086;
	s6 =	sadd.s32 @!p0 s3, s7;
	s7 =	simm.s32 @!p0 $0x108  }
0x21: {  	s3 =	sadd.s32 s3, s9;
	s6 =	sadd.s32 @!p0 $0x88, s6;
	s7 =	simm.s32 @p2 $0x1082  }
0x22: {  	[simem:s7], [sflag:s8] =	dma.local @!p0 [hbm:s6], $0xF7A  }
0x23: {  	s9 =	sor.u32 $0xD0000000, s2;
	s6 =	simm.s32 $0x108;
	_ =	swait.ge @!p0 [sflag:s8], $0x0  }
0x24: {  	s3 =	sadd.s32 $0x88, s3;
	s6 =	simm.s32 @!p1 $0x1082;
	[sflag:s4] =	ssyncset.s32 $0xFFFFF086  }
0x25: {  	[simem:s6], [sflag:s4] =	dma.local [hbm:s3], $0xF7A  }
0x26: {  	[smem:$0x3F66] =	sst s1;
	(tag) =	ssettag s2;
	_ =	strace s9  }
0x27: {  	s1 =	sld [smem:$0x3F76]  }
0x28: {  	s2 =	sld [smem:$0x3F77]  }
0x29: {  	s4 =	sld [smem:$0x3F79]  }
0x2a: {  	p0 =	seq.s32 s5, $0x0;
	s5 =	sld [smem:$0x3F7A]  }
0x2b: {  	s6 =	sld [smem:$0x3F7B]  }
0x2c: {  	s7 =	sld [smem:$0x3F7C]  }
0x2d: {  	s3 =	simm.s32 $0x108;
	s8 =	sld [smem:$0x3F7D]  }
0x2e: {  	s3 =	simm.s32 @!p0 $0x1082;
	s9 =	sld [smem:$0x3F7E]  }
0x2f: {  	lr =	sadd.s32 s0, s3;
	s0 =	sld [smem:$0x3F75]  }
0x30: {  	s3 =	sld [smem:$0x3F78]  }
0x31: {  	[smem:$0x3F81] =	sst s10  }
0x32: {  	s10 =	sld [smem:$0x3F7F];
	_ =	sdelay $0x3  }
0x33: {  	p0 =	seq.s32 s10, $0x1;
	s10 =	sld [smem:$0x3F81];
	_ =	sdelay $0x3  }
0x34: {  	[smem:$0x3F81] =	sst s10  }
0x35: {  	s10 =	sld [smem:$0x3F80];
	_ =	sdelay $0x3  }
0x36: {  	p1 =	seq.s32 s10, $0x1;
	s10 =	sld [smem:$0x3F81];
	_ =	sdelay $0x3  }
0x37: {  	[smem:$0x3F81] =	sst s10  }
0x38: {  	s10 =	sld [smem:$0x3F82]  }
0x39: {  	_ = 	snop;
	(pc) =	sbr.ind lr, $3  }
0x3a: {  	_ = 	snop  }
0x3b: {  	_ = 	snop  }
0x3c: {  	p2 =	seq.s32 s10, $0x1;
	s10 =	sld [smem:$0x3F81]  }
0x3d: {  	_ =	shalt  }
0x3e: {  	_ =	shalt  }
0x3f: {  	_ =	shalt  }
0x40: {  	_ =	shalt  }
0x41: {  	_ =	shalt  }
0x42: {  	_ =	shalt  }
0x43: {  	_ =	shalt  }
0x44: {  	_ =	shalt  }
0x45: {  	_ =	shalt  }
0x46: {  	_ =	shalt  }
0x47: {  	_ =	shalt  }
0x48: {  	_ =	shalt  }
0x49: {  	_ =	shalt  }
0x4a: {  	_ =	shalt  }
0x4b: {  	_ =	shalt  }
0x4c: {  	_ =	shalt  }
0x4d: {  	_ =	shalt  }
0x4e: {  	_ =	shalt  }
0x4f: {  	_ =	shalt  }
0x50: {  	_ =	shalt  }
0x51: {  	_ =	shalt  }
0x52: {  	_ =	shalt  }
0x53: {  	_ =	shalt  }
0x54: {  	_ =	shalt  }
0x55: {  	_ =	shalt  }
0x56: {  	_ =	shalt  }
0x57: {  	_ =	shalt  }
0x58: {  	_ =	shalt  }
0x59: {  	_ =	shalt  }
0x5a: {  	_ =	shalt  }
0x5b: {  	_ =	shalt  }
0x5c: {  	_ =	shalt  }
0x5d: {  	_ =	shalt  }
0x5e: {  	_ =	shalt  }
0x5f: {  	_ =	shalt  }
0x60: {  	_ =	shalt  }
0x61: {  	_ =	shalt  }
0x62: {  	_ =	shalt  }
0x63: {  	_ =	shalt  }
0x64: {  	_ =	shalt  }
0x65: {  	_ =	shalt  }
0x66: {  	_ =	shalt  }
0x67: {  	_ =	shalt  }
0x68: {  	_ =	shalt  }
0x69: {  	_ =	shalt  }
0x6a: {  	_ =	shalt  }
0x6b: {  	_ =	shalt  }
0x6c: {  	_ =	shalt  }
0x6d: {  	_ =	shalt  }
0x6e: {  	_ =	shalt  }
0x6f: {  	_ =	shalt  }
0x70: {  	_ =	shalt  }
0x71: {  	_ =	shalt  }
0x72: {  	_ =	shalt  }
0x73: {  	_ =	shalt  }
0x74: {  	_ =	shalt  }
0x75: {  	_ =	shalt  }
0x76: {  	_ =	shalt  }
0x77: {  	_ =	shalt  }
0x78: {  	_ =	shalt  }
0x79: {  	_ =	shalt  }
0x7a: {  	_ =	shalt  }
0x7b: {  	_ =	shalt  }
0x7c: {  	_ =	shalt  }
0x7d: {  	_ =	shalt  }
0x7e: {  	_ =	shalt  }
0x7f: {  	_ =	shalt  }
0x80: {  	_ =	shalt  }
0x81: {  	_ =	shalt  }
0x82: {  	_ =	shalt  }
0x83: {  	_ =	shalt  }
0x84: {  	_ =	shalt  }
0x85: {  	_ =	shalt  }
0x86: {  	_ =	shalt  }
0x87: {  	_ =	shalt  }
.Lfunc_end0:
.L_simem_size_0:
called_computation.3_lowered:
.L_overlay_start_0:
0x88: {  	s2 =	sld [smem:$0x3FD9]  }
0x89: {  	s3 =	sld [smem:$0x3FFE];
	_ =	sdelay $0x1  }
0x8a: {  	s1 =	srdreg.scid  }
0x8b: {  	s0 =	sand.u32 $0x1, s1  }
0x8c: {  	s16 =	sshll.u32 s0, $0xA;
	s2 =	sadd.s32 s3, s2  }
0x8d: {  	s2 =	sadd.s32 s2, s16  }
0x8e: {  	[smem:$0x3F8D] =	sst s2  }
0x8f: {  	_ = 	snop  }
0x90: {  	(tm) =	ssettm $0x1  }
0x91: {  	s17 =	sld [smem:$0x3FFB];
	_ =	sdelay $0x3  }
0x92: {  	_ =	strace s17  }
0x93: {  	s2 =	sld [smem:$0x3FFC];
	_ =	sdelay $0x3  }
0x94: {  	_ =	strace s2  }
0x95: {  	s2 =	sld [smem:$0x3FFD];
	_ =	sdelay $0x3  }
0x96: {  	_ =	strace s2  }
0x97: {  	_ =	strace $0x8FFFFFFF  }
0x98: {  	s18 =	sld [smem:$0x3FDB];
	_ =	sdelay $0x1  }
0x99: {  	s19 =	simm.s32 $_scs_section_size  }
0x9a: {  	s4 =	simm.s32 $_size__tile_overlayer_lowered;
	s5 =	simm.s32 $_tile_overlayer_lowered  }
0x9b: {  	s22 =	simm.s32 $0x1BFF;
	s21 =	sshll.u32 s5, $0x1;
	s2 =	sadd.s32 s19, s18  }
0x9c: {  	s6 =	simm.s32 $0x0;
	s20 =	sshll.u32 s4, $0x1;
	s4 =	sadd.s32 s21, s2  }
0x9d: {  	[timem:s6], [sflag:s22] =	dma.local [hbm:s4], s20  }
0x9e: {  	_ =	swait.ge [sflag:s22], s20  }
0x9f: {  	s3 =	ssub.s32 $0x0, s20;
	[sflag:s22] =	ssyncset.done $0x0  }
0xa0: {  	[sflag:s22] =	ssyncadd.s32 s3;
	_ =	sdelay $0x1  }
0xa1: {  	s23 =	simm.s32 $0x1B8B  }
0xa2: {  	_ =	swait.ge [sflag:s23], $0x1  }
0xa3: {  	[sflag:s23] =	ssyncset.done $0x0  }
0xa4: {  	s25 =	simm.s32 $0x1B8E;
	s24 =	sld [smem:$0x3FFE];
	[sflag:s23] =	ssyncadd.s32 $0xFFFFFFFF  }
0xa5: {  	s26 =	simm.s32 $execute0_lowered;
	[smem:$0x3FD2] =	sst s25  }
0xa6: {  	s4 =	sshll.u32 s26, $0x1;
	_ =	strace $0x8000004C;
	[dreg:$0x1] =	wrdreg $0xFFFFFFFF  }
0xa7: {  	s28 =	simm.s32 $_size_execute0_lowered;
	s2 =	sadd.s32 s2, s4;
	[dreg:$0x0] =	wrdreg $0x0  }
0xa8: {  	s4 =	sshll.u32 s28, $0x1;
	[dreg:$0x2] =	wrdreg s2  }
0xa9: {  	[dreg:$0x3] =	wrdreg s4  }
0xaa: {  	[dreg:$0x4] =	wrdreg $0xC0  }
0xab: {  	_ =	task [dreg:s6], $0x5FFFF  }
0xac: {  	[dreg:$0x1] =	wrdreg $0xFFFFFFFF  }
0xad: {  	[dreg:$0x0] =	wrdreg $0x60  }
0xae: {  	[dreg:$0x2] =	wrdreg s24  }
0xaf: {  	[dreg:$0x3] =	wrdreg $0x93000  }
0xb0: {  	[dreg:$0x4] =	wrdreg $0x9  }
0xb1: {  	_ =	task.clear_ibuf [dreg:s6], $0x5FFFF;
	_ =	strace $0x9000004C  }
0xb2: {  	s29 =	simm.s32 $0x9;
	_ =	strace $0x8000004E  }
0xb3: {  	_ =	swait.ge [sflag:s29], $0x1  }
0xb4: {  	[sflag:s29] =	ssyncadd.s32 $0xFFFFFFFF  }
0xb5: {  	_ =	strace $0x9000004E  }
0xb6: {  	_ =	sfence  }
0xb7: {  	s30 =	sld [smem:$0x0];
	_ =	sdelay $0x2  }
0xb8: {  	s31 =	sshll.u32 s1, $0xD;
	s1 =	sshrl.u32 s1, $0x2  }
0xb9: {  	s3 =	sand.u32 $0x4000, s31;
	s1 =	sadd.s32 s1, s30  }
0xba: {  	s0 =	sor.u32 s3, s0;
	s1 =	sshll.u32 s1, $0x11  }
0xbb: {  	s0 =	sor.u32 s1, s0  }
0xbc: {  	s0 =	sadd.s32 $0x8F2B, s0  }
0xbd: {  	[sflag:s0] =	ssyncadd.remote.s32 $0x1  }
0xbe: {  	_ =	sfence.sel $0xFFFF  }
0xbf: {  	[dreg:$0x0] =	wrdreg $0xFFFFFFFF;
	(pc) =	sbr.abs _section_cstart, $3  }
0xc0: {  	[dreg:$0x1] =	wrdreg $0xFFFFFFFF  }
0xc1: {  	_ =	task.clear_ibuf [dreg:s6], $0x2FFFF;
	_ =	strace $0x9FFFFFFF  }
0xc2: {  	(tm) =	ssettm $0x7FFFFFFF  }
0xc3: {  	_ =	shalt  }
tec
execute0_lowered:
.L_overlay_start_1:
0x0: {  	(tag) =	ssettag $0x1  }
0x1: {  	s0 =	rddreg [dreg:$0x0]  }
0x2: {  	s1 =	rddreg [dreg:$0x1];
	s2 =	srdreg.scid  }
0x3: {  	s10 =	stileid.u32;
	s28 =	simm.s32 $0x3;
	s29 =	simm.s32 $0x60  }
0x4: {  	s30 =	simm.s32 $0x300;
	s31 =	simm.s32 $0x4;
	s6 =	smul.u32 $0x13800, s10  }
0x5: {  	s4 =	sand.u32 $0x1, s2;
	s2 =	simm.s32 $0x0;
	s7 =	smul.u32 $0x4E000, s10  }
0x6: {  	s3 =	sadd.s32 $0x3F800, s0;
	s8 =	sadd.s32 $0x8E00, s0;
	s18 =	smul.u32 $0x510, s10  }
0x7: {  	s9 =	sadd.s32 $0xE000, s0;
	s21 =	smul.u32 $0x2880, s10;
	p0 =	sne.s32 s10, $0xF  }
0x8: {  	s5 =	smul.u32 $0x138800, s4;
	[smem:$0x7FF] =	sst s2;
	s14 =	ssub.s32 $0x2, s4  }
0x9: {  	_ =	strace $0x8000004D;
	s15 =	sshrl.u32 s7, $0x2;
	s16 =	sshrl.u32 s14, $0x1  }
0xa: {  	s12 =	sadd.s32 s8, s18;
	s24 =	sshrl.u32 s21, $0x3;
	s13 =	sadd.s32 s9, s18  }
0xb: {  	s21 =	simm.s32 $0x7;
	s4 =	sadd.s32 s15, s1;
	s1 =	sadd.s32 $0x138000, s1  }
0xc: {  	s7 =	simm.s32 $0x6;
	s17 =	sadd.s32 $0x3000, s4;
	[dreg:$0x9] =	wrdreg s1  }
0xd: {  	s5 =	sadd.s32 s6, s5;
	s19 =	sadd.s32 $0x6000, s4;
	[dreg:$0x3] =	wrdreg s17  }
0xe: {  	s25 =	sor.u32 $0xC, s24;
	s20 =	sadd.s32 $0x9000, s4;
	[dreg:$0x4] =	wrdreg s19  }
0xf: {  	s5 =	sshrl.u32 s5, $0x3;
	s11 =	sadd.s32 $0xC000, s4;
	[dreg:$0x5] =	wrdreg s20  }
0x10: {  	s22 =	sadd.s32 $0xF000, s4;
	s23 =	sadd.s32 $0x12000, s4;
	[dreg:$0x6] =	wrdreg s11  }
0x11: {  	s1 =	sadd.s32 $0x18, s24;
	s26 =	sadd.s32 s8, s25;
	[dreg:$0x7] =	wrdreg s22  }
0x12: {  	s6 =	sadd.s32 s9, s25;
	s24 =	simm.s32 $0x200;
	[dreg:$0x8] =	wrdreg s23  }
0x13: {  	s25 =	simm.s32 $0x100;
	s0 =	sadd.s32 s5, s0;
	[dreg:$0xa] =	wrdreg s26  }
0x14: {  	s5 =	ssub.s32 s14, s16;
	[dreg:$0xb] =	wrdreg s6;
	s16 =	sadd.s32 s8, s1  }
0x15: {  	s17 =	sadd.s32 s9, s1;
	s20 =	simm.s32 $0x6300;
	s22 =	simm.s32 $0x180  }
0x16: {  	s23 =	simm.s32 $0x80;
	s26 =	simm.s32 $0x280;
	s1 =	simm.s32 $0x5  }
0x17: {  	s6 =	simm.s32 $0x2;
	s8 =	simm.s32 $0x0;
	s18 =	sadd.s32 $0xA1000, s0  }
0x18: {  	v0 =	vimm.f32 $0.0e+00;
	s19 =	smax.u32 s5, $0x1;
	s0 =	simm.s32 $0x3300;
	s5 =	simm.s32 $0x1  }
.LBB2_1:
0x19: {  	s9 =	simm.s32 $0x0;
	s10 =	simm.s32 $0x200  }
.LBB2_2:
0x1a: {  	p1 =	sne.s32 s10, $0xBE00;
	[tilespmem:s9+$0x6370] =	vst v0  }
0x1b: {  	[tilespmem:s9+$0x6300] =	vst v0  }
0x1c: {  	[tilespmem:s9+$0x6310] =	vst v0  }
.Ltmp0:
0x1d: {  	[tilespmem:s9+$0x6320] =	vst v0;
	(pc) =	sbr.rel @p1 .LBB2_2-.Ltmp0, $4  }
0x1e: {  	[tilespmem:s9+$0x6330] =	vst v0  }
0x1f: {  	[tilespmem:s9+$0x6340] =	vst v0  }
0x20: {  	[tilespmem:s9+$0x6350] =	vst v0  }
0x21: {  	[tilespmem:s9+$0x6360] =	vst v0;
	s9 =	sshra.s32 s10, $0x2;
	s10 =	sadd.s32 $0x200, s10  }
0x22: {  	[tilespmem:s9+$0x6370] =	vst v0  }
0x23: {  	[tilespmem:s9+$0x6300] =	vst v0  }
0x24: {  	[tilespmem:s9+$0x6310] =	vst v0  }
0x25: {  	[tilespmem:s9+$0x6320] =	vst v0  }
0x26: {  	[tilespmem:s9+$0x6330] =	vst v0  }
0x27: {  	[tilespmem:s9+$0x6340] =	vst v0  }
0x28: {  	[tilespmem:s9+$0x6350] =	vst v0  }
0x29: {  	[tilespmem:s9+$0x6360] =	vst v0  }
0x2a: {  	[spmem:s4] =	stream.linear.scatter [tilespmem:s20], [sflag:$0x7], $0x3000, $0x38;
	[tilespmem:$0x1CB80] =	vst v63  }
0x2b: {  	_ =	swait.ge [sflag:s21], $0x3000  }
0x2c: {  	[sflag:s21] =	ssyncset.done $0x0  }
0x2d: {  	s11 =	rddreg [dreg:$0x3];
	[sflag:s21] =	ssyncadd.s32 $0xFFFFD000  }
0x2e: {  	[spmem:s11] =	stream.linear.scatter [tilespmem:s20], [sflag:$0x7], $0x3000, $0x38;
	[tilespmem:$0x1CB80] =	vst v63  }
0x2f: {  	_ =	swait.ge [sflag:s21], $0x3000  }
0x30: {  	[sflag:s21] =	ssyncset.done $0x0  }
0x31: {  	s14 =	rddreg [dreg:$0x4];
	[sflag:s21] =	ssyncadd.s32 $0xFFFFD000  }
0x32: {  	[spmem:s14] =	stream.linear.scatter [tilespmem:s20], [sflag:$0x7], $0x3000, $0x38;
	[tilespmem:$0x1CB80] =	vst v63  }
0x33: {  	_ =	swait.ge [sflag:s21], $0x3000  }
0x34: {  	[sflag:s21] =	ssyncset.done $0x0  }
0x35: {  	s15 =	rddreg [dreg:$0x5];
	[sflag:s21] =	ssyncadd.s32 $0xFFFFD000  }
0x36: {  	[spmem:s15] =	stream.linear.scatter [tilespmem:s20], [sflag:$0x7], $0x3000, $0x38;
	[tilespmem:$0x1CB80] =	vst v63  }
0x37: {  	_ =	swait.ge [sflag:s21], $0x3000  }
0x38: {  	[sflag:s21] =	ssyncset.done $0x0  }
0x39: {  	s10 =	rddreg [dreg:$0x6];
	[sflag:s21] =	ssyncadd.s32 $0xFFFFD000  }
0x3a: {  	[spmem:s10] =	stream.linear.scatter [tilespmem:s20], [sflag:$0x7], $0x3000, $0x38;
	[tilespmem:$0x1CB80] =	vst v63  }
0x3b: {  	_ =	swait.ge [sflag:s21], $0x3000  }
0x3c: {  	[sflag:s21] =	ssyncset.done $0x0  }
0x3d: {  	s11 =	rddreg [dreg:$0x7];
	[sflag:s21] =	ssyncadd.s32 $0xFFFFD000  }
0x3e: {  	[spmem:s11] =	stream.linear.scatter [tilespmem:s20], [sflag:$0x7], $0x3000, $0x38;
	[tilespmem:$0x1CB80] =	vst v63  }
0x3f: {  	_ =	swait.ge [sflag:s21], $0x3000  }
0x40: {  	[sflag:s21] =	ssyncset.done $0x0  }
0x41: {  	s14 =	rddreg [dreg:$0x8];
	[sflag:s21] =	ssyncadd.s32 $0xFFFFD000  }
0x42: {  	[spmem:s14] =	stream.linear.scatter [tilespmem:s20], [sflag:$0x7], $0x1800, $0x38;
	[tilespmem:$0x1CB80] =	vst v63  }
0x43: {  	_ =	swait.ge [sflag:s21], $0x1800  }
0x44: {  	[sflag:s21] =	ssyncset.done $0x0  }
0x45: {  	s9 =	simm.s32 @!p0 $0x6300;
	s10 =	rddreg [dreg:$0x9];
	[sflag:s21] =	ssyncadd.s32 $0xFFFFE800  }
0x46: {  	[spmem:s10] =	stream.linear.scatter @!p0 [tilespmem:s9], [sflag:$0x7], $0x800, $0x38;
	[tilespmem:$0x1CB80] =	vst v63  }
0x47: {  	s9 =	simm.s32 @!p0 $0x7  }
0x48: {  	_ =	swait.ge @!p0 [sflag:s9], $0x800  }
0x49: {  	[sflag:s9] =	ssyncset.done @!p0 $0x0  }
0x4a: {  	[sflag:s9] =	ssyncadd.s32 @!p0 $0xFFFFF800  }
0x4b: {  	s15 =	simm.s32 $0x0;
	[bflag:$0x0] =	sbarrier.arrive $0xFFFF  }
0x4c: {  	[tilespmem:s15], [sflag:$0x3] =	stream.linear.gather [hbm4b:s12+s15], $0x60, $0x38;
	[tilespmem:$0x1CB80] =	vst v63  }
0x4d: {  	_ = 	snop  }
0x4e: {  	[tilespmem:s22], [sflag:$0x3] =	stream.linear.gather [hbm4b:s13+s15], $0x60, $0x38;
	[tilespmem:$0x1CB80] =	vst v63  }
0x4f: {  	s11 =	rddreg [dreg:$0xa]  }
0x50: {  	[tilespmem:s23], [sflag:$0x4] =	stream.linear.gather [hbm4b:s11+s15], $0x60, $0x38;
	[tilespmem:$0x1CB80] =	vst v63  }
0x51: {  	s14 =	rddreg [dreg:$0xb]  }
0x52: {  	[tilespmem:s24], [sflag:$0x4] =	stream.linear.gather [hbm4b:s14+s15], $0x60, $0x38;
	[tilespmem:$0x1CB80] =	vst v63  }
0x53: {  	_ = 	snop  }
0x54: {  	[tilespmem:s25], [sflag:$0x5] =	stream.linear.gather [hbm4b:s16+s15], $0x60, $0x38;
	[tilespmem:$0x1CB80] =	vst v63  }
0x55: {  	_ = 	snop  }
0x56: {  	[tilespmem:s26], [sflag:$0x5] =	stream.linear.gather [hbm4b:s17+s15], $0x60, $0x38;
	[tilespmem:$0x1CB80] =	vst v63  }
0x57: {  	_ =	swait.ge [sflag:s28], $0x60  }
0x58: {  	[sflag:s28] =	ssyncset.done $0x0  }
0x59: {  	[sflag:s28] =	ssyncadd.s32 $0xFFFFFFA0  }
0x5a: {  	_ =	swait.ge [sflag:s28], $0x60  }
0x5b: {  	[sflag:s28] =	ssyncset.done $0x0  }
0x5c: {  	[sflag:s28] =	ssyncadd.s32 $0xFFFFFFA0  }
0x5d: {  	[tilespmem:s30], [sflag:$0x1] =	stream.indirect.gather [hbm4b:s3+s29], $0x80, s15, s29, $0xb8;
	[tilespmem:$0x1CB80] =	vst v63  }
0x5e: {  	_ =	swait.ge [sflag:s31], $0x60  }
0x5f: {  	[sflag:s31] =	ssyncset.done $0x0  }
0x60: {  	[sflag:s31] =	ssyncadd.s32 $0xFFFFFFA0  }
0x61: {  	_ =	swait.ge [sflag:s31], $0x60  }
0x62: {  	[sflag:s31] =	ssyncset.done $0x0  }
0x63: {  	[sflag:s31] =	ssyncadd.s32 $0xFFFFFFA0  }
0x64: {  	[tilespmem:s0], [sflag:$0x2] =	stream.indirect.gather [hbm4b:s3+s29], $0x80, s23, s29, $0xb8;
	[tilespmem:$0x1CB80] =	vst v63  }
0x65: {  	_ =	swait.ge [sflag:s1], $0x60  }
0x66: {  	[sflag:s1] =	ssyncset.done $0x0  }
0x67: {  	[sflag:s1] =	ssyncadd.s32 $0xFFFFFFA0  }
0x68: {  	_ =	swait.ge [sflag:s1], $0x60  }
0x69: {  	[sflag:s1] =	ssyncset.done $0x0  }
0x6a: {  	[sflag:s1] =	ssyncadd.s32 $0xFFFFFFA0  }
0x6b: {  	[tilespmem:s20], [sflag:$0x6] =	stream.indirect.gather [hbm4b:s3+s29], $0x80, s25, s29, $0xb8;
	[tilespmem:$0x1CB80] =	vst v63  }
0x6c: {  	_ =	swait.ge [sflag:s5], $0x3000  }
0x6d: {  	s9 =	sadd.s32 $0x0, s12;
	[sflag:s5] =	ssyncset.done $0x0  }
0x6e: {  	s11 =	sadd.s32 $0x0, s13;
	s15 =	sadd.s32 $0x24, s9;
	[sflag:s5] =	ssyncadd.s32 $0xFFFFD000  }
0x6f: {  	[tilespmem:s2], [sflag:$0x3] =	stream.linear.gather [hbm4b:s15+s2], $0x60, $0x38;
	[tilespmem:$0x1CB80] =	vst v63  }
0x70: {  	s14 =	sadd.s32 $0x24, s11  }
0x71: {  	[tilespmem:s22], [sflag:$0x3] =	stream.linear.gather [hbm4b:s14+s2], $0x60, $0x38;
	[tilespmem:$0x1CB80] =	vst v63  }
0x72: {  	_ =	swait.ge [sflag:s28], $0x60  }
0x73: {  	[sflag:s28] =	ssyncset.done $0x0  }
0x74: {  	[sflag:s28] =	ssyncadd.s32 $0xFFFFFFA0  }
0x75: {  	_ =	swait.ge [sflag:s28], $0x60  }
0x76: {  	[sflag:s28] =	ssyncset.done $0x0  }
0x77: {  	[sflag:s28] =	ssyncadd.s32 $0xFFFFFFA0  }
0x78: {  	[tilespmem:s30], [sflag:$0x1] =	stream.indirect.gather [hbm4b:s3+s29], $0x80, s2, s29, $0xb8;
	[tilespmem:$0x1CB80] =	vst v63  }
0x79: {  	_ =	swait.ge [sflag:s6], $0x3000  }
0x7a: {  	[sflag:s6] =	ssyncset.done $0x0  }
0x7b: {  	s15 =	sadd.s32 $0x30, s9;
	[sflag:s6] =	ssyncadd.s32 $0xFFFFD000  }
0x7c: {  	[tilespmem:s23], [sflag:$0x4] =	stream.linear.gather [hbm4b:s15+s2], $0x60, $0x38;
	[tilespmem:$0x1CB80] =	vst v63  }
0x7d: {  	s14 =	sadd.s32 $0x30, s11  }
0x7e: {  	[tilespmem:s24], [sflag:$0x4] =	stream.linear.gather [hbm4b:s14+s2], $0x60, $0x38;
	[tilespmem:$0x1CB80] =	vst v63  }
0x7f: {  	_ =	swait.ge [sflag:s31], $0x60  }
0x80: {  	[sflag:s31] =	ssyncset.done $0x0  }
0x81: {  	[sflag:s31] =	ssyncadd.s32 $0xFFFFFFA0  }
0x82: {  	_ =	swait.ge [sflag:s31], $0x60  }
0x83: {  	[sflag:s31] =	ssyncset.done $0x0  }
0x84: {  	[sflag:s31] =	ssyncadd.s32 $0xFFFFFFA0  }
0x85: {  	[tilespmem:s0], [sflag:$0x2] =	stream.indirect.gather [hbm4b:s3+s29], $0x80, s23, s29, $0xb8;
	[tilespmem:$0x1CB80] =	vst v63  }
0x86: {  	_ =	swait.ge [sflag:s7], $0x3000  }
0x87: {  	[sflag:s7] =	ssyncset.done $0x0  }
0x88: {  	s9 =	sadd.s32 $0x3C, s9;
	[sflag:s7] =	ssyncadd.s32 $0xFFFFD000  }
0x89: {  	[tilespmem:s25], [sflag:$0x5] =	stream.linear.gather [hbm4b:s9+s2], $0x60, $0x38;
	[tilespmem:$0x1CB80] =	vst v63  }
0x8a: {  	s15 =	sadd.s32 $0x3C, s11  }
0x8b: {  	[tilespmem:s26], [sflag:$0x5] =	stream.linear.gather [hbm4b:s15+s2], $0x60, $0x38;
	[tilespmem:$0x1CB80] =	vst v63  }
0x8c: {  	_ =	swait.ge [sflag:s1], $0x60  }
0x8d: {  	[sflag:s1] =	ssyncset.done $0x0  }
0x8e: {  	[sflag:s1] =	ssyncadd.s32 $0xFFFFFFA0  }
0x8f: {  	_ =	swait.ge [sflag:s1], $0x60  }
0x90: {  	[sflag:s1] =	ssyncset.done $0x0  }
0x91: {  	[sflag:s1] =	ssyncadd.s32 $0xFFFFFFA0  }
0x92: {  	[tilespmem:s20], [sflag:$0x6] =	stream.indirect.gather [hbm4b:s3+s29], $0x80, s25, s29, $0xb8;
	[tilespmem:$0x1CB80] =	vst v63  }
0x93: {  	s10 =	simm.s32 $0x24;
	_ =	swait.ge [sflag:s5], $0x3000  }
0x94: {  	s11 =	simm.s32 $0x48;
	s9 =	sadd.s32 $0x24, s12;
	[sflag:s5] =	ssyncset.done $0x0  }
.LBB2_4:
0x95: {  	s14 =	sadd.s32 $0x24, s9  }
0x96: {  	s15 =	sadd.s32 s10, s13;
	[sflag:s5] =	ssyncadd.s32 $0xFFFFD000;
	s10 =	smov.u32 s11  }
0x97: {  	[tilespmem:s2], [sflag:$0x3] =	stream.linear.gather [hbm4b:s14+s2], $0x60, $0x38;
	[tilespmem:$0x1CB80] =	vst v63  }
0x98: {  	p1 =	sne.s32 s11, $0x4C8;
	s11 =	sadd.s32 $0x24, s11;
	s14 =	sadd.s32 $0x24, s15  }
0x99: {  	[tilespmem:s22], [sflag:$0x3] =	stream.linear.gather [hbm4b:s14+s2], $0x60, $0x38;
	[tilespmem:$0x1CB80] =	vst v63  }
0x9a: {  	_ =	swait.ge [sflag:s28], $0x60  }
0x9b: {  	[sflag:s28] =	ssyncset.done $0x0  }
0x9c: {  	[sflag:s28] =	ssyncadd.s32 $0xFFFFFFA0  }
0x9d: {  	_ =	swait.ge [sflag:s28], $0x60  }
0x9e: {  	[sflag:s28] =	ssyncset.done $0x0  }
0x9f: {  	[sflag:s28] =	ssyncadd.s32 $0xFFFFFFA0  }
0xa0: {  	[tilespmem:s30], [sflag:$0x1] =	stream.indirect.gather [hbm4b:s3+s29], $0x80, s2, s29, $0xb8;
	[tilespmem:$0x1CB80] =	vst v63  }
0xa1: {  	_ =	swait.ge [sflag:s6], $0x3000  }
0xa2: {  	[sflag:s6] =	ssyncset.done $0x0  }
0xa3: {  	s14 =	sadd.s32 $0x30, s9;
	[sflag:s6] =	ssyncadd.s32 $0xFFFFD000  }
0xa4: {  	[tilespmem:s23], [sflag:$0x4] =	stream.linear.gather [hbm4b:s14+s2], $0x60, $0x38;
	[tilespmem:$0x1CB80] =	vst v63  }
0xa5: {  	s14 =	sadd.s32 $0x30, s15  }
0xa6: {  	[tilespmem:s24], [sflag:$0x4] =	stream.linear.gather [hbm4b:s14+s2], $0x60, $0x38;
	[tilespmem:$0x1CB80] =	vst v63  }
0xa7: {  	_ =	swait.ge [sflag:s31], $0x60  }
0xa8: {  	[sflag:s31] =	ssyncset.done $0x0  }
0xa9: {  	[sflag:s31] =	ssyncadd.s32 $0xFFFFFFA0  }
0xaa: {  	_ =	swait.ge [sflag:s31], $0x60  }
0xab: {  	[sflag:s31] =	ssyncset.done $0x0  }
0xac: {  	[sflag:s31] =	ssyncadd.s32 $0xFFFFFFA0  }
0xad: {  	[tilespmem:s0], [sflag:$0x2] =	stream.indirect.gather [hbm4b:s3+s29], $0x80, s23, s29, $0xb8;
	[tilespmem:$0x1CB80] =	vst v63  }
0xae: {  	_ =	swait.ge [sflag:s7], $0x3000  }
0xaf: {  	[sflag:s7] =	ssyncset.done $0x0  }
0xb0: {  	s9 =	sadd.s32 $0x3C, s9;
	[sflag:s7] =	ssyncadd.s32 $0xFFFFD000  }
0xb1: {  	[tilespmem:s25], [sflag:$0x5] =	stream.linear.gather [hbm4b:s9+s2], $0x60, $0x38;
	[tilespmem:$0x1CB80] =	vst v63  }
0xb2: {  	s9 =	sadd.s32 $0x3C, s15  }
0xb3: {  	[tilespmem:s26], [sflag:$0x5] =	stream.linear.gather [hbm4b:s9+s2], $0x60, $0x38;
	[tilespmem:$0x1CB80] =	vst v63  }
0xb4: {  	_ =	swait.ge [sflag:s1], $0x60  }
0xb5: {  	[sflag:s1] =	ssyncset.done $0x0  }
0xb6: {  	[sflag:s1] =	ssyncadd.s32 $0xFFFFFFA0  }
0xb7: {  	_ =	swait.ge [sflag:s1], $0x60  }
.Ltmp1:
0xb8: {  	[sflag:s1] =	ssyncset.done $0x0;
	(pc) =	sbr.rel @p1 .LBB2_4-.Ltmp1, $4  }
0xb9: {  	[sflag:s1] =	ssyncadd.s32 $0xFFFFFFA0  }
0xba: {  	[tilespmem:s20], [sflag:$0x6] =	stream.indirect.gather [hbm4b:s3+s29], $0x80, s25, s29, $0xb8;
	[tilespmem:$0x1CB80] =	vst v63  }
0xbb: {  	_ =	swait.ge [sflag:s5], $0x3000  }
0xbc: {  	s9 =	sadd.s32 s10, s12;
	[sflag:s5] =	ssyncset.done $0x0  }
0xbd: {  	s11 =	sadd.s32 $0x24, s9;
	s10 =	sadd.s32 s10, s13;
	[sflag:s5] =	ssyncadd.s32 $0xFFFFD000  }
0xbe: {  	[tilespmem:s2], [sflag:$0x3] =	stream.linear.gather [hbm4b:s11+s2], $0x60, $0x38;
	[tilespmem:$0x1CB80] =	vst v63  }
0xbf: {  	s14 =	sadd.s32 $0x24, s10  }
0xc0: {  	[tilespmem:s22], [sflag:$0x3] =	stream.linear.gather [hbm4b:s14+s2], $0x60, $0x38;
	[tilespmem:$0x1CB80] =	vst v63  }
0xc1: {  	_ =	swait.ge [sflag:s28], $0x60  }
0xc2: {  	[sflag:s28] =	ssyncset.done $0x0  }
0xc3: {  	[sflag:s28] =	ssyncadd.s32 $0xFFFFFFA0  }
0xc4: {  	_ =	swait.ge [sflag:s28], $0x60  }
0xc5: {  	[sflag:s28] =	ssyncset.done $0x0  }
0xc6: {  	[sflag:s28] =	ssyncadd.s32 $0xFFFFFFA0  }
0xc7: {  	[tilespmem:s30], [sflag:$0x1] =	stream.indirect.gather [hbm4b:s3+s29], $0x80, s2, s29, $0xb8;
	[tilespmem:$0x1CB80] =	vst v63  }
0xc8: {  	_ =	swait.ge [sflag:s6], $0x3000  }
0xc9: {  	[sflag:s6] =	ssyncset.done $0x0  }
0xca: {  	s15 =	sadd.s32 $0x30, s9;
	[sflag:s6] =	ssyncadd.s32 $0xFFFFD000  }
0xcb: {  	[tilespmem:s23], [sflag:$0x4] =	stream.linear.gather [hbm4b:s15+s2], $0x60, $0x38;
	[tilespmem:$0x1CB80] =	vst v63  }
0xcc: {  	s14 =	sadd.s32 $0x30, s10  }
0xcd: {  	[tilespmem:s24], [sflag:$0x4] =	stream.linear.gather [hbm4b:s14+s2], $0x60, $0x38;
	[tilespmem:$0x1CB80] =	vst v63  }
0xce: {  	_ =	swait.ge [sflag:s31], $0x60  }
0xcf: {  	[sflag:s31] =	ssyncset.done $0x0  }
0xd0: {  	[sflag:s31] =	ssyncadd.s32 $0xFFFFFFA0  }
0xd1: {  	_ =	swait.ge [sflag:s31], $0x60  }
0xd2: {  	[sflag:s31] =	ssyncset.done $0x0  }
0xd3: {  	[sflag:s31] =	ssyncadd.s32 $0xFFFFFFA0  }
0xd4: {  	[tilespmem:s0], [sflag:$0x2] =	stream.indirect.gather [hbm4b:s3+s29], $0x80, s23, s29, $0xb8;
	[tilespmem:$0x1CB80] =	vst v63  }
0xd5: {  	_ =	swait.ge [sflag:s7], $0x3000  }
0xd6: {  	[sflag:s7] =	ssyncset.done $0x0  }
0xd7: {  	s15 =	sadd.s32 $0x3C, s9;
	[sflag:s7] =	ssyncadd.s32 $0xFFFFD000  }
0xd8: {  	[tilespmem:s25], [sflag:$0x5] =	stream.linear.gather [hbm4b:s15+s2], $0x60, $0x38;
	[tilespmem:$0x1CB80] =	vst v63  }
0xd9: {  	s11 =	sadd.s32 $0x3C, s10  }
0xda: {  	[tilespmem:s26], [sflag:$0x5] =	stream.linear.gather [hbm4b:s11+s2], $0x60, $0x38;
	[tilespmem:$0x1CB80] =	vst v63  }
0xdb: {  	_ =	swait.ge [sflag:s1], $0x60  }
0xdc: {  	[sflag:s1] =	ssyncset.done $0x0  }
0xdd: {  	[sflag:s1] =	ssyncadd.s32 $0xFFFFFFA0  }
0xde: {  	_ =	swait.ge [sflag:s1], $0x60  }
0xdf: {  	[sflag:s1] =	ssyncset.done $0x0  }
0xe0: {  	[sflag:s1] =	ssyncadd.s32 $0xFFFFFFA0  }
0xe1: {  	[tilespmem:s20], [sflag:$0x6] =	stream.indirect.gather [hbm4b:s3+s29], $0x80, s25, s29, $0xb8;
	[tilespmem:$0x1CB80] =	vst v63  }
0xe2: {  	_ =	swait.ge [sflag:s5], $0x3000  }
0xe3: {  	[sflag:s5] =	ssyncset.done $0x0  }
0xe4: {  	[sflag:s5] =	ssyncadd.s32 $0xFFFFD000  }
0xe5: {  	_ =	swait.ge [sflag:s6], $0x3000  }
0xe6: {  	[sflag:s6] =	ssyncset.done $0x0  }
0xe7: {  	[sflag:s6] =	ssyncadd.s32 $0xFFFFD000  }
0xe8: {  	s14 =	stileid.u32;
	_ =	swait.ge [sflag:s7], $0x3000  }
0xe9: {  	s8 =	sadd.s32 $0x1, s8;
	s9 =	sshll.u32 s14, $0x6;
	[sflag:s7] =	ssyncset.done $0x0  }
0xea: {  	p1 =	sne.s32 s8, s19;
	s9 =	sor.u32 $0x1C07, s9;
	[sflag:s7] =	ssyncadd.s32 $0xFFFFD000  }
.Ltmp2:
0xeb: {  	s15 =	sshrl.u32 s4, $0x3;
	[bflag:$0x0] =	sbarrier.arrive $0xFFFF;
	(pc) =	sbr.rel @p1 .LBB2_1-.Ltmp2, $4  }
0xec: {  	[hbm:s18], [sflag:s9] =	dma.local [spmem:s15], $0x2700  }
0xed: {  	_ =	swait.ge [sflag:s21], $0x2700  }
0xee: {  	[sflag:s21] =	ssyncset.done $0x0  }
0xef: {  	[sflag:s21] =	ssyncadd.s32 $0xFFFFD900  }
0xf0: {  	_ =	sfence.sel $0x180000  }
0xf1: {  	[bflag:$0x0] =	sbarrier.arrive $0xFFFF  }
0xf2: {  	_ =	strace $0x9000004D  }
0xf3: {  	s0 =	stileid.u32;
	[bflag:$0x2] =	sbarrier.arrive $0xFFFF  }
0xf4: {  	p0 =	sne.s32 s0, $0x0;
	s0 =	rddreg [dreg:$0x2]  }
0xf5: {  	s0 =	sadd.s32 @!p0 $0x100000, s0  }
0xf6: {  	[sflag:s0] =	ssyncadd.tile.s32 @!p0 $0x1;
	_ =	shalt  }
.Lfunc_end2:
_tile_overlayer_lowered:
.L_overlay_start_2:
0xf7: {  	(tag) =	ssettag $0x2  }
0xf8: {  	s0 =	rddreg [dreg:$0x0];
	s2 =	stileid.u32  }
0xf9: {  	s1 =	rddreg [dreg:$0x1];
	p0 =	sne.s32 s2, $0x0  }
0xfa: {  	s3 =	rddreg [dreg:$0x2];
	[bflag:$0x3] =	sbarrier.arrive $0xFFFF;
	s2 =	simm.s32 @!p0 $0x1C07  }
0xfb: {  	[timem:s3], [sflag:s2] =	dma.local @!p0 [hbm:s0], s1  }
0xfc: {  	s0 =	simm.s32 @!p0 $0x7  }
0xfd: {  	_ =	swait.ge @!p0 [sflag:s0], s1  }
0xfe: {  	s1 =	ssub.s32 @!p0 $0x0, s1;
	[sflag:s0] =	ssyncset.done @!p0 $0x0  }
0xff: {  	[sflag:s0] =	ssyncadd.s32 @!p0 s1  }
0x100: {  	[bflag:$0x3] =	sbarrier.arrive $0xFFFF  }
0x101: {  	_ =	shalt  }

// kernel: kernel.19.cloned.1.call-start
scs
__scs_entry_jumppad:
0x0: {  	(pc) =	sbr.rel $0x88, $3  }
0x1: {  	(tag) =	ssettag $0x0;
	lr =	simm.s32 $0x1  }
0x2: {  	[smem:$0x3F66] =	sst lr;
	_ =	strace $0xD0000000  }
0x3: {  	_ = 	snop  }
0x4: {  	_ = 	snop  }
0x5: {  	_ = 	snop  }
0x6: {  	_ = 	snop  }
0x7: {  	_ = 	snop  }
__scs_overlays_trampoline_lowered:
0x8: {  	[smem:$0x3F75] =	sst s0  }
0x9: {  	[smem:$0x3F76] =	sst s1  }
0xa: {  	[smem:$0x3F77] =	sst s2  }
0xb: {  	[smem:$0x3F78] =	sst s3  }
0xc: {  	[smem:$0x3F79] =	sst s4  }
0xd: {  	[smem:$0x3F7A] =	sst s5  }
0xe: {  	[smem:$0x3F7B] =	sst s6  }
0xf: {  	[smem:$0x3F7C] =	sst s7  }
0x10: {  	[smem:$0x3F7D] =	sst s8  }
0x11: {  	[smem:$0x3F7E] =	sst s9;
	s0 =	simm.s32 @!p0 $0x0  }
0x12: {  	s1 =	sld [smem:$0x3F64];
	s0 =	simm.s32 @p0 $0x1  }
0x13: {  	[smem:$0x3F7F] =	sst s0;
	s0 =	simm.s32 @!p1 $0x0  }
0x14: {  	s2 =	sld [smem:$0x3F63];
	s0 =	simm.s32 @p1 $0x1  }
0x15: {  	[smem:$0x3F80] =	sst s0;
	s0 =	simm.s32 @!p2 $0x0  }
0x16: {  	s3 =	sld [smem:$0x3FDB];
	s0 =	simm.s32 @p2 $0x1  }
0x17: {  	s4 =	simm.s32 $0x1BF5;
	[smem:$0x3F82] =	sst s0  }
0x18: {  	s0 =	sld [smem:$0x3F65];
	_ =	swait.ge [sflag:s4], $0x0  }
0x19: {  	s7 =	sld [smem:$0x3F66]  }
0x1a: {  	s8 =	sadd.s32 $0xFFFFE003, lr  }
0x1b: {  	s9 =	sadd.s32 $0xFFFFFEF7, lr;
	s5 =	simm.s32 $0xFFFFFFFF;
	p2 =	slt.u32 s8, $0xFFFFF086  }
0x1c: {  	p1 =	slt.u32 s9, $0xF7A;
	s5 =	simm.s32 @!p2 $0x0  }
0x1d: {  	s5 =	simm.s32 @p1 $0x1;
	p0 =	seq.s32 s7, s2  }
0x1e: {  	s7 =	smul.u32 @!p0 $0xF7A, s2;
	p2 =	seq.s32 @!p0 s5, $0x0  }
0x1f: {  	s9 =	smul.u32 $0xF7A, s1;
	s8 =	simm.s32 @!p0 $0x1BF5;
	p2 =	por !p2, p0  }
0x20: {  	[sflag:s8] =	ssyncset.s32 @!p0 $0xFFFFF086;
	s6 =	sadd.s32 @!p0 s3, s7;
	s7 =	simm.s32 @!p0 $0x108  }
0x21: {  	s3 =	sadd.s32 s3, s9;
	s6 =	sadd.s32 @!p0 $0x88, s6;
	s7 =	simm.s32 @p2 $0x1082  }
0x22: {  	[simem:s7], [sflag:s8] =	dma.local @!p0 [hbm:s6], $0xF7A  }
0x23: {  	s9 =	sor.u32 $0xD0000000, s2;
	s6 =	simm.s32 $0x108;
	_ =	swait.ge @!p0 [sflag:s8], $0x0  }
0x24: {  	s3 =	sadd.s32 $0x88, s3;
	s6 =	simm.s32 @!p1 $0x1082;
	[sflag:s4] =	ssyncset.s32 $0xFFFFF086  }
0x25: {  	[simem:s6], [sflag:s4] =	dma.local [hbm:s3], $0xF7A  }
0x26: {  	[smem:$0x3F66] =	sst s1;
	(tag) =	ssettag s2;
	_ =	strace s9  }
0x27: {  	s1 =	sld [smem:$0x3F76]  }
0x28: {  	s2 =	sld [smem:$0x3F77]  }
0x29: {  	s4 =	sld [smem:$0x3F79]  }
0x2a: {  	p0 =	seq.s32 s5, $0x0;
	s5 =	sld [smem:$0x3F7A]  }
0x2b: {  	s6 =	sld [smem:$0x3F7B]  }
0x2c: {  	s7 =	sld [smem:$0x3F7C]  }
0x2d: {  	s3 =	simm.s32 $0x108;
	s8 =	sld [smem:$0x3F7D]  }
0x2e: {  	s3 =	simm.s32 @!p0 $0x1082;
	s9 =	sld [smem:$0x3F7E]  }
0x2f: {  	lr =	sadd.s32 s0, s3;
	s0 =	sld [smem:$0x3F75]  }
0x30: {  	s3 =	sld [smem:$0x3F78]  }
0x31: {  	[smem:$0x3F81] =	sst s10  }
0x32: {  	s10 =	sld [smem:$0x3F7F];
	_ =	sdelay $0x3  }
0x33: {  	p0 =	seq.s32 s10, $0x1;
	s10 =	sld [smem:$0x3F81];
	_ =	sdelay $0x3  }
0x34: {  	[smem:$0x3F81] =	sst s10  }
0x35: {  	s10 =	sld [smem:$0x3F80];
	_ =	sdelay $0x3  }
0x36: {  	p1 =	seq.s32 s10, $0x1;
	s10 =	sld [smem:$0x3F81];
	_ =	sdelay $0x3  }
0x37: {  	[smem:$0x3F81] =	sst s10  }
0x38: {  	s10 =	sld [smem:$0x3F82]  }
0x39: {  	_ = 	snop;
	(pc) =	sbr.ind lr, $3  }
0x3a: {  	_ = 	snop  }
0x3b: {  	_ = 	snop  }
0x3c: {  	p2 =	seq.s32 s10, $0x1;
	s10 =	sld [smem:$0x3F81]  }
0x3d: {  	_ =	shalt  }
0x3e: {  	_ =	shalt  }
0x3f: {  	_ =	shalt  }
0x40: {  	_ =	shalt  }
0x41: {  	_ =	shalt  }
0x42: {  	_ =	shalt  }
0x43: {  	_ =	shalt  }
0x44: {  	_ =	shalt  }
0x45: {  	_ =	shalt  }
0x46: {  	_ =	shalt  }
0x47: {  	_ =	shalt  }
0x48: {  	_ =	shalt  }
0x49: {  	_ =	shalt  }
0x4a: {  	_ =	shalt  }
0x4b: {  	_ =	shalt  }
0x4c: {  	_ =	shalt  }
0x4d: {  	_ =	shalt  }
0x4e: {  	_ =	shalt  }
0x4f: {  	_ =	shalt  }
0x50: {  	_ =	shalt  }
0x51: {  	_ =	shalt  }
0x52: {  	_ =	shalt  }
0x53: {  	_ =	shalt  }
0x54: {  	_ =	shalt  }
0x55: {  	_ =	shalt  }
0x56: {  	_ =	shalt  }
0x57: {  	_ =	shalt  }
0x58: {  	_ =	shalt  }
0x59: {  	_ =	shalt  }
0x5a: {  	_ =	shalt  }
0x5b: {  	_ =	shalt  }
0x5c: {  	_ =	shalt  }
0x5d: {  	_ =	shalt  }
0x5e: {  	_ =	shalt  }
0x5f: {  	_ =	shalt  }
0x60: {  	_ =	shalt  }
0x61: {  	_ =	shalt  }
0x62: {  	_ =	shalt  }
0x63: {  	_ =	shalt  }
0x64: {  	_ =	shalt  }
0x65: {  	_ =	shalt  }
0x66: {  	_ =	shalt  }
0x67: {  	_ =	shalt  }
0x68: {  	_ =	shalt  }
0x69: {  	_ =	shalt  }
0x6a: {  	_ =	shalt  }
0x6b: {  	_ =	shalt  }
0x6c: {  	_ =	shalt  }
0x6d: {  	_ =	shalt  }
0x6e: {  	_ =	shalt  }
0x6f: {  	_ =	shalt  }
0x70: {  	_ =	shalt  }
0x71: {  	_ =	shalt  }
0x72: {  	_ =	shalt  }
0x73: {  	_ =	shalt  }
0x74: {  	_ =	shalt  }
0x75: {  	_ =	shalt  }
0x76: {  	_ =	shalt  }
0x77: {  	_ =	shalt  }
0x78: {  	_ =	shalt  }
0x79: {  	_ =	shalt  }
0x7a: {  	_ =	shalt  }
0x7b: {  	_ =	shalt  }
0x7c: {  	_ =	shalt  }
0x7d: {  	_ =	shalt  }
0x7e: {  	_ =	shalt  }
0x7f: {  	_ =	shalt  }
0x80: {  	_ =	shalt  }
0x81: {  	_ =	shalt  }
0x82: {  	_ =	shalt  }
0x83: {  	_ =	shalt  }
0x84: {  	_ =	shalt  }
0x85: {  	_ =	shalt  }
0x86: {  	_ =	shalt  }
0x87: {  	_ =	shalt  }
.Lfunc_end0:
.L_simem_size_0:
called_computation.4_lowered:
.L_overlay_start_0:
0x88: {  	s2 =	sld [smem:$0x3FD9]  }
0x89: {  	s3 =	sld [smem:$0x3FFE];
	_ =	sdelay $0x1  }
0x8a: {  	s1 =	srdreg.scid  }
0x8b: {  	s0 =	sand.u32 $0x1, s1  }
0x8c: {  	s16 =	sshll.u32 s0, $0xA;
	s2 =	sadd.s32 s3, s2  }
0x8d: {  	s2 =	sadd.s32 s2, s16  }
0x8e: {  	[smem:$0x3F8D] =	sst s2  }
0x8f: {  	_ = 	snop  }
0x90: {  	(tm) =	ssettm $0x1  }
0x91: {  	s17 =	sld [smem:$0x3FFB];
	_ =	sdelay $0x3  }
0x92: {  	_ =	strace s17  }
0x93: {  	s2 =	sld [smem:$0x3FFC];
	_ =	sdelay $0x3  }
0x94: {  	_ =	strace s2  }
0x95: {  	s2 =	sld [smem:$0x3FFD];
	_ =	sdelay $0x3  }
0x96: {  	_ =	strace s2  }
0x97: {  	_ =	strace $0x8FFFFFFF  }
0x98: {  	s18 =	sld [smem:$0x3FDB];
	_ =	sdelay $0x1  }
0x99: {  	s19 =	simm.s32 $_scs_section_size  }
0x9a: {  	s4 =	simm.s32 $_size__tile_overlayer_lowered;
	s5 =	simm.s32 $_tile_overlayer_lowered  }
0x9b: {  	s22 =	simm.s32 $0x1BFF;
	s21 =	sshll.u32 s5, $0x1;
	s2 =	sadd.s32 s19, s18  }
0x9c: {  	s6 =	simm.s32 $0x0;
	s20 =	sshll.u32 s4, $0x1;
	s4 =	sadd.s32 s21, s2  }
0x9d: {  	[timem:s6], [sflag:s22] =	dma.local [hbm:s4], s20  }
0x9e: {  	_ =	swait.ge [sflag:s22], s20  }
0x9f: {  	s3 =	ssub.s32 $0x0, s20;
	[sflag:s22] =	ssyncset.done $0x0  }
0xa0: {  	[sflag:s22] =	ssyncadd.s32 s3;
	_ =	sdelay $0x1  }
0xa1: {  	s23 =	simm.s32 $0x1B8B  }
0xa2: {  	_ =	swait.ge [sflag:s23], $0x1  }
0xa3: {  	[sflag:s23] =	ssyncset.done $0x0  }
0xa4: {  	s25 =	simm.s32 $0x1B8E;
	s24 =	sld [smem:$0x3FFE];
	[sflag:s23] =	ssyncadd.s32 $0xFFFFFFFF  }
0xa5: {  	s26 =	simm.s32 $execute0_lowered;
	[smem:$0x3FD2] =	sst s25  }
0xa6: {  	s4 =	sshll.u32 s26, $0x1;
	_ =	strace $0x8000004F;
	[dreg:$0x1] =	wrdreg $0xFFFFFFFF  }
0xa7: {  	s28 =	simm.s32 $_size_execute0_lowered;
	s2 =	sadd.s32 s2, s4;
	[dreg:$0x0] =	wrdreg $0x0  }
0xa8: {  	s4 =	sshll.u32 s28, $0x1;
	[dreg:$0x2] =	wrdreg s2  }
0xa9: {  	[dreg:$0x3] =	wrdreg s4  }
0xaa: {  	[dreg:$0x4] =	wrdreg $0xC0  }
0xab: {  	_ =	task [dreg:s6], $0x5FFFF  }
0xac: {  	[dreg:$0x1] =	wrdreg $0xFFFFFFFF  }
0xad: {  	[dreg:$0x0] =	wrdreg $0x60  }
0xae: {  	[dreg:$0x2] =	wrdreg s24  }
0xaf: {  	[dreg:$0x3] =	wrdreg $0x93000  }
0xb0: {  	[dreg:$0x4] =	wrdreg $0x9  }
0xb1: {  	_ =	task.clear_ibuf [dreg:s6], $0x5FFFF;
	_ =	strace $0x9000004F  }
0xb2: {  	s29 =	simm.s32 $0x9;
	_ =	strace $0x80000051  }
0xb3: {  	_ =	swait.ge [sflag:s29], $0x1  }
0xb4: {  	[sflag:s29] =	ssyncadd.s32 $0xFFFFFFFF  }
0xb5: {  	_ =	strace $0x90000051  }
0xb6: {  	_ =	sfence  }
0xb7: {  	s30 =	sld [smem:$0x0];
	_ =	sdelay $0x2  }
0xb8: {  	s31 =	sshll.u32 s1, $0xD;
	s1 =	sshrl.u32 s1, $0x2  }
0xb9: {  	s3 =	sand.u32 $0x4000, s31;
	s1 =	sadd.s32 s1, s30  }
0xba: {  	s0 =	sor.u32 s3, s0;
	s1 =	sshll.u32 s1, $0x11  }
0xbb: {  	s0 =	sor.u32 s1, s0  }
0xbc: {  	s0 =	sadd.s32 $0x8F2B, s0  }
0xbd: {  	[sflag:s0] =	ssyncadd.remote.s32 $0x1  }
0xbe: {  	_ =	sfence.sel $0xFFFF  }
0xbf: {  	[dreg:$0x0] =	wrdreg $0xFFFFFFFF;
	(pc) =	sbr.abs _section_cstart, $3  }
0xc0: {  	[dreg:$0x1] =	wrdreg $0xFFFFFFFF  }
0xc1: {  	_ =	task.clear_ibuf [dreg:s6], $0x2FFFF;
	_ =	strace $0x9FFFFFFF  }
0xc2: {  	(tm) =	ssettm $0x7FFFFFFF  }
0xc3: {  	_ =	shalt  }
tec
execute0_lowered:
.L_overlay_start_1:
0x0: {  	(tag) =	ssettag $0x1  }
0x1: {  	s0 =	rddreg [dreg:$0x0]  }
0x2: {  	s1 =	rddreg [dreg:$0x1];
	s2 =	srdreg.scid  }
0x3: {  	s10 =	stileid.u32;
	s28 =	simm.s32 $0x3;
	s29 =	simm.s32 $0x60  }
0x4: {  	s30 =	simm.s32 $0x300;
	s31 =	simm.s32 $0x4;
	s6 =	smul.u32 $0x13800, s10  }
0x5: {  	s4 =	sand.u32 $0x1, s2;
	s2 =	simm.s32 $0x0;
	s7 =	smul.u32 $0x4E000, s10  }
0x6: {  	s3 =	sadd.s32 $0x4BE00, s0;
	s8 =	sadd.s32 $0x8E00, s0;
	s18 =	smul.u32 $0x510, s10  }
0x7: {  	s9 =	sadd.s32 $0xE000, s0;
	s21 =	smul.u32 $0x2880, s10;
	p0 =	sne.s32 s10, $0xF  }
0x8: {  	s5 =	smul.u32 $0x138800, s4;
	[smem:$0x7FF] =	sst s2;
	s14 =	ssub.s32 $0x2, s4  }
0x9: {  	_ =	strace $0x80000050;
	s15 =	sshrl.u32 s7, $0x2;
	s16 =	sshrl.u32 s14, $0x1  }
0xa: {  	s12 =	sadd.s32 s8, s18;
	s24 =	sshrl.u32 s21, $0x3;
	s13 =	sadd.s32 s9, s18  }
0xb: {  	s21 =	simm.s32 $0x7;
	s4 =	sadd.s32 s15, s1;
	s1 =	sadd.s32 $0x138000, s1  }
0xc: {  	s7 =	simm.s32 $0x6;
	s17 =	sadd.s32 $0x3000, s4;
	[dreg:$0x9] =	wrdreg s1  }
0xd: {  	s5 =	sadd.s32 s6, s5;
	s19 =	sadd.s32 $0x6000, s4;
	[dreg:$0x3] =	wrdreg s17  }
0xe: {  	s25 =	sor.u32 $0xC, s24;
	s20 =	sadd.s32 $0x9000, s4;
	[dreg:$0x4] =	wrdreg s19  }
0xf: {  	s5 =	sshrl.u32 s5, $0x3;
	s11 =	sadd.s32 $0xC000, s4;
	[dreg:$0x5] =	wrdreg s20  }
0x10: {  	s22 =	sadd.s32 $0xF000, s4;
	s23 =	sadd.s32 $0x12000, s4;
	[dreg:$0x6] =	wrdreg s11  }
0x11: {  	s1 =	sadd.s32 $0x18, s24;
	s26 =	sadd.s32 s8, s25;
	[dreg:$0x7] =	wrdreg s22  }
0x12: {  	s6 =	sadd.s32 s9, s25;
	s24 =	simm.s32 $0x200;
	[dreg:$0x8] =	wrdreg s23  }
0x13: {  	s25 =	simm.s32 $0x100;
	s0 =	sadd.s32 s5, s0;
	[dreg:$0xa] =	wrdreg s26  }
0x14: {  	s5 =	ssub.s32 s14, s16;
	[dreg:$0xb] =	wrdreg s6;
	s16 =	sadd.s32 s8, s1  }
0x15: {  	s17 =	sadd.s32 s9, s1;
	s20 =	simm.s32 $0x6300;
	s22 =	simm.s32 $0x180  }
0x16: {  	s23 =	simm.s32 $0x80;
	s26 =	simm.s32 $0x280;
	s1 =	simm.s32 $0x5  }
0x17: {  	s6 =	simm.s32 $0x2;
	s8 =	simm.s32 $0x0;
	s18 =	sadd.s32 $0xA1000, s0  }
0x18: {  	v0 =	vimm.f32 $0.0e+00;
	s19 =	smax.u32 s5, $0x1;
	s0 =	simm.s32 $0x3300;
	s5 =	simm.s32 $0x1  }
.LBB2_1:
0x19: {  	s9 =	simm.s32 $0x0;
	s10 =	simm.s32 $0x200  }
.LBB2_2:
0x1a: {  	p1 =	sne.s32 s10, $0xBE00;
	[tilespmem:s9+$0x6370] =	vst v0  }
0x1b: {  	[tilespmem:s9+$0x6300] =	vst v0  }
0x1c: {  	[tilespmem:s9+$0x6310] =	vst v0  }
.Ltmp0:
0x1d: {  	[tilespmem:s9+$0x6320] =	vst v0;
	(pc) =	sbr.rel @p1 .LBB2_2-.Ltmp0, $4  }
0x1e: {  	[tilespmem:s9+$0x6330] =	vst v0  }
0x1f: {  	[tilespmem:s9+$0x6340] =	vst v0  }
0x20: {  	[tilespmem:s9+$0x6350] =	vst v0  }
0x21: {  	[tilespmem:s9+$0x6360] =	vst v0;
	s9 =	sshra.s32 s10, $0x2;
	s10 =	sadd.s32 $0x200, s10  }
0x22: {  	[tilespmem:s9+$0x6370] =	vst v0  }
0x23: {  	[tilespmem:s9+$0x6300] =	vst v0  }
0x24: {  	[tilespmem:s9+$0x6310] =	vst v0  }
0x25: {  	[tilespmem:s9+$0x6320] =	vst v0  }
0x26: {  	[tilespmem:s9+$0x6330] =	vst v0  }
0x27: {  	[tilespmem:s9+$0x6340] =	vst v0  }
0x28: {  	[tilespmem:s9+$0x6350] =	vst v0  }
0x29: {  	[tilespmem:s9+$0x6360] =	vst v0  }
0x2a: {  	[spmem:s4] =	stream.linear.scatter [tilespmem:s20], [sflag:$0x7], $0x3000, $0x38;
	[tilespmem:$0x1CB80] =	vst v63  }
0x2b: {  	_ =	swait.ge [sflag:s21], $0x3000  }
0x2c: {  	[sflag:s21] =	ssyncset.done $0x0  }
0x2d: {  	s11 =	rddreg [dreg:$0x3];
	[sflag:s21] =	ssyncadd.s32 $0xFFFFD000  }
0x2e: {  	[spmem:s11] =	stream.linear.scatter [tilespmem:s20], [sflag:$0x7], $0x3000, $0x38;
	[tilespmem:$0x1CB80] =	vst v63  }
0x2f: {  	_ =	swait.ge [sflag:s21], $0x3000  }
0x30: {  	[sflag:s21] =	ssyncset.done $0x0  }
0x31: {  	s14 =	rddreg [dreg:$0x4];
	[sflag:s21] =	ssyncadd.s32 $0xFFFFD000  }
0x32: {  	[spmem:s14] =	stream.linear.scatter [tilespmem:s20], [sflag:$0x7], $0x3000, $0x38;
	[tilespmem:$0x1CB80] =	vst v63  }
0x33: {  	_ =	swait.ge [sflag:s21], $0x3000  }
0x34: {  	[sflag:s21] =	ssyncset.done $0x0  }
0x35: {  	s15 =	rddreg [dreg:$0x5];
	[sflag:s21] =	ssyncadd.s32 $0xFFFFD000  }
0x36: {  	[spmem:s15] =	stream.linear.scatter [tilespmem:s20], [sflag:$0x7], $0x3000, $0x38;
	[tilespmem:$0x1CB80] =	vst v63  }
0x37: {  	_ =	swait.ge [sflag:s21], $0x3000  }
0x38: {  	[sflag:s21] =	ssyncset.done $0x0  }
0x39: {  	s10 =	rddreg [dreg:$0x6];
	[sflag:s21] =	ssyncadd.s32 $0xFFFFD000  }
0x3a: {  	[spmem:s10] =	stream.linear.scatter [tilespmem:s20], [sflag:$0x7], $0x3000, $0x38;
	[tilespmem:$0x1CB80] =	vst v63  }
0x3b: {  	_ =	swait.ge [sflag:s21], $0x3000  }
0x3c: {  	[sflag:s21] =	ssyncset.done $0x0  }
0x3d: {  	s11 =	rddreg [dreg:$0x7];
	[sflag:s21] =	ssyncadd.s32 $0xFFFFD000  }
0x3e: {  	[spmem:s11] =	stream.linear.scatter [tilespmem:s20], [sflag:$0x7], $0x3000, $0x38;
	[tilespmem:$0x1CB80] =	vst v63  }
0x3f: {  	_ =	swait.ge [sflag:s21], $0x3000  }
0x40: {  	[sflag:s21] =	ssyncset.done $0x0  }
0x41: {  	s14 =	rddreg [dreg:$0x8];
	[sflag:s21] =	ssyncadd.s32 $0xFFFFD000  }
0x42: {  	[spmem:s14] =	stream.linear.scatter [tilespmem:s20], [sflag:$0x7], $0x1800, $0x38;
	[tilespmem:$0x1CB80] =	vst v63  }
0x43: {  	_ =	swait.ge [sflag:s21], $0x1800  }
0x44: {  	[sflag:s21] =	ssyncset.done $0x0  }
0x45: {  	s9 =	simm.s32 @!p0 $0x6300;
	s10 =	rddreg [dreg:$0x9];
	[sflag:s21] =	ssyncadd.s32 $0xFFFFE800  }
0x46: {  	[spmem:s10] =	stream.linear.scatter @!p0 [tilespmem:s9], [sflag:$0x7], $0x800, $0x38;
	[tilespmem:$0x1CB80] =	vst v63  }
0x47: {  	s9 =	simm.s32 @!p0 $0x7  }
0x48: {  	_ =	swait.ge @!p0 [sflag:s9], $0x800  }
0x49: {  	[sflag:s9] =	ssyncset.done @!p0 $0x0  }
0x4a: {  	[sflag:s9] =	ssyncadd.s32 @!p0 $0xFFFFF800  }
0x4b: {  	s15 =	simm.s32 $0x0;
	[bflag:$0x0] =	sbarrier.arrive $0xFFFF  }
0x4c: {  	[tilespmem:s15], [sflag:$0x3] =	stream.linear.gather [hbm4b:s12+s15], $0x60, $0x38;
	[tilespmem:$0x1CB80] =	vst v63  }
0x4d: {  	_ = 	snop  }
0x4e: {  	[tilespmem:s22], [sflag:$0x3] =	stream.linear.gather [hbm4b:s13+s15], $0x60, $0x38;
	[tilespmem:$0x1CB80] =	vst v63  }
0x4f: {  	s11 =	rddreg [dreg:$0xa]  }
0x50: {  	[tilespmem:s23], [sflag:$0x4] =	stream.linear.gather [hbm4b:s11+s15], $0x60, $0x38;
	[tilespmem:$0x1CB80] =	vst v63  }
0x51: {  	s14 =	rddreg [dreg:$0xb]  }
0x52: {  	[tilespmem:s24], [sflag:$0x4] =	stream.linear.gather [hbm4b:s14+s15], $0x60, $0x38;
	[tilespmem:$0x1CB80] =	vst v63  }
0x53: {  	_ = 	snop  }
0x54: {  	[tilespmem:s25], [sflag:$0x5] =	stream.linear.gather [hbm4b:s16+s15], $0x60, $0x38;
	[tilespmem:$0x1CB80] =	vst v63  }
0x55: {  	_ = 	snop  }
0x56: {  	[tilespmem:s26], [sflag:$0x5] =	stream.linear.gather [hbm4b:s17+s15], $0x60, $0x38;
	[tilespmem:$0x1CB80] =	vst v63  }
0x57: {  	_ =	swait.ge [sflag:s28], $0x60  }
0x58: {  	[sflag:s28] =	ssyncset.done $0x0  }
0x59: {  	[sflag:s28] =	ssyncadd.s32 $0xFFFFFFA0  }
0x5a: {  	_ =	swait.ge [sflag:s28], $0x60  }
0x5b: {  	[sflag:s28] =	ssyncset.done $0x0  }
0x5c: {  	[sflag:s28] =	ssyncadd.s32 $0xFFFFFFA0  }
0x5d: {  	[tilespmem:s30], [sflag:$0x1] =	stream.indirect.gather [hbm4b:s3+s29], $0x80, s15, s29, $0xb8;
	[tilespmem:$0x1CB80] =	vst v63  }
0x5e: {  	_ =	swait.ge [sflag:s31], $0x60  }
0x5f: {  	[sflag:s31] =	ssyncset.done $0x0  }
0x60: {  	[sflag:s31] =	ssyncadd.s32 $0xFFFFFFA0  }
0x61: {  	_ =	swait.ge [sflag:s31], $0x60  }
0x62: {  	[sflag:s31] =	ssyncset.done $0x0  }
0x63: {  	[sflag:s31] =	ssyncadd.s32 $0xFFFFFFA0  }
0x64: {  	[tilespmem:s0], [sflag:$0x2] =	stream.indirect.gather [hbm4b:s3+s29], $0x80, s23, s29, $0xb8;
	[tilespmem:$0x1CB80] =	vst v63  }
0x65: {  	_ =	swait.ge [sflag:s1], $0x60  }
0x66: {  	[sflag:s1] =	ssyncset.done $0x0  }
0x67: {  	[sflag:s1] =	ssyncadd.s32 $0xFFFFFFA0  }
0x68: {  	_ =	swait.ge [sflag:s1], $0x60  }
0x69: {  	[sflag:s1] =	ssyncset.done $0x0  }
0x6a: {  	[sflag:s1] =	ssyncadd.s32 $0xFFFFFFA0  }
0x6b: {  	[tilespmem:s20], [sflag:$0x6] =	stream.indirect.gather [hbm4b:s3+s29], $0x80, s25, s29, $0xb8;
	[tilespmem:$0x1CB80] =	vst v63  }
0x6c: {  	_ =	swait.ge [sflag:s5], $0x3000  }
0x6d: {  	s9 =	sadd.s32 $0x0, s12;
	[sflag:s5] =	ssyncset.done $0x0  }
0x6e: {  	s11 =	sadd.s32 $0x0, s13;
	s15 =	sadd.s32 $0x24, s9;
	[sflag:s5] =	ssyncadd.s32 $0xFFFFD000  }
0x6f: {  	[tilespmem:s2], [sflag:$0x3] =	stream.linear.gather [hbm4b:s15+s2], $0x60, $0x38;
	[tilespmem:$0x1CB80] =	vst v63  }
0x70: {  	s14 =	sadd.s32 $0x24, s11  }
0x71: {  	[tilespmem:s22], [sflag:$0x3] =	stream.linear.gather [hbm4b:s14+s2], $0x60, $0x38;
	[tilespmem:$0x1CB80] =	vst v63  }
0x72: {  	_ =	swait.ge [sflag:s28], $0x60  }
0x73: {  	[sflag:s28] =	ssyncset.done $0x0  }
0x74: {  	[sflag:s28] =	ssyncadd.s32 $0xFFFFFFA0  }
0x75: {  	_ =	swait.ge [sflag:s28], $0x60  }
0x76: {  	[sflag:s28] =	ssyncset.done $0x0  }
0x77: {  	[sflag:s28] =	ssyncadd.s32 $0xFFFFFFA0  }
0x78: {  	[tilespmem:s30], [sflag:$0x1] =	stream.indirect.gather [hbm4b:s3+s29], $0x80, s2, s29, $0xb8;
	[tilespmem:$0x1CB80] =	vst v63  }
0x79: {  	_ =	swait.ge [sflag:s6], $0x3000  }
0x7a: {  	[sflag:s6] =	ssyncset.done $0x0  }
0x7b: {  	s15 =	sadd.s32 $0x30, s9;
	[sflag:s6] =	ssyncadd.s32 $0xFFFFD000  }
0x7c: {  	[tilespmem:s23], [sflag:$0x4] =	stream.linear.gather [hbm4b:s15+s2], $0x60, $0x38;
	[tilespmem:$0x1CB80] =	vst v63  }
0x7d: {  	s14 =	sadd.s32 $0x30, s11  }
0x7e: {  	[tilespmem:s24], [sflag:$0x4] =	stream.linear.gather [hbm4b:s14+s2], $0x60, $0x38;
	[tilespmem:$0x1CB80] =	vst v63  }
0x7f: {  	_ =	swait.ge [sflag:s31], $0x60  }
0x80: {  	[sflag:s31] =	ssyncset.done $0x0  }
0x81: {  	[sflag:s31] =	ssyncadd.s32 $0xFFFFFFA0  }
0x82: {  	_ =	swait.ge [sflag:s31], $0x60  }
0x83: {  	[sflag:s31] =	ssyncset.done $0x0  }
0x84: {  	[sflag:s31] =	ssyncadd.s32 $0xFFFFFFA0  }
0x85: {  	[tilespmem:s0], [sflag:$0x2] =	stream.indirect.gather [hbm4b:s3+s29], $0x80, s23, s29, $0xb8;
	[tilespmem:$0x1CB80] =	vst v63  }
0x86: {  	_ =	swait.ge [sflag:s7], $0x3000  }
0x87: {  	[sflag:s7] =	ssyncset.done $0x0  }
0x88: {  	s9 =	sadd.s32 $0x3C, s9;
	[sflag:s7] =	ssyncadd.s32 $0xFFFFD000  }
0x89: {  	[tilespmem:s25], [sflag:$0x5] =	stream.linear.gather [hbm4b:s9+s2], $0x60, $0x38;
	[tilespmem:$0x1CB80] =	vst v63  }
0x8a: {  	s15 =	sadd.s32 $0x3C, s11  }
0x8b: {  	[tilespmem:s26], [sflag:$0x5] =	stream.linear.gather [hbm4b:s15+s2], $0x60, $0x38;
	[tilespmem:$0x1CB80] =	vst v63  }
0x8c: {  	_ =	swait.ge [sflag:s1], $0x60  }
0x8d: {  	[sflag:s1] =	ssyncset.done $0x0  }
0x8e: {  	[sflag:s1] =	ssyncadd.s32 $0xFFFFFFA0  }
0x8f: {  	_ =	swait.ge [sflag:s1], $0x60  }
0x90: {  	[sflag:s1] =	ssyncset.done $0x0  }
0x91: {  	[sflag:s1] =	ssyncadd.s32 $0xFFFFFFA0  }
0x92: {  	[tilespmem:s20], [sflag:$0x6] =	stream.indirect.gather [hbm4b:s3+s29], $0x80, s25, s29, $0xb8;
	[tilespmem:$0x1CB80] =	vst v63  }
0x93: {  	s10 =	simm.s32 $0x24;
	_ =	swait.ge [sflag:s5], $0x3000  }
0x94: {  	s11 =	simm.s32 $0x48;
	s9 =	sadd.s32 $0x24, s12;
	[sflag:s5] =	ssyncset.done $0x0  }
.LBB2_4:
0x95: {  	s14 =	sadd.s32 $0x24, s9  }
0x96: {  	s15 =	sadd.s32 s10, s13;
	[sflag:s5] =	ssyncadd.s32 $0xFFFFD000;
	s10 =	smov.u32 s11  }
0x97: {  	[tilespmem:s2], [sflag:$0x3] =	stream.linear.gather [hbm4b:s14+s2], $0x60, $0x38;
	[tilespmem:$0x1CB80] =	vst v63  }
0x98: {  	p1 =	sne.s32 s11, $0x4C8;
	s11 =	sadd.s32 $0x24, s11;
	s14 =	sadd.s32 $0x24, s15  }
0x99: {  	[tilespmem:s22], [sflag:$0x3] =	stream.linear.gather [hbm4b:s14+s2], $0x60, $0x38;
	[tilespmem:$0x1CB80] =	vst v63  }
0x9a: {  	_ =	swait.ge [sflag:s28], $0x60  }
0x9b: {  	[sflag:s28] =	ssyncset.done $0x0  }
0x9c: {  	[sflag:s28] =	ssyncadd.s32 $0xFFFFFFA0  }
0x9d: {  	_ =	swait.ge [sflag:s28], $0x60  }
0x9e: {  	[sflag:s28] =	ssyncset.done $0x0  }
0x9f: {  	[sflag:s28] =	ssyncadd.s32 $0xFFFFFFA0  }
0xa0: {  	[tilespmem:s30], [sflag:$0x1] =	stream.indirect.gather [hbm4b:s3+s29], $0x80, s2, s29, $0xb8;
	[tilespmem:$0x1CB80] =	vst v63  }
0xa1: {  	_ =	swait.ge [sflag:s6], $0x3000  }
0xa2: {  	[sflag:s6] =	ssyncset.done $0x0  }
0xa3: {  	s14 =	sadd.s32 $0x30, s9;
	[sflag:s6] =	ssyncadd.s32 $0xFFFFD000  }
0xa4: {  	[tilespmem:s23], [sflag:$0x4] =	stream.linear.gather [hbm4b:s14+s2], $0x60, $0x38;
	[tilespmem:$0x1CB80] =	vst v63  }
0xa5: {  	s14 =	sadd.s32 $0x30, s15  }
0xa6: {  	[tilespmem:s24], [sflag:$0x4] =	stream.linear.gather [hbm4b:s14+s2], $0x60, $0x38;
	[tilespmem:$0x1CB80] =	vst v63  }
0xa7: {  	_ =	swait.ge [sflag:s31], $0x60  }
0xa8: {  	[sflag:s31] =	ssyncset.done $0x0  }
0xa9: {  	[sflag:s31] =	ssyncadd.s32 $0xFFFFFFA0  }
0xaa: {  	_ =	swait.ge [sflag:s31], $0x60  }
0xab: {  	[sflag:s31] =	ssyncset.done $0x0  }
0xac: {  	[sflag:s31] =	ssyncadd.s32 $0xFFFFFFA0  }
0xad: {  	[tilespmem:s0], [sflag:$0x2] =	stream.indirect.gather [hbm4b:s3+s29], $0x80, s23, s29, $0xb8;
	[tilespmem:$0x1CB80] =	vst v63  }
0xae: {  	_ =	swait.ge [sflag:s7], $0x3000  }
0xaf: {  	[sflag:s7] =	ssyncset.done $0x0  }
0xb0: {  	s9 =	sadd.s32 $0x3C, s9;
	[sflag:s7] =	ssyncadd.s32 $0xFFFFD000  }
0xb1: {  	[tilespmem:s25], [sflag:$0x5] =	stream.linear.gather [hbm4b:s9+s2], $0x60, $0x38;
	[tilespmem:$0x1CB80] =	vst v63  }
0xb2: {  	s9 =	sadd.s32 $0x3C, s15  }
0xb3: {  	[tilespmem:s26], [sflag:$0x5] =	stream.linear.gather [hbm4b:s9+s2], $0x60, $0x38;
	[tilespmem:$0x1CB80] =	vst v63  }
0xb4: {  	_ =	swait.ge [sflag:s1], $0x60  }
0xb5: {  	[sflag:s1] =	ssyncset.done $0x0  }
0xb6: {  	[sflag:s1] =	ssyncadd.s32 $0xFFFFFFA0  }
0xb7: {  	_ =	swait.ge [sflag:s1], $0x60  }
.Ltmp1:
0xb8: {  	[sflag:s1] =	ssyncset.done $0x0;
	(pc) =	sbr.rel @p1 .LBB2_4-.Ltmp1, $4  }
0xb9: {  	[sflag:s1] =	ssyncadd.s32 $0xFFFFFFA0  }
0xba: {  	[tilespmem:s20], [sflag:$0x6] =	stream.indirect.gather [hbm4b:s3+s29], $0x80, s25, s29, $0xb8;
	[tilespmem:$0x1CB80] =	vst v63  }
0xbb: {  	_ =	swait.ge [sflag:s5], $0x3000  }
0xbc: {  	s9 =	sadd.s32 s10, s12;
	[sflag:s5] =	ssyncset.done $0x0  }
0xbd: {  	s11 =	sadd.s32 $0x24, s9;
	s10 =	sadd.s32 s10, s13;
	[sflag:s5] =	ssyncadd.s32 $0xFFFFD000  }
0xbe: {  	[tilespmem:s2], [sflag:$0x3] =	stream.linear.gather [hbm4b:s11+s2], $0x60, $0x38;
	[tilespmem:$0x1CB80] =	vst v63  }
0xbf: {  	s14 =	sadd.s32 $0x24, s10  }
0xc0: {  	[tilespmem:s22], [sflag:$0x3] =	stream.linear.gather [hbm4b:s14+s2], $0x60, $0x38;
	[tilespmem:$0x1CB80] =	vst v63  }
0xc1: {  	_ =	swait.ge [sflag:s28], $0x60  }
0xc2: {  	[sflag:s28] =	ssyncset.done $0x0  }
0xc3: {  	[sflag:s28] =	ssyncadd.s32 $0xFFFFFFA0  }
0xc4: {  	_ =	swait.ge [sflag:s28], $0x60  }
0xc5: {  	[sflag:s28] =	ssyncset.done $0x0  }
0xc6: {  	[sflag:s28] =	ssyncadd.s32 $0xFFFFFFA0  }
0xc7: {  	[tilespmem:s30], [sflag:$0x1] =	stream.indirect.gather [hbm4b:s3+s29], $0x80, s2, s29, $0xb8;
	[tilespmem:$0x1CB80] =	vst v63  }
0xc8: {  	_ =	swait.ge [sflag:s6], $0x3000  }
0xc9: {  	[sflag:s6] =	ssyncset.done $0x0  }
0xca: {  	s15 =	sadd.s32 $0x30, s9;
	[sflag:s6] =	ssyncadd.s32 $0xFFFFD000  }
0xcb: {  	[tilespmem:s23], [sflag:$0x4] =	stream.linear.gather [hbm4b:s15+s2], $0x60, $0x38;
	[tilespmem:$0x1CB80] =	vst v63  }
0xcc: {  	s14 =	sadd.s32 $0x30, s10  }
0xcd: {  	[tilespmem:s24], [sflag:$0x4] =	stream.linear.gather [hbm4b:s14+s2], $0x60, $0x38;
	[tilespmem:$0x1CB80] =	vst v63  }
0xce: {  	_ =	swait.ge [sflag:s31], $0x60  }
0xcf: {  	[sflag:s31] =	ssyncset.done $0x0  }
0xd0: {  	[sflag:s31] =	ssyncadd.s32 $0xFFFFFFA0  }
0xd1: {  	_ =	swait.ge [sflag:s31], $0x60  }
0xd2: {  	[sflag:s31] =	ssyncset.done $0x0  }
0xd3: {  	[sflag:s31] =	ssyncadd.s32 $0xFFFFFFA0  }
0xd4: {  	[tilespmem:s0], [sflag:$0x2] =	stream.indirect.gather [hbm4b:s3+s29], $0x80, s23, s29, $0xb8;
	[tilespmem:$0x1CB80] =	vst v63  }
0xd5: {  	_ =	swait.ge [sflag:s7], $0x3000  }
0xd6: {  	[sflag:s7] =	ssyncset.done $0x0  }
0xd7: {  	s15 =	sadd.s32 $0x3C, s9;
	[sflag:s7] =	ssyncadd.s32 $0xFFFFD000  }
0xd8: {  	[tilespmem:s25], [sflag:$0x5] =	stream.linear.gather [hbm4b:s15+s2], $0x60, $0x38;
	[tilespmem:$0x1CB80] =	vst v63  }
0xd9: {  	s11 =	sadd.s32 $0x3C, s10  }
0xda: {  	[tilespmem:s26], [sflag:$0x5] =	stream.linear.gather [hbm4b:s11+s2], $0x60, $0x38;
	[tilespmem:$0x1CB80] =	vst v63  }
0xdb: {  	_ =	swait.ge [sflag:s1], $0x60  }
0xdc: {  	[sflag:s1] =	ssyncset.done $0x0  }
0xdd: {  	[sflag:s1] =	ssyncadd.s32 $0xFFFFFFA0  }
0xde: {  	_ =	swait.ge [sflag:s1], $0x60  }
0xdf: {  	[sflag:s1] =	ssyncset.done $0x0  }
0xe0: {  	[sflag:s1] =	ssyncadd.s32 $0xFFFFFFA0  }
0xe1: {  	[tilespmem:s20], [sflag:$0x6] =	stream.indirect.gather [hbm4b:s3+s29], $0x80, s25, s29, $0xb8;
	[tilespmem:$0x1CB80] =	vst v63  }
0xe2: {  	_ =	swait.ge [sflag:s5], $0x3000  }
0xe3: {  	[sflag:s5] =	ssyncset.done $0x0  }
0xe4: {  	[sflag:s5] =	ssyncadd.s32 $0xFFFFD000  }
0xe5: {  	_ =	swait.ge [sflag:s6], $0x3000  }
0xe6: {  	[sflag:s6] =	ssyncset.done $0x0  }
0xe7: {  	[sflag:s6] =	ssyncadd.s32 $0xFFFFD000  }
0xe8: {  	s14 =	stileid.u32;
	_ =	swait.ge [sflag:s7], $0x3000  }
0xe9: {  	s8 =	sadd.s32 $0x1, s8;
	s9 =	sshll.u32 s14, $0x6;
	[sflag:s7] =	ssyncset.done $0x0  }
0xea: {  	p1 =	sne.s32 s8, s19;
	s9 =	sor.u32 $0x1C07, s9;
	[sflag:s7] =	ssyncadd.s32 $0xFFFFD000  }
.Ltmp2:
0xeb: {  	s15 =	sshrl.u32 s4, $0x3;
	[bflag:$0x0] =	sbarrier.arrive $0xFFFF;
	(pc) =	sbr.rel @p1 .LBB2_1-.Ltmp2, $4  }
0xec: {  	[hbm:s18], [sflag:s9] =	dma.local [spmem:s15], $0x2700  }
0xed: {  	_ =	swait.ge [sflag:s21], $0x2700  }
0xee: {  	[sflag:s21] =	ssyncset.done $0x0  }
0xef: {  	[sflag:s21] =	ssyncadd.s32 $0xFFFFD900  }
0xf0: {  	_ =	sfence.sel $0x180000  }
0xf1: {  	[bflag:$0x0] =	sbarrier.arrive $0xFFFF  }
0xf2: {  	_ =	strace $0x90000050  }
0xf3: {  	s0 =	stileid.u32;
	[bflag:$0x2] =	sbarrier.arrive $0xFFFF  }
0xf4: {  	p0 =	sne.s32 s0, $0x0;
	s0 =	rddreg [dreg:$0x2]  }
0xf5: {  	s0 =	sadd.s32 @!p0 $0x100000, s0  }
0xf6: {  	[sflag:s0] =	ssyncadd.tile.s32 @!p0 $0x1;
	_ =	shalt  }
.Lfunc_end2:
_tile_overlayer_lowered:
.L_overlay_start_2:
0xf7: {  	(tag) =	ssettag $0x2  }
0xf8: {  	s0 =	rddreg [dreg:$0x0];
	s2 =	stileid.u32  }
0xf9: {  	s1 =	rddreg [dreg:$0x1];
	p0 =	sne.s32 s2, $0x0  }
0xfa: {  	s3 =	rddreg [dreg:$0x2];
	[bflag:$0x3] =	sbarrier.arrive $0xFFFF;
	s2 =	simm.s32 @!p0 $0x1C07  }
0xfb: {  	[timem:s3], [sflag:s2] =	dma.local @!p0 [hbm:s0], s1  }
0xfc: {  	s0 =	simm.s32 @!p0 $0x7  }
0xfd: {  	_ =	swait.ge @!p0 [sflag:s0], s1  }
0xfe: {  	s1 =	ssub.s32 @!p0 $0x0, s1;
	[sflag:s0] =	ssyncset.done @!p0 $0x0  }
0xff: {  	[sflag:s0] =	ssyncadd.s32 @!p0 s1  }
0x100: {  	[bflag:$0x3] =	sbarrier.arrive $0xFFFF  }
0x101: {  	_ =	shalt  }

// kernel: scatter_offload_async_start
scs
__scs_entry_jumppad:
0x0: {  	(pc) =	sbr.rel $0x88, $3  }
0x1: {  	(tag) =	ssettag $0x0;
	lr =	simm.s32 $0x1  }
0x2: {  	[smem:$0x3F66] =	sst lr;
	_ =	strace $0xD0000000  }
0x3: {  	_ = 	snop  }
0x4: {  	_ = 	snop  }
0x5: {  	_ = 	snop  }
0x6: {  	_ = 	snop  }
0x7: {  	_ = 	snop  }
__scs_overlays_trampoline_lowered:
0x8: {  	[smem:$0x3F75] =	sst s0  }
0x9: {  	[smem:$0x3F76] =	sst s1  }
0xa: {  	[smem:$0x3F77] =	sst s2  }
0xb: {  	[smem:$0x3F78] =	sst s3  }
0xc: {  	[smem:$0x3F79] =	sst s4  }
0xd: {  	[smem:$0x3F7A] =	sst s5  }
0xe: {  	[smem:$0x3F7B] =	sst s6  }
0xf: {  	[smem:$0x3F7C] =	sst s7  }
0x10: {  	[smem:$0x3F7D] =	sst s8  }
0x11: {  	[smem:$0x3F7E] =	sst s9;
	s0 =	simm.s32 @!p0 $0x0  }
0x12: {  	s1 =	sld [smem:$0x3F64];
	s0 =	simm.s32 @p0 $0x1  }
0x13: {  	[smem:$0x3F7F] =	sst s0;
	s0 =	simm.s32 @!p1 $0x0  }
0x14: {  	s2 =	sld [smem:$0x3F63];
	s0 =	simm.s32 @p1 $0x1  }
0x15: {  	[smem:$0x3F80] =	sst s0;
	s0 =	simm.s32 @!p2 $0x0  }
0x16: {  	s3 =	sld [smem:$0x3FDB];
	s0 =	simm.s32 @p2 $0x1  }
0x17: {  	s4 =	simm.s32 $0x1BF5;
	[smem:$0x3F82] =	sst s0  }
0x18: {  	s0 =	sld [smem:$0x3F65];
	_ =	swait.ge [sflag:s4], $0x0  }
0x19: {  	s7 =	sld [smem:$0x3F66]  }
0x1a: {  	s8 =	sadd.s32 $0xFFFFE003, lr  }
0x1b: {  	s9 =	sadd.s32 $0xFFFFFEF7, lr;
	s5 =	simm.s32 $0xFFFFFFFF;
	p2 =	slt.u32 s8, $0xFFFFF086  }
0x1c: {  	p1 =	slt.u32 s9, $0xF7A;
	s5 =	simm.s32 @!p2 $0x0  }
0x1d: {  	s5 =	simm.s32 @p1 $0x1;
	p0 =	seq.s32 s7, s2  }
0x1e: {  	s7 =	smul.u32 @!p0 $0xF7A, s2;
	p2 =	seq.s32 @!p0 s5, $0x0  }
0x1f: {  	s9 =	smul.u32 $0xF7A, s1;
	s8 =	simm.s32 @!p0 $0x1BF5;
	p2 =	por !p2, p0  }
0x20: {  	[sflag:s8] =	ssyncset.s32 @!p0 $0xFFFFF086;
	s6 =	sadd.s32 @!p0 s3, s7;
	s7 =	simm.s32 @!p0 $0x108  }
0x21: {  	s3 =	sadd.s32 s3, s9;
	s6 =	sadd.s32 @!p0 $0x88, s6;
	s7 =	simm.s32 @p2 $0x1082  }
0x22: {  	[simem:s7], [sflag:s8] =	dma.local @!p0 [hbm:s6], $0xF7A  }
0x23: {  	s9 =	sor.u32 $0xD0000000, s2;
	s6 =	simm.s32 $0x108;
	_ =	swait.ge @!p0 [sflag:s8], $0x0  }
0x24: {  	s3 =	sadd.s32 $0x88, s3;
	s6 =	simm.s32 @!p1 $0x1082;
	[sflag:s4] =	ssyncset.s32 $0xFFFFF086  }
0x25: {  	[simem:s6], [sflag:s4] =	dma.local [hbm:s3], $0xF7A  }
0x26: {  	[smem:$0x3F66] =	sst s1;
	(tag) =	ssettag s2;
	_ =	strace s9  }
0x27: {  	s1 =	sld [smem:$0x3F76]  }
0x28: {  	s2 =	sld [smem:$0x3F77]  }
0x29: {  	s4 =	sld [smem:$0x3F79]  }
0x2a: {  	p0 =	seq.s32 s5, $0x0;
	s5 =	sld [smem:$0x3F7A]  }
0x2b: {  	s6 =	sld [smem:$0x3F7B]  }
0x2c: {  	s7 =	sld [smem:$0x3F7C]  }
0x2d: {  	s3 =	simm.s32 $0x108;
	s8 =	sld [smem:$0x3F7D]  }
0x2e: {  	s3 =	simm.s32 @!p0 $0x1082;
	s9 =	sld [smem:$0x3F7E]  }
0x2f: {  	lr =	sadd.s32 s0, s3;
	s0 =	sld [smem:$0x3F75]  }
0x30: {  	s3 =	sld [smem:$0x3F78]  }
0x31: {  	[smem:$0x3F81] =	sst s10  }
0x32: {  	s10 =	sld [smem:$0x3F7F];
	_ =	sdelay $0x3  }
0x33: {  	p0 =	seq.s32 s10, $0x1;
	s10 =	sld [smem:$0x3F81];
	_ =	sdelay $0x3  }
0x34: {  	[smem:$0x3F81] =	sst s10  }
0x35: {  	s10 =	sld [smem:$0x3F80];
	_ =	sdelay $0x3  }
0x36: {  	p1 =	seq.s32 s10, $0x1;
	s10 =	sld [smem:$0x3F81];
	_ =	sdelay $0x3  }
0x37: {  	[smem:$0x3F81] =	sst s10  }
0x38: {  	s10 =	sld [smem:$0x3F82]  }
0x39: {  	_ = 	snop;
	(pc) =	sbr.ind lr, $3  }
0x3a: {  	_ = 	snop  }
0x3b: {  	_ = 	snop  }
0x3c: {  	p2 =	seq.s32 s10, $0x1;
	s10 =	sld [smem:$0x3F81]  }
0x3d: {  	_ =	shalt  }
0x3e: {  	_ =	shalt  }
0x3f: {  	_ =	shalt  }
0x40: {  	_ =	shalt  }
0x41: {  	_ =	shalt  }
0x42: {  	_ =	shalt  }
0x43: {  	_ =	shalt  }
0x44: {  	_ =	shalt  }
0x45: {  	_ =	shalt  }
0x46: {  	_ =	shalt  }
0x47: {  	_ =	shalt  }
0x48: {  	_ =	shalt  }
0x49: {  	_ =	shalt  }
0x4a: {  	_ =	shalt  }
0x4b: {  	_ =	shalt  }
0x4c: {  	_ =	shalt  }
0x4d: {  	_ =	shalt  }
0x4e: {  	_ =	shalt  }
0x4f: {  	_ =	shalt  }
0x50: {  	_ =	shalt  }
0x51: {  	_ =	shalt  }
0x52: {  	_ =	shalt  }
0x53: {  	_ =	shalt  }
0x54: {  	_ =	shalt  }
0x55: {  	_ =	shalt  }
0x56: {  	_ =	shalt  }
0x57: {  	_ =	shalt  }
0x58: {  	_ =	shalt  }
0x59: {  	_ =	shalt  }
0x5a: {  	_ =	shalt  }
0x5b: {  	_ =	shalt  }
0x5c: {  	_ =	shalt  }
0x5d: {  	_ =	shalt  }
0x5e: {  	_ =	shalt  }
0x5f: {  	_ =	shalt  }
0x60: {  	_ =	shalt  }
0x61: {  	_ =	shalt  }
0x62: {  	_ =	shalt  }
0x63: {  	_ =	shalt  }
0x64: {  	_ =	shalt  }
0x65: {  	_ =	shalt  }
0x66: {  	_ =	shalt  }
0x67: {  	_ =	shalt  }
0x68: {  	_ =	shalt  }
0x69: {  	_ =	shalt  }
0x6a: {  	_ =	shalt  }
0x6b: {  	_ =	shalt  }
0x6c: {  	_ =	shalt  }
0x6d: {  	_ =	shalt  }
0x6e: {  	_ =	shalt  }
0x6f: {  	_ =	shalt  }
0x70: {  	_ =	shalt  }
0x71: {  	_ =	shalt  }
0x72: {  	_ =	shalt  }
0x73: {  	_ =	shalt  }
0x74: {  	_ =	shalt  }
0x75: {  	_ =	shalt  }
0x76: {  	_ =	shalt  }
0x77: {  	_ =	shalt  }
0x78: {  	_ =	shalt  }
0x79: {  	_ =	shalt  }
0x7a: {  	_ =	shalt  }
0x7b: {  	_ =	shalt  }
0x7c: {  	_ =	shalt  }
0x7d: {  	_ =	shalt  }
0x7e: {  	_ =	shalt  }
0x7f: {  	_ =	shalt  }
0x80: {  	_ =	shalt  }
0x81: {  	_ =	shalt  }
0x82: {  	_ =	shalt  }
0x83: {  	_ =	shalt  }
0x84: {  	_ =	shalt  }
0x85: {  	_ =	shalt  }
0x86: {  	_ =	shalt  }
0x87: {  	_ =	shalt  }
.Lfunc_end0:
.L_simem_size_0:
called_computation_lowered:
.L_overlay_start_0:
0x88: {  	s0 =	sld [smem:$0x3FD9]  }
0x89: {  	s1 =	sld [smem:$0x3FFE];
	_ =	sdelay $0x3  }
0x8a: {  	s0 =	sadd.s32 s1, s0  }
0x8b: {  	[smem:$0x3F8D] =	sst s0  }
0x8c: {  	_ = 	snop  }
0x8d: {  	s0 =	sld [smem:$0x3FD0];
	_ =	sdelay $0x2  }
0x8e: {  	s13 =	simm.s32 $0xA;
	s2 =	simm.s32 $0x10  }
0x8f: {  	[smem:s2], [sflag:s13] =	dma.local [hbm:s0], $0x1  }
0x90: {  	_ =	swait.eq [sflag:s13], $0x1  }
0x91: {  	[sflag:s13] =	ssyncset.done $0x0  }
0x92: {  	[sflag:s13] =	ssyncadd.s32 $0xFFFFFFFF  }
0x93: {  	s14 =	sld [smem:$0x10];
	(tm) =	ssettm $0x1  }
0x94: {  	s15 =	sld [smem:$0x3FFB];
	_ =	sdelay $0x3  }
0x95: {  	_ =	strace s15  }
0x96: {  	s1 =	sld [smem:$0x3FFC];
	_ =	sdelay $0x3  }
0x97: {  	_ =	strace s1  }
0x98: {  	s1 =	sld [smem:$0x3FFD];
	_ =	sdelay $0x3  }
0x99: {  	_ =	strace s1  }
0x9a: {  	_ =	strace $0x8FFFFFFF  }
0x9b: {  	s16 =	sld [smem:$0x3FDB];
	_ =	sdelay $0x1  }
0x9c: {  	s17 =	simm.s32 $_scs_section_size  }
0x9d: {  	s3 =	simm.s32 $_size__tile_overlayer_lowered;
	s4 =	simm.s32 $_tile_overlayer_lowered  }
0x9e: {  	s20 =	simm.s32 $0x1BFF;
	s19 =	sshll.u32 s4, $0x1;
	s1 =	sadd.s32 s17, s16  }
0x9f: {  	s5 =	simm.s32 $0x0;
	s18 =	sshll.u32 s3, $0x1;
	s3 =	sadd.s32 s19, s1  }
0xa0: {  	[timem:s5], [sflag:s20] =	dma.local [hbm:s3], s18  }
0xa1: {  	_ =	swait.ge [sflag:s20], s18  }
0xa2: {  	s2 =	ssub.s32 $0x0, s18;
	[sflag:s20] =	ssyncset.done $0x0  }
0xa3: {  	[sflag:s20] =	ssyncadd.s32 s2;
	_ =	sdelay $0x1  }
0xa4: {  	s21 =	simm.s32 $0x1B8B  }
0xa5: {  	_ =	swait.ge [sflag:s21], $0x1  }
0xa6: {  	[sflag:s21] =	ssyncset.done $0x0  }
0xa7: {  	s23 =	simm.s32 $0x1B8E;
	s22 =	sld [smem:$0x3FFE];
	[sflag:s21] =	ssyncadd.s32 $0xFFFFFFFF  }
0xa8: {  	s24 =	simm.s32 $execute0_lowered;
	[smem:$0x3FD2] =	sst s23  }
0xa9: {  	s3 =	sshll.u32 s24, $0x1;
	_ =	strace $0x80000052;
	[dreg:$0x1] =	wrdreg $0xFFFFFFFF  }
0xaa: {  	s25 =	simm.s32 $_size_execute0_lowered;
	s1 =	sadd.s32 s1, s3;
	[dreg:$0x0] =	wrdreg $0x0  }
0xab: {  	s3 =	sshll.u32 s25, $0x1;
	[dreg:$0x2] =	wrdreg s1  }
0xac: {  	[dreg:$0x3] =	wrdreg s3  }
0xad: {  	[dreg:$0x4] =	wrdreg $0xC0  }
0xae: {  	_ =	task [dreg:s5], $0x5FFFF  }
0xaf: {  	[dreg:$0x1] =	wrdreg $0xFFFFFFFF  }
0xb0: {  	[dreg:$0x0] =	wrdreg $0x60  }
0xb1: {  	[dreg:$0x2] =	wrdreg s14  }
0xb2: {  	[dreg:$0x3] =	wrdreg s22  }
0xb3: {  	[dreg:$0x4] =	wrdreg $0x9  }
0xb4: {  	_ =	task.clear_ibuf [dreg:s5], $0x5FFFF;
	_ =	strace $0x90000052  }
0xb5: {  	s26 =	simm.s32 $0x9;
	_ =	strace $0x80000054  }
0xb6: {  	_ =	swait.ge [sflag:s26], $0x1  }
0xb7: {  	[sflag:s26] =	ssyncadd.s32 $0xFFFFFFFF  }
0xb8: {  	_ =	strace $0x90000054  }
0xb9: {  	_ =	sfence  }
0xba: {  	s28 =	sld [smem:$0x0];
	_ =	sdelay $0x1  }
0xbb: {  	s29 =	srdreg.scid  }
0xbc: {  	s30 =	sshll.u32 s29, $0xD;
	s31 =	sshrl.u32 s29, $0x2  }
0xbd: {  	s2 =	sand.u32 $0x4000, s30;
	s1 =	sand.u32 $0x1, s29;
	s0 =	sadd.s32 s31, s28  }
0xbe: {  	s1 =	sor.u32 s2, s1;
	s0 =	sshll.u32 s0, $0x11  }
0xbf: {  	s0 =	sor.u32 s0, s1  }
0xc0: {  	s0 =	sadd.s32 $0x8F2B, s0  }
0xc1: {  	[sflag:s0] =	ssyncadd.remote.s32 $0x1  }
0xc2: {  	_ =	sfence.sel $0xFFFF  }
0xc3: {  	[dreg:$0x0] =	wrdreg $0xFFFFFFFF;
	(pc) =	sbr.abs _section_cstart, $3  }
0xc4: {  	[dreg:$0x1] =	wrdreg $0xFFFFFFFF  }
0xc5: {  	_ =	task.clear_ibuf [dreg:s5], $0x2FFFF;
	_ =	strace $0x9FFFFFFF  }
0xc6: {  	(tm) =	ssettm $0x7FFFFFFF  }
0xc7: {  	_ =	shalt  }
tec
execute0_lowered:
.L_overlay_start_1:
0x0: {  	(tag) =	ssettag $0x1  }
0x1: {  	s1 =	rddreg [dreg:$0x0];
	s6 =	stileid.u32  }
0x2: {  	s0 =	rddreg [dreg:$0x1];
	_ =	strace $0x80000053;
	s2 =	smin.u32 s6, $0x9  }
0x3: {  	s9 =	simm.s32 $0x1;
	p0 =	slt.u32 s6, $0x9;
	s2 =	sadd.s32 s6, s2  }
0x4: {  	v1 =	vimm.s32 $0xFFFFFFFF;
	[sflag:s9] =	ssyncpa.u1 $0x0;
	s3 =	smul.u32 $0x190, s2;
	s2 =	simm.s32 $0x320  }
0x5: {  	[tilespmem:$0x10] =	vst v1;
	s2 =	simm.s32 @!p0 $0x190  }
0x6: {  	v0 =	vimm.f32 $0.0e+00;
	[tilespmem:$0x20] =	vst v1;
	s2 =	sadd.s32 s2, s3  }
0x7: {  	[tilespmem:$0x30] =	vst v0;
	s4 =	smin.u32 s2, $0x2710  }
0x8: {  	[tilespmem:$0x40] =	vst v0;
	s2 =	ssub.s32 s4, s3  }
0x9: {  	[tilespmem:$0x50] =	vst v0;
	p0 =	sgt.s32 s2, $0x0  }
0xa: {  	[tilespmem:$0x60] =	vst v1;
	s2 =	simm.s32 @!p0 $0x0  }
0xb: {  	s7 =	simm.s32 $0x2;
	s8 =	simm.s32 $0x8;
	[tilespmem:$0x70] =	vst v1;
	s5 =	sand.u32 $0xFFF0, s2  }
0xc: {  	s31 =	simm.s32 $0x9;
	s16 =	simm.s32 $0x0;
	[tilespmem:$0x80] =	vst v1;
	s5 =	sshrl.u32 s5, $0x4  }
0xd: {  	s17 =	simm.s32 $0xF0;
	s18 =	simm.s32 $0xFFFFFFFF;
	v1 =	vimm.s32 $0x0;
	[tilespmem:$0xB0] =	vst v0;
	s5 =	smul.u32 $0xA3E, s5  }
0xe: {  	s19 =	simm.s32 $0xFFFFFDE0;
	s20 =	simm.s32 $0xFFFFFFFE;
	s21 =	simm.s32 $0xF;
	[tilespmem:$0x90] =	vst v1  }
0xf: {  	[tilespmem:$0xA0] =	vst v1;
	[sflag:s7] =	ssyncpa.u1 $0x0;
	s7 =	simm.s32 $0x7;
	s10 =	sshrl.u32 s5, $0x10  }
0x10: {  	s25 =	simm.s32 $0x0;
	[sflag:s7] =	ssyncpa.u1 $0x0;
	s11 =	smul.u32 $0x190, s10  }
0x11: {  	s24 =	simm.s32 $0x0;
	s14 =	sshllo.u32 s6, $0x1;
	[sflag:s8] =	ssyncpa.u1 $0x0  }
.Ltmp0:
0x12: {  	s23 =	smov.u32 s3;
	p0 =	sne.s32 s2, s11;
	(pc) =	sbr.rel .LBB2_1-.Ltmp0, $4  }
0x13: {  	s5 =	sadd.s32 $0x8400, s0;
	s0 =	sadd.s32 $0x8A00, s0;
	s9 =	simm.s32 @!p0 $0x0  }
0x14: {  	[sflag:s31] =	ssyncpa.u1 $0x0;
	[dreg:$0x3] =	wrdreg s0;
	s9 =	sadd.s32 s10, s9  }
0x15: {  	vm0 =	vmmov $0xffff;
	v2 =	vlaneseq.u32;
	p0 =	por $0x0, $0x0;
	s10 =	sshll.u32 s6, $0x1;
	s11 =	sadd.s32 $0x1, s9  }
0x16: {  	vm1 =	vmxor vm1, vm1;
	vm2 =	vmmov $0x1;
	vm3 =	vcmask $0x3F3C;
	s12 =	sadd.s32 $0x2, s9;
	s13 =	sor.u32 $0x81, s10;
	s15 =	sor.u32 $0x80, s10  }
.LBB2_9:
0x17: {  	p1 =	slt.u32 s24, $0x3  }
0x18: {  	s0 =	simm.s32 @!p1 $0x2  }
0x19: {  	_ =	swait.ge @!p1 [sflag:s0], $0x190  }
0x1a: {  	[sflag:s0] =	ssyncset.done @!p1 $0x0  }
0x1b: {  	[sflag:s0] =	ssyncadd.s32 @!p1 $0xFFFFFE70;
	s0 =	simm.s32 @!p1 $0x9  }
0x1c: {  	_ =	swait.ge @!p1 [sflag:s0], $0x10  }
0x1d: {  	[sflag:s0] =	ssyncset.done @!p1 $0x0  }
0x1e: {  	[sflag:s0] =	ssyncadd.s32 @!p1 $0xFFFFFFF0;
	p1 =	sne.s32 s24, s12  }
.Ltmp1:
0x1f: {  	s2 =	sadd.s32 $0x190, s23;
	(pc) =	sbr.rel @!p1 .LBB2_10-.Ltmp1, $4  }
0x20: {  	s6 =	smov.u32 s3;
	s31 =	sadd.s32 $0x1, s24;
	s17 =	sadd.s32 $0x190, s17  }
0x21: {  	s18 =	sadd.s32 $0x1, s18;
	s25 =	smov.u32 s23;
	p2 =	slt.s32 s2, s4  }
0x22: {  	p0 =	por !p0, !p0;
	s19 =	sadd.s32 $0x190, s19;
	s6 =	smov.u32 @p2 s2  }
0x23: {  	s20 =	sadd.s32 $0x1, s20;
	s23 =	smov.u32 s6;
	s24 =	smov.u32 s31  }
.LBB2_1:
0x24: {  	p1 =	sge.u32 s24, s9  }
0x25: {  	s0 =	smulhi.u32 @!p1 $0xAAAAAAAB, s24;
	_ =	sdelay $0x1  }
0x26: {  	s0 =	sshrl.u32 @!p1 s0, $0x1  }
0x27: {  	s0 =	smul.u32 @!p1 $0x3, s0;
	_ =	sdelay $0x1  }
0x28: {  	s0 =	ssub.s32 @!p1 s24, s0  }
0x29: {  	s0 =	smul.u32 @!p1 $0x640, s0;
	_ =	sdelay $0x1  }
0x2a: {  	s2 =	sshrl.u32 @!p1 s23, $0x3;
	s0 =	sshrl.u32 @!p1 s0, $0x2  }
0x2b: {  	s22 =	sand.u32 @!p1 $0x7, s23;
	s2 =	sadd.s32 @!p1 s5, s2;
	s0 =	sadd.s32 @!p1 $0x100, s0  }
0x2c: {  	[tilespmem:s0], [sflag:$0x7] =	stream.linear.gather @!p1 [hbm4b:s2+s22], $0x190, $0x38;
	[tilespmem:$0xF30] =	vst v63  }
0x2d: {  	s0 =	sadd.s32 $0xFFFFFFFF, s24  }
0x2e: {  	p1 =	sge.u32 s0, s9  }
.Ltmp2:
0x2f: {  	_ = 	snop;
	(pc) =	sbr.rel @p1 .LBB2_5-.Ltmp2, $1  }
0x30: {  	_ =	sdelay $0x3  }
0x31: {  	s2 =	smulhi.u32 $0xAAAAAAAB, s0;
	_ =	sdelay $0x1  }
0x32: {  	s2 =	sshrl.u32 s2, $0x1  }
0x33: {  	s2 =	smul.u32 $0x3, s2;
	_ =	sdelay $0x1  }
0x34: {  	s2 =	ssub.s32 s0, s2  }
0x35: {  	s2 =	smul.u32 $0x640, s2  }
0x36: {  	_ =	swait.ge [sflag:s7], $0x190  }
0x37: {  	[sflag:s7] =	ssyncset.done $0x0;
	s2 =	sshrl.u32 s2, $0x2  }
0x38: {  	[sflag:s7] =	ssyncadd.s32 $0xFFFFFE70;
	(ifvalue) =	ssetifvalue $0xFFFFFFFF;
	v3 =	vld.msk [tilespmem:s2+$0x100 ss:$0x1], $0xffff;
	_ =	sdelay $0x2  }
0x39: {  	s30 =	smulhi.u32 $0xAAAAAAAB, s18;
	p1 =	sne.s32 s24, $0x1  }
0x3a: {  	v4 =	vimm.s32 @!p1 $0x0  }
0x3b: {  	s2 =	sshrl.u32 s30, $0x1;
	v4 =	vperm.xlane @!p1 v3, v4  }
0x3c: {  	s22 =	sshll.u32 s24, $0x4;
	s2 =	smul.u32 $0xFFFFED40, s2;
	vm4 =	vlt.u32 v3, $0x80  }
0x3d: {  	s22 =	sand.u32 $0x10, s22;
	v3 =	vnsel vm4, $0xFFFFFFFE, v3;
	vm4 =	vlt.u32 @!p1 v4, $0x80  }
0x3e: {  	s2 =	sshra.s32 s2, $0x2;
	[tilespmem:s22+$0x60] =	vst v3;
	v3 =	vnsel @!p1 vm4, $0xFFFFFFFE, v4  }
0x3f: {  	s28 =	sadd.s32 s2, s17;
	[tilespmem:$0x80] =	vst @!p1 v3  }
0x40: {  	v3 =	vld.msk [tilespmem:s28+$0x0 ss:$0x1], $0xffff;
	_ =	sdelay $0x4  }
0x41: {  	(xrf1) =	vunique.msk.u32 $0xffff, v3;
	_ =	sdelay $0xd  }
0x42: {  	v4 =	vimm.s32 $0xFFFFFFFF;
	v5, _, _ =	vpop (xrf1)  }
0x43: {  	vm5 =	vne.s32 v3, v4;
	vm4 =	veq.s32 v5, v2  }
0x44: {  	vm6 =	vlt.u32 v3, $0x80;
	vm4 =	vmand vm5, vm4  }
0x45: {  	vm4 =	vmand vm6, vm4  }
0x46: {  	v4 =	vnsel vm4, $0xFFFFFFFF, v3  }
0x47: {  	s31 =	sand.u32 $0x1, s0  }
0x48: {  	s0 =	simm.s32 $0x190;
	p1 =	seq.s32 s31, $0x1  }
0x49: {  	s0 =	simm.s32 @!p1 $0x0  }
0x4a: {  	s26 =	sadd.s32 $0x730, s0;
	(ifvalue) =	ssetifvalue $0xFFFFFFFF  }
0x4b: {  	v3 =	vperm.xlane v3, v1;
	[tilespmem:s26], [sflag:$0x8] =	stream.indirect_vreg.gather [hbm4b:s1+s16], $0x1, v4, vm0, $0x4038;
	v4 =	vnsel vm6, $0xFFFFFFFE, v4;
	[tilespmem:$0xF30] =	vst v63  }
0x4c: {  	s2 =	simm.s32 $0x0;
	s22 =	sadd.s32 $0xFFFFFFF0, s28;
	[tilespmem:s28+$0x0] =	vst v4  }
.LBB2_3:
0x4d: {  	v4 =	vld.msk [tilespmem:s22+$0x0 ss:$0x1], $0xffff;
	s2 =	sadd.s32 $0x10, s2;
	v5 =	vmov v3;
	s28 =	smov.u32 s22  }
0x4e: {  	p1 =	slt.u32 s2, $0x180;
	_ =	sdelay $0x4  }
0x4f: {  	v3 =	vperm.xlane v4, v1;
	(xrf1) =	vunique.msk.u32 $0xffff, v4;
	_ =	sdelay $0xd  }
0x50: {  	v6, _, _ =	vpop (xrf1)  }
0x51: {  	vm5 =	vne.s32 v4, v5;
	vm4 =	veq.s32 v6, v2  }
0x52: {  	vm6 =	vlt.u32 v4, $0x80;
	vm4 =	vmand vm5, vm4  }
0x53: {  	vm4 =	vmand vm6, vm4  }
0x54: {  	v4 =	vnsel vm4, $0xFFFFFFFF, v4  }
.Ltmp3:
0x55: {  	v5 =	vnsel vm6, $0xFFFFFFFE, v4;
	(pc) =	sbr.rel @p1 .LBB2_3-.Ltmp3, $3  }
0x56: {  	_ =	sdelay $0x1  }
0x57: {  	s22 =	sadd.s32 $0xFFFFFFF0, s22;
	s26 =	sadd.s32 $0xFFFFFFF0, s26;
	(ifvalue) =	ssetifvalue $0xFFFFFFFF  }
0x58: {  	[tilespmem:s26], [sflag:$0x8] =	stream.indirect_vreg.gather [hbm4b:s1+s16], $0x1, v4, vm0, $0x4038;
	[tilespmem:s28+$0x0] =	vst v5  }
0x59: {  	s2 =	sshrl.u32 s25, $0x3;
	s6 =	rddreg [dreg:$0x3]  }
0x5a: {  	s0 =	sadd.s32 $0x8D0, s0;
	s2 =	sadd.s32 s6, s2  }
0x5b: {  	[tilespmem:s0], [sflag:$0x8] =	stream.linear.gather [hbm:s2], $0x190, $0x38;
	[tilespmem:$0xF30] =	vst v63  }
.LBB2_5:
0x5c: {  	p1 =	slt.u32 s24, $0x2  }
0x5d: {  	p2 =	sge.u32 @!p1 s24, s12  }
0x5e: {  	p1 =	por p1, p2  }
.Ltmp4:
0x5f: {  	_ = 	snop;
	(pc) =	sbr.rel @p1 .LBB2_9-.Ltmp4, $1  }
0x60: {  	_ =	sdelay $0x3  }
0x61: {  	s0 =	sadd.s32 $0xFFFFFFFE, s24  }
0x62: {  	s2 =	smulhi.u32 $0xAAAAAAAB, s0;
	_ =	sdelay $0x1  }
0x63: {  	s2 =	sshrl.u32 s2, $0x1  }
0x64: {  	s2 =	smul.u32 $0x3, s2;
	_ =	sdelay $0x1  }
0x65: {  	s0 =	ssub.s32 s0, s2  }
0x66: {  	_ =	swait.ge [sflag:s8], $0x320;
	s0 =	smul.u32 $0x190, s0  }
0x67: {  	p1 =	sne.s32 s24, s11;
	[sflag:s8] =	ssyncset.done $0x0  }
0x68: {  	[sflag:s8] =	ssyncadd.s32 $0xFFFFFCE0;
	s2 =	sadd.s32 @!p1 $0x28F, s0  }
0x69: {  	[spmem:s13] =	stream.linear.scatter @!p1 [tilespmem:s2], [sflag:$0x1], $0x1, $0x38;
	[tilespmem:$0xF30] =	vst v63  }
0x6a: {  	s2 =	simm.s32 @!p1 $0x1  }
0x6b: {  	_ =	swait.ge @!p1 [sflag:s2], $0x1  }
0x6c: {  	s22 =	sshll.u32 s24, $0x4;
	[sflag:s2] =	ssyncset.done @!p1 $0x0  }
0x6d: {  	s25 =	sand.u32 $0x10, s22;
	[sflag:s2] =	ssyncadd.s32 @!p1 $0xFFFFFFFF  }
0x6e: {  	s2 =	sxor.u32 $0x10, s25;
	v4 =	vld [tilespmem:s25+$0x10]  }
0x6f: {  	v5 =	vld [tilespmem:s2+$0x60]  }
0x70: {  	v3 =	vld [tilespmem:$0x80];
	_ =	sdelay $0x2  }
0x71: {  	(v2sf) =	vpush v4, $0x0  }
0x72: {  	(v2sf) =	vpush v5, $0x0  }
0x73: {  	(v2sf) =	vpush v3, $0x0;
	_ =	sdelay $0xc  }
0x74: {  	s6 =	spop (v2sf)  }
0x75: {  	s28 =	spop (v2sf)  }
0x76: {  	s26 =	spop (v2sf)  }
0x77: {  	p2 =	seq.s32 s6, s28;
	p3 =	seq.s32 s26, s6  }
0x78: {  	p3 =	por p2, p3  }
0x79: {  	s6 =	sand.u32 $0x1, s24;
	v4 =	vpsel p3, $0xFFFFFFFF, v4  }
0x7a: {  	s28 =	smul.u32 $0x190, s6;
	[tilespmem:s25+$0x10] =	vst.msk $0x1, v4  }
0x7b: {  	v4 =	vld [tilespmem:$0x30]  }
0x7c: {  	v5 =	vld [tilespmem:s28+$0x8D0]  }
0x7d: {  	v6 =	vld [tilespmem:s25+$0x40];
	_ =	sdelay $0x3  }
0x7e: {  	vm4 =	vmmov vm1;
	v5 =	vadd.f32 v5, v4  }
0x7f: {  	vm5 =	vmmov vm2;
	vm4 =	vmmov @p2 vm2;
	v4 =	vadd.f32 v6, v4  }
0x80: {  	s22 =	sshll.u32 s6, $0x4;
	vm5 =	vmmov @p3 vm1;
	[tilespmem:s28+$0x8D0] =	vst.msk vm4, v5  }
0x81: {  	[tilespmem:s22+$0xF10] =	vst.msk vm5, v4  }
0x82: {  	v4 =	vld [tilespmem:s28+$0x730];
	_ =	sdelay $0x3  }
0x83: {  	v5 =	vimm.f32 $0.0e+00  }
0x84: {  	v4 =	vshift.insert v4, v5, s21  }
0x85: {  	s29 =	sor.u32 $0x40, s2  }
0x86: {  	[tilespmem:s29+$0x0] =	vst.msk $0x1, v4  }
0x87: {  	[tilespmem:s28+$0x73F] =	vst.msk $0x1, v5  }
0x88: {  	v4 =	vld [tilespmem:s0+$0x280];
	_ =	sdelay $0x1  }
0x89: {  	s29 =	smulhi.u32 $0xAAAAAAAB, s20;
	s0 =	simm.s32 $0x1  }
0x8a: {  	s0 =	simm.s32 @!p0 $0x0  }
0x8b: {  	s29 =	sshrl.u32 s29, $0x1;
	s0 =	smul.u32 $0x640, s0  }
0x8c: {  	s29 =	smul.u32 $0xFFFFED40, s29;
	v4 =	vshift.insert v4, v1, s21  }
0x8d: {  	s0 =	sshrl.u32 s0, $0x2  }
0x8e: {  	s29 =	sshra.s32 s29, $0x2;
	s30 =	sadd.s32 $0x8D0, s0;
	[tilespmem:s2+$0x10] =	vst.msk $0x1, v4  }
0x8f: {  	s6 =	sadd.s32 s29, s19;
	v6 =	vld [tilespmem:s30+$0x0]  }
0x90: {  	v7 =	vld [tilespmem:s6+$0x0];
	_ =	sdelay $0x3  }
0x91: {  	v5 =	vadd.f32 v6, v5  }
0x92: {  	vm4 =	vne.s32 v7, $0xFFFFFFFF  }
0x93: {  	(xrf2) =	vadd.seg.scan.f32 vm4, v5;
	_ =	sdelay $0x3  }
0x94: {  	s31 =	sadd.s32 $0x5B0, s0;
	v5 =	vperm.xlane v4, v1  }
0x95: {  	v6 =	vld [tilespmem:s31+$0x0]  }
0x96: {  	vm5 =	veq.s32 v7, v3;
	vm6 =	veq.s32 v7, v5  }
0x97: {  	vm7 =	vgt.u32 v7, $0xFFFFFFFD;
	vm6 =	vmor vm6, vm5  }
0x98: {  	vm6 =	vmor vm6, vm7  }
0x99: {  	v9 =	vld [tilespmem:$0xA0];
	v7 =	vsel vm6, $0xFFFFFFFF, v7  }
0x9a: {  	v10 =	vld [tilespmem:$0x90];
	v6 =	vsel vm5, $0x0, v6;
	v8, _, _ =	vpop (xrf2)  }
0x9b: {  	v6 =	vadd.f32 v8, v6  }
0x9c: {  	s0 =	sadd.s32 $0xBF0, s0  }
0x9d: {  	vm4 =	vmand vm4, vm3;
	[tilespmem:s0+$0x0] =	vst v6;
	(ifvalue) =	ssetifvalue $0xFFFFFFFF  }
0x9e: {  	vm6 =	veq.s32 v9, $0x1;
	[hbm4b:s1+s16] =	stream.indirect_vreg.scatter [tilespmem:s0], [sflag:$0x2], $0x1, v7, vm0, $0x4038;
	v7 =	vsel vm4, $0x0, v8;
	[tilespmem:$0xF30] =	vst v63  }
0x9f: {  	s29 =	sadd.s32 $0xF10, s22;
	s22 =	sadd.s32 $0x10, s6;
	s2 =	simm.s32 $0x0;
	vm4 =	vmor vm6, vm5;
	v6 =	vsel vm5, v8, v10;
	v7 =	vshift.insert v7, v0, s21  }
.LBB2_7:
0xa0: {  	v8 =	vld [tilespmem:s22+$0x0];
	s30 =	sadd.s32 $0x10, s30  }
0xa1: {  	s31 =	sadd.s32 $0x10, s31;
	v9 =	vld [tilespmem:s30+$0x0]  }
0xa2: {  	s2 =	sadd.s32 $0x10, s2;
	v10 =	vld [tilespmem:s31+$0x0]  }
0xa3: {  	p2 =	slt.u32 s2, $0x180;
	_ =	sdelay $0x2  }
0xa4: {  	v7 =	vadd.f32 v9, v7  }
0xa5: {  	vm5 =	vne.s32 v8, $0xFFFFFFFF  }
0xa6: {  	vm6 =	vmand vm5, vm3;
	(xrf2) =	vadd.seg.scan.f32 vm5, v7;
	_ =	sdelay $0x5  }
0xa7: {  	vm7 =	veq.s32 v8, v5;
	vm5 =	veq.s32 v8, v3  }
0xa8: {  	vm8 =	vgt.u32 v8, $0xFFFFFFFD;
	vm4 =	vmor vm4, vm5;
	vm7 =	vmor vm7, vm5  }
0xa9: {  	vm7 =	vmor vm7, vm8  }
0xaa: {  	v8 =	vsel vm7, $0xFFFFFFFF, v8  }
.Ltmp5:
0xab: {  	v7 =	vsel vm5, $0x0, v10;
	v9, _, _ =	vpop (xrf2);
	(pc) =	sbr.rel @p2 .LBB2_7-.Ltmp5, $4  }
0xac: {  	v6 =	vsel vm5, v9, v6;
	v10 =	vadd.f32 v9, v7;
	v7 =	vsel vm6, $0x0, v9  }
0xad: {  	s0 =	sadd.s32 $0x10, s0;
	v7 =	vshift.insert v7, v0, s21  }
0xae: {  	s22 =	sadd.s32 $0x10, s22;
	[tilespmem:s0+$0x0] =	vst v10;
	(ifvalue) =	ssetifvalue $0xFFFFFFFF  }
0xaf: {  	[hbm4b:s1+s16] =	stream.indirect_vreg.scatter [tilespmem:s0], [sflag:$0x2], $0x1, v8, vm0, $0x4038;
	[tilespmem:$0xF30] =	vst v63  }
0xb0: {  	v3 =	vld [tilespmem:s28+$0xD70];
	_ =	sdelay $0x4  }
0xb1: {  	v3 =	vshift.insert v3, v0, s21  }
0xb2: {  	s0 =	simm.s32 $0x30  }
0xb3: {  	[tilespmem:s0+$0x0] =	vst.msk $0x1, v3  }
0xb4: {  	v3 =	vsel vm4, $0x1, v1;
	[tilespmem:$0x90] =	vst v6  }
0xb5: {  	s0 =	sadd.s32 @!p1 $0xD7F, s28;
	[tilespmem:$0xA0] =	vst v3  }
0xb6: {  	[spmem:s14] =	stream.linear.scatter @!p1 [tilespmem:s0], [sflag:$0x1], $0x1, $0x38;
	[tilespmem:$0xF30] =	vst v63  }
0xb7: {  	s0 =	simm.s32 @!p1 $0x1  }
0xb8: {  	v3 =	vmctz.xlane @!p1 vm4;
	_ =	swait.ge @!p1 [sflag:s0], $0x1  }
0xb9: {  	(v2sf) =	vpush @!p1 v4, $0x0  }
0xba: {  	(v2sf) =	vpush @!p1 v3, $0x0;
	_ =	sdelay $0xd  }
0xbb: {  	s2 =	spop @!p1 (v2sf)  }
0xbc: {  	s6 =	spop @!p1 (v2sf)  }
0xbd: {  	p2 =	sne.s32 @!p1 s26, s2;
	p3 =	slt.s32 @!p1 s6, $0xF  }
0xbe: {  	[sflag:s0] =	ssyncset.done @!p1 $0x0;
	p2 =	por p2, p1;
	p3 =	por !p3, p1  }
0xbf: {  	[sflag:s0] =	ssyncadd.s32 @!p1 $0xFFFFFFFF;
	v3 =	vimm.s32 @!p2 $0xFFFFFFFF;
	s6 =	simm.s32 @p3 $0xF  }
0xc0: {  	[tilespmem:$0x80] =	vst @!p2 v3;
	s2 =	sadd.s32 @!p1 $0x90, s6  }
0xc1: {  	[spmem:s10] =	stream.linear.scatter @!p1 [tilespmem:s2], [sflag:$0x1], $0x1, $0x38;
	[tilespmem:$0xF30] =	vst v63  }
0xc2: {  	_ =	swait.ge @!p1 [sflag:s0], $0x1  }
0xc3: {  	[sflag:s0] =	ssyncset.done @!p1 $0x0  }
0xc4: {  	s2 =	simm.s32 @!p1 $0x80;
	[sflag:s0] =	ssyncadd.s32 @!p1 $0xFFFFFFFF  }
0xc5: {  	[spmem:s15] =	stream.linear.scatter @!p1 [tilespmem:s2], [sflag:$0x1], $0x1, $0x38;
	[tilespmem:$0xF30] =	vst v63  }
0xc6: {  	_ =	swait.ge @!p1 [sflag:s0], $0x1  }
0xc7: {  	[sflag:s0] =	ssyncset.done @!p1 $0x0  }
0xc8: {  	[sflag:s0] =	ssyncadd.s32 @!p1 $0xFFFFFFFF;
	(ifvalue) =	ssetifvalue $0xFFFFFFFF;
	v3 =	vld [tilespmem:s25+$0x10];
	_ =	sdelay $0x3  }
.Ltmp6:
0xc9: {  	_ = 	snop;
	(pc) =	sbr.rel .LBB2_9-.Ltmp6, $3  }
0xca: {  	_ =	sdelay $0x1  }
0xcb: {  	(ifvalue) =	ssetifvalue $0xFFFFFFFF  }
0xcc: {  	[hbm4b:s1+s16] =	stream.indirect_vreg.scatter [tilespmem:s29], [sflag:$0x9], $0x1, v3, vm0, $0x4038;
	[tilespmem:$0xF30] =	vst v63  }
.LBB2_10:
0xcd: {  	_ =	sfence.sel $0x180000  }
0xce: {  	s0 =	simm.s32 $0x7;
	[bflag:$0x0] =	sbarrier.arrive $0xFFFF  }
0xcf: {  	s26 =	simm.s32 $0x8;
	[sflag:s0] =	ssyncpa.u1 $0x1  }
0xd0: {  	s28 =	simm.s32 $0x9;
	[sflag:s26] =	ssyncpa.u1 $0x1  }
0xd1: {  	[sflag:s28] =	ssyncpa.u1 $0x1  }
0xd2: {  	_ =	sfence.stream.spmem  }
0xd3: {  	s29 =	simm.s32 $0x3;
	[bflag:$0x0] =	sbarrier.arrive $0xFFFF  }
0xd4: {  	s30 =	simm.s32 $0x4;
	[sflag:s29] =	ssyncpa.u1 $0x1  }
0xd5: {  	s31 =	simm.s32 $0x3C;
	s2 =	stileid.u32;
	[sflag:s30] =	ssyncpa.u1 $0x1  }
0xd6: {  	p0 =	sne.s32 s2, $0x0;
	[sflag:s31] =	ssyncpa.u1 $0x1  }
0xd7: {  	s0 =	simm.s32 @p0 $0x1;
	_ =	sfence @p0  }
0xd8: {  	[sflag:s0] =	ssyncpa.u1 @p0 $0x1;
	s0 =	simm.s32 @p0 $0x2  }
0xd9: {  	[sflag:s0] =	ssyncpa.u1 @p0 $0x1  }
0xda: {  	_ =	strace @p0 $0x90000053  }
0xdb: {  	[bflag:$0x2] =	sbarrier.arrive @p0 $0xFFFF  }
0xdc: {  	_ =	shalt @p0  }
.LBB2_11:
0xdd: {  	_ =	sfence.stream.spmem;
	s0 =	simm.s32 $0x5  }
0xde: {  	s2 =	simm.s32 $0x80;
	s3 =	simm.s32 $0xC0;
	[sflag:s0] =	ssyncpa.u1 $0x0  }
0xdf: {  	[tilespmem:s3], [sflag:$0x5] =	stream.linear.gather [spmem:s2], $0x20, $0x38;
	[tilespmem:$0xF30] =	vst v63  }
0xe0: {  	s2 =	simm.s32 $0x0;
	s3 =	simm.s32 $0xE0  }
0xe1: {  	[tilespmem:s3], [sflag:$0x5] =	stream.linear.gather [spmem:s2], $0x20, $0x38;
	[tilespmem:$0xF30] =	vst v63  }
.Ltmp7:
0xe2: {  	_ = 	snop;
	(pc) =	sbr.rel .LBB2_12-.Ltmp7, $4  }
0xe3: {  	_ =	swait.ge [sflag:s0], $0x40  }
0xe4: {  	[sflag:s0] =	ssyncset.done $0x0  }
0xe5: {  	s31 =	simm.s32 $0x6;
	[sflag:s0] =	ssyncadd.s32 $0xFFFFFFC0  }
0xe6: {  	s4 =	simm.s32 $0x0;
	[sflag:s31] =	ssyncpa.u1 $0x0  }
.LBB2_17:
0xe7: {  	p0 =	sgt.u32 s5, $0x7F  }
0xe8: {  	s0 =	sshrl.u32 @!p0 s5, $0x3  }
0xe9: {  	s5 =	sand.u32 @!p0 $0x7, s5;
	s6 =	simm.s32 @!p0 $0xB0;
	s0 =	sadd.s32 @!p0 s1, s0  }
0xea: {  	[tilespmem:s6], [sflag:$0x6] =	stream.linear.gather @!p0 [hbm4b:s0+s5], $0x1, $0x38;
	[tilespmem:$0xF30] =	vst v63  }
0xeb: {  	s0 =	simm.s32 @!p0 $0x6  }
0xec: {  	_ =	swait.ge @!p0 [sflag:s0], $0x1  }
0xed: {  	[sflag:s0] =	ssyncset.done @!p0 $0x0  }
0xee: {  	[sflag:s0] =	ssyncadd.s32 @!p0 $0xFFFFFFFF  }
0xef: {  	v2 =	vmov @!p0 s4;
	v1 =	vld.msk @!p0 [tilespmem:$0xB0], $0x1;
	_ =	sdelay $0x3  }
0xf0: {  	s0 =	simm.s32 @!p0 $0xE0  }
0xf1: {  	[tilespmem:v2+s0+$0x0], v1 =	vst.idx.ret.add.f32.msk @!p0 $0x1, v1  }
0xf2: {  	[tilespmem:s2+$0xC0] =	vst.msk $0x1, v0  }
0xf3: {  	v0 =	vld.msk [tilespmem:s4+$0xE0], $0x1;
	_ =	sdelay $0x4  }
0xf4: {  	[tilespmem:s2+$0xE0] =	vst.msk $0x1, v0;
	s2 =	sadd.s32 $0x1, s2  }
.LBB2_19:
0xf5: {  	s4 =	sadd.s32 $0x1, s4  }
0xf6: {  	p0 =	sne.s32 s4, $0x20  }
.Ltmp8:
0xf7: {  	_ = 	snop;
	(pc) =	sbr.rel @!p0 .LBB2_20-.Ltmp8, $1  }
0xf8: {  	_ =	sdelay $0x3  }
.LBB2_12:
0xf9: {  	v0 =	vld.msk [tilespmem:s4+$0xC0], $0x1;
	_ =	sdelay $0x4  }
0xfa: {  	(v2sf) =	vpush v0, $0x0;
	_ =	sdelay $0xe  }
0xfb: {  	s5 =	spop (v2sf)  }
0xfc: {  	p0 =	seq.s32 s5, $0xFFFFFFFF  }
.Ltmp9:
0xfd: {  	_ = 	snop;
	(pc) =	sbr.rel @p0 .LBB2_19-.Ltmp9, $1  }
0xfe: {  	_ =	sdelay $0x3  }
0xff: {  	p0 =	slt.s32 s2, $0x1  }
.Ltmp10:
0x100: {  	_ = 	snop;
	(pc) =	sbr.rel @p0 .LBB2_17-.Ltmp10, $1  }
0x101: {  	_ =	sdelay $0x3  }
0x102: {  	s0 =	simm.s32 $0xC0;
	p0 =	por $0x0, $0x0  }
0x103: {  	v1 =	vld.msk @!p0 [tilespmem:s0+$0x0], $0x1;
	_ =	sdelay $0x4  }
0x104: {  	(v2sf) =	vpush @!p0 v1, $0x0;
	_ =	sdelay $0xd  }
0x105: {  	p2 =	sne.s32 s2, $0x1  }
.Ltmp11:
0x106: {  	s6 =	spop @!p0 (v2sf);
	(pc) =	sbr.rel @!p2 .LBB2_16-.Ltmp11, $4  }
0x107: {  	p1 =	seq.s32 @!p0 s5, s6  }
0x108: {  	s6 =	simm.s32 $0x0;
	p1 =	por !p1, p0  }
0x109: {  	s8 =	simm.s32 $0xFFFFFFFF;
	s6 =	simm.s32 @p1 $0xFFFFFFFF  }
0x10a: {  	s7 =	simm.s32 $0x1;
	s6 =	smov.u32 @p0 s8  }
.LBB2_15:
0x10b: {  	s8 =	smov.u32 s6;
	p0 =	sne.s32 s6, $0xFFFFFFFF  }
0x10c: {  	s0 =	sadd.s32 $0x1, s0;
	s6 =	smov.u32 s7;
	s7 =	sadd.s32 $0x1, s7  }
0x10d: {  	p1 =	sne.s32 s2, s7;
	v1 =	vld.msk @!p0 [tilespmem:s0+$0x0], $0x1;
	_ =	sdelay $0x4  }
0x10e: {  	(v2sf) =	vpush @!p0 v1, $0x0;
	_ =	sdelay $0xe  }
.Ltmp12:
0x10f: {  	s9 =	spop @!p0 (v2sf);
	(pc) =	sbr.rel @p1 .LBB2_15-.Ltmp12, $4  }
0x110: {  	p2 =	seq.s32 @!p0 s5, s9  }
0x111: {  	p2 =	por !p2, p0  }
0x112: {  	s6 =	simm.s32 @p2 $0xFFFFFFFF  }
0x113: {  	s6 =	smov.u32 @p0 s8  }
.LBB2_16:
0x114: {  	p0 =	sne.s32 s6, $0xFFFFFFFF  }
.Ltmp13:
0x115: {  	_ = 	snop;
	(pc) =	sbr.rel @!p0 .LBB2_17-.Ltmp13, $1  }
0x116: {  	_ =	sdelay $0x3  }
0x117: {  	v0 =	vld.msk [tilespmem:s4+$0xE0], $0x1;
	v1 =	vmov s6  }
.Ltmp14:
0x118: {  	_ = 	snop;
	(pc) =	sbr.rel .LBB2_19-.Ltmp14, $2  }
0x119: {  	_ =	sdelay $0x2  }
0x11a: {  	[tilespmem:v1+s3+$0x0], v0 =	vst.idx.ret.add.f32.msk $0x1, v0  }
.LBB2_20:
0x11b: {  	p0 =	slt.s32 s2, $0x1  }
.Ltmp15:
0x11c: {  	_ = 	snop;
	(pc) =	sbr.rel @p0 .LBB2_24-.Ltmp15, $3  }
0x11d: {  	_ =	sdelay $0x1  }
0x11e: {  	s0 =	simm.s32 $0x6  }
0x11f: {  	s3 =	simm.s32 $0x0;
	[sflag:s0] =	ssyncpa.u1 $0x1  }
0x120: {  	s0 =	simm.s32 $0xC0  }
0x121: {  	v0 =	vld.msk [tilespmem:s0+$0x0], $0x1;
	_ =	sdelay $0x4  }
0x122: {  	(v2sf) =	vpush v0, $0x0;
	_ =	sdelay $0xe  }
0x123: {  	s2 =	sadd.s32 $0xFFFFFFFF, s2;
	s4 =	spop (v2sf)  }
0x124: {  	p1 =	sne.s32 s2, $0x0;
	p0 =	sgt.u32 s4, $0x7F  }
.Ltmp16:
0x125: {  	s5 =	sshrl.u32 @!p0 s4, $0x3;
	(pc) =	sbr.rel @!p1 .LBB2_23-.Ltmp16, $4  }
0x126: {  	s0 =	simm.s32 $0xE0;
	s4 =	sand.u32 @!p0 $0x7, s4;
	s5 =	sadd.s32 @!p0 s1, s5  }
0x127: {  	[hbm4b:s5+s4] =	stream.linear.scatter @!p0 [tilespmem:s0], [sflag:$0x5], $0x1, $0x38;
	[tilespmem:$0xF30] =	vst v63  }
0x128: {  	s5 =	simm.s32 $0x0  }
0x129: {  	s4 =	simm.s32 $0xC1;
	s5 =	simm.s32 @!p0 $0x4  }
.LBB2_22:
0x12a: {  	v0 =	vld.msk [tilespmem:s4+$0x0], $0x1;
	s2 =	sadd.s32 $0xFFFFFFFF, s2;
	s3 =	sadd.s32 s3, s5  }
0x12b: {  	p0 =	sne.s32 s2, $0x0;
	_ =	sdelay $0x3  }
0x12c: {  	(v2sf) =	vpush v0, $0x0;
	_ =	sdelay $0xe  }
.Ltmp17:
0x12d: {  	s6 =	spop (v2sf);
	(pc) =	sbr.rel @p0 .LBB2_22-.Ltmp17, $4  }
0x12e: {  	s5 =	simm.s32 $0x0;
	p1 =	sgt.u32 s6, $0x7F  }
0x12f: {  	s0 =	sadd.s32 $0x1, s0;
	s5 =	simm.s32 @!p1 $0x4;
	s7 =	sshrl.u32 @!p1 s6, $0x3  }
0x130: {  	s4 =	sadd.s32 $0x1, s4;
	s6 =	sand.u32 @!p1 $0x7, s6;
	s7 =	sadd.s32 @!p1 s1, s7  }
0x131: {  	[hbm4b:s7+s6] =	stream.linear.scatter @!p1 [tilespmem:s0], [sflag:$0x5], $0x1, $0x38;
	[tilespmem:$0xF30] =	vst v63  }
.LBB2_23:
0x132: {  	s0 =	sadd.s32 s3, s5  }
0x133: {  	s3 =	sshrl.u32 s0, $0x2  }
.LBB2_24:
0x134: {  	s0 =	simm.s32 $0x5  }
0x135: {  	_ =	swait.ge [sflag:s0], s3  }
0x136: {  	s1 =	ssub.s32 $0x0, s3;
	[sflag:s0] =	ssyncset.done $0x0  }
0x137: {  	[sflag:s0] =	ssyncadd.s32 s1  }
0x138: {  	[sflag:s0] =	ssyncpa.u1 $0x1  }
0x139: {  	s29 =	simm.s32 $0x1;
	_ =	sfence  }
0x13a: {  	s30 =	simm.s32 $0x2;
	[sflag:s29] =	ssyncpa.u1 $0x1  }
0x13b: {  	[sflag:s30] =	ssyncpa.u1 $0x1  }
0x13c: {  	_ =	strace $0x90000053  }
0x13d: {  	[bflag:$0x2] =	sbarrier.arrive $0xFFFF  }
0x13e: {  	s31 =	rddreg [dreg:$0x2]  }
0x13f: {  	s0 =	sadd.s32 $0x100000, s31  }
0x140: {  	[sflag:s0] =	ssyncadd.tile.s32 $0x1;
	_ =	shalt  }
.Lfunc_end2:
_tile_overlayer_lowered:
.L_overlay_start_2:
0x141: {  	(tag) =	ssettag $0x2  }
0x142: {  	s0 =	rddreg [dreg:$0x0];
	s2 =	stileid.u32  }
0x143: {  	s1 =	rddreg [dreg:$0x1];
	p0 =	sne.s32 s2, $0x0  }
0x144: {  	s3 =	rddreg [dreg:$0x2];
	[bflag:$0x3] =	sbarrier.arrive $0xFFFF;
	s2 =	simm.s32 @!p0 $0x1C01  }
0x145: {  	[timem:s3], [sflag:s2] =	dma.local @!p0 [hbm:s0], s1  }
0x146: {  	s0 =	simm.s32 @!p0 $0x1  }
0x147: {  	_ =	swait.ge @!p0 [sflag:s0], s1  }
0x148: {  	s1 =	ssub.s32 @!p0 $0x0, s1;
	[sflag:s0] =	ssyncset.done @!p0 $0x0  }
0x149: {  	[sflag:s0] =	ssyncadd.s32 @!p0 s1  }
0x14a: {  	[bflag:$0x3] =	sbarrier.arrive $0xFFFF  }
0x14b: {  	_ =	shalt  }

</sc_bundles>
